<compile_context>
chip_gen: v7x
topology: tpu7x:2x2x1
jax: 0.10.2.dev20260603
libtpu: 0.0.44.dev20260713+nightly
codegen_flags: <defaults>
</compile_context>

<pallas_src>
import jax
import jax.numpy as jnp
from jax import lax
from jax.experimental import pallas as pl
from jax.experimental.pallas import tpu as pltpu
from jax.experimental.pallas import tpu_sc as plsc

_HIDDEN = 2048
_EXPERTS = 64
_TOKENS = 8192
_BT = 1024

_LANES = 16
_NC = 2
_NS = 16
_NW = _NC * _NS
_TPW = _TOKENS // _NW
_GROUPS = _TPW // _LANES


def _gate_matmul_body(x_ref, w_ref, out_ref, outT_ref):
    res = lax.dot_general(
        x_ref[...], w_ref[...],
        dimension_numbers=(((1,), (1,)), ((), ())),
        preferred_element_type=jnp.float32,
    )
    out_ref[...] = res
    outT_ref[...] = res.T


def _gate_matmul(x, W):
    return pl.pallas_call(
        _gate_matmul_body,
        grid=(_TOKENS // _BT,),
        in_specs=[
            pl.BlockSpec((_BT, _HIDDEN), lambda i: (i, 0)),
            pl.BlockSpec((_EXPERTS, _HIDDEN), lambda i: (0, 0)),
        ],
        out_specs=[
            pl.BlockSpec((_BT, _EXPERTS), lambda i: (i, 0)),
            pl.BlockSpec((_EXPERTS, _BT), lambda i: (0, i)),
        ],
        out_shape=[
            jax.ShapeDtypeStruct((_TOKENS, _EXPERTS), jnp.float32),
            jax.ShapeDtypeStruct((_EXPERTS, _TOKENS), jnp.float32),
        ],
    )(x, W)


def _route_body(logitsT_hbm, idx_hbm, prob_hbm, slab_v, idx_v, prob_v):
    wid = lax.axis_index("s") * _NC + lax.axis_index("c")
    base = wid * _TPW
    pltpu.sync_copy(logitsT_hbm.at[:, pl.ds(base, _TPW)], slab_v)

    lane_iota = lax.iota(jnp.int32, _LANES)
    neg_inf = jnp.full((_LANES,), -jnp.inf, jnp.float32)
    zeros = jnp.zeros((_LANES,), jnp.int32)
    ones = jnp.full((_LANES,), 1, jnp.int32)

    unroll = 4

    def per_block(b, _):
        t_ids = [(b * unroll + u) * _LANES + lane_iota for u in range(unroll)]
        t_off = [(b * unroll + u) * _LANES for u in range(unroll)]
        m1 = [neg_inf] * unroll
        a1 = [zeros] * unroll
        m2 = [neg_inf] * unroll
        a2 = [zeros] * unroll
        for e in range(_EXPERTS):
            e_vec = jnp.full((_LANES,), e, jnp.int32)
            for u in range(unroll):
                v = slab_v[e, pl.ds(t_off[u], _LANES)]
                gt1 = v > m1[u]
                gt2 = v > m2[u]
                m2[u], a2[u] = (
                    jnp.where(gt1, m1[u], jnp.where(gt2, v, m2[u])),
                    jnp.where(gt1, a1[u], jnp.where(gt2, e_vec, a2[u])))
                m1[u] = jnp.where(gt1, v, m1[u])
                a1[u] = jnp.where(gt1, e_vec, a1[u])

        for u in range(unroll):
            ex = jnp.exp(m2[u] - m1[u])
            denom = ex + jnp.float32(1.0)
            p1 = jnp.float32(1.0) / denom
            p2 = ex / denom

            plsc.store_scatter(idx_v, [t_ids[u], zeros], a1[u])
            plsc.store_scatter(idx_v, [t_ids[u], ones], a2[u])
            plsc.store_scatter(prob_v, [t_ids[u], zeros], p1)
            plsc.store_scatter(prob_v, [t_ids[u], ones], p2)
        return 0

    lax.fori_loop(0, _GROUPS // unroll, per_block, 0)

    pltpu.sync_copy(idx_v, idx_hbm.at[pl.ds(base, _TPW), :])
    pltpu.sync_copy(prob_v, prob_hbm.at[pl.ds(base, _TPW), :])


def kernel(x, W):
    logits, logitsT = _gate_matmul(x, W)
    route = pl.kernel(
        _route_body,
        mesh=plsc.VectorSubcoreMesh(core_axis_name="c", subcore_axis_name="s"),
        out_type=(
            jax.ShapeDtypeStruct((_TOKENS, 2), jnp.int32),
            jax.ShapeDtypeStruct((_TOKENS, 2), jnp.float32),
        ),
        scratch_types=[
            pltpu.VMEM((_EXPERTS, _TPW), jnp.float32),
            pltpu.VMEM((_TPW, 2), jnp.int32),
            pltpu.VMEM((_TPW, 2), jnp.float32),
        ],
        compiler_params=pltpu.CompilerParams(needs_layout_passes=False,
                                             use_tc_tiling_on_sc=True),
    )
    top_k_indices, probs = route(logitsT)
    return (logits, top_k_indices, probs)

# --- scband reference (transcript-rebuilt; emitter-appended) ---
"""Pipeline reference for scband-top-krouter-11579231830571 (READ-ONLY COPY).

The authoritative reference and input builder live on the scoring server;
editing this copy changes nothing except your own understanding.
"""

import jax, jax.numpy as jnp
import numpy as np

HIDDEN = 2048
NUM_EXPERTS = 64
TOP_K = 2
TOKENS = 8192


def setup_inputs(seed: int = 0) -> dict:
    key = jax.random.key(seed)
    kx, kw = jax.random.split(key)
    x = jax.random.normal(kx, (TOKENS, HIDDEN), dtype=jnp.float32)
    # nn.Linear(hidden_size, num_experts, bias=False): weight shape [num_experts, hidden_size]
    bound = 1.0 / np.sqrt(HIDDEN)
    W = jax.random.uniform(kw, (NUM_EXPERTS, HIDDEN), dtype=jnp.float32, minval=-bound, maxval=bound)
    return {"x": x, "W": W}


def reference(x, W):
    # logits = self.gate(x)  -> x @ W.T
    logits = jnp.dot(x, W.T)
    # torch.topk(logits, top_k, dim=-1)
    top_k_logits, top_k_indices = jax.lax.top_k(logits, TOP_K)
    # softmax over the top-k logits in float32, cast back
    probs = jax.nn.softmax(top_k_logits.astype(jnp.float32), axis=-1).astype(logits.dtype)
    return (logits, top_k_indices, probs)

if __name__ == "__main__":
    import jax
    _d = setup_inputs()
    print(jax.jit(kernel)(*tuple(_d.values())))

</pallas_src>

<mosaic_0001>
#map = affine_map<(d0, d1) -> (0, 0)>
module attributes {stable_mosaic.version = 14 : i64} {
  func.func @_route_body(%arg0: i32, %arg1: i32, %arg2: memref<64x8192xf32, #tpu.memory_space<hbm>>, %arg3: memref<8192x2xi32, #tpu.memory_space<hbm>>, %arg4: memref<8192x2xf32, #tpu.memory_space<hbm>>, %arg5: memref<64x256xf32, #tpu.memory_space<vmem>>, %arg6: memref<256x2xi32, #tpu.memory_space<vmem>>, %arg7: memref<256x2xf32, #tpu.memory_space<vmem>>) attributes {dimension_semantics = [#tpu.dimension_semantics<core_parallel>, #tpu.dimension_semantics<subcore_parallel>], iteration_bounds = array<i64: 2, 16>, scalar_prefetch = 0 : i64, scratch_operands = 3 : i64, tpu.core_type = #tpu.core_type<sc_vector_subcore>, window_params = [{transform_indices = #map}, {transform_indices = #map}, {transform_indices = #map}]} {
    %mul3A = arith.constant 2 : i32
    %mul3A_0 = arith.muli %arg1, %mul3A : i32
    %add3A = arith.addi %mul3A_0, %arg0 : i32
    %mul3A_1 = arith.constant 256 : i32
    %mul3A_2 = arith.muli %add3A, %mul3A_1 : i32
    "tpu.region"() ({
      %run_scoped3A = tpu.sem_alloc : memref<!tpu.dma_semaphore, #tpu.memory_space<semaphore_mem>>
      %dma_start3A = arith.constant 0 : i32
      %dma_start3A_14 = tpu.memref_slice %arg2[%dma_start3A, %mul3A_2] : memref<64x8192xf32, #tpu.memory_space<hbm>> -> memref<64x256xf32, #tpu.memory_space<hbm>>
      %dma_start3A_15 = arith.constant 0 : i32
      %dma_start3A_16 = tpu.memref_slice %arg2[%dma_start3A_15, %mul3A_2] : memref<64x8192xf32, #tpu.memory_space<hbm>> -> memref<64x256xf32, #tpu.memory_space<hbm>>
      tpu.enqueue_dma source(%dma_start3A_16 : memref<64x256xf32, #tpu.memory_space<hbm>>) target(%arg5 : memref<64x256xf32, #tpu.memory_space<vmem>>) target_semaphore(%run_scoped3A : memref<!tpu.dma_semaphore, #tpu.memory_space<semaphore_mem>>)
      %dma_wait3A = arith.constant 0 : i32
      %dma_wait3A_17 = tpu.memref_slice %arg2[%dma_wait3A, %mul3A_2] : memref<64x8192xf32, #tpu.memory_space<hbm>> -> memref<64x256xf32, #tpu.memory_space<hbm>>
      %dma_wait3A_18 = arith.constant 0 : i32
      %dma_wait3A_19 = tpu.memref_slice %arg2[%dma_wait3A_18, %mul3A_2] : memref<64x8192xf32, #tpu.memory_space<hbm>> -> memref<64x256xf32, #tpu.memory_space<hbm>>
      tpu.wait_dma2 semaphore(%run_scoped3A : memref<!tpu.dma_semaphore, #tpu.memory_space<semaphore_mem>>) src(%dma_wait3A_19 : memref<64x256xf32, #tpu.memory_space<hbm>>) dst(%arg5 : memref<64x256xf32, #tpu.memory_space<vmem>>)
      tpu.yield
    }) : () -> ()
    %iota3A = tpu.iota {dimensions = array<i32: 0>} : vector<16xi32>
    %broadcast_in_dim3A = arith.constant 0xFF800000 : f32
    %broadcast_in_dim3A_3 = vector.broadcast %broadcast_in_dim3A : f32 to vector<16xf32>
    %broadcast_in_dim3A_4 = arith.constant 0 : i32
    %broadcast_in_dim3A_5 = vector.broadcast %broadcast_in_dim3A_4 : i32 to vector<16xi32>
    %broadcast_in_dim3A_6 = arith.constant 1 : i32
    %broadcast_in_dim3A_7 = vector.broadcast %broadcast_in_dim3A_6 : i32 to vector<16xi32>
    %scan3A = arith.constant 0 : i32
    %scan3A_8 = arith.constant 0 : i32
    %scan3A_9 = arith.constant 4 : i32
    %scan3A_10 = arith.addi %scan3A_8, %scan3A_9 : i32
    %scan3A_11 = arith.constant 1 : i32
    %scan3A_12 = scf.for %scan3A_14 = %scan3A_8 to %scan3A_10 step %scan3A_11 iter_args(%scan3A_15 = %scan3A) -> (i32)  : i32 {
      %mul3A_16 = arith.constant 4 : i32
      %mul3A_17 = arith.muli %scan3A_14, %mul3A_16 : i32
      %add3A_18 = arith.constant 0 : i32
      %add3A_19 = arith.addi %mul3A_17, %add3A_18 : i32
      %mul3A_20 = arith.constant 16 : i32
      %mul3A_21 = arith.muli %add3A_19, %mul3A_20 : i32
      %add3A_22 = vector.broadcast %mul3A_21 : i32 to vector<16xi32>
      %add3A_23 = arith.addi %add3A_22, %iota3A : vector<16xi32>
      %mul3A_24 = arith.constant 4 : i32
      %mul3A_25 = arith.muli %scan3A_14, %mul3A_24 : i32
      %add3A_26 = arith.constant 1 : i32
      %add3A_27 = arith.addi %mul3A_25, %add3A_26 : i32
      %mul3A_28 = arith.constant 16 : i32
      %mul3A_29 = arith.muli %add3A_27, %mul3A_28 : i32
      %add3A_30 = vector.broadcast %mul3A_29 : i32 to vector<16xi32>
      %add3A_31 = arith.addi %add3A_30, %iota3A : vector<16xi32>
      %mul3A_32 = arith.constant 4 : i32
      %mul3A_33 = arith.muli %scan3A_14, %mul3A_32 : i32
      %add3A_34 = arith.constant 2 : i32
      %add3A_35 = arith.addi %mul3A_33, %add3A_34 : i32
      %mul3A_36 = arith.constant 16 : i32
      %mul3A_37 = arith.muli %add3A_35, %mul3A_36 : i32
      %add3A_38 = vector.broadcast %mul3A_37 : i32 to vector<16xi32>
      %add3A_39 = arith.addi %add3A_38, %iota3A : vector<16xi32>
      %mul3A_40 = arith.constant 4 : i32
      %mul3A_41 = arith.muli %scan3A_14, %mul3A_40 : i32
      %add3A_42 = arith.constant 3 : i32
      %add3A_43 = arith.addi %mul3A_41, %add3A_42 : i32
      %mul3A_44 = arith.constant 16 : i32
      %mul3A_45 = arith.muli %add3A_43, %mul3A_44 : i32
      %add3A_46 = vector.broadcast %mul3A_45 : i32 to vector<16xi32>
      %add3A_47 = arith.addi %add3A_46, %iota3A : vector<16xi32>
      %mul3A_48 = arith.constant 4 : i32
      %mul3A_49 = arith.muli %scan3A_14, %mul3A_48 : i32
      %add3A_50 = arith.constant 0 : i32
      %add3A_51 = arith.addi %mul3A_49, %add3A_50 : i32
      %mul3A_52 = arith.constant 16 : i32
      %mul3A_53 = arith.muli %add3A_51, %mul3A_52 : i32
      %mul3A_54 = arith.constant 4 : i32
      %mul3A_55 = arith.muli %scan3A_14, %mul3A_54 : i32
      %add3A_56 = arith.constant 1 : i32
      %add3A_57 = arith.addi %mul3A_55, %add3A_56 : i32
      %mul3A_58 = arith.constant 16 : i32
      %mul3A_59 = arith.muli %add3A_57, %mul3A_58 : i32
      %mul3A_60 = arith.constant 4 : i32
      %mul3A_61 = arith.muli %scan3A_14, %mul3A_60 : i32
      %add3A_62 = arith.constant 2 : i32
      %add3A_63 = arith.addi %mul3A_61, %add3A_62 : i32
      %mul3A_64 = arith.constant 16 : i32
      %mul3A_65 = arith.muli %add3A_63, %mul3A_64 : i32
      %mul3A_66 = arith.constant 4 : i32
      %mul3A_67 = arith.muli %scan3A_14, %mul3A_66 : i32
      %add3A_68 = arith.constant 3 : i32
      %add3A_69 = arith.addi %mul3A_67, %add3A_68 : i32
      %mul3A_70 = arith.constant 16 : i32
      %mul3A_71 = arith.muli %add3A_69, %mul3A_70 : i32
      %broadcast_in_dim3A_72 = arith.constant 0 : i32
      %broadcast_in_dim3A_73 = vector.broadcast %broadcast_in_dim3A_72 : i32 to vector<16xi32>
      %get3A = arith.constant 0 : i32
      %get3A_74 = arith.index_cast %get3A : i32 to index
      %get3A_75 = arith.index_cast %mul3A_53 : i32 to index
      %get3A_76 = tpu.vector_load %arg5[%get3A_74, %get3A_75] {strides = array<i32>} : memref<64x256xf32, #tpu.memory_space<vmem>>, vector<16xf32>,
      %gt3A = arith.cmpf ogt, %get3A_76, %broadcast_in_dim3A_3 : vector<16xf32>
      %gt3A_77 = arith.cmpf ogt, %get3A_76, %broadcast_in_dim3A_3 : vector<16xf32>
      %select_n3A = arith.select %gt3A_77, %get3A_76, %broadcast_in_dim3A_3 : vector<16xi1>, vector<16xf32>
      %select_n3A_78 = arith.select %gt3A, %broadcast_in_dim3A_3, %select_n3A : vector<16xi1>, vector<16xf32>
      %select_n3A_79 = arith.select %gt3A_77, %broadcast_in_dim3A_73, %broadcast_in_dim3A_5 : vector<16xi1>, vector<16xi32>
      %select_n3A_80 = arith.select %gt3A, %broadcast_in_dim3A_5, %select_n3A_79 : vector<16xi1>, vector<16xi32>
      %select_n3A_81 = arith.select %gt3A, %get3A_76, %broadcast_in_dim3A_3 : vector<16xi1>, vector<16xf32>
      %select_n3A_82 = arith.select %gt3A, %broadcast_in_dim3A_73, %broadcast_in_dim3A_5 : vector<16xi1>, vector<16xi32>
      %get3A_83 = arith.constant 0 : i32
      %get3A_84 = arith.index_cast %get3A_83 : i32 to index
      %get3A_85 = arith.index_cast %mul3A_59 : i32 to index
      %get3A_86 = tpu.vector_load %arg5[%get3A_84, %get3A_85] {strides = array<i32>} : memref<64x256xf32, #tpu.memory_space<vmem>>, vector<16xf32>,
      %gt3A_87 = arith.cmpf ogt, %get3A_86, %broadcast_in_dim3A_3 : vector<16xf32>
      %gt3A_88 = arith.cmpf ogt, %get3A_86, %broadcast_in_dim3A_3 : vector<16xf32>
      %select_n3A_89 = arith.select %gt3A_88, %get3A_86, %broadcast_in_dim3A_3 : vector<16xi1>, vector<16xf32>
      %select_n3A_90 = arith.select %gt3A_87, %broadcast_in_dim3A_3, %select_n3A_89 : vector<16xi1>, vector<16xf32>
      %select_n3A_91 = arith.select %gt3A_88, %broadcast_in_dim3A_73, %broadcast_in_dim3A_5 : vector<16xi1>, vector<16xi32>
      %select_n3A_92 = arith.select %gt3A_87, %broadcast_in_dim3A_5, %select_n3A_91 : vector<16xi1>, vector<16xi32>
      %select_n3A_93 = arith.select %gt3A_87, %get3A_86, %broadcast_in_dim3A_3 : vector<16xi1>, vector<16xf32>
      %select_n3A_94 = arith.select %gt3A_87, %broadcast_in_dim3A_73, %broadcast_in_dim3A_5 : vector<16xi1>, vector<16xi32>
      %get3A_95 = arith.constant 0 : i32
      %get3A_96 = arith.index_cast %get3A_95 : i32 to index
      %get3A_97 = arith.index_cast %mul3A_65 : i32 to index
      %get3A_98 = tpu.vector_load %arg5[%get3A_96, %get3A_97] {strides = array<i32>} : memref<64x256xf32, #tpu.memory_space<vmem>>, vector<16xf32>,
      %gt3A_99 = arith.cmpf ogt, %get3A_98, %broadcast_in_dim3A_3 : vector<16xf32>
      %gt3A_100 = arith.cmpf ogt, %get3A_98, %broadcast_in_dim3A_3 : vector<16xf32>
      %select_n3A_101 = arith.select %gt3A_100, %get3A_98, %broadcast_in_dim3A_3 : vector<16xi1>, vector<16xf32>
      %select_n3A_102 = arith.select %gt3A_99, %broadcast_in_dim3A_3, %select_n3A_101 : vector<16xi1>, vector<16xf32>
      %select_n3A_103 = arith.select %gt3A_100, %broadcast_in_dim3A_73, %broadcast_in_dim3A_5 : vector<16xi1>, vector<16xi32>
      %select_n3A_104 = arith.select %gt3A_99, %broadcast_in_dim3A_5, %select_n3A_103 : vector<16xi1>, vector<16xi32>
      %select_n3A_105 = arith.select %gt3A_99, %get3A_98, %broadcast_in_dim3A_3 : vector<16xi1>, vector<16xf32>
      %select_n3A_106 = arith.select %gt3A_99, %broadcast_in_dim3A_73, %broadcast_in_dim3A_5 : vector<16xi1>, vector<16xi32>
      %get3A_107 = arith.constant 0 : i32
      %get3A_108 = arith.index_cast %get3A_107 : i32 to index
      %get3A_109 = arith.index_cast %mul3A_71 : i32 to index
      %get3A_110 = tpu.vector_load %arg5[%get3A_108, %get3A_109] {strides = array<i32>} : memref<64x256xf32, #tpu.memory_space<vmem>>, vector<16xf32>,
      %gt3A_111 = arith.cmpf ogt, %get3A_110, %broadcast_in_dim3A_3 : vector<16xf32>
      %gt3A_112 = arith.cmpf ogt, %get3A_110, %broadcast_in_dim3A_3 : vector<16xf32>
      %select_n3A_113 = arith.select %gt3A_112, %get3A_110, %broadcast_in_dim3A_3 : vector<16xi1>, vector<16xf32>
      %select_n3A_114 = arith.select %gt3A_111, %broadcast_in_dim3A_3, %select_n3A_113 : vector<16xi1>, vector<16xf32>
      %select_n3A_115 = arith.select %gt3A_112, %broadcast_in_dim3A_73, %broadcast_in_dim3A_5 : vector<16xi1>, vector<16xi32>
      %select_n3A_116 = arith.select %gt3A_111, %broadcast_in_dim3A_5, %select_n3A_115 : vector<16xi1>, vector<16xi32>
      %select_n3A_117 = arith.select %gt3A_111, %get3A_110, %broadcast_in_dim3A_3 : vector<16xi1>, vector<16xf32>
      %select_n3A_118 = arith.select %gt3A_111, %broadcast_in_dim3A_73, %broadcast_in_dim3A_5 : vector<16xi1>, vector<16xi32>
      %broadcast_in_dim3A_119 = arith.constant 1 : i32
      %broadcast_in_dim3A_120 = vector.broadcast %broadcast_in_dim3A_119 : i32 to vector<16xi32>
      %get3A_121 = arith.constant 1 : i32
      %get3A_122 = arith.index_cast %get3A_121 : i32 to index
      %get3A_123 = arith.index_cast %mul3A_53 : i32 to index
      %get3A_124 = tpu.vector_load %arg5[%get3A_122, %get3A_123] {strides = array<i32>} : memref<64x256xf32, #tpu.memory_space<vmem>>, vector<16xf32>,
      %gt3A_125 = arith.cmpf ogt, %get3A_124, %select_n3A_81 : vector<16xf32>
      %gt3A_126 = arith.cmpf ogt, %get3A_124, %select_n3A_78 : vector<16xf32>
      %select_n3A_127 = arith.select %gt3A_126, %get3A_124, %select_n3A_78 : vector<16xi1>, vector<16xf32>
      %select_n3A_128 = arith.select %gt3A_125, %select_n3A_81, %select_n3A_127 : vector<16xi1>, vector<16xf32>
      %select_n3A_129 = arith.select %gt3A_126, %broadcast_in_dim3A_120, %select_n3A_80 : vector<16xi1>, vector<16xi32>
      %select_n3A_130 = arith.select %gt3A_125, %select_n3A_82, %select_n3A_129 : vector<16xi1>, vector<16xi32>
      %select_n3A_131 = arith.select %gt3A_125, %get3A_124, %select_n3A_81 : vector<16xi1>, vector<16xf32>
      %select_n3A_132 = arith.select %gt3A_125, %broadcast_in_dim3A_120, %select_n3A_82 : vector<16xi1>, vector<16xi32>
      %get3A_133 = arith.constant 1 : i32
      %get3A_134 = arith.index_cast %get3A_133 : i32 to index
      %get3A_135 = arith.index_cast %mul3A_59 : i32 to index
      %get3A_136 = tpu.vector_load %arg5[%get3A_134, %get3A_135] {strides = array<i32>} : memref<64x256xf32, #tpu.memory_space<vmem>>, vector<16xf32>,
      %gt3A_137 = arith.cmpf ogt, %get3A_136, %select_n3A_93 : vector<16xf32>
      %gt3A_138 = arith.cmpf ogt, %get3A_136, %select_n3A_90 : vector<16xf32>
      %select_n3A_139 = arith.select %gt3A_138, %get3A_136, %select_n3A_90 : vector<16xi1>, vector<16xf32>
      %select_n3A_140 = arith.select %gt3A_137, %select_n3A_93, %select_n3A_139 : vector<16xi1>, vector<16xf32>
      %select_n3A_141 = arith.select %gt3A_138, %broadcast_in_dim3A_120, %select_n3A_92 : vector<16xi1>, vector<16xi32>
      %select_n3A_142 = arith.select %gt3A_137, %select_n3A_94, %select_n3A_141 : vector<16xi1>, vector<16xi32>
      %select_n3A_143 = arith.select %gt3A_137, %get3A_136, %select_n3A_93 : vector<16xi1>, vector<16xf32>
      %select_n3A_144 = arith.select %gt3A_137, %broadcast_in_dim3A_120, %select_n3A_94 : vector<16xi1>, vector<16xi32>
      %get3A_145 = arith.constant 1 : i32
      %get3A_146 = arith.index_cast %get3A_145 : i32 to index
      %get3A_147 = arith.index_cast %mul3A_65 : i32 to index
      %get3A_148 = tpu.vector_load %arg5[%get3A_146, %get3A_147] {strides = array<i32>} : memref<64x256xf32, #tpu.memory_space<vmem>>, vector<16xf32>,
      %gt3A_149 = arith.cmpf ogt, %get3A_148, %select_n3A_105 : vector<16xf32>
      %gt3A_150 = arith.cmpf ogt, %get3A_148, %select_n3A_102 : vector<16xf32>
      %select_n3A_151 = arith.select %gt3A_150, %get3A_148, %select_n3A_102 : vector<16xi1>, vector<16xf32>
      %select_n3A_152 = arith.select %gt3A_149, %select_n3A_105, %select_n3A_151 : vector<16xi1>, vector<16xf32>
      %select_n3A_153 = arith.select %gt3A_150, %broadcast_in_dim3A_120, %select_n3A_104 : vector<16xi1>, vector<16xi32>
      %select_n3A_154 = arith.select %gt3A_149, %select_n3A_106, %select_n3A_153 : vector<16xi1>, vector<16xi32>
      %select_n3A_155 = arith.select %gt3A_149, %get3A_148, %select_n3A_105 : vector<16xi1>, vector<16xf32>
      %select_n3A_156 = arith.select %gt3A_149, %broadcast_in_dim3A_120, %select_n3A_106 : vector<16xi1>, vector<16xi32>
      %get3A_157 = arith.constant 1 : i32
      %get3A_158 = arith.index_cast %get3A_157 : i32 to index
      %get3A_159 = arith.index_cast %mul3A_71 : i32 to index
      %get3A_160 = tpu.vector_load %arg5[%get3A_158, %get3A_159] {strides = array<i32>} : memref<64x256xf32, #tpu.memory_space<vmem>>, vector<16xf32>,
      %gt3A_161 = arith.cmpf ogt, %get3A_160, %select_n3A_117 : vector<16xf32>
      %gt3A_162 = arith.cmpf ogt, %get3A_160, %select_n3A_114 : vector<16xf32>
      %select_n3A_163 = arith.select %gt3A_162, %get3A_160, %select_n3A_114 : vector<16xi1>, vector<16xf32>
      %select_n3A_164 = arith.select %gt3A_161, %select_n3A_117, %select_n3A_163 : vector<16xi1>, vector<16xf32>
      %select_n3A_165 = arith.select %gt3A_162, %broadcast_in_dim3A_120, %select_n3A_116 : vector<16xi1>, vector<16xi32>
      %select_n3A_166 = arith.select %gt3A_161, %select_n3A_118, %select_n3A_165 : vector<16xi1>, vector<16xi32>
      %select_n3A_167 = arith.select %gt3A_161, %get3A_160, %select_n3A_117 : vector<16xi1>, vector<16xf32>
      %select_n3A_168 = arith.select %gt3A_161, %broadcast_in_dim3A_120, %select_n3A_118 : vector<16xi1>, vector<16xi32>
      %broadcast_in_dim3A_169 = arith.constant 2 : i32
      %broadcast_in_dim3A_170 = vector.broadcast %broadcast_in_dim3A_169 : i32 to vector<16xi32>
      %get3A_171 = arith.constant 2 : i32
      %get3A_172 = arith.index_cast %get3A_171 : i32 to index
      %get3A_173 = arith.index_cast %mul3A_53 : i32 to index
      %get3A_174 = tpu.vector_load %arg5[%get3A_172, %get3A_173] {strides = array<i32>} : memref<64x256xf32, #tpu.memory_space<vmem>>, vector<16xf32>,
      %gt3A_175 = arith.cmpf ogt, %get3A_174, %select_n3A_131 : vector<16xf32>
      %gt3A_176 = arith.cmpf ogt, %get3A_174, %select_n3A_128 : vector<16xf32>
      %select_n3A_177 = arith.select %gt3A_176, %get3A_174, %select_n3A_128 : vector<16xi1>, vector<16xf32>
      %select_n3A_178 = arith.select %gt3A_175, %select_n3A_131, %select_n3A_177 : vector<16xi1>, vector<16xf32>
      %select_n3A_179 = arith.select %gt3A_176, %broadcast_in_dim3A_170, %select_n3A_130 : vector<16xi1>, vector<16xi32>
      %select_n3A_180 = arith.select %gt3A_175, %select_n3A_132, %select_n3A_179 : vector<16xi1>, vector<16xi32>
      %select_n3A_181 = arith.select %gt3A_175, %get3A_174, %select_n3A_131 : vector<16xi1>, vector<16xf32>
      %select_n3A_182 = arith.select %gt3A_175, %broadcast_in_dim3A_170, %select_n3A_132 : vector<16xi1>, vector<16xi32>
      %get3A_183 = arith.constant 2 : i32
      %get3A_184 = arith.index_cast %get3A_183 : i32 to index
      %get3A_185 = arith.index_cast %mul3A_59 : i32 to index
      %get3A_186 = tpu.vector_load %arg5[%get3A_184, %get3A_185] {strides = array<i32>} : memref<64x256xf32, #tpu.memory_space<vmem>>, vector<16xf32>,
      %gt3A_187 = arith.cmpf ogt, %get3A_186, %select_n3A_143 : vector<16xf32>
      %gt3A_188 = arith.cmpf ogt, %get3A_186, %select_n3A_140 : vector<16xf32>
      %select_n3A_189 = arith.select %gt3A_188, %get3A_186, %select_n3A_140 : vector<16xi1>, vector<16xf32>
      %select_n3A_190 = arith.select %gt3A_187, %select_n3A_143, %select_n3A_189 : vector<16xi1>, vector<16xf32>
      %select_n3A_191 = arith.select %gt3A_188, %broadcast_in_dim3A_170, %select_n3A_142 : vector<16xi1>, vector<16xi32>
      %select_n3A_192 = arith.select %gt3A_187, %select_n3A_144, %select_n3A_191 : vector<16xi1>, vector<16xi32>
      %select_n3A_193 = arith.select %gt3A_187, %get3A_186, %select_n3A_143 : vector<16xi1>, vector<16xf32>
      %select_n3A_194 = arith.select %gt3A_187, %broadcast_in_dim3A_170, %select_n3A_144 : vector<16xi1>, vector<16xi32>
      %get3A_195 = arith.constant 2 : i32
      %get3A_196 = arith.index_cast %get3A_195 : i32 to index
      %get3A_197 = arith.index_cast %mul3A_65 : i32 to index
      %get3A_198 = tpu.vector_load %arg5[%get3A_196, %get3A_197] {strides = array<i32>} : memref<64x256xf32, #tpu.memory_space<vmem>>, vector<16xf32>,
      %gt3A_199 = arith.cmpf ogt, %get3A_198, %select_n3A_155 : vector<16xf32>
      %gt3A_200 = arith.cmpf ogt, %get3A_198, %select_n3A_152 : vector<16xf32>
      %select_n3A_201 = arith.select %gt3A_200, %get3A_198, %select_n3A_152 : vector<16xi1>, vector<16xf32>
      %select_n3A_202 = arith.select %gt3A_199, %select_n3A_155, %select_n3A_201 : vector<16xi1>, vector<16xf32>
      %select_n3A_203 = arith.select %gt3A_200, %broadcast_in_dim3A_170, %select_n3A_154 : vector<16xi1>, vector<16xi32>
      %select_n3A_204 = arith.select %gt3A_199, %select_n3A_156, %select_n3A_203 : vector<16xi1>, vector<16xi32>
      %select_n3A_205 = arith.select %gt3A_199, %get3A_198, %select_n3A_155 : vector<16xi1>, vector<16xf32>
      %select_n3A_206 = arith.select %gt3A_199, %broadcast_in_dim3A_170, %select_n3A_156 : vector<16xi1>, vector<16xi32>
      %get3A_207 = arith.constant 2 : i32
      %get3A_208 = arith.index_cast %get3A_207 : i32 to index
      %get3A_209 = arith.index_cast %mul3A_71 : i32 to index
      %get3A_210 = tpu.vector_load %arg5[%get3A_208, %get3A_209] {strides = array<i32>} : memref<64x256xf32, #tpu.memory_space<vmem>>, vector<16xf32>,
      %gt3A_211 = arith.cmpf ogt, %get3A_210, %select_n3A_167 : vector<16xf32>
      %gt3A_212 = arith.cmpf ogt, %get3A_210, %select_n3A_164 : vector<16xf32>
      %select_n3A_213 = arith.select %gt3A_212, %get3A_210, %select_n3A_164 : vector<16xi1>, vector<16xf32>
      %select_n3A_214 = arith.select %gt3A_211, %select_n3A_167, %select_n3A_213 : vector<16xi1>, vector<16xf32>
      %select_n3A_215 = arith.select %gt3A_212, %broadcast_in_dim3A_170, %select_n3A_166 : vector<16xi1>, vector<16xi32>
      %select_n3A_216 = arith.select %gt3A_211, %select_n3A_168, %select_n3A_215 : vector<16xi1>, vector<16xi32>
      %select_n3A_217 = arith.select %gt3A_211, %get3A_210, %select_n3A_167 : vector<16xi1>, vector<16xf32>
      %select_n3A_218 = arith.select %gt3A_211, %broadcast_in_dim3A_170, %select_n3A_168 : vector<16xi1>, vector<16xi32>
      %broadcast_in_dim3A_219 = arith.constant 3 : i32
      %broadcast_in_dim3A_220 = vector.broadcast %broadcast_in_dim3A_219 : i32 to vector<16xi32>
      %get3A_221 = arith.constant 3 : i32
      %get3A_222 = arith.index_cast %get3A_221 : i32 to index
      %get3A_223 = arith.index_cast %mul3A_53 : i32 to index
      %get3A_224 = tpu.vector_load %arg5[%get3A_222, %get3A_223] {strides = array<i32>} : memref<64x256xf32, #tpu.memory_space<vmem>>, vector<16xf32>,
      %gt3A_225 = arith.cmpf ogt, %get3A_224, %select_n3A_181 : vector<16xf32>
      %gt3A_226 = arith.cmpf ogt, %get3A_224, %select_n3A_178 : vector<16xf32>
      %select_n3A_227 = arith.select %gt3A_226, %get3A_224, %select_n3A_178 : vector<16xi1>, vector<16xf32>
      %select_n3A_228 = arith.select %gt3A_225, %select_n3A_181, %select_n3A_227 : vector<16xi1>, vector<16xf32>
      %select_n3A_229 = arith.select %gt3A_226, %broadcast_in_dim3A_220, %select_n3A_180 : vector<16xi1>, vector<16xi32>
      %select_n3A_230 = arith.select %gt3A_225, %select_n3A_182, %select_n3A_229 : vector<16xi1>, vector<16xi32>
      %select_n3A_231 = arith.select %gt3A_225, %get3A_224, %select_n3A_181 : vector<16xi1>, vector<16xf32>
      %select_n3A_232 = arith.select %gt3A_225, %broadcast_in_dim3A_220, %select_n3A_182 : vector<16xi1>, vector<16xi32>
      %get3A_233 = arith.constant 3 : i32
      %get3A_234 = arith.index_cast %get3A_233 : i32 to index
      %get3A_235 = arith.index_cast %mul3A_59 : i32 to index
      %get3A_236 = tpu.vector_load %arg5[%get3A_234, %get3A_235] {strides = array<i32>} : memref<64x256xf32, #tpu.memory_space<vmem>>, vector<16xf32>,
      %gt3A_237 = arith.cmpf ogt, %get3A_236, %select_n3A_193 : vector<16xf32>
      %gt3A_238 = arith.cmpf ogt, %get3A_236, %select_n3A_190 : vector<16xf32>
      %select_n3A_239 = arith.select %gt3A_238, %get3A_236, %select_n3A_190 : vector<16xi1>, vector<16xf32>
      %select_n3A_240 = arith.select %gt3A_237, %select_n3A_193, %select_n3A_239 : vector<16xi1>, vector<16xf32>
      %select_n3A_241 = arith.select %gt3A_238, %broadcast_in_dim3A_220, %select_n3A_192 : vector<16xi1>, vector<16xi32>
      %select_n3A_242 = arith.select %gt3A_237, %select_n3A_194, %select_n3A_241 : vector<16xi1>, vector<16xi32>
      %select_n3A_243 = arith.select %gt3A_237, %get3A_236, %select_n3A_193 : vector<16xi1>, vector<16xf32>
      %select_n3A_244 = arith.select %gt3A_237, %broadcast_in_dim3A_220, %select_n3A_194 : vector<16xi1>, vector<16xi32>
      %get3A_245 = arith.constant 3 : i32
      %get3A_246 = arith.index_cast %get3A_245 : i32 to index
      %get3A_247 = arith.index_cast %mul3A_65 : i32 to index
      %get3A_248 = tpu.vector_load %arg5[%get3A_246, %get3A_247] {strides = array<i32>} : memref<64x256xf32, #tpu.memory_space<vmem>>, vector<16xf32>,
      %gt3A_249 = arith.cmpf ogt, %get3A_248, %select_n3A_205 : vector<16xf32>
      %gt3A_250 = arith.cmpf ogt, %get3A_248, %select_n3A_202 : vector<16xf32>
      %select_n3A_251 = arith.select %gt3A_250, %get3A_248, %select_n3A_202 : vector<16xi1>, vector<16xf32>
      %select_n3A_252 = arith.select %gt3A_249, %select_n3A_205, %select_n3A_251 : vector<16xi1>, vector<16xf32>
      %select_n3A_253 = arith.select %gt3A_250, %broadcast_in_dim3A_220, %select_n3A_204 : vector<16xi1>, vector<16xi32>
      %select_n3A_254 = arith.select %gt3A_249, %select_n3A_206, %select_n3A_253 : vector<16xi1>, vector<16xi32>
      %select_n3A_255 = arith.select %gt3A_249, %get3A_248, %select_n3A_205 : vector<16xi1>, vector<16xf32>
      %select_n3A_256 = arith.select %gt3A_249, %broadcast_in_dim3A_220, %select_n3A_206 : vector<16xi1>, vector<16xi32>
      %get3A_257 = arith.constant 3 : i32
      %get3A_258 = arith.index_cast %get3A_257 : i32 to index
      %get3A_259 = arith.index_cast %mul3A_71 : i32 to index
      %get3A_260 = tpu.vector_load %arg5[%get3A_258, %get3A_259] {strides = array<i32>} : memref<64x256xf32, #tpu.memory_space<vmem>>, vector<16xf32>,
      %gt3A_261 = arith.cmpf ogt, %get3A_260, %select_n3A_217 : vector<16xf32>
      %gt3A_262 = arith.cmpf ogt, %get3A_260, %select_n3A_214 : vector<16xf32>
      %select_n3A_263 = arith.select %gt3A_262, %get3A_260, %select_n3A_214 : vector<16xi1>, vector<16xf32>
      %select_n3A_264 = arith.select %gt3A_261, %select_n3A_217, %select_n3A_263 : vector<16xi1>, vector<16xf32>
      %select_n3A_265 = arith.select %gt3A_262, %broadcast_in_dim3A_220, %select_n3A_216 : vector<16xi1>, vector<16xi32>
      %select_n3A_266 = arith.select %gt3A_261, %select_n3A_218, %select_n3A_265 : vector<16xi1>, vector<16xi32>
      %select_n3A_267 = arith.select %gt3A_261, %get3A_260, %select_n3A_217 : vector<16xi1>, vector<16xf32>
      %select_n3A_268 = arith.select %gt3A_261, %broadcast_in_dim3A_220, %select_n3A_218 : vector<16xi1>, vector<16xi32>
      %broadcast_in_dim3A_269 = arith.constant 4 : i32
      %broadcast_in_dim3A_270 = vector.broadcast %broadcast_in_dim3A_269 : i32 to vector<16xi32>
      %get3A_271 = arith.constant 4 : i32
      %get3A_272 = arith.index_cast %get3A_271 : i32 to index
      %get3A_273 = arith.index_cast %mul3A_53 : i32 to index
      %get3A_274 = tpu.vector_load %arg5[%get3A_272, %get3A_273] {strides = array<i32>} : memref<64x256xf32, #tpu.memory_space<vmem>>, vector<16xf32>,
      %gt3A_275 = arith.cmpf ogt, %get3A_274, %select_n3A_231 : vector<16xf32>
      %gt3A_276 = arith.cmpf ogt, %get3A_274, %select_n3A_228 : vector<16xf32>
      %select_n3A_277 = arith.select %gt3A_276, %get3A_274, %select_n3A_228 : vector<16xi1>, vector<16xf32>
      %select_n3A_278 = arith.select %gt3A_275, %select_n3A_231, %select_n3A_277 : vector<16xi1>, vector<16xf32>
      %select_n3A_279 = arith.select %gt3A_276, %broadcast_in_dim3A_270, %select_n3A_230 : vector<16xi1>, vector<16xi32>
      %select_n3A_280 = arith.select %gt3A_275, %select_n3A_232, %select_n3A_279 : vector<16xi1>, vector<16xi32>
      %select_n3A_281 = arith.select %gt3A_275, %get3A_274, %select_n3A_231 : vector<16xi1>, vector<16xf32>
      %select_n3A_282 = arith.select %gt3A_275, %broadcast_in_dim3A_270, %select_n3A_232 : vector<16xi1>, vector<16xi32>
      %get3A_283 = arith.constant 4 : i32
      %get3A_284 = arith.index_cast %get3A_283 : i32 to index
      %get3A_285 = arith.index_cast %mul3A_59 : i32 to index
      %get3A_286 = tpu.vector_load %arg5[%get3A_284, %get3A_285] {strides = array<i32>} : memref<64x256xf32, #tpu.memory_space<vmem>>, vector<16xf32>,
      %gt3A_287 = arith.cmpf ogt, %get3A_286, %select_n3A_243 : vector<16xf32>
      %gt3A_288 = arith.cmpf ogt, %get3A_286, %select_n3A_240 : vector<16xf32>
      %select_n3A_289 = arith.select %gt3A_288, %get3A_286, %select_n3A_240 : vector<16xi1>, vector<16xf32>
      %select_n3A_290 = arith.select %gt3A_287, %select_n3A_243, %select_n3A_289 : vector<16xi1>, vector<16xf32>
      %select_n3A_291 = arith.select %gt3A_288, %broadcast_in_dim3A_270, %select_n3A_242 : vector<16xi1>, vector<16xi32>
      %select_n3A_292 = arith.select %gt3A_287, %select_n3A_244, %select_n3A_291 : vector<16xi1>, vector<16xi32>
      %select_n3A_293 = arith.select %gt3A_287, %get3A_286, %select_n3A_243 : vector<16xi1>, vector<16xf32>
      %select_n3A_294 = arith.select %gt3A_287, %broadcast_in_dim3A_270, %select_n3A_244 : vector<16xi1>, vector<16xi32>
      %get3A_295 = arith.constant 4 : i32
      %get3A_296 = arith.index_cast %get3A_295 : i32 to index
      %get3A_297 = arith.index_cast %mul3A_65 : i32 to index
      %get3A_298 = tpu.vector_load %arg5[%get3A_296, %get3A_297] {strides = array<i32>} : memref<64x256xf32, #tpu.memory_space<vmem>>, vector<16xf32>,
      %gt3A_299 = arith.cmpf ogt, %get3A_298, %select_n3A_255 : vector<16xf32>
      %gt3A_300 = arith.cmpf ogt, %get3A_298, %select_n3A_252 : vector<16xf32>
      %select_n3A_301 = arith.select %gt3A_300, %get3A_298, %select_n3A_252 : vector<16xi1>, vector<16xf32>
      %select_n3A_302 = arith.select %gt3A_299, %select_n3A_255, %select_n3A_301 : vector<16xi1>, vector<16xf32>
      %select_n3A_303 = arith.select %gt3A_300, %broadcast_in_dim3A_270, %select_n3A_254 : vector<16xi1>, vector<16xi32>
      %select_n3A_304 = arith.select %gt3A_299, %select_n3A_256, %select_n3A_303 : vector<16xi1>, vector<16xi32>
      %select_n3A_305 = arith.select %gt3A_299, %get3A_298, %select_n3A_255 : vector<16xi1>, vector<16xf32>
      %select_n3A_306 = arith.select %gt3A_299, %broadcast_in_dim3A_270, %select_n3A_256 : vector<16xi1>, vector<16xi32>
      %get3A_307 = arith.constant 4 : i32
      %get3A_308 = arith.index_cast %get3A_307 : i32 to index
      %get3A_309 = arith.index_cast %mul3A_71 : i32 to index
      %get3A_310 = tpu.vector_load %arg5[%get3A_308, %get3A_309] {strides = array<i32>} : memref<64x256xf32, #tpu.memory_space<vmem>>, vector<16xf32>,
      %gt3A_311 = arith.cmpf ogt, %get3A_310, %select_n3A_267 : vector<16xf32>
      %gt3A_312 = arith.cmpf ogt, %get3A_310, %select_n3A_264 : vector<16xf32>
      %select_n3A_313 = arith.select %gt3A_312, %get3A_310, %select_n3A_264 : vector<16xi1>, vector<16xf32>
      %select_n3A_314 = arith.select %gt3A_311, %select_n3A_267, %select_n3A_313 : vector<16xi1>, vector<16xf32>
      %select_n3A_315 = arith.select %gt3A_312, %broadcast_in_dim3A_270, %select_n3A_266 : vector<16xi1>, vector<16xi32>
      %select_n3A_316 = arith.select %gt3A_311, %select_n3A_268, %select_n3A_315 : vector<16xi1>, vector<16xi32>
      %select_n3A_317 = arith.select %gt3A_311, %get3A_310, %select_n3A_267 : vector<16xi1>, vector<16xf32>
      %select_n3A_318 = arith.select %gt3A_311, %broadcast_in_dim3A_270, %select_n3A_268 : vector<16xi1>, vector<16xi32>
      %broadcast_in_dim3A_319 = arith.constant 5 : i32
      %broadcast_in_dim3A_320 = vector.broadcast %broadcast_in_dim3A_319 : i32 to vector<16xi32>
      %get3A_321 = arith.constant 5 : i32
      %get3A_322 = arith.index_cast %get3A_321 : i32 to index
      %get3A_323 = arith.index_cast %mul3A_53 : i32 to index
      %get3A_324 = tpu.vector_load %arg5[%get3A_322, %get3A_323] {strides = array<i32>} : memref<64x256xf32, #tpu.memory_space<vmem>>, vector<16xf32>,
      %gt3A_325 = arith.cmpf ogt, %get3A_324, %select_n3A_281 : vector<16xf32>
      %gt3A_326 = arith.cmpf ogt, %get3A_324, %select_n3A_278 : vector<16xf32>
      %select_n3A_327 = arith.select %gt3A_326, %get3A_324, %select_n3A_278 : vector<16xi1>, vector<16xf32>
      %select_n3A_328 = arith.select %gt3A_325, %select_n3A_281, %select_n3A_327 : vector<16xi1>, vector<16xf32>
      %select_n3A_329 = arith.select %gt3A_326, %broadcast_in_dim3A_320, %select_n3A_280 : vector<16xi1>, vector<16xi32>
      %select_n3A_330 = arith.select %gt3A_325, %select_n3A_282, %select_n3A_329 : vector<16xi1>, vector<16xi32>
      %select_n3A_331 = arith.select %gt3A_325, %get3A_324, %select_n3A_281 : vector<16xi1>, vector<16xf32>
      %select_n3A_332 = arith.select %gt3A_325, %broadcast_in_dim3A_320, %select_n3A_282 : vector<16xi1>, vector<16xi32>
      %get3A_333 = arith.constant 5 : i32
      %get3A_334 = arith.index_cast %get3A_333 : i32 to index
      %get3A_335 = arith.index_cast %mul3A_59 : i32 to index
      %get3A_336 = tpu.vector_load %arg5[%get3A_334, %get3A_335] {strides = array<i32>} : memref<64x256xf32, #tpu.memory_space<vmem>>, vector<16xf32>,
      %gt3A_337 = arith.cmpf ogt, %get3A_336, %select_n3A_293 : vector<16xf32>
      %gt3A_338 = arith.cmpf ogt, %get3A_336, %select_n3A_290 : vector<16xf32>
      %select_n3A_339 = arith.select %gt3A_338, %get3A_336, %select_n3A_290 : vector<16xi1>, vector<16xf32>
      %select_n3A_340 = arith.select %gt3A_337, %select_n3A_293, %select_n3A_339 : vector<16xi1>, vector<16xf32>
      %select_n3A_341 = arith.select %gt3A_338, %broadcast_in_dim3A_320, %select_n3A_292 : vector<16xi1>, vector<16xi32>
      %select_n3A_342 = arith.select %gt3A_337, %select_n3A_294, %select_n3A_341 : vector<16xi1>, vector<16xi32>
      %select_n3A_343 = arith.select %gt3A_337, %get3A_336, %select_n3A_293 : vector<16xi1>, vector<16xf32>
      %select_n3A_344 = arith.select %gt3A_337, %broadcast_in_dim3A_320, %select_n3A_294 : vector<16xi1>, vector<16xi32>
      %get3A_345 = arith.constant 5 : i32
      %get3A_346 = arith.index_cast %get3A_345 : i32 to index
      %get3A_347 = arith.index_cast %mul3A_65 : i32 to index
      %get3A_348 = tpu.vector_load %arg5[%get3A_346, %get3A_347] {strides = array<i32>} : memref<64x256xf32, #tpu.memory_space<vmem>>, vector<16xf32>,
      %gt3A_349 = arith.cmpf ogt, %get3A_348, %select_n3A_305 : vector<16xf32>
      %gt3A_350 = arith.cmpf ogt, %get3A_348, %select_n3A_302 : vector<16xf32>
      %select_n3A_351 = arith.select %gt3A_350, %get3A_348, %select_n3A_302 : vector<16xi1>, vector<16xf32>
      %select_n3A_352 = arith.select %gt3A_349, %select_n3A_305, %select_n3A_351 : vector<16xi1>, vector<16xf32>
      %select_n3A_353 = arith.select %gt3A_350, %broadcast_in_dim3A_320, %select_n3A_304 : vector<16xi1>, vector<16xi32>
      %select_n3A_354 = arith.select %gt3A_349, %select_n3A_306, %select_n3A_353 : vector<16xi1>, vector<16xi32>
      %select_n3A_355 = arith.select %gt3A_349, %get3A_348, %select_n3A_305 : vector<16xi1>, vector<16xf32>
      %select_n3A_356 = arith.select %gt3A_349, %broadcast_in_dim3A_320, %select_n3A_306 : vector<16xi1>, vector<16xi32>
      %get3A_357 = arith.constant 5 : i32
      %get3A_358 = arith.index_cast %get3A_357 : i32 to index
      %get3A_359 = arith.index_cast %mul3A_71 : i32 to index
      %get3A_360 = tpu.vector_load %arg5[%get3A_358, %get3A_359] {strides = array<i32>} : memref<64x256xf32, #tpu.memory_space<vmem>>, vector<16xf32>,
      %gt3A_361 = arith.cmpf ogt, %get3A_360, %select_n3A_317 : vector<16xf32>
      %gt3A_362 = arith.cmpf ogt, %get3A_360, %select_n3A_314 : vector<16xf32>
      %select_n3A_363 = arith.select %gt3A_362, %get3A_360, %select_n3A_314 : vector<16xi1>, vector<16xf32>
      %select_n3A_364 = arith.select %gt3A_361, %select_n3A_317, %select_n3A_363 : vector<16xi1>, vector<16xf32>
      %select_n3A_365 = arith.select %gt3A_362, %broadcast_in_dim3A_320, %select_n3A_316 : vector<16xi1>, vector<16xi32>
      %select_n3A_366 = arith.select %gt3A_361, %select_n3A_318, %select_n3A_365 : vector<16xi1>, vector<16xi32>
      %select_n3A_367 = arith.select %gt3A_361, %get3A_360, %select_n3A_317 : vector<16xi1>, vector<16xf32>
      %select_n3A_368 = arith.select %gt3A_361, %broadcast_in_dim3A_320, %select_n3A_318 : vector<16xi1>, vector<16xi32>
      %broadcast_in_dim3A_369 = arith.constant 6 : i32
      %broadcast_in_dim3A_370 = vector.broadcast %broadcast_in_dim3A_369 : i32 to vector<16xi32>
      %get3A_371 = arith.constant 6 : i32
      %get3A_372 = arith.index_cast %get3A_371 : i32 to index
      %get3A_373 = arith.index_cast %mul3A_53 : i32 to index
      %get3A_374 = tpu.vector_load %arg5[%get3A_372, %get3A_373] {strides = array<i32>} : memref<64x256xf32, #tpu.memory_space<vmem>>, vector<16xf32>,
      %gt3A_375 = arith.cmpf ogt, %get3A_374, %select_n3A_331 : vector<16xf32>
      %gt3A_376 = arith.cmpf ogt, %get3A_374, %select_n3A_328 : vector<16xf32>
      %select_n3A_377 = arith.select %gt3A_376, %get3A_374, %select_n3A_328 : vector<16xi1>, vector<16xf32>
      %select_n3A_378 = arith.select %gt3A_375, %select_n3A_331, %select_n3A_377 : vector<16xi1>, vector<16xf32>
      %select_n3A_379 = arith.select %gt3A_376, %broadcast_in_dim3A_370, %select_n3A_330 : vector<16xi1>, vector<16xi32>
      %select_n3A_380 = arith.select %gt3A_375, %select_n3A_332, %select_n3A_379 : vector<16xi1>, vector<16xi32>
      %select_n3A_381 = arith.select %gt3A_375, %get3A_374, %select_n3A_331 : vector<16xi1>, vector<16xf32>
      %select_n3A_382 = arith.select %gt3A_375, %broadcast_in_dim3A_370, %select_n3A_332 : vector<16xi1>, vector<16xi32>
      %get3A_383 = arith.constant 6 : i32
      %get3A_384 = arith.index_cast %get3A_383 : i32 to index
      %get3A_385 = arith.index_cast %mul3A_59 : i32 to index
      %get3A_386 = tpu.vector_load %arg5[%get3A_384, %get3A_385] {strides = array<i32>} : memref<64x256xf32, #tpu.memory_space<vmem>>, vector<16xf32>,
      %gt3A_387 = arith.cmpf ogt, %get3A_386, %select_n3A_343 : vector<16xf32>
      %gt3A_388 = arith.cmpf ogt, %get3A_386, %select_n3A_340 : vector<16xf32>
      %select_n3A_389 = arith.select %gt3A_388, %get3A_386, %select_n3A_340 : vector<16xi1>, vector<16xf32>
      %select_n3A_390 = arith.select %gt3A_387, %select_n3A_343, %select_n3A_389 : vector<16xi1>, vector<16xf32>
      %select_n3A_391 = arith.select %gt3A_388, %broadcast_in_dim3A_370, %select_n3A_342 : vector<16xi1>, vector<16xi32>
      %select_n3A_392 = arith.select %gt3A_387, %select_n3A_344, %select_n3A_391 : vector<16xi1>, vector<16xi32>
      %select_n3A_393 = arith.select %gt3A_387, %get3A_386, %select_n3A_343 : vector<16xi1>, vector<16xf32>
      %select_n3A_394 = arith.select %gt3A_387, %broadcast_in_dim3A_370, %select_n3A_344 : vector<16xi1>, vector<16xi32>
      %get3A_395 = arith.constant 6 : i32
      %get3A_396 = arith.index_cast %get3A_395 : i32 to index
      %get3A_397 = arith.index_cast %mul3A_65 : i32 to index
      %get3A_398 = tpu.vector_load %arg5[%get3A_396, %get3A_397] {strides = array<i32>} : memref<64x256xf32, #tpu.memory_space<vmem>>, vector<16xf32>,
      %gt3A_399 = arith.cmpf ogt, %get3A_398, %select_n3A_355 : vector<16xf32>
      %gt3A_400 = arith.cmpf ogt, %get3A_398, %select_n3A_352 : vector<16xf32>
      %select_n3A_401 = arith.select %gt3A_400, %get3A_398, %select_n3A_352 : vector<16xi1>, vector<16xf32>
      %select_n3A_402 = arith.select %gt3A_399, %select_n3A_355, %select_n3A_401 : vector<16xi1>, vector<16xf32>
      %select_n3A_403 = arith.select %gt3A_400, %broadcast_in_dim3A_370, %select_n3A_354 : vector<16xi1>, vector<16xi32>
      %select_n3A_404 = arith.select %gt3A_399, %select_n3A_356, %select_n3A_403 : vector<16xi1>, vector<16xi32>
      %select_n3A_405 = arith.select %gt3A_399, %get3A_398, %select_n3A_355 : vector<16xi1>, vector<16xf32>
      %select_n3A_406 = arith.select %gt3A_399, %broadcast_in_dim3A_370, %select_n3A_356 : vector<16xi1>, vector<16xi32>
      %get3A_407 = arith.constant 6 : i32
      %get3A_408 = arith.index_cast %get3A_407 : i32 to index
      %get3A_409 = arith.index_cast %mul3A_71 : i32 to index
      %get3A_410 = tpu.vector_load %arg5[%get3A_408, %get3A_409] {strides = array<i32>} : memref<64x256xf32, #tpu.memory_space<vmem>>, vector<16xf32>,
      %gt3A_411 = arith.cmpf ogt, %get3A_410, %select_n3A_367 : vector<16xf32>
      %gt3A_412 = arith.cmpf ogt, %get3A_410, %select_n3A_364 : vector<16xf32>
      %select_n3A_413 = arith.select %gt3A_412, %get3A_410, %select_n3A_364 : vector<16xi1>, vector<16xf32>
      %select_n3A_414 = arith.select %gt3A_411, %select_n3A_367, %select_n3A_413 : vector<16xi1>, vector<16xf32>
      %select_n3A_415 = arith.select %gt3A_412, %broadcast_in_dim3A_370, %select_n3A_366 : vector<16xi1>, vector<16xi32>
      %select_n3A_416 = arith.select %gt3A_411, %select_n3A_368, %select_n3A_415 : vector<16xi1>, vector<16xi32>
      %select_n3A_417 = arith.select %gt3A_411, %get3A_410, %select_n3A_367 : vector<16xi1>, vector<16xf32>
      %select_n3A_418 = arith.select %gt3A_411, %broadcast_in_dim3A_370, %select_n3A_368 : vector<16xi1>, vector<16xi32>
      %broadcast_in_dim3A_419 = arith.constant 7 : i32
      %broadcast_in_dim3A_420 = vector.broadcast %broadcast_in_dim3A_419 : i32 to vector<16xi32>
      %get3A_421 = arith.constant 7 : i32
      %get3A_422 = arith.index_cast %get3A_421 : i32 to index
      %get3A_423 = arith.index_cast %mul3A_53 : i32 to index
      %get3A_424 = tpu.vector_load %arg5[%get3A_422, %get3A_423] {strides = array<i32>} : memref<64x256xf32, #tpu.memory_space<vmem>>, vector<16xf32>,
      %gt3A_425 = arith.cmpf ogt, %get3A_424, %select_n3A_381 : vector<16xf32>
      %gt3A_426 = arith.cmpf ogt, %get3A_424, %select_n3A_378 : vector<16xf32>
      %select_n3A_427 = arith.select %gt3A_426, %get3A_424, %select_n3A_378 : vector<16xi1>, vector<16xf32>
      %select_n3A_428 = arith.select %gt3A_425, %select_n3A_381, %select_n3A_427 : vector<16xi1>, vector<16xf32>
      %select_n3A_429 = arith.select %gt3A_426, %broadcast_in_dim3A_420, %select_n3A_380 : vector<16xi1>, vector<16xi32>
      %select_n3A_430 = arith.select %gt3A_425, %select_n3A_382, %select_n3A_429 : vector<16xi1>, vector<16xi32>
      %select_n3A_431 = arith.select %gt3A_425, %get3A_424, %select_n3A_381 : vector<16xi1>, vector<16xf32>
      %select_n3A_432 = arith.select %gt3A_425, %broadcast_in_dim3A_420, %select_n3A_382 : vector<16xi1>, vector<16xi32>
      %get3A_433 = arith.constant 7 : i32
      %get3A_434 = arith.index_cast %get3A_433 : i32 to index
      %get3A_435 = arith.index_cast %mul3A_59 : i32 to index
      %get3A_436 = tpu.vector_load %arg5[%get3A_434, %get3A_435] {strides = array<i32>} : memref<64x256xf32, #tpu.memory_space<vmem>>, vector<16xf32>,
      %gt3A_437 = arith.cmpf ogt, %get3A_436, %select_n3A_393 : vector<16xf32>
      %gt3A_438 = arith.cmpf ogt, %get3A_436, %select_n3A_390 : vector<16xf32>
      %select_n3A_439 = arith.select %gt3A_438, %get3A_436, %select_n3A_390 : vector<16xi1>, vector<16xf32>
      %select_n3A_440 = arith.select %gt3A_437, %select_n3A_393, %select_n3A_439 : vector<16xi1>, vector<16xf32>
      %select_n3A_441 = arith.select %gt3A_438, %broadcast_in_dim3A_420, %select_n3A_392 : vector<16xi1>, vector<16xi32>
      %select_n3A_442 = arith.select %gt3A_437, %select_n3A_394, %select_n3A_441 : vector<16xi1>, vector<16xi32>
      %select_n3A_443 = arith.select %gt3A_437, %get3A_436, %select_n3A_393 : vector<16xi1>, vector<16xf32>
      %select_n3A_444 = arith.select %gt3A_437, %broadcast_in_dim3A_420, %select_n3A_394 : vector<16xi1>, vector<16xi32>
      %get3A_445 = arith.constant 7 : i32
      %get3A_446 = arith.index_cast %get3A_445 : i32 to index
      %get3A_447 = arith.index_cast %mul3A_65 : i32 to index
      %get3A_448 = tpu.vector_load %arg5[%get3A_446, %get3A_447] {strides = array<i32>} : memref<64x256xf32, #tpu.memory_space<vmem>>, vector<16xf32>,
      %gt3A_449 = arith.cmpf ogt, %get3A_448, %select_n3A_405 : vector<16xf32>
      %gt3A_450 = arith.cmpf ogt, %get3A_448, %select_n3A_402 : vector<16xf32>
      %select_n3A_451 = arith.select %gt3A_450, %get3A_448, %select_n3A_402 : vector<16xi1>, vector<16xf32>
      %select_n3A_452 = arith.select %gt3A_449, %select_n3A_405, %select_n3A_451 : vector<16xi1>, vector<16xf32>
      %select_n3A_453 = arith.select %gt3A_450, %broadcast_in_dim3A_420, %select_n3A_404 : vector<16xi1>, vector<16xi32>
      %select_n3A_454 = arith.select %gt3A_449, %select_n3A_406, %select_n3A_453 : vector<16xi1>, vector<16xi32>
      %select_n3A_455 = arith.select %gt3A_449, %get3A_448, %select_n3A_405 : vector<16xi1>, vector<16xf32>
      %select_n3A_456 = arith.select %gt3A_449, %broadcast_in_dim3A_420, %select_n3A_406 : vector<16xi1>, vector<16xi32>
      %get3A_457 = arith.constant 7 : i32
      %get3A_458 = arith.index_cast %get3A_457 : i32 to index
      %get3A_459 = arith.index_cast %mul3A_71 : i32 to index
      %get3A_460 = tpu.vector_load %arg5[%get3A_458, %get3A_459] {strides = array<i32>} : memref<64x256xf32, #tpu.memory_space<vmem>>, vector<16xf32>,
      %gt3A_461 = arith.cmpf ogt, %get3A_460, %select_n3A_417 : vector<16xf32>
      %gt3A_462 = arith.cmpf ogt, %get3A_460, %select_n3A_414 : vector<16xf32>
      %select_n3A_463 = arith.select %gt3A_462, %get3A_460, %select_n3A_414 : vector<16xi1>, vector<16xf32>
      %select_n3A_464 = arith.select %gt3A_461, %select_n3A_417, %select_n3A_463 : vector<16xi1>, vector<16xf32>
      %select_n3A_465 = arith.select %gt3A_462, %broadcast_in_dim3A_420, %select_n3A_416 : vector<16xi1>, vector<16xi32>
      %select_n3A_466 = arith.select %gt3A_461, %select_n3A_418, %select_n3A_465 : vector<16xi1>, vector<16xi32>
      %select_n3A_467 = arith.select %gt3A_461, %get3A_460, %select_n3A_417 : vector<16xi1>, vector<16xf32>
      %select_n3A_468 = arith.select %gt3A_461, %broadcast_in_dim3A_420, %select_n3A_418 : vector<16xi1>, vector<16xi32>
      %broadcast_in_dim3A_469 = arith.constant 8 : i32
      %broadcast_in_dim3A_470 = vector.broadcast %broadcast_in_dim3A_469 : i32 to vector<16xi32>
      %get3A_471 = arith.constant 8 : i32
      %get3A_472 = arith.index_cast %get3A_471 : i32 to index
      %get3A_473 = arith.index_cast %mul3A_53 : i32 to index
      %get3A_474 = tpu.vector_load %arg5[%get3A_472, %get3A_473] {strides = array<i32>} : memref<64x256xf32, #tpu.memory_space<vmem>>, vector<16xf32>,
      %gt3A_475 = arith.cmpf ogt, %get3A_474, %select_n3A_431 : vector<16xf32>
      %gt3A_476 = arith.cmpf ogt, %get3A_474, %select_n3A_428 : vector<16xf32>
      %select_n3A_477 = arith.select %gt3A_476, %get3A_474, %select_n3A_428 : vector<16xi1>, vector<16xf32>
      %select_n3A_478 = arith.select %gt3A_475, %select_n3A_431, %select_n3A_477 : vector<16xi1>, vector<16xf32>
      %select_n3A_479 = arith.select %gt3A_476, %broadcast_in_dim3A_470, %select_n3A_430 : vector<16xi1>, vector<16xi32>
      %select_n3A_480 = arith.select %gt3A_475, %select_n3A_432, %select_n3A_479 : vector<16xi1>, vector<16xi32>
      %select_n3A_481 = arith.select %gt3A_475, %get3A_474, %select_n3A_431 : vector<16xi1>, vector<16xf32>
      %select_n3A_482 = arith.select %gt3A_475, %broadcast_in_dim3A_470, %select_n3A_432 : vector<16xi1>, vector<16xi32>
      %get3A_483 = arith.constant 8 : i32
      %get3A_484 = arith.index_cast %get3A_483 : i32 to index
      %get3A_485 = arith.index_cast %mul3A_59 : i32 to index
      %get3A_486 = tpu.vector_load %arg5[%get3A_484, %get3A_485] {strides = array<i32>} : memref<64x256xf32, #tpu.memory_space<vmem>>, vector<16xf32>,
      %gt3A_487 = arith.cmpf ogt, %get3A_486, %select_n3A_443 : vector<16xf32>
      %gt3A_488 = arith.cmpf ogt, %get3A_486, %select_n3A_440 : vector<16xf32>
      %select_n3A_489 = arith.select %gt3A_488, %get3A_486, %select_n3A_440 : vector<16xi1>, vector<16xf32>
      %select_n3A_490 = arith.select %gt3A_487, %select_n3A_443, %select_n3A_489 : vector<16xi1>, vector<16xf32>
      %select_n3A_491 = arith.select %gt3A_488, %broadcast_in_dim3A_470, %select_n3A_442 : vector<16xi1>, vector<16xi32>
      %select_n3A_492 = arith.select %gt3A_487, %select_n3A_444, %select_n3A_491 : vector<16xi1>, vector<16xi32>
      %select_n3A_493 = arith.select %gt3A_487, %get3A_486, %select_n3A_443 : vector<16xi1>, vector<16xf32>
      %select_n3A_494 = arith.select %gt3A_487, %broadcast_in_dim3A_470, %select_n3A_444 : vector<16xi1>, vector<16xi32>
      %get3A_495 = arith.constant 8 : i32
      %get3A_496 = arith.index_cast %get3A_495 : i32 to index
      %get3A_497 = arith.index_cast %mul3A_65 : i32 to index
      %get3A_498 = tpu.vector_load %arg5[%get3A_496, %get3A_497] {strides = array<i32>} : memref<64x256xf32, #tpu.memory_space<vmem>>, vector<16xf32>,
      %gt3A_499 = arith.cmpf ogt, %get3A_498, %select_n3A_455 : vector<16xf32>
      %gt3A_500 = arith.cmpf ogt, %get3A_498, %select_n3A_452 : vector<16xf32>
      %select_n3A_501 = arith.select %gt3A_500, %get3A_498, %select_n3A_452 : vector<16xi1>, vector<16xf32>
      %select_n3A_502 = arith.select %gt3A_499, %select_n3A_455, %select_n3A_501 : vector<16xi1>, vector<16xf32>
      %select_n3A_503 = arith.select %gt3A_500, %broadcast_in_dim3A_470, %select_n3A_454 : vector<16xi1>, vector<16xi32>
      %select_n3A_504 = arith.select %gt3A_499, %select_n3A_456, %select_n3A_503 : vector<16xi1>, vector<16xi32>
      %select_n3A_505 = arith.select %gt3A_499, %get3A_498, %select_n3A_455 : vector<16xi1>, vector<16xf32>
      %select_n3A_506 = arith.select %gt3A_499, %broadcast_in_dim3A_470, %select_n3A_456 : vector<16xi1>, vector<16xi32>
      %get3A_507 = arith.constant 8 : i32
      %get3A_508 = arith.index_cast %get3A_507 : i32 to index
      %get3A_509 = arith.index_cast %mul3A_71 : i32 to index
      %get3A_510 = tpu.vector_load %arg5[%get3A_508, %get3A_509] {strides = array<i32>} : memref<64x256xf32, #tpu.memory_space<vmem>>, vector<16xf32>,
      %gt3A_511 = arith.cmpf ogt, %get3A_510, %select_n3A_467 : vector<16xf32>
      %gt3A_512 = arith.cmpf ogt, %get3A_510, %select_n3A_464 : vector<16xf32>
      %select_n3A_513 = arith.select %gt3A_512, %get3A_510, %select_n3A_464 : vector<16xi1>, vector<16xf32>
      %select_n3A_514 = arith.select %gt3A_511, %select_n3A_467, %select_n3A_513 : vector<16xi1>, vector<16xf32>
      %select_n3A_515 = arith.select %gt3A_512, %broadcast_in_dim3A_470, %select_n3A_466 : vector<16xi1>, vector<16xi32>
      %select_n3A_516 = arith.select %gt3A_511, %select_n3A_468, %select_n3A_515 : vector<16xi1>, vector<16xi32>
      %select_n3A_517 = arith.select %gt3A_511, %get3A_510, %select_n3A_467 : vector<16xi1>, vector<16xf32>
      %select_n3A_518 = arith.select %gt3A_511, %broadcast_in_dim3A_470, %select_n3A_468 : vector<16xi1>, vector<16xi32>
      %broadcast_in_dim3A_519 = arith.constant 9 : i32
      %broadcast_in_dim3A_520 = vector.broadcast %broadcast_in_dim3A_519 : i32 to vector<16xi32>
      %get3A_521 = arith.constant 9 : i32
      %get3A_522 = arith.index_cast %get3A_521 : i32 to index
      %get3A_523 = arith.index_cast %mul3A_53 : i32 to index
      %get3A_524 = tpu.vector_load %arg5[%get3A_522, %get3A_523] {strides = array<i32>} : memref<64x256xf32, #tpu.memory_space<vmem>>, vector<16xf32>,
      %gt3A_525 = arith.cmpf ogt, %get3A_524, %select_n3A_481 : vector<16xf32>
      %gt3A_526 = arith.cmpf ogt, %get3A_524, %select_n3A_478 : vector<16xf32>
      %select_n3A_527 = arith.select %gt3A_526, %get3A_524, %select_n3A_478 : vector<16xi1>, vector<16xf32>
      %select_n3A_528 = arith.select %gt3A_525, %select_n3A_481, %select_n3A_527 : vector<16xi1>, vector<16xf32>
      %select_n3A_529 = arith.select %gt3A_526, %broadcast_in_dim3A_520, %select_n3A_480 : vector<16xi1>, vector<16xi32>
      %select_n3A_530 = arith.select %gt3A_525, %select_n3A_482, %select_n3A_529 : vector<16xi1>, vector<16xi32>
      %select_n3A_531 = arith.select %gt3A_525, %get3A_524, %select_n3A_481 : vector<16xi1>, vector<16xf32>
      %select_n3A_532 = arith.select %gt3A_525, %broadcast_in_dim3A_520, %select_n3A_482 : vector<16xi1>, vector<16xi32>
      %get3A_533 = arith.constant 9 : i32
      %get3A_534 = arith.index_cast %get3A_533 : i32 to index
      %get3A_535 = arith.index_cast %mul3A_59 : i32 to index
      %get3A_536 = tpu.vector_load %arg5[%get3A_534, %get3A_535] {strides = array<i32>} : memref<64x256xf32, #tpu.memory_space<vmem>>, vector<16xf32>,
      %gt3A_537 = arith.cmpf ogt, %get3A_536, %select_n3A_493 : vector<16xf32>
      %gt3A_538 = arith.cmpf ogt, %get3A_536, %select_n3A_490 : vector<16xf32>
      %select_n3A_539 = arith.select %gt3A_538, %get3A_536, %select_n3A_490 : vector<16xi1>, vector<16xf32>
      %select_n3A_540 = arith.select %gt3A_537, %select_n3A_493, %select_n3A_539 : vector<16xi1>, vector<16xf32>
      %select_n3A_541 = arith.select %gt3A_538, %broadcast_in_dim3A_520, %select_n3A_492 : vector<16xi1>, vector<16xi32>
      %select_n3A_542 = arith.select %gt3A_537, %select_n3A_494, %select_n3A_541 : vector<16xi1>, vector<16xi32>
      %select_n3A_543 = arith.select %gt3A_537, %get3A_536, %select_n3A_493 : vector<16xi1>, vector<16xf32>
      %select_n3A_544 = arith.select %gt3A_537, %broadcast_in_dim3A_520, %select_n3A_494 : vector<16xi1>, vector<16xi32>
      %get3A_545 = arith.constant 9 : i32
      %get3A_546 = arith.index_cast %get3A_545 : i32 to index
      %get3A_547 = arith.index_cast %mul3A_65 : i32 to index
      %get3A_548 = tpu.vector_load %arg5[%get3A_546, %get3A_547] {strides = array<i32>} : memref<64x256xf32, #tpu.memory_space<vmem>>, vector<16xf32>,
      %gt3A_549 = arith.cmpf ogt, %get3A_548, %select_n3A_505 : vector<16xf32>
      %gt3A_550 = arith.cmpf ogt, %get3A_548, %select_n3A_502 : vector<16xf32>
      %select_n3A_551 = arith.select %gt3A_550, %get3A_548, %select_n3A_502 : vector<16xi1>, vector<16xf32>
      %select_n3A_552 = arith.select %gt3A_549, %select_n3A_505, %select_n3A_551 : vector<16xi1>, vector<16xf32>
      %select_n3A_553 = arith.select %gt3A_550, %broadcast_in_dim3A_520, %select_n3A_504 : vector<16xi1>, vector<16xi32>
      %select_n3A_554 = arith.select %gt3A_549, %select_n3A_506, %select_n3A_553 : vector<16xi1>, vector<16xi32>
      %select_n3A_555 = arith.select %gt3A_549, %get3A_548, %select_n3A_505 : vector<16xi1>, vector<16xf32>
      %select_n3A_556 = arith.select %gt3A_549, %broadcast_in_dim3A_520, %select_n3A_506 : vector<16xi1>, vector<16xi32>
      %get3A_557 = arith.constant 9 : i32
      %get3A_558 = arith.index_cast %get3A_557 : i32 to index
      %get3A_559 = arith.index_cast %mul3A_71 : i32 to index
      %get3A_560 = tpu.vector_load %arg5[%get3A_558, %get3A_559] {strides = array<i32>} : memref<64x256xf32, #tpu.memory_space<vmem>>, vector<16xf32>,
      %gt3A_561 = arith.cmpf ogt, %get3A_560, %select_n3A_517 : vector<16xf32>
      %gt3A_562 = arith.cmpf ogt, %get3A_560, %select_n3A_514 : vector<16xf32>
      %select_n3A_563 = arith.select %gt3A_562, %get3A_560, %select_n3A_514 : vector<16xi1>, vector<16xf32>
      %select_n3A_564 = arith.select %gt3A_561, %select_n3A_517, %select_n3A_563 : vector<16xi1>, vector<16xf32>
      %select_n3A_565 = arith.select %gt3A_562, %broadcast_in_dim3A_520, %select_n3A_516 : vector<16xi1>, vector<16xi32>
      %select_n3A_566 = arith.select %gt3A_561, %select_n3A_518, %select_n3A_565 : vector<16xi1>, vector<16xi32>
      %select_n3A_567 = arith.select %gt3A_561, %get3A_560, %select_n3A_517 : vector<16xi1>, vector<16xf32>
      %select_n3A_568 = arith.select %gt3A_561, %broadcast_in_dim3A_520, %select_n3A_518 : vector<16xi1>, vector<16xi32>
      %broadcast_in_dim3A_569 = arith.constant 10 : i32
      %broadcast_in_dim3A_570 = vector.broadcast %broadcast_in_dim3A_569 : i32 to vector<16xi32>
      %get3A_571 = arith.constant 10 : i32
      %get3A_572 = arith.index_cast %get3A_571 : i32 to index
      %get3A_573 = arith.index_cast %mul3A_53 : i32 to index
      %get3A_574 = tpu.vector_load %arg5[%get3A_572, %get3A_573] {strides = array<i32>} : memref<64x256xf32, #tpu.memory_space<vmem>>, vector<16xf32>,
      %gt3A_575 = arith.cmpf ogt, %get3A_574, %select_n3A_531 : vector<16xf32>
      %gt3A_576 = arith.cmpf ogt, %get3A_574, %select_n3A_528 : vector<16xf32>
      %select_n3A_577 = arith.select %gt3A_576, %get3A_574, %select_n3A_528 : vector<16xi1>, vector<16xf32>
      %select_n3A_578 = arith.select %gt3A_575, %select_n3A_531, %select_n3A_577 : vector<16xi1>, vector<16xf32>
      %select_n3A_579 = arith.select %gt3A_576, %broadcast_in_dim3A_570, %select_n3A_530 : vector<16xi1>, vector<16xi32>
      %select_n3A_580 = arith.select %gt3A_575, %select_n3A_532, %select_n3A_579 : vector<16xi1>, vector<16xi32>
      %select_n3A_581 = arith.select %gt3A_575, %get3A_574, %select_n3A_531 : vector<16xi1>, vector<16xf32>
      %select_n3A_582 = arith.select %gt3A_575, %broadcast_in_dim3A_570, %select_n3A_532 : vector<16xi1>, vector<16xi32>
      %get3A_583 = arith.constant 10 : i32
      %get3A_584 = arith.index_cast %get3A_583 : i32 to index
      %get3A_585 = arith.index_cast %mul3A_59 : i32 to index
      %get3A_586 = tpu.vector_load %arg5[%get3A_584, %get3A_585] {strides = array<i32>} : memref<64x256xf32, #tpu.memory_space<vmem>>, vector<16xf32>,
      %gt3A_587 = arith.cmpf ogt, %get3A_586, %select_n3A_543 : vector<16xf32>
      %gt3A_588 = arith.cmpf ogt, %get3A_586, %select_n3A_540 : vector<16xf32>
      %select_n3A_589 = arith.select %gt3A_588, %get3A_586, %select_n3A_540 : vector<16xi1>, vector<16xf32>
      %select_n3A_590 = arith.select %gt3A_587, %select_n3A_543, %select_n3A_589 : vector<16xi1>, vector<16xf32>
      %select_n3A_591 = arith.select %gt3A_588, %broadcast_in_dim3A_570, %select_n3A_542 : vector<16xi1>, vector<16xi32>
      %select_n3A_592 = arith.select %gt3A_587, %select_n3A_544, %select_n3A_591 : vector<16xi1>, vector<16xi32>
      %select_n3A_593 = arith.select %gt3A_587, %get3A_586, %select_n3A_543 : vector<16xi1>, vector<16xf32>
      %select_n3A_594 = arith.select %gt3A_587, %broadcast_in_dim3A_570, %select_n3A_544 : vector<16xi1>, vector<16xi32>
      %get3A_595 = arith.constant 10 : i32
      %get3A_596 = arith.index_cast %get3A_595 : i32 to index
      %get3A_597 = arith.index_cast %mul3A_65 : i32 to index
      %get3A_598 = tpu.vector_load %arg5[%get3A_596, %get3A_597] {strides = array<i32>} : memref<64x256xf32, #tpu.memory_space<vmem>>, vector<16xf32>,
      %gt3A_599 = arith.cmpf ogt, %get3A_598, %select_n3A_555 : vector<16xf32>
      %gt3A_600 = arith.cmpf ogt, %get3A_598, %select_n3A_552 : vector<16xf32>
      %select_n3A_601 = arith.select %gt3A_600, %get3A_598, %select_n3A_552 : vector<16xi1>, vector<16xf32>
      %select_n3A_602 = arith.select %gt3A_599, %select_n3A_555, %select_n3A_601 : vector<16xi1>, vector<16xf32>
      %select_n3A_603 = arith.select %gt3A_600, %broadcast_in_dim3A_570, %select_n3A_554 : vector<16xi1>, vector<16xi32>
      %select_n3A_604 = arith.select %gt3A_599, %select_n3A_556, %select_n3A_603 : vector<16xi1>, vector<16xi32>
      %select_n3A_605 = arith.select %gt3A_599, %get3A_598, %select_n3A_555 : vector<16xi1>, vector<16xf32>
      %select_n3A_606 = arith.select %gt3A_599, %broadcast_in_dim3A_570, %select_n3A_556 : vector<16xi1>, vector<16xi32>
      %get3A_607 = arith.constant 10 : i32
      %get3A_608 = arith.index_cast %get3A_607 : i32 to index
      %get3A_609 = arith.index_cast %mul3A_71 : i32 to index
      %get3A_610 = tpu.vector_load %arg5[%get3A_608, %get3A_609] {strides = array<i32>} : memref<64x256xf32, #tpu.memory_space<vmem>>, vector<16xf32>,
      %gt3A_611 = arith.cmpf ogt, %get3A_610, %select_n3A_567 : vector<16xf32>
      %gt3A_612 = arith.cmpf ogt, %get3A_610, %select_n3A_564 : vector<16xf32>
      %select_n3A_613 = arith.select %gt3A_612, %get3A_610, %select_n3A_564 : vector<16xi1>, vector<16xf32>
      %select_n3A_614 = arith.select %gt3A_611, %select_n3A_567, %select_n3A_613 : vector<16xi1>, vector<16xf32>
      %select_n3A_615 = arith.select %gt3A_612, %broadcast_in_dim3A_570, %select_n3A_566 : vector<16xi1>, vector<16xi32>
      %select_n3A_616 = arith.select %gt3A_611, %select_n3A_568, %select_n3A_615 : vector<16xi1>, vector<16xi32>
      %select_n3A_617 = arith.select %gt3A_611, %get3A_610, %select_n3A_567 : vector<16xi1>, vector<16xf32>
      %select_n3A_618 = arith.select %gt3A_611, %broadcast_in_dim3A_570, %select_n3A_568 : vector<16xi1>, vector<16xi32>
      %broadcast_in_dim3A_619 = arith.constant 11 : i32
      %broadcast_in_dim3A_620 = vector.broadcast %broadcast_in_dim3A_619 : i32 to vector<16xi32>
      %get3A_621 = arith.constant 11 : i32
      %get3A_622 = arith.index_cast %get3A_621 : i32 to index
      %get3A_623 = arith.index_cast %mul3A_53 : i32 to index
      %get3A_624 = tpu.vector_load %arg5[%get3A_622, %get3A_623] {strides = array<i32>} : memref<64x256xf32, #tpu.memory_space<vmem>>, vector<16xf32>,
      %gt3A_625 = arith.cmpf ogt, %get3A_624, %select_n3A_581 : vector<16xf32>
      %gt3A_626 = arith.cmpf ogt, %get3A_624, %select_n3A_578 : vector<16xf32>
      %select_n3A_627 = arith.select %gt3A_626, %get3A_624, %select_n3A_578 : vector<16xi1>, vector<16xf32>
      %select_n3A_628 = arith.select %gt3A_625, %select_n3A_581, %select_n3A_627 : vector<16xi1>, vector<16xf32>
      %select_n3A_629 = arith.select %gt3A_626, %broadcast_in_dim3A_620, %select_n3A_580 : vector<16xi1>, vector<16xi32>
      %select_n3A_630 = arith.select %gt3A_625, %select_n3A_582, %select_n3A_629 : vector<16xi1>, vector<16xi32>
      %select_n3A_631 = arith.select %gt3A_625, %get3A_624, %select_n3A_581 : vector<16xi1>, vector<16xf32>
      %select_n3A_632 = arith.select %gt3A_625, %broadcast_in_dim3A_620, %select_n3A_582 : vector<16xi1>, vector<16xi32>
      %get3A_633 = arith.constant 11 : i32
      %get3A_634 = arith.index_cast %get3A_633 : i32 to index
      %get3A_635 = arith.index_cast %mul3A_59 : i32 to index
      %get3A_636 = tpu.vector_load %arg5[%get3A_634, %get3A_635] {strides = array<i32>} : memref<64x256xf32, #tpu.memory_space<vmem>>, vector<16xf32>,
      %gt3A_637 = arith.cmpf ogt, %get3A_636, %select_n3A_593 : vector<16xf32>
      %gt3A_638 = arith.cmpf ogt, %get3A_636, %select_n3A_590 : vector<16xf32>
      %select_n3A_639 = arith.select %gt3A_638, %get3A_636, %select_n3A_590 : vector<16xi1>, vector<16xf32>
      %select_n3A_640 = arith.select %gt3A_637, %select_n3A_593, %select_n3A_639 : vector<16xi1>, vector<16xf32>
      %select_n3A_641 = arith.select %gt3A_638, %broadcast_in_dim3A_620, %select_n3A_592 : vector<16xi1>, vector<16xi32>
      %select_n3A_642 = arith.select %gt3A_637, %select_n3A_594, %select_n3A_641 : vector<16xi1>, vector<16xi32>
      %select_n3A_643 = arith.select %gt3A_637, %get3A_636, %select_n3A_593 : vector<16xi1>, vector<16xf32>
      %select_n3A_644 = arith.select %gt3A_637, %broadcast_in_dim3A_620, %select_n3A_594 : vector<16xi1>, vector<16xi32>
      %get3A_645 = arith.constant 11 : i32
      %get3A_646 = arith.index_cast %get3A_645 : i32 to index
      %get3A_647 = arith.index_cast %mul3A_65 : i32 to index
      %get3A_648 = tpu.vector_load %arg5[%get3A_646, %get3A_647] {strides = array<i32>} : memref<64x256xf32, #tpu.memory_space<vmem>>, vector<16xf32>,
      %gt3A_649 = arith.cmpf ogt, %get3A_648, %select_n3A_605 : vector<16xf32>
      %gt3A_650 = arith.cmpf ogt, %get3A_648, %select_n3A_602 : vector<16xf32>
      %select_n3A_651 = arith.select %gt3A_650, %get3A_648, %select_n3A_602 : vector<16xi1>, vector<16xf32>
      %select_n3A_652 = arith.select %gt3A_649, %select_n3A_605, %select_n3A_651 : vector<16xi1>, vector<16xf32>
      %select_n3A_653 = arith.select %gt3A_650, %broadcast_in_dim3A_620, %select_n3A_604 : vector<16xi1>, vector<16xi32>
      %select_n3A_654 = arith.select %gt3A_649, %select_n3A_606, %select_n3A_653 : vector<16xi1>, vector<16xi32>
      %select_n3A_655 = arith.select %gt3A_649, %get3A_648, %select_n3A_605 : vector<16xi1>, vector<16xf32>
      %select_n3A_656 = arith.select %gt3A_649, %broadcast_in_dim3A_620, %select_n3A_606 : vector<16xi1>, vector<16xi32>
      %get3A_657 = arith.constant 11 : i32
      %get3A_658 = arith.index_cast %get3A_657 : i32 to index
      %get3A_659 = arith.index_cast %mul3A_71 : i32 to index
      %get3A_660 = tpu.vector_load %arg5[%get3A_658, %get3A_659] {strides = array<i32>} : memref<64x256xf32, #tpu.memory_space<vmem>>, vector<16xf32>,
      %gt3A_661 = arith.cmpf ogt, %get3A_660, %select_n3A_617 : vector<16xf32>
      %gt3A_662 = arith.cmpf ogt, %get3A_660, %select_n3A_614 : vector<16xf32>
      %select_n3A_663 = arith.select %gt3A_662, %get3A_660, %select_n3A_614 : vector<16xi1>, vector<16xf32>
      %select_n3A_664 = arith.select %gt3A_661, %select_n3A_617, %select_n3A_663 : vector<16xi1>, vector<16xf32>
      %select_n3A_665 = arith.select %gt3A_662, %broadcast_in_dim3A_620, %select_n3A_616 : vector<16xi1>, vector<16xi32>
      %select_n3A_666 = arith.select %gt3A_661, %select_n3A_618, %select_n3A_665 : vector<16xi1>, vector<16xi32>
      %select_n3A_667 = arith.select %gt3A_661, %get3A_660, %select_n3A_617 : vector<16xi1>, vector<16xf32>
      %select_n3A_668 = arith.select %gt3A_661, %broadcast_in_dim3A_620, %select_n3A_618 : vector<16xi1>, vector<16xi32>
      %broadcast_in_dim3A_669 = arith.constant 12 : i32
      %broadcast_in_dim3A_670 = vector.broadcast %broadcast_in_dim3A_669 : i32 to vector<16xi32>
      %get3A_671 = arith.constant 12 : i32
      %get3A_672 = arith.index_cast %get3A_671 : i32 to index
      %get3A_673 = arith.index_cast %mul3A_53 : i32 to index
      %get3A_674 = tpu.vector_load %arg5[%get3A_672, %get3A_673] {strides = array<i32>} : memref<64x256xf32, #tpu.memory_space<vmem>>, vector<16xf32>,
      %gt3A_675 = arith.cmpf ogt, %get3A_674, %select_n3A_631 : vector<16xf32>
      %gt3A_676 = arith.cmpf ogt, %get3A_674, %select_n3A_628 : vector<16xf32>
      %select_n3A_677 = arith.select %gt3A_676, %get3A_674, %select_n3A_628 : vector<16xi1>, vector<16xf32>
      %select_n3A_678 = arith.select %gt3A_675, %select_n3A_631, %select_n3A_677 : vector<16xi1>, vector<16xf32>
      %select_n3A_679 = arith.select %gt3A_676, %broadcast_in_dim3A_670, %select_n3A_630 : vector<16xi1>, vector<16xi32>
      %select_n3A_680 = arith.select %gt3A_675, %select_n3A_632, %select_n3A_679 : vector<16xi1>, vector<16xi32>
      %select_n3A_681 = arith.select %gt3A_675, %get3A_674, %select_n3A_631 : vector<16xi1>, vector<16xf32>
      %select_n3A_682 = arith.select %gt3A_675, %broadcast_in_dim3A_670, %select_n3A_632 : vector<16xi1>, vector<16xi32>
      %get3A_683 = arith.constant 12 : i32
      %get3A_684 = arith.index_cast %get3A_683 : i32 to index
      %get3A_685 = arith.index_cast %mul3A_59 : i32 to index
      %get3A_686 = tpu.vector_load %arg5[%get3A_684, %get3A_685] {strides = array<i32>} : memref<64x256xf32, #tpu.memory_space<vmem>>, vector<16xf32>,
      %gt3A_687 = arith.cmpf ogt, %get3A_686, %select_n3A_643 : vector<16xf32>
      %gt3A_688 = arith.cmpf ogt, %get3A_686, %select_n3A_640 : vector<16xf32>
      %select_n3A_689 = arith.select %gt3A_688, %get3A_686, %select_n3A_640 : vector<16xi1>, vector<16xf32>
      %select_n3A_690 = arith.select %gt3A_687, %select_n3A_643, %select_n3A_689 : vector<16xi1>, vector<16xf32>
      %select_n3A_691 = arith.select %gt3A_688, %broadcast_in_dim3A_670, %select_n3A_642 : vector<16xi1>, vector<16xi32>
      %select_n3A_692 = arith.select %gt3A_687, %select_n3A_644, %select_n3A_691 : vector<16xi1>, vector<16xi32>
      %select_n3A_693 = arith.select %gt3A_687, %get3A_686, %select_n3A_643 : vector<16xi1>, vector<16xf32>
      %select_n3A_694 = arith.select %gt3A_687, %broadcast_in_dim3A_670, %select_n3A_644 : vector<16xi1>, vector<16xi32>
      %get3A_695 = arith.constant 12 : i32
      %get3A_696 = arith.index_cast %get3A_695 : i32 to index
      %get3A_697 = arith.index_cast %mul3A_65 : i32 to index
      %get3A_698 = tpu.vector_load %arg5[%get3A_696, %get3A_697] {strides = array<i32>} : memref<64x256xf32, #tpu.memory_space<vmem>>, vector<16xf32>,
      %gt3A_699 = arith.cmpf ogt, %get3A_698, %select_n3A_655 : vector<16xf32>
      %gt3A_700 = arith.cmpf ogt, %get3A_698, %select_n3A_652 : vector<16xf32>
      %select_n3A_701 = arith.select %gt3A_700, %get3A_698, %select_n3A_652 : vector<16xi1>, vector<16xf32>
      %select_n3A_702 = arith.select %gt3A_699, %select_n3A_655, %select_n3A_701 : vector<16xi1>, vector<16xf32>
      %select_n3A_703 = arith.select %gt3A_700, %broadcast_in_dim3A_670, %select_n3A_654 : vector<16xi1>, vector<16xi32>
      %select_n3A_704 = arith.select %gt3A_699, %select_n3A_656, %select_n3A_703 : vector<16xi1>, vector<16xi32>
      %select_n3A_705 = arith.select %gt3A_699, %get3A_698, %select_n3A_655 : vector<16xi1>, vector<16xf32>
      %select_n3A_706 = arith.select %gt3A_699, %broadcast_in_dim3A_670, %select_n3A_656 : vector<16xi1>, vector<16xi32>
      %get3A_707 = arith.constant 12 : i32
      %get3A_708 = arith.index_cast %get3A_707 : i32 to index
      %get3A_709 = arith.index_cast %mul3A_71 : i32 to index
      %get3A_710 = tpu.vector_load %arg5[%get3A_708, %get3A_709] {strides = array<i32>} : memref<64x256xf32, #tpu.memory_space<vmem>>, vector<16xf32>,
      %gt3A_711 = arith.cmpf ogt, %get3A_710, %select_n3A_667 : vector<16xf32>
      %gt3A_712 = arith.cmpf ogt, %get3A_710, %select_n3A_664 : vector<16xf32>
      %select_n3A_713 = arith.select %gt3A_712, %get3A_710, %select_n3A_664 : vector<16xi1>, vector<16xf32>
      %select_n3A_714 = arith.select %gt3A_711, %select_n3A_667, %select_n3A_713 : vector<16xi1>, vector<16xf32>
      %select_n3A_715 = arith.select %gt3A_712, %broadcast_in_dim3A_670, %select_n3A_666 : vector<16xi1>, vector<16xi32>
      %select_n3A_716 = arith.select %gt3A_711, %select_n3A_668, %select_n3A_715 : vector<16xi1>, vector<16xi32>
      %select_n3A_717 = arith.select %gt3A_711, %get3A_710, %select_n3A_667 : vector<16xi1>, vector<16xf32>
      %select_n3A_718 = arith.select %gt3A_711, %broadcast_in_dim3A_670, %select_n3A_668 : vector<16xi1>, vector<16xi32>
      %broadcast_in_dim3A_719 = arith.constant 13 : i32
      %broadcast_in_dim3A_720 = vector.broadcast %broadcast_in_dim3A_719 : i32 to vector<16xi32>
      %get3A_721 = arith.constant 13 : i32
      %get3A_722 = arith.index_cast %get3A_721 : i32 to index
      %get3A_723 = arith.index_cast %mul3A_53 : i32 to index
      %get3A_724 = tpu.vector_load %arg5[%get3A_722, %get3A_723] {strides = array<i32>} : memref<64x256xf32, #tpu.memory_space<vmem>>, vector<16xf32>,
      %gt3A_725 = arith.cmpf ogt, %get3A_724, %select_n3A_681 : vector<16xf32>
      %gt3A_726 = arith.cmpf ogt, %get3A_724, %select_n3A_678 : vector<16xf32>
      %select_n3A_727 = arith.select %gt3A_726, %get3A_724, %select_n3A_678 : vector<16xi1>, vector<16xf32>
      %select_n3A_728 = arith.select %gt3A_725, %select_n3A_681, %select_n3A_727 : vector<16xi1>, vector<16xf32>
      %select_n3A_729 = arith.select %gt3A_726, %broadcast_in_dim3A_720, %select_n3A_680 : vector<16xi1>, vector<16xi32>
      %select_n3A_730 = arith.select %gt3A_725, %select_n3A_682, %select_n3A_729 : vector<16xi1>, vector<16xi32>
      %select_n3A_731 = arith.select %gt3A_725, %get3A_724, %select_n3A_681 : vector<16xi1>, vector<16xf32>
      %select_n3A_732 = arith.select %gt3A_725, %broadcast_in_dim3A_720, %select_n3A_682 : vector<16xi1>, vector<16xi32>
      %get3A_733 = arith.constant 13 : i32
      %get3A_734 = arith.index_cast %get3A_733 : i32 to index
      %get3A_735 = arith.index_cast %mul3A_59 : i32 to index
      %get3A_736 = tpu.vector_load %arg5[%get3A_734, %get3A_735] {strides = array<i32>} : memref<64x256xf32, #tpu.memory_space<vmem>>, vector<16xf32>,
      %gt3A_737 = arith.cmpf ogt, %get3A_736, %select_n3A_693 : vector<16xf32>
      %gt3A_738 = arith.cmpf ogt, %get3A_736, %select_n3A_690 : vector<16xf32>
      %select_n3A_739 = arith.select %gt3A_738, %get3A_736, %select_n3A_690 : vector<16xi1>, vector<16xf32>
      %select_n3A_740 = arith.select %gt3A_737, %select_n3A_693, %select_n3A_739 : vector<16xi1>, vector<16xf32>
      %select_n3A_741 = arith.select %gt3A_738, %broadcast_in_dim3A_720, %select_n3A_692 : vector<16xi1>, vector<16xi32>
      %select_n3A_742 = arith.select %gt3A_737, %select_n3A_694, %select_n3A_741 : vector<16xi1>, vector<16xi32>
      %select_n3A_743 = arith.select %gt3A_737, %get3A_736, %select_n3A_693 : vector<16xi1>, vector<16xf32>
      %select_n3A_744 = arith.select %gt3A_737, %broadcast_in_dim3A_720, %select_n3A_694 : vector<16xi1>, vector<16xi32>
      %get3A_745 = arith.constant 13 : i32
      %get3A_746 = arith.index_cast %get3A_745 : i32 to index
      %get3A_747 = arith.index_cast %mul3A_65 : i32 to index
      %get3A_748 = tpu.vector_load %arg5[%get3A_746, %get3A_747] {strides = array<i32>} : memref<64x256xf32, #tpu.memory_space<vmem>>, vector<16xf32>,
      %gt3A_749 = arith.cmpf ogt, %get3A_748, %select_n3A_705 : vector<16xf32>
      %gt3A_750 = arith.cmpf ogt, %get3A_748, %select_n3A_702 : vector<16xf32>
      %select_n3A_751 = arith.select %gt3A_750, %get3A_748, %select_n3A_702 : vector<16xi1>, vector<16xf32>
      %select_n3A_752 = arith.select %gt3A_749, %select_n3A_705, %select_n3A_751 : vector<16xi1>, vector<16xf32>
      %select_n3A_753 = arith.select %gt3A_750, %broadcast_in_dim3A_720, %select_n3A_704 : vector<16xi1>, vector<16xi32>
      %select_n3A_754 = arith.select %gt3A_749, %select_n3A_706, %select_n3A_753 : vector<16xi1>, vector<16xi32>
      %select_n3A_755 = arith.select %gt3A_749, %get3A_748, %select_n3A_705 : vector<16xi1>, vector<16xf32>
      %select_n3A_756 = arith.select %gt3A_749, %broadcast_in_dim3A_720, %select_n3A_706 : vector<16xi1>, vector<16xi32>
      %get3A_757 = arith.constant 13 : i32
      %get3A_758 = arith.index_cast %get3A_757 : i32 to index
      %get3A_759 = arith.index_cast %mul3A_71 : i32 to index
      %get3A_760 = tpu.vector_load %arg5[%get3A_758, %get3A_759] {strides = array<i32>} : memref<64x256xf32, #tpu.memory_space<vmem>>, vector<16xf32>,
      %gt3A_761 = arith.cmpf ogt, %get3A_760, %select_n3A_717 : vector<16xf32>
      %gt3A_762 = arith.cmpf ogt, %get3A_760, %select_n3A_714 : vector<16xf32>
      %select_n3A_763 = arith.select %gt3A_762, %get3A_760, %select_n3A_714 : vector<16xi1>, vector<16xf32>
      %select_n3A_764 = arith.select %gt3A_761, %select_n3A_717, %select_n3A_763 : vector<16xi1>, vector<16xf32>
      %select_n3A_765 = arith.select %gt3A_762, %broadcast_in_dim3A_720, %select_n3A_716 : vector<16xi1>, vector<16xi32>
      %select_n3A_766 = arith.select %gt3A_761, %select_n3A_718, %select_n3A_765 : vector<16xi1>, vector<16xi32>
      %select_n3A_767 = arith.select %gt3A_761, %get3A_760, %select_n3A_717 : vector<16xi1>, vector<16xf32>
      %select_n3A_768 = arith.select %gt3A_761, %broadcast_in_dim3A_720, %select_n3A_718 : vector<16xi1>, vector<16xi32>
      %broadcast_in_dim3A_769 = arith.constant 14 : i32
      %broadcast_in_dim3A_770 = vector.broadcast %broadcast_in_dim3A_769 : i32 to vector<16xi32>
      %get3A_771 = arith.constant 14 : i32
      %get3A_772 = arith.index_cast %get3A_771 : i32 to index
      %get3A_773 = arith.index_cast %mul3A_53 : i32 to index
      %get3A_774 = tpu.vector_load %arg5[%get3A_772, %get3A_773] {strides = array<i32>} : memref<64x256xf32, #tpu.memory_space<vmem>>, vector<16xf32>,
      %gt3A_775 = arith.cmpf ogt, %get3A_774, %select_n3A_731 : vector<16xf32>
      %gt3A_776 = arith.cmpf ogt, %get3A_774, %select_n3A_728 : vector<16xf32>
      %select_n3A_777 = arith.select %gt3A_776, %get3A_774, %select_n3A_728 : vector<16xi1>, vector<16xf32>
      %select_n3A_778 = arith.select %gt3A_775, %select_n3A_731, %select_n3A_777 : vector<16xi1>, vector<16xf32>
      %select_n3A_779 = arith.select %gt3A_776, %broadcast_in_dim3A_770, %select_n3A_730 : vector<16xi1>, vector<16xi32>
      %select_n3A_780 = arith.select %gt3A_775, %select_n3A_732, %select_n3A_779 : vector<16xi1>, vector<16xi32>
      %select_n3A_781 = arith.select %gt3A_775, %get3A_774, %select_n3A_731 : vector<16xi1>, vector<16xf32>
      %select_n3A_782 = arith.select %gt3A_775, %broadcast_in_dim3A_770, %select_n3A_732 : vector<16xi1>, vector<16xi32>
      %get3A_783 = arith.constant 14 : i32
      %get3A_784 = arith.index_cast %get3A_783 : i32 to index
      %get3A_785 = arith.index_cast %mul3A_59 : i32 to index
      %get3A_786 = tpu.vector_load %arg5[%get3A_784, %get3A_785] {strides = array<i32>} : memref<64x256xf32, #tpu.memory_space<vmem>>, vector<16xf32>,
      %gt3A_787 = arith.cmpf ogt, %get3A_786, %select_n3A_743 : vector<16xf32>
      %gt3A_788 = arith.cmpf ogt, %get3A_786, %select_n3A_740 : vector<16xf32>
      %select_n3A_789 = arith.select %gt3A_788, %get3A_786, %select_n3A_740 : vector<16xi1>, vector<16xf32>
      %select_n3A_790 = arith.select %gt3A_787, %select_n3A_743, %select_n3A_789 : vector<16xi1>, vector<16xf32>
      %select_n3A_791 = arith.select %gt3A_788, %broadcast_in_dim3A_770, %select_n3A_742 : vector<16xi1>, vector<16xi32>
      %select_n3A_792 = arith.select %gt3A_787, %select_n3A_744, %select_n3A_791 : vector<16xi1>, vector<16xi32>
      %select_n3A_793 = arith.select %gt3A_787, %get3A_786, %select_n3A_743 : vector<16xi1>, vector<16xf32>
      %select_n3A_794 = arith.select %gt3A_787, %broadcast_in_dim3A_770, %select_n3A_744 : vector<16xi1>, vector<16xi32>
      %get3A_795 = arith.constant 14 : i32
      %get3A_796 = arith.index_cast %get3A_795 : i32 to index
      %get3A_797 = arith.index_cast %mul3A_65 : i32 to index
      %get3A_798 = tpu.vector_load %arg5[%get3A_796, %get3A_797] {strides = array<i32>} : memref<64x256xf32, #tpu.memory_space<vmem>>, vector<16xf32>,
      %gt3A_799 = arith.cmpf ogt, %get3A_798, %select_n3A_755 : vector<16xf32>
      %gt3A_800 = arith.cmpf ogt, %get3A_798, %select_n3A_752 : vector<16xf32>
      %select_n3A_801 = arith.select %gt3A_800, %get3A_798, %select_n3A_752 : vector<16xi1>, vector<16xf32>
      %select_n3A_802 = arith.select %gt3A_799, %select_n3A_755, %select_n3A_801 : vector<16xi1>, vector<16xf32>
      %select_n3A_803 = arith.select %gt3A_800, %broadcast_in_dim3A_770, %select_n3A_754 : vector<16xi1>, vector<16xi32>
      %select_n3A_804 = arith.select %gt3A_799, %select_n3A_756, %select_n3A_803 : vector<16xi1>, vector<16xi32>
      %select_n3A_805 = arith.select %gt3A_799, %get3A_798, %select_n3A_755 : vector<16xi1>, vector<16xf32>
      %select_n3A_806 = arith.select %gt3A_799, %broadcast_in_dim3A_770, %select_n3A_756 : vector<16xi1>, vector<16xi32>
      %get3A_807 = arith.constant 14 : i32
      %get3A_808 = arith.index_cast %get3A_807 : i32 to index
      %get3A_809 = arith.index_cast %mul3A_71 : i32 to index
      %get3A_810 = tpu.vector_load %arg5[%get3A_808, %get3A_809] {strides = array<i32>} : memref<64x256xf32, #tpu.memory_space<vmem>>, vector<16xf32>,
      %gt3A_811 = arith.cmpf ogt, %get3A_810, %select_n3A_767 : vector<16xf32>
      %gt3A_812 = arith.cmpf ogt, %get3A_810, %select_n3A_764 : vector<16xf32>
      %select_n3A_813 = arith.select %gt3A_812, %get3A_810, %select_n3A_764 : vector<16xi1>, vector<16xf32>
      %select_n3A_814 = arith.select %gt3A_811, %select_n3A_767, %select_n3A_813 : vector<16xi1>, vector<16xf32>
      %select_n3A_815 = arith.select %gt3A_812, %broadcast_in_dim3A_770, %select_n3A_766 : vector<16xi1>, vector<16xi32>
      %select_n3A_816 = arith.select %gt3A_811, %select_n3A_768, %select_n3A_815 : vector<16xi1>, vector<16xi32>
      %select_n3A_817 = arith.select %gt3A_811, %get3A_810, %select_n3A_767 : vector<16xi1>, vector<16xf32>
      %select_n3A_818 = arith.select %gt3A_811, %broadcast_in_dim3A_770, %select_n3A_768 : vector<16xi1>, vector<16xi32>
      %broadcast_in_dim3A_819 = arith.constant 15 : i32
      %broadcast_in_dim3A_820 = vector.broadcast %broadcast_in_dim3A_819 : i32 to vector<16xi32>
      %get3A_821 = arith.constant 15 : i32
      %get3A_822 = arith.index_cast %get3A_821 : i32 to index
      %get3A_823 = arith.index_cast %mul3A_53 : i32 to index
      %get3A_824 = tpu.vector_load %arg5[%get3A_822, %get3A_823] {strides = array<i32>} : memref<64x256xf32, #tpu.memory_space<vmem>>, vector<16xf32>,
      %gt3A_825 = arith.cmpf ogt, %get3A_824, %select_n3A_781 : vector<16xf32>
      %gt3A_826 = arith.cmpf ogt, %get3A_824, %select_n3A_778 : vector<16xf32>
      %select_n3A_827 = arith.select %gt3A_826, %get3A_824, %select_n3A_778 : vector<16xi1>, vector<16xf32>
      %select_n3A_828 = arith.select %gt3A_825, %select_n3A_781, %select_n3A_827 : vector<16xi1>, vector<16xf32>
      %select_n3A_829 = arith.select %gt3A_826, %broadcast_in_dim3A_820, %select_n3A_780 : vector<16xi1>, vector<16xi32>
      %select_n3A_830 = arith.select %gt3A_825, %select_n3A_782, %select_n3A_829 : vector<16xi1>, vector<16xi32>
      %select_n3A_831 = arith.select %gt3A_825, %get3A_824, %select_n3A_781 : vector<16xi1>, vector<16xf32>
      %select_n3A_832 = arith.select %gt3A_825, %broadcast_in_dim3A_820, %select_n3A_782 : vector<16xi1>, vector<16xi32>
      %get3A_833 = arith.constant 15 : i32
      %get3A_834 = arith.index_cast %get3A_833 : i32 to index
      %get3A_835 = arith.index_cast %mul3A_59 : i32 to index
      %get3A_836 = tpu.vector_load %arg5[%get3A_834, %get3A_835] {strides = array<i32>} : memref<64x256xf32, #tpu.memory_space<vmem>>, vector<16xf32>,
      %gt3A_837 = arith.cmpf ogt, %get3A_836, %select_n3A_793 : vector<16xf32>
      %gt3A_838 = arith.cmpf ogt, %get3A_836, %select_n3A_790 : vector<16xf32>
      %select_n3A_839 = arith.select %gt3A_838, %get3A_836, %select_n3A_790 : vector<16xi1>, vector<16xf32>
      %select_n3A_840 = arith.select %gt3A_837, %select_n3A_793, %select_n3A_839 : vector<16xi1>, vector<16xf32>
      %select_n3A_841 = arith.select %gt3A_838, %broadcast_in_dim3A_820, %select_n3A_792 : vector<16xi1>, vector<16xi32>
      %select_n3A_842 = arith.select %gt3A_837, %select_n3A_794, %select_n3A_841 : vector<16xi1>, vector<16xi32>
      %select_n3A_843 = arith.select %gt3A_837, %get3A_836, %select_n3A_793 : vector<16xi1>, vector<16xf32>
      %select_n3A_844 = arith.select %gt3A_837, %broadcast_in_dim3A_820, %select_n3A_794 : vector<16xi1>, vector<16xi32>
      %get3A_845 = arith.constant 15 : i32
      %get3A_846 = arith.index_cast %get3A_845 : i32 to index
      %get3A_847 = arith.index_cast %mul3A_65 : i32 to index
      %get3A_848 = tpu.vector_load %arg5[%get3A_846, %get3A_847] {strides = array<i32>} : memref<64x256xf32, #tpu.memory_space<vmem>>, vector<16xf32>,
      %gt3A_849 = arith.cmpf ogt, %get3A_848, %select_n3A_805 : vector<16xf32>
      %gt3A_850 = arith.cmpf ogt, %get3A_848, %select_n3A_802 : vector<16xf32>
      %select_n3A_851 = arith.select %gt3A_850, %get3A_848, %select_n3A_802 : vector<16xi1>, vector<16xf32>
      %select_n3A_852 = arith.select %gt3A_849, %select_n3A_805, %select_n3A_851 : vector<16xi1>, vector<16xf32>
      %select_n3A_853 = arith.select %gt3A_850, %broadcast_in_dim3A_820, %select_n3A_804 : vector<16xi1>, vector<16xi32>
      %select_n3A_854 = arith.select %gt3A_849, %select_n3A_806, %select_n3A_853 : vector<16xi1>, vector<16xi32>
      %select_n3A_855 = arith.select %gt3A_849, %get3A_848, %select_n3A_805 : vector<16xi1>, vector<16xf32>
      %select_n3A_856 = arith.select %gt3A_849, %broadcast_in_dim3A_820, %select_n3A_806 : vector<16xi1>, vector<16xi32>
      %get3A_857 = arith.constant 15 : i32
      %get3A_858 = arith.index_cast %get3A_857 : i32 to index
      %get3A_859 = arith.index_cast %mul3A_71 : i32 to index
      %get3A_860 = tpu.vector_load %arg5[%get3A_858, %get3A_859] {strides = array<i32>} : memref<64x256xf32, #tpu.memory_space<vmem>>, vector<16xf32>,
      %gt3A_861 = arith.cmpf ogt, %get3A_860, %select_n3A_817 : vector<16xf32>
      %gt3A_862 = arith.cmpf ogt, %get3A_860, %select_n3A_814 : vector<16xf32>
      %select_n3A_863 = arith.select %gt3A_862, %get3A_860, %select_n3A_814 : vector<16xi1>, vector<16xf32>
      %select_n3A_864 = arith.select %gt3A_861, %select_n3A_817, %select_n3A_863 : vector<16xi1>, vector<16xf32>
      %select_n3A_865 = arith.select %gt3A_862, %broadcast_in_dim3A_820, %select_n3A_816 : vector<16xi1>, vector<16xi32>
      %select_n3A_866 = arith.select %gt3A_861, %select_n3A_818, %select_n3A_865 : vector<16xi1>, vector<16xi32>
      %select_n3A_867 = arith.select %gt3A_861, %get3A_860, %select_n3A_817 : vector<16xi1>, vector<16xf32>
      %select_n3A_868 = arith.select %gt3A_861, %broadcast_in_dim3A_820, %select_n3A_818 : vector<16xi1>, vector<16xi32>
      %broadcast_in_dim3A_869 = arith.constant 16 : i32
      %broadcast_in_dim3A_870 = vector.broadcast %broadcast_in_dim3A_869 : i32 to vector<16xi32>
      %get3A_871 = arith.constant 16 : i32
      %get3A_872 = arith.index_cast %get3A_871 : i32 to index
      %get3A_873 = arith.index_cast %mul3A_53 : i32 to index
      %get3A_874 = tpu.vector_load %arg5[%get3A_872, %get3A_873] {strides = array<i32>} : memref<64x256xf32, #tpu.memory_space<vmem>>, vector<16xf32>,
      %gt3A_875 = arith.cmpf ogt, %get3A_874, %select_n3A_831 : vector<16xf32>
      %gt3A_876 = arith.cmpf ogt, %get3A_874, %select_n3A_828 : vector<16xf32>
      %select_n3A_877 = arith.select %gt3A_876, %get3A_874, %select_n3A_828 : vector<16xi1>, vector<16xf32>
      %select_n3A_878 = arith.select %gt3A_875, %select_n3A_831, %select_n3A_877 : vector<16xi1>, vector<16xf32>
      %select_n3A_879 = arith.select %gt3A_876, %broadcast_in_dim3A_870, %select_n3A_830 : vector<16xi1>, vector<16xi32>
      %select_n3A_880 = arith.select %gt3A_875, %select_n3A_832, %select_n3A_879 : vector<16xi1>, vector<16xi32>
      %select_n3A_881 = arith.select %gt3A_875, %get3A_874, %select_n3A_831 : vector<16xi1>, vector<16xf32>
      %select_n3A_882 = arith.select %gt3A_875, %broadcast_in_dim3A_870, %select_n3A_832 : vector<16xi1>, vector<16xi32>
      %get3A_883 = arith.constant 16 : i32
      %get3A_884 = arith.index_cast %get3A_883 : i32 to index
      %get3A_885 = arith.index_cast %mul3A_59 : i32 to index
      %get3A_886 = tpu.vector_load %arg5[%get3A_884, %get3A_885] {strides = array<i32>} : memref<64x256xf32, #tpu.memory_space<vmem>>, vector<16xf32>,
      %gt3A_887 = arith.cmpf ogt, %get3A_886, %select_n3A_843 : vector<16xf32>
      %gt3A_888 = arith.cmpf ogt, %get3A_886, %select_n3A_840 : vector<16xf32>
      %select_n3A_889 = arith.select %gt3A_888, %get3A_886, %select_n3A_840 : vector<16xi1>, vector<16xf32>
      %select_n3A_890 = arith.select %gt3A_887, %select_n3A_843, %select_n3A_889 : vector<16xi1>, vector<16xf32>
      %select_n3A_891 = arith.select %gt3A_888, %broadcast_in_dim3A_870, %select_n3A_842 : vector<16xi1>, vector<16xi32>
      %select_n3A_892 = arith.select %gt3A_887, %select_n3A_844, %select_n3A_891 : vector<16xi1>, vector<16xi32>
      %select_n3A_893 = arith.select %gt3A_887, %get3A_886, %select_n3A_843 : vector<16xi1>, vector<16xf32>
      %select_n3A_894 = arith.select %gt3A_887, %broadcast_in_dim3A_870, %select_n3A_844 : vector<16xi1>, vector<16xi32>
      %get3A_895 = arith.constant 16 : i32
      %get3A_896 = arith.index_cast %get3A_895 : i32 to index
      %get3A_897 = arith.index_cast %mul3A_65 : i32 to index
      %get3A_898 = tpu.vector_load %arg5[%get3A_896, %get3A_897] {strides = array<i32>} : memref<64x256xf32, #tpu.memory_space<vmem>>, vector<16xf32>,
      %gt3A_899 = arith.cmpf ogt, %get3A_898, %select_n3A_855 : vector<16xf32>
      %gt3A_900 = arith.cmpf ogt, %get3A_898, %select_n3A_852 : vector<16xf32>
      %select_n3A_901 = arith.select %gt3A_900, %get3A_898, %select_n3A_852 : vector<16xi1>, vector<16xf32>
      %select_n3A_902 = arith.select %gt3A_899, %select_n3A_855, %select_n3A_901 : vector<16xi1>, vector<16xf32>
      %select_n3A_903 = arith.select %gt3A_900, %broadcast_in_dim3A_870, %select_n3A_854 : vector<16xi1>, vector<16xi32>
      %select_n3A_904 = arith.select %gt3A_899, %select_n3A_856, %select_n3A_903 : vector<16xi1>, vector<16xi32>
      %select_n3A_905 = arith.select %gt3A_899, %get3A_898, %select_n3A_855 : vector<16xi1>, vector<16xf32>
      %select_n3A_906 = arith.select %gt3A_899, %broadcast_in_dim3A_870, %select_n3A_856 : vector<16xi1>, vector<16xi32>
      %get3A_907 = arith.constant 16 : i32
      %get3A_908 = arith.index_cast %get3A_907 : i32 to index
      %get3A_909 = arith.index_cast %mul3A_71 : i32 to index
      %get3A_910 = tpu.vector_load %arg5[%get3A_908, %get3A_909] {strides = array<i32>} : memref<64x256xf32, #tpu.memory_space<vmem>>, vector<16xf32>,
      %gt3A_911 = arith.cmpf ogt, %get3A_910, %select_n3A_867 : vector<16xf32>
      %gt3A_912 = arith.cmpf ogt, %get3A_910, %select_n3A_864 : vector<16xf32>
      %select_n3A_913 = arith.select %gt3A_912, %get3A_910, %select_n3A_864 : vector<16xi1>, vector<16xf32>
      %select_n3A_914 = arith.select %gt3A_911, %select_n3A_867, %select_n3A_913 : vector<16xi1>, vector<16xf32>
      %select_n3A_915 = arith.select %gt3A_912, %broadcast_in_dim3A_870, %select_n3A_866 : vector<16xi1>, vector<16xi32>
      %select_n3A_916 = arith.select %gt3A_911, %select_n3A_868, %select_n3A_915 : vector<16xi1>, vector<16xi32>
      %select_n3A_917 = arith.select %gt3A_911, %get3A_910, %select_n3A_867 : vector<16xi1>, vector<16xf32>
      %select_n3A_918 = arith.select %gt3A_911, %broadcast_in_dim3A_870, %select_n3A_868 : vector<16xi1>, vector<16xi32>
      %broadcast_in_dim3A_919 = arith.constant 17 : i32
      %broadcast_in_dim3A_920 = vector.broadcast %broadcast_in_dim3A_919 : i32 to vector<16xi32>
      %get3A_921 = arith.constant 17 : i32
      %get3A_922 = arith.index_cast %get3A_921 : i32 to index
      %get3A_923 = arith.index_cast %mul3A_53 : i32 to index
      %get3A_924 = tpu.vector_load %arg5[%get3A_922, %get3A_923] {strides = array<i32>} : memref<64x256xf32, #tpu.memory_space<vmem>>, vector<16xf32>,
      %gt3A_925 = arith.cmpf ogt, %get3A_924, %select_n3A_881 : vector<16xf32>
      %gt3A_926 = arith.cmpf ogt, %get3A_924, %select_n3A_878 : vector<16xf32>
      %select_n3A_927 = arith.select %gt3A_926, %get3A_924, %select_n3A_878 : vector<16xi1>, vector<16xf32>
      %select_n3A_928 = arith.select %gt3A_925, %select_n3A_881, %select_n3A_927 : vector<16xi1>, vector<16xf32>
      %select_n3A_929 = arith.select %gt3A_926, %broadcast_in_dim3A_920, %select_n3A_880 : vector<16xi1>, vector<16xi32>
      %select_n3A_930 = arith.select %gt3A_925, %select_n3A_882, %select_n3A_929 : vector<16xi1>, vector<16xi32>
      %select_n3A_931 = arith.select %gt3A_925, %get3A_924, %select_n3A_881 : vector<16xi1>, vector<16xf32>
      %select_n3A_932 = arith.select %gt3A_925, %broadcast_in_dim3A_920, %select_n3A_882 : vector<16xi1>, vector<16xi32>
      %get3A_933 = arith.constant 17 : i32
      %get3A_934 = arith.index_cast %get3A_933 : i32 to index
      %get3A_935 = arith.index_cast %mul3A_59 : i32 to index
      %get3A_936 = tpu.vector_load %arg5[%get3A_934, %get3A_935] {strides = array<i32>} : memref<64x256xf32, #tpu.memory_space<vmem>>, vector<16xf32>,
      %gt3A_937 = arith.cmpf ogt, %get3A_936, %select_n3A_893 : vector<16xf32>
      %gt3A_938 = arith.cmpf ogt, %get3A_936, %select_n3A_890 : vector<16xf32>
      %select_n3A_939 = arith.select %gt3A_938, %get3A_936, %select_n3A_890 : vector<16xi1>, vector<16xf32>
      %select_n3A_940 = arith.select %gt3A_937, %select_n3A_893, %select_n3A_939 : vector<16xi1>, vector<16xf32>
      %select_n3A_941 = arith.select %gt3A_938, %broadcast_in_dim3A_920, %select_n3A_892 : vector<16xi1>, vector<16xi32>
      %select_n3A_942 = arith.select %gt3A_937, %select_n3A_894, %select_n3A_941 : vector<16xi1>, vector<16xi32>
      %select_n3A_943 = arith.select %gt3A_937, %get3A_936, %select_n3A_893 : vector<16xi1>, vector<16xf32>
      %select_n3A_944 = arith.select %gt3A_937, %broadcast_in_dim3A_920, %select_n3A_894 : vector<16xi1>, vector<16xi32>
      %get3A_945 = arith.constant 17 : i32
      %get3A_946 = arith.index_cast %get3A_945 : i32 to index
      %get3A_947 = arith.index_cast %mul3A_65 : i32 to index
      %get3A_948 = tpu.vector_load %arg5[%get3A_946, %get3A_947] {strides = array<i32>} : memref<64x256xf32, #tpu.memory_space<vmem>>, vector<16xf32>,
      %gt3A_949 = arith.cmpf ogt, %get3A_948, %select_n3A_905 : vector<16xf32>
      %gt3A_950 = arith.cmpf ogt, %get3A_948, %select_n3A_902 : vector<16xf32>
      %select_n3A_951 = arith.select %gt3A_950, %get3A_948, %select_n3A_902 : vector<16xi1>, vector<16xf32>
      %select_n3A_952 = arith.select %gt3A_949, %select_n3A_905, %select_n3A_951 : vector<16xi1>, vector<16xf32>
      %select_n3A_953 = arith.select %gt3A_950, %broadcast_in_dim3A_920, %select_n3A_904 : vector<16xi1>, vector<16xi32>
      %select_n3A_954 = arith.select %gt3A_949, %select_n3A_906, %select_n3A_953 : vector<16xi1>, vector<16xi32>
      %select_n3A_955 = arith.select %gt3A_949, %get3A_948, %select_n3A_905 : vector<16xi1>, vector<16xf32>
      %select_n3A_956 = arith.select %gt3A_949, %broadcast_in_dim3A_920, %select_n3A_906 : vector<16xi1>, vector<16xi32>
      %get3A_957 = arith.constant 17 : i32
      %get3A_958 = arith.index_cast %get3A_957 : i32 to index
      %get3A_959 = arith.index_cast %mul3A_71 : i32 to index
      %get3A_960 = tpu.vector_load %arg5[%get3A_958, %get3A_959] {strides = array<i32>} : memref<64x256xf32, #tpu.memory_space<vmem>>, vector<16xf32>,
      %gt3A_961 = arith.cmpf ogt, %get3A_960, %select_n3A_917 : vector<16xf32>
      %gt3A_962 = arith.cmpf ogt, %get3A_960, %select_n3A_914 : vector<16xf32>
      %select_n3A_963 = arith.select %gt3A_962, %get3A_960, %select_n3A_914 : vector<16xi1>, vector<16xf32>
      %select_n3A_964 = arith.select %gt3A_961, %select_n3A_917, %select_n3A_963 : vector<16xi1>, vector<16xf32>
      %select_n3A_965 = arith.select %gt3A_962, %broadcast_in_dim3A_920, %select_n3A_916 : vector<16xi1>, vector<16xi32>
      %select_n3A_966 = arith.select %gt3A_961, %select_n3A_918, %select_n3A_965 : vector<16xi1>, vector<16xi32>
      %select_n3A_967 = arith.select %gt3A_961, %get3A_960, %select_n3A_917 : vector<16xi1>, vector<16xf32>
      %select_n3A_968 = arith.select %gt3A_961, %broadcast_in_dim3A_920, %select_n3A_918 : vector<16xi1>, vector<16xi32>
      %broadcast_in_dim3A_969 = arith.constant 18 : i32
      %broadcast_in_dim3A_970 = vector.broadcast %broadcast_in_dim3A_969 : i32 to vector<16xi32>
      %get3A_971 = arith.constant 18 : i32
      %get3A_972 = arith.index_cast %get3A_971 : i32 to index
      %get3A_973 = arith.index_cast %mul3A_53 : i32 to index
      %get3A_974 = tpu.vector_load %arg5[%get3A_972, %get3A_973] {strides = array<i32>} : memref<64x256xf32, #tpu.memory_space<vmem>>, vector<16xf32>,
      %gt3A_975 = arith.cmpf ogt, %get3A_974, %select_n3A_931 : vector<16xf32>
      %gt3A_976 = arith.cmpf ogt, %get3A_974, %select_n3A_928 : vector<16xf32>
      %select_n3A_977 = arith.select %gt3A_976, %get3A_974, %select_n3A_928 : vector<16xi1>, vector<16xf32>
      %select_n3A_978 = arith.select %gt3A_975, %select_n3A_931, %select_n3A_977 : vector<16xi1>, vector<16xf32>
      %select_n3A_979 = arith.select %gt3A_976, %broadcast_in_dim3A_970, %select_n3A_930 : vector<16xi1>, vector<16xi32>
      %select_n3A_980 = arith.select %gt3A_975, %select_n3A_932, %select_n3A_979 : vector<16xi1>, vector<16xi32>
      %select_n3A_981 = arith.select %gt3A_975, %get3A_974, %select_n3A_931 : vector<16xi1>, vector<16xf32>
      %select_n3A_982 = arith.select %gt3A_975, %broadcast_in_dim3A_970, %select_n3A_932 : vector<16xi1>, vector<16xi32>
      %get3A_983 = arith.constant 18 : i32
      %get3A_984 = arith.index_cast %get3A_983 : i32 to index
      %get3A_985 = arith.index_cast %mul3A_59 : i32 to index
      %get3A_986 = tpu.vector_load %arg5[%get3A_984, %get3A_985] {strides = array<i32>} : memref<64x256xf32, #tpu.memory_space<vmem>>, vector<16xf32>,
      %gt3A_987 = arith.cmpf ogt, %get3A_986, %select_n3A_943 : vector<16xf32>
      %gt3A_988 = arith.cmpf ogt, %get3A_986, %select_n3A_940 : vector<16xf32>
      %select_n3A_989 = arith.select %gt3A_988, %get3A_986, %select_n3A_940 : vector<16xi1>, vector<16xf32>
      %select_n3A_990 = arith.select %gt3A_987, %select_n3A_943, %select_n3A_989 : vector<16xi1>, vector<16xf32>
      %select_n3A_991 = arith.select %gt3A_988, %broadcast_in_dim3A_970, %select_n3A_942 : vector<16xi1>, vector<16xi32>
      %select_n3A_992 = arith.select %gt3A_987, %select_n3A_944, %select_n3A_991 : vector<16xi1>, vector<16xi32>
      %select_n3A_993 = arith.select %gt3A_987, %get3A_986, %select_n3A_943 : vector<16xi1>, vector<16xf32>
      %select_n3A_994 = arith.select %gt3A_987, %broadcast_in_dim3A_970, %select_n3A_944 : vector<16xi1>, vector<16xi32>
      %get3A_995 = arith.constant 18 : i32
      %get3A_996 = arith.index_cast %get3A_995 : i32 to index
      %get3A_997 = arith.index_cast %mul3A_65 : i32 to index
      %get3A_998 = tpu.vector_load %arg5[%get3A_996, %get3A_997] {strides = array<i32>} : memref<64x256xf32, #tpu.memory_space<vmem>>, vector<16xf32>,
      %gt3A_999 = arith.cmpf ogt, %get3A_998, %select_n3A_955 : vector<16xf32>
      %gt3A_1000 = arith.cmpf ogt, %get3A_998, %select_n3A_952 : vector<16xf32>
      %select_n3A_1001 = arith.select %gt3A_1000, %get3A_998, %select_n3A_952 : vector<16xi1>, vector<16xf32>
      %select_n3A_1002 = arith.select %gt3A_999, %select_n3A_955, %select_n3A_1001 : vector<16xi1>, vector<16xf32>
      %select_n3A_1003 = arith.select %gt3A_1000, %broadcast_in_dim3A_970, %select_n3A_954 : vector<16xi1>, vector<16xi32>
      %select_n3A_1004 = arith.select %gt3A_999, %select_n3A_956, %select_n3A_1003 : vector<16xi1>, vector<16xi32>
      %select_n3A_1005 = arith.select %gt3A_999, %get3A_998, %select_n3A_955 : vector<16xi1>, vector<16xf32>
      %select_n3A_1006 = arith.select %gt3A_999, %broadcast_in_dim3A_970, %select_n3A_956 : vector<16xi1>, vector<16xi32>
      %get3A_1007 = arith.constant 18 : i32
      %get3A_1008 = arith.index_cast %get3A_1007 : i32 to index
      %get3A_1009 = arith.index_cast %mul3A_71 : i32 to index
      %get3A_1010 = tpu.vector_load %arg5[%get3A_1008, %get3A_1009] {strides = array<i32>} : memref<64x256xf32, #tpu.memory_space<vmem>>, vector<16xf32>,
      %gt3A_1011 = arith.cmpf ogt, %get3A_1010, %select_n3A_967 : vector<16xf32>
      %gt3A_1012 = arith.cmpf ogt, %get3A_1010, %select_n3A_964 : vector<16xf32>
      %select_n3A_1013 = arith.select %gt3A_1012, %get3A_1010, %select_n3A_964 : vector<16xi1>, vector<16xf32>
      %select_n3A_1014 = arith.select %gt3A_1011, %select_n3A_967, %select_n3A_1013 : vector<16xi1>, vector<16xf32>
      %select_n3A_1015 = arith.select %gt3A_1012, %broadcast_in_dim3A_970, %select_n3A_966 : vector<16xi1>, vector<16xi32>
      %select_n3A_1016 = arith.select %gt3A_1011, %select_n3A_968, %select_n3A_1015 : vector<16xi1>, vector<16xi32>
      %select_n3A_1017 = arith.select %gt3A_1011, %get3A_1010, %select_n3A_967 : vector<16xi1>, vector<16xf32>
      %select_n3A_1018 = arith.select %gt3A_1011, %broadcast_in_dim3A_970, %select_n3A_968 : vector<16xi1>, vector<16xi32>
      %broadcast_in_dim3A_1019 = arith.constant 19 : i32
      %broadcast_in_dim3A_1020 = vector.broadcast %broadcast_in_dim3A_1019 : i32 to vector<16xi32>
      %get3A_1021 = arith.constant 19 : i32
      %get3A_1022 = arith.index_cast %get3A_1021 : i32 to index
      %get3A_1023 = arith.index_cast %mul3A_53 : i32 to index
      %get3A_1024 = tpu.vector_load %arg5[%get3A_1022, %get3A_1023] {strides = array<i32>} : memref<64x256xf32, #tpu.memory_space<vmem>>, vector<16xf32>,
      %gt3A_1025 = arith.cmpf ogt, %get3A_1024, %select_n3A_981 : vector<16xf32>
      %gt3A_1026 = arith.cmpf ogt, %get3A_1024, %select_n3A_978 : vector<16xf32>
      %select_n3A_1027 = arith.select %gt3A_1026, %get3A_1024, %select_n3A_978 : vector<16xi1>, vector<16xf32>
      %select_n3A_1028 = arith.select %gt3A_1025, %select_n3A_981, %select_n3A_1027 : vector<16xi1>, vector<16xf32>
      %select_n3A_1029 = arith.select %gt3A_1026, %broadcast_in_dim3A_1020, %select_n3A_980 : vector<16xi1>, vector<16xi32>
      %select_n3A_1030 = arith.select %gt3A_1025, %select_n3A_982, %select_n3A_1029 : vector<16xi1>, vector<16xi32>
      %select_n3A_1031 = arith.select %gt3A_1025, %get3A_1024, %select_n3A_981 : vector<16xi1>, vector<16xf32>
      %select_n3A_1032 = arith.select %gt3A_1025, %broadcast_in_dim3A_1020, %select_n3A_982 : vector<16xi1>, vector<16xi32>
      %get3A_1033 = arith.constant 19 : i32
      %get3A_1034 = arith.index_cast %get3A_1033 : i32 to index
      %get3A_1035 = arith.index_cast %mul3A_59 : i32 to index
      %get3A_1036 = tpu.vector_load %arg5[%get3A_1034, %get3A_1035] {strides = array<i32>} : memref<64x256xf32, #tpu.memory_space<vmem>>, vector<16xf32>,
      %gt3A_1037 = arith.cmpf ogt, %get3A_1036, %select_n3A_993 : vector<16xf32>
      %gt3A_1038 = arith.cmpf ogt, %get3A_1036, %select_n3A_990 : vector<16xf32>
      %select_n3A_1039 = arith.select %gt3A_1038, %get3A_1036, %select_n3A_990 : vector<16xi1>, vector<16xf32>
      %select_n3A_1040 = arith.select %gt3A_1037, %select_n3A_993, %select_n3A_1039 : vector<16xi1>, vector<16xf32>
      %select_n3A_1041 = arith.select %gt3A_1038, %broadcast_in_dim3A_1020, %select_n3A_992 : vector<16xi1>, vector<16xi32>
      %select_n3A_1042 = arith.select %gt3A_1037, %select_n3A_994, %select_n3A_1041 : vector<16xi1>, vector<16xi32>
      %select_n3A_1043 = arith.select %gt3A_1037, %get3A_1036, %select_n3A_993 : vector<16xi1>, vector<16xf32>
      %select_n3A_1044 = arith.select %gt3A_1037, %broadcast_in_dim3A_1020, %select_n3A_994 : vector<16xi1>, vector<16xi32>
      %get3A_1045 = arith.constant 19 : i32
      %get3A_1046 = arith.index_cast %get3A_1045 : i32 to index
      %get3A_1047 = arith.index_cast %mul3A_65 : i32 to index
      %get3A_1048 = tpu.vector_load %arg5[%get3A_1046, %get3A_1047] {strides = array<i32>} : memref<64x256xf32, #tpu.memory_space<vmem>>, vector<16xf32>,
      %gt3A_1049 = arith.cmpf ogt, %get3A_1048, %select_n3A_1005 : vector<16xf32>
      %gt3A_1050 = arith.cmpf ogt, %get3A_1048, %select_n3A_1002 : vector<16xf32>
      %select_n3A_1051 = arith.select %gt3A_1050, %get3A_1048, %select_n3A_1002 : vector<16xi1>, vector<16xf32>
      %select_n3A_1052 = arith.select %gt3A_1049, %select_n3A_1005, %select_n3A_1051 : vector<16xi1>, vector<16xf32>
      %select_n3A_1053 = arith.select %gt3A_1050, %broadcast_in_dim3A_1020, %select_n3A_1004 : vector<16xi1>, vector<16xi32>
      %select_n3A_1054 = arith.select %gt3A_1049, %select_n3A_1006, %select_n3A_1053 : vector<16xi1>, vector<16xi32>
      %select_n3A_1055 = arith.select %gt3A_1049, %get3A_1048, %select_n3A_1005 : vector<16xi1>, vector<16xf32>
      %select_n3A_1056 = arith.select %gt3A_1049, %broadcast_in_dim3A_1020, %select_n3A_1006 : vector<16xi1>, vector<16xi32>
      %get3A_1057 = arith.constant 19 : i32
      %get3A_1058 = arith.index_cast %get3A_1057 : i32 to index
      %get3A_1059 = arith.index_cast %mul3A_71 : i32 to index
      %get3A_1060 = tpu.vector_load %arg5[%get3A_1058, %get3A_1059] {strides = array<i32>} : memref<64x256xf32, #tpu.memory_space<vmem>>, vector<16xf32>,
      %gt3A_1061 = arith.cmpf ogt, %get3A_1060, %select_n3A_1017 : vector<16xf32>
      %gt3A_1062 = arith.cmpf ogt, %get3A_1060, %select_n3A_1014 : vector<16xf32>
      %select_n3A_1063 = arith.select %gt3A_1062, %get3A_1060, %select_n3A_1014 : vector<16xi1>, vector<16xf32>
      %select_n3A_1064 = arith.select %gt3A_1061, %select_n3A_1017, %select_n3A_1063 : vector<16xi1>, vector<16xf32>
      %select_n3A_1065 = arith.select %gt3A_1062, %broadcast_in_dim3A_1020, %select_n3A_1016 : vector<16xi1>, vector<16xi32>
      %select_n3A_1066 = arith.select %gt3A_1061, %select_n3A_1018, %select_n3A_1065 : vector<16xi1>, vector<16xi32>
      %select_n3A_1067 = arith.select %gt3A_1061, %get3A_1060, %select_n3A_1017 : vector<16xi1>, vector<16xf32>
      %select_n3A_1068 = arith.select %gt3A_1061, %broadcast_in_dim3A_1020, %select_n3A_1018 : vector<16xi1>, vector<16xi32>
      %broadcast_in_dim3A_1069 = arith.constant 20 : i32
      %broadcast_in_dim3A_1070 = vector.broadcast %broadcast_in_dim3A_1069 : i32 to vector<16xi32>
      %get3A_1071 = arith.constant 20 : i32
      %get3A_1072 = arith.index_cast %get3A_1071 : i32 to index
      %get3A_1073 = arith.index_cast %mul3A_53 : i32 to index
      %get3A_1074 = tpu.vector_load %arg5[%get3A_1072, %get3A_1073] {strides = array<i32>} : memref<64x256xf32, #tpu.memory_space<vmem>>, vector<16xf32>,
      %gt3A_1075 = arith.cmpf ogt, %get3A_1074, %select_n3A_1031 : vector<16xf32>
      %gt3A_1076 = arith.cmpf ogt, %get3A_1074, %select_n3A_1028 : vector<16xf32>
      %select_n3A_1077 = arith.select %gt3A_1076, %get3A_1074, %select_n3A_1028 : vector<16xi1>, vector<16xf32>
      %select_n3A_1078 = arith.select %gt3A_1075, %select_n3A_1031, %select_n3A_1077 : vector<16xi1>, vector<16xf32>
      %select_n3A_1079 = arith.select %gt3A_1076, %broadcast_in_dim3A_1070, %select_n3A_1030 : vector<16xi1>, vector<16xi32>
      %select_n3A_1080 = arith.select %gt3A_1075, %select_n3A_1032, %select_n3A_1079 : vector<16xi1>, vector<16xi32>
      %select_n3A_1081 = arith.select %gt3A_1075, %get3A_1074, %select_n3A_1031 : vector<16xi1>, vector<16xf32>
      %select_n3A_1082 = arith.select %gt3A_1075, %broadcast_in_dim3A_1070, %select_n3A_1032 : vector<16xi1>, vector<16xi32>
      %get3A_1083 = arith.constant 20 : i32
      %get3A_1084 = arith.index_cast %get3A_1083 : i32 to index
      %get3A_1085 = arith.index_cast %mul3A_59 : i32 to index
      %get3A_1086 = tpu.vector_load %arg5[%get3A_1084, %get3A_1085] {strides = array<i32>} : memref<64x256xf32, #tpu.memory_space<vmem>>, vector<16xf32>,
      %gt3A_1087 = arith.cmpf ogt, %get3A_1086, %select_n3A_1043 : vector<16xf32>
      %gt3A_1088 = arith.cmpf ogt, %get3A_1086, %select_n3A_1040 : vector<16xf32>
      %select_n3A_1089 = arith.select %gt3A_1088, %get3A_1086, %select_n3A_1040 : vector<16xi1>, vector<16xf32>
      %select_n3A_1090 = arith.select %gt3A_1087, %select_n3A_1043, %select_n3A_1089 : vector<16xi1>, vector<16xf32>
      %select_n3A_1091 = arith.select %gt3A_1088, %broadcast_in_dim3A_1070, %select_n3A_1042 : vector<16xi1>, vector<16xi32>
      %select_n3A_1092 = arith.select %gt3A_1087, %select_n3A_1044, %select_n3A_1091 : vector<16xi1>, vector<16xi32>
      %select_n3A_1093 = arith.select %gt3A_1087, %get3A_1086, %select_n3A_1043 : vector<16xi1>, vector<16xf32>
      %select_n3A_1094 = arith.select %gt3A_1087, %broadcast_in_dim3A_1070, %select_n3A_1044 : vector<16xi1>, vector<16xi32>
      %get3A_1095 = arith.constant 20 : i32
      %get3A_1096 = arith.index_cast %get3A_1095 : i32 to index
      %get3A_1097 = arith.index_cast %mul3A_65 : i32 to index
      %get3A_1098 = tpu.vector_load %arg5[%get3A_1096, %get3A_1097] {strides = array<i32>} : memref<64x256xf32, #tpu.memory_space<vmem>>, vector<16xf32>,
      %gt3A_1099 = arith.cmpf ogt, %get3A_1098, %select_n3A_1055 : vector<16xf32>
      %gt3A_1100 = arith.cmpf ogt, %get3A_1098, %select_n3A_1052 : vector<16xf32>
      %select_n3A_1101 = arith.select %gt3A_1100, %get3A_1098, %select_n3A_1052 : vector<16xi1>, vector<16xf32>
      %select_n3A_1102 = arith.select %gt3A_1099, %select_n3A_1055, %select_n3A_1101 : vector<16xi1>, vector<16xf32>
      %select_n3A_1103 = arith.select %gt3A_1100, %broadcast_in_dim3A_1070, %select_n3A_1054 : vector<16xi1>, vector<16xi32>
      %select_n3A_1104 = arith.select %gt3A_1099, %select_n3A_1056, %select_n3A_1103 : vector<16xi1>, vector<16xi32>
      %select_n3A_1105 = arith.select %gt3A_1099, %get3A_1098, %select_n3A_1055 : vector<16xi1>, vector<16xf32>
      %select_n3A_1106 = arith.select %gt3A_1099, %broadcast_in_dim3A_1070, %select_n3A_1056 : vector<16xi1>, vector<16xi32>
      %get3A_1107 = arith.constant 20 : i32
      %get3A_1108 = arith.index_cast %get3A_1107 : i32 to index
      %get3A_1109 = arith.index_cast %mul3A_71 : i32 to index
      %get3A_1110 = tpu.vector_load %arg5[%get3A_1108, %get3A_1109] {strides = array<i32>} : memref<64x256xf32, #tpu.memory_space<vmem>>, vector<16xf32>,
      %gt3A_1111 = arith.cmpf ogt, %get3A_1110, %select_n3A_1067 : vector<16xf32>
      %gt3A_1112 = arith.cmpf ogt, %get3A_1110, %select_n3A_1064 : vector<16xf32>
      %select_n3A_1113 = arith.select %gt3A_1112, %get3A_1110, %select_n3A_1064 : vector<16xi1>, vector<16xf32>
      %select_n3A_1114 = arith.select %gt3A_1111, %select_n3A_1067, %select_n3A_1113 : vector<16xi1>, vector<16xf32>
      %select_n3A_1115 = arith.select %gt3A_1112, %broadcast_in_dim3A_1070, %select_n3A_1066 : vector<16xi1>, vector<16xi32>
      %select_n3A_1116 = arith.select %gt3A_1111, %select_n3A_1068, %select_n3A_1115 : vector<16xi1>, vector<16xi32>
      %select_n3A_1117 = arith.select %gt3A_1111, %get3A_1110, %select_n3A_1067 : vector<16xi1>, vector<16xf32>
      %select_n3A_1118 = arith.select %gt3A_1111, %broadcast_in_dim3A_1070, %select_n3A_1068 : vector<16xi1>, vector<16xi32>
      %broadcast_in_dim3A_1119 = arith.constant 21 : i32
      %broadcast_in_dim3A_1120 = vector.broadcast %broadcast_in_dim3A_1119 : i32 to vector<16xi32>
      %get3A_1121 = arith.constant 21 : i32
      %get3A_1122 = arith.index_cast %get3A_1121 : i32 to index
      %get3A_1123 = arith.index_cast %mul3A_53 : i32 to index
      %get3A_1124 = tpu.vector_load %arg5[%get3A_1122, %get3A_1123] {strides = array<i32>} : memref<64x256xf32, #tpu.memory_space<vmem>>, vector<16xf32>,
      %gt3A_1125 = arith.cmpf ogt, %get3A_1124, %select_n3A_1081 : vector<16xf32>
      %gt3A_1126 = arith.cmpf ogt, %get3A_1124, %select_n3A_1078 : vector<16xf32>
      %select_n3A_1127 = arith.select %gt3A_1126, %get3A_1124, %select_n3A_1078 : vector<16xi1>, vector<16xf32>
      %select_n3A_1128 = arith.select %gt3A_1125, %select_n3A_1081, %select_n3A_1127 : vector<16xi1>, vector<16xf32>
      %select_n3A_1129 = arith.select %gt3A_1126, %broadcast_in_dim3A_1120, %select_n3A_1080 : vector<16xi1>, vector<16xi32>
      %select_n3A_1130 = arith.select %gt3A_1125, %select_n3A_1082, %select_n3A_1129 : vector<16xi1>, vector<16xi32>
      %select_n3A_1131 = arith.select %gt3A_1125, %get3A_1124, %select_n3A_1081 : vector<16xi1>, vector<16xf32>
      %select_n3A_1132 = arith.select %gt3A_1125, %broadcast_in_dim3A_1120, %select_n3A_1082 : vector<16xi1>, vector<16xi32>
      %get3A_1133 = arith.constant 21 : i32
      %get3A_1134 = arith.index_cast %get3A_1133 : i32 to index
      %get3A_1135 = arith.index_cast %mul3A_59 : i32 to index
      %get3A_1136 = tpu.vector_load %arg5[%get3A_1134, %get3A_1135] {strides = array<i32>} : memref<64x256xf32, #tpu.memory_space<vmem>>, vector<16xf32>,
      %gt3A_1137 = arith.cmpf ogt, %get3A_1136, %select_n3A_1093 : vector<16xf32>
      %gt3A_1138 = arith.cmpf ogt, %get3A_1136, %select_n3A_1090 : vector<16xf32>
      %select_n3A_1139 = arith.select %gt3A_1138, %get3A_1136, %select_n3A_1090 : vector<16xi1>, vector<16xf32>
      %select_n3A_1140 = arith.select %gt3A_1137, %select_n3A_1093, %select_n3A_1139 : vector<16xi1>, vector<16xf32>
      %select_n3A_1141 = arith.select %gt3A_1138, %broadcast_in_dim3A_1120, %select_n3A_1092 : vector<16xi1>, vector<16xi32>
      %select_n3A_1142 = arith.select %gt3A_1137, %select_n3A_1094, %select_n3A_1141 : vector<16xi1>, vector<16xi32>
      %select_n3A_1143 = arith.select %gt3A_1137, %get3A_1136, %select_n3A_1093 : vector<16xi1>, vector<16xf32>
      %select_n3A_1144 = arith.select %gt3A_1137, %broadcast_in_dim3A_1120, %select_n3A_1094 : vector<16xi1>, vector<16xi32>
      %get3A_1145 = arith.constant 21 : i32
      %get3A_1146 = arith.index_cast %get3A_1145 : i32 to index
      %get3A_1147 = arith.index_cast %mul3A_65 : i32 to index
      %get3A_1148 = tpu.vector_load %arg5[%get3A_1146, %get3A_1147] {strides = array<i32>} : memref<64x256xf32, #tpu.memory_space<vmem>>, vector<16xf32>,
      %gt3A_1149 = arith.cmpf ogt, %get3A_1148, %select_n3A_1105 : vector<16xf32>
      %gt3A_1150 = arith.cmpf ogt, %get3A_1148, %select_n3A_1102 : vector<16xf32>
      %select_n3A_1151 = arith.select %gt3A_1150, %get3A_1148, %select_n3A_1102 : vector<16xi1>, vector<16xf32>
      %select_n3A_1152 = arith.select %gt3A_1149, %select_n3A_1105, %select_n3A_1151 : vector<16xi1>, vector<16xf32>
      %select_n3A_1153 = arith.select %gt3A_1150, %broadcast_in_dim3A_1120, %select_n3A_1104 : vector<16xi1>, vector<16xi32>
      %select_n3A_1154 = arith.select %gt3A_1149, %select_n3A_1106, %select_n3A_1153 : vector<16xi1>, vector<16xi32>
      %select_n3A_1155 = arith.select %gt3A_1149, %get3A_1148, %select_n3A_1105 : vector<16xi1>, vector<16xf32>
      %select_n3A_1156 = arith.select %gt3A_1149, %broadcast_in_dim3A_1120, %select_n3A_1106 : vector<16xi1>, vector<16xi32>
      %get3A_1157 = arith.constant 21 : i32
      %get3A_1158 = arith.index_cast %get3A_1157 : i32 to index
      %get3A_1159 = arith.index_cast %mul3A_71 : i32 to index
      %get3A_1160 = tpu.vector_load %arg5[%get3A_1158, %get3A_1159] {strides = array<i32>} : memref<64x256xf32, #tpu.memory_space<vmem>>, vector<16xf32>,
      %gt3A_1161 = arith.cmpf ogt, %get3A_1160, %select_n3A_1117 : vector<16xf32>
      %gt3A_1162 = arith.cmpf ogt, %get3A_1160, %select_n3A_1114 : vector<16xf32>
      %select_n3A_1163 = arith.select %gt3A_1162, %get3A_1160, %select_n3A_1114 : vector<16xi1>, vector<16xf32>
      %select_n3A_1164 = arith.select %gt3A_1161, %select_n3A_1117, %select_n3A_1163 : vector<16xi1>, vector<16xf32>
      %select_n3A_1165 = arith.select %gt3A_1162, %broadcast_in_dim3A_1120, %select_n3A_1116 : vector<16xi1>, vector<16xi32>
      %select_n3A_1166 = arith.select %gt3A_1161, %select_n3A_1118, %select_n3A_1165 : vector<16xi1>, vector<16xi32>
      %select_n3A_1167 = arith.select %gt3A_1161, %get3A_1160, %select_n3A_1117 : vector<16xi1>, vector<16xf32>
      %select_n3A_1168 = arith.select %gt3A_1161, %broadcast_in_dim3A_1120, %select_n3A_1118 : vector<16xi1>, vector<16xi32>
      %broadcast_in_dim3A_1169 = arith.constant 22 : i32
      %broadcast_in_dim3A_1170 = vector.broadcast %broadcast_in_dim3A_1169 : i32 to vector<16xi32>
      %get3A_1171 = arith.constant 22 : i32
      %get3A_1172 = arith.index_cast %get3A_1171 : i32 to index
      %get3A_1173 = arith.index_cast %mul3A_53 : i32 to index
      %get3A_1174 = tpu.vector_load %arg5[%get3A_1172, %get3A_1173] {strides = array<i32>} : memref<64x256xf32, #tpu.memory_space<vmem>>, vector<16xf32>,
      %gt3A_1175 = arith.cmpf ogt, %get3A_1174, %select_n3A_1131 : vector<16xf32>
      %gt3A_1176 = arith.cmpf ogt, %get3A_1174, %select_n3A_1128 : vector<16xf32>
      %select_n3A_1177 = arith.select %gt3A_1176, %get3A_1174, %select_n3A_1128 : vector<16xi1>, vector<16xf32>
      %select_n3A_1178 = arith.select %gt3A_1175, %select_n3A_1131, %select_n3A_1177 : vector<16xi1>, vector<16xf32>
      %select_n3A_1179 = arith.select %gt3A_1176, %broadcast_in_dim3A_1170, %select_n3A_1130 : vector<16xi1>, vector<16xi32>
      %select_n3A_1180 = arith.select %gt3A_1175, %select_n3A_1132, %select_n3A_1179 : vector<16xi1>, vector<16xi32>
      %select_n3A_1181 = arith.select %gt3A_1175, %get3A_1174, %select_n3A_1131 : vector<16xi1>, vector<16xf32>
      %select_n3A_1182 = arith.select %gt3A_1175, %broadcast_in_dim3A_1170, %select_n3A_1132 : vector<16xi1>, vector<16xi32>
      %get3A_1183 = arith.constant 22 : i32
      %get3A_1184 = arith.index_cast %get3A_1183 : i32 to index
      %get3A_1185 = arith.index_cast %mul3A_59 : i32 to index
      %get3A_1186 = tpu.vector_load %arg5[%get3A_1184, %get3A_1185] {strides = array<i32>} : memref<64x256xf32, #tpu.memory_space<vmem>>, vector<16xf32>,
      %gt3A_1187 = arith.cmpf ogt, %get3A_1186, %select_n3A_1143 : vector<16xf32>
      %gt3A_1188 = arith.cmpf ogt, %get3A_1186, %select_n3A_1140 : vector<16xf32>
      %select_n3A_1189 = arith.select %gt3A_1188, %get3A_1186, %select_n3A_1140 : vector<16xi1>, vector<16xf32>
      %select_n3A_1190 = arith.select %gt3A_1187, %select_n3A_1143, %select_n3A_1189 : vector<16xi1>, vector<16xf32>
      %select_n3A_1191 = arith.select %gt3A_1188, %broadcast_in_dim3A_1170, %select_n3A_1142 : vector<16xi1>, vector<16xi32>
      %select_n3A_1192 = arith.select %gt3A_1187, %select_n3A_1144, %select_n3A_1191 : vector<16xi1>, vector<16xi32>
      %select_n3A_1193 = arith.select %gt3A_1187, %get3A_1186, %select_n3A_1143 : vector<16xi1>, vector<16xf32>
      %select_n3A_1194 = arith.select %gt3A_1187, %broadcast_in_dim3A_1170, %select_n3A_1144 : vector<16xi1>, vector<16xi32>
      %get3A_1195 = arith.constant 22 : i32
      %get3A_1196 = arith.index_cast %get3A_1195 : i32 to index
      %get3A_1197 = arith.index_cast %mul3A_65 : i32 to index
      %get3A_1198 = tpu.vector_load %arg5[%get3A_1196, %get3A_1197] {strides = array<i32>} : memref<64x256xf32, #tpu.memory_space<vmem>>, vector<16xf32>,
      %gt3A_1199 = arith.cmpf ogt, %get3A_1198, %select_n3A_1155 : vector<16xf32>
      %gt3A_1200 = arith.cmpf ogt, %get3A_1198, %select_n3A_1152 : vector<16xf32>
      %select_n3A_1201 = arith.select %gt3A_1200, %get3A_1198, %select_n3A_1152 : vector<16xi1>, vector<16xf32>
      %select_n3A_1202 = arith.select %gt3A_1199, %select_n3A_1155, %select_n3A_1201 : vector<16xi1>, vector<16xf32>
      %select_n3A_1203 = arith.select %gt3A_1200, %broadcast_in_dim3A_1170, %select_n3A_1154 : vector<16xi1>, vector<16xi32>
      %select_n3A_1204 = arith.select %gt3A_1199, %select_n3A_1156, %select_n3A_1203 : vector<16xi1>, vector<16xi32>
      %select_n3A_1205 = arith.select %gt3A_1199, %get3A_1198, %select_n3A_1155 : vector<16xi1>, vector<16xf32>
      %select_n3A_1206 = arith.select %gt3A_1199, %broadcast_in_dim3A_1170, %select_n3A_1156 : vector<16xi1>, vector<16xi32>
      %get3A_1207 = arith.constant 22 : i32
      %get3A_1208 = arith.index_cast %get3A_1207 : i32 to index
      %get3A_1209 = arith.index_cast %mul3A_71 : i32 to index
      %get3A_1210 = tpu.vector_load %arg5[%get3A_1208, %get3A_1209] {strides = array<i32>} : memref<64x256xf32, #tpu.memory_space<vmem>>, vector<16xf32>,
      %gt3A_1211 = arith.cmpf ogt, %get3A_1210, %select_n3A_1167 : vector<16xf32>
      %gt3A_1212 = arith.cmpf ogt, %get3A_1210, %select_n3A_1164 : vector<16xf32>
      %select_n3A_1213 = arith.select %gt3A_1212, %get3A_1210, %select_n3A_1164 : vector<16xi1>, vector<16xf32>
      %select_n3A_1214 = arith.select %gt3A_1211, %select_n3A_1167, %select_n3A_1213 : vector<16xi1>, vector<16xf32>
      %select_n3A_1215 = arith.select %gt3A_1212, %broadcast_in_dim3A_1170, %select_n3A_1166 : vector<16xi1>, vector<16xi32>
      %select_n3A_1216 = arith.select %gt3A_1211, %select_n3A_1168, %select_n3A_1215 : vector<16xi1>, vector<16xi32>
      %select_n3A_1217 = arith.select %gt3A_1211, %get3A_1210, %select_n3A_1167 : vector<16xi1>, vector<16xf32>
      %select_n3A_1218 = arith.select %gt3A_1211, %broadcast_in_dim3A_1170, %select_n3A_1168 : vector<16xi1>, vector<16xi32>
      %broadcast_in_dim3A_1219 = arith.constant 23 : i32
      %broadcast_in_dim3A_1220 = vector.broadcast %broadcast_in_dim3A_1219 : i32 to vector<16xi32>
      %get3A_1221 = arith.constant 23 : i32
      %get3A_1222 = arith.index_cast %get3A_1221 : i32 to index
      %get3A_1223 = arith.index_cast %mul3A_53 : i32 to index
      %get3A_1224 = tpu.vector_load %arg5[%get3A_1222, %get3A_1223] {strides = array<i32>} : memref<64x256xf32, #tpu.memory_space<vmem>>, vector<16xf32>,
      %gt3A_1225 = arith.cmpf ogt, %get3A_1224, %select_n3A_1181 : vector<16xf32>
      %gt3A_1226 = arith.cmpf ogt, %get3A_1224, %select_n3A_1178 : vector<16xf32>
      %select_n3A_1227 = arith.select %gt3A_1226, %get3A_1224, %select_n3A_1178 : vector<16xi1>, vector<16xf32>
      %select_n3A_1228 = arith.select %gt3A_1225, %select_n3A_1181, %select_n3A_1227 : vector<16xi1>, vector<16xf32>
      %select_n3A_1229 = arith.select %gt3A_1226, %broadcast_in_dim3A_1220, %select_n3A_1180 : vector<16xi1>, vector<16xi32>
      %select_n3A_1230 = arith.select %gt3A_1225, %select_n3A_1182, %select_n3A_1229 : vector<16xi1>, vector<16xi32>
      %select_n3A_1231 = arith.select %gt3A_1225, %get3A_1224, %select_n3A_1181 : vector<16xi1>, vector<16xf32>
      %select_n3A_1232 = arith.select %gt3A_1225, %broadcast_in_dim3A_1220, %select_n3A_1182 : vector<16xi1>, vector<16xi32>
      %get3A_1233 = arith.constant 23 : i32
      %get3A_1234 = arith.index_cast %get3A_1233 : i32 to index
      %get3A_1235 = arith.index_cast %mul3A_59 : i32 to index
      %get3A_1236 = tpu.vector_load %arg5[%get3A_1234, %get3A_1235] {strides = array<i32>} : memref<64x256xf32, #tpu.memory_space<vmem>>, vector<16xf32>,
      %gt3A_1237 = arith.cmpf ogt, %get3A_1236, %select_n3A_1193 : vector<16xf32>
      %gt3A_1238 = arith.cmpf ogt, %get3A_1236, %select_n3A_1190 : vector<16xf32>
      %select_n3A_1239 = arith.select %gt3A_1238, %get3A_1236, %select_n3A_1190 : vector<16xi1>, vector<16xf32>
      %select_n3A_1240 = arith.select %gt3A_1237, %select_n3A_1193, %select_n3A_1239 : vector<16xi1>, vector<16xf32>
      %select_n3A_1241 = arith.select %gt3A_1238, %broadcast_in_dim3A_1220, %select_n3A_1192 : vector<16xi1>, vector<16xi32>
      %select_n3A_1242 = arith.select %gt3A_1237, %select_n3A_1194, %select_n3A_1241 : vector<16xi1>, vector<16xi32>
      %select_n3A_1243 = arith.select %gt3A_1237, %get3A_1236, %select_n3A_1193 : vector<16xi1>, vector<16xf32>
      %select_n3A_1244 = arith.select %gt3A_1237, %broadcast_in_dim3A_1220, %select_n3A_1194 : vector<16xi1>, vector<16xi32>
      %get3A_1245 = arith.constant 23 : i32
      %get3A_1246 = arith.index_cast %get3A_1245 : i32 to index
      %get3A_1247 = arith.index_cast %mul3A_65 : i32 to index
      %get3A_1248 = tpu.vector_load %arg5[%get3A_1246, %get3A_1247] {strides = array<i32>} : memref<64x256xf32, #tpu.memory_space<vmem>>, vector<16xf32>,
      %gt3A_1249 = arith.cmpf ogt, %get3A_1248, %select_n3A_1205 : vector<16xf32>
      %gt3A_1250 = arith.cmpf ogt, %get3A_1248, %select_n3A_1202 : vector<16xf32>
      %select_n3A_1251 = arith.select %gt3A_1250, %get3A_1248, %select_n3A_1202 : vector<16xi1>, vector<16xf32>
      %select_n3A_1252 = arith.select %gt3A_1249, %select_n3A_1205, %select_n3A_1251 : vector<16xi1>, vector<16xf32>
      %select_n3A_1253 = arith.select %gt3A_1250, %broadcast_in_dim3A_1220, %select_n3A_1204 : vector<16xi1>, vector<16xi32>
      %select_n3A_1254 = arith.select %gt3A_1249, %select_n3A_1206, %select_n3A_1253 : vector<16xi1>, vector<16xi32>
      %select_n3A_1255 = arith.select %gt3A_1249, %get3A_1248, %select_n3A_1205 : vector<16xi1>, vector<16xf32>
      %select_n3A_1256 = arith.select %gt3A_1249, %broadcast_in_dim3A_1220, %select_n3A_1206 : vector<16xi1>, vector<16xi32>
      %get3A_1257 = arith.constant 23 : i32
      %get3A_1258 = arith.index_cast %get3A_1257 : i32 to index
      %get3A_1259 = arith.index_cast %mul3A_71 : i32 to index
      %get3A_1260 = tpu.vector_load %arg5[%get3A_1258, %get3A_1259] {strides = array<i32>} : memref<64x256xf32, #tpu.memory_space<vmem>>, vector<16xf32>,
      %gt3A_1261 = arith.cmpf ogt, %get3A_1260, %select_n3A_1217 : vector<16xf32>
      %gt3A_1262 = arith.cmpf ogt, %get3A_1260, %select_n3A_1214 : vector<16xf32>
      %select_n3A_1263 = arith.select %gt3A_1262, %get3A_1260, %select_n3A_1214 : vector<16xi1>, vector<16xf32>
      %select_n3A_1264 = arith.select %gt3A_1261, %select_n3A_1217, %select_n3A_1263 : vector<16xi1>, vector<16xf32>
      %select_n3A_1265 = arith.select %gt3A_1262, %broadcast_in_dim3A_1220, %select_n3A_1216 : vector<16xi1>, vector<16xi32>
      %select_n3A_1266 = arith.select %gt3A_1261, %select_n3A_1218, %select_n3A_1265 : vector<16xi1>, vector<16xi32>
      %select_n3A_1267 = arith.select %gt3A_1261, %get3A_1260, %select_n3A_1217 : vector<16xi1>, vector<16xf32>
      %select_n3A_1268 = arith.select %gt3A_1261, %broadcast_in_dim3A_1220, %select_n3A_1218 : vector<16xi1>, vector<16xi32>
      %broadcast_in_dim3A_1269 = arith.constant 24 : i32
      %broadcast_in_dim3A_1270 = vector.broadcast %broadcast_in_dim3A_1269 : i32 to vector<16xi32>
      %get3A_1271 = arith.constant 24 : i32
      %get3A_1272 = arith.index_cast %get3A_1271 : i32 to index
      %get3A_1273 = arith.index_cast %mul3A_53 : i32 to index
      %get3A_1274 = tpu.vector_load %arg5[%get3A_1272, %get3A_1273] {strides = array<i32>} : memref<64x256xf32, #tpu.memory_space<vmem>>, vector<16xf32>,
      %gt3A_1275 = arith.cmpf ogt, %get3A_1274, %select_n3A_1231 : vector<16xf32>
      %gt3A_1276 = arith.cmpf ogt, %get3A_1274, %select_n3A_1228 : vector<16xf32>
      %select_n3A_1277 = arith.select %gt3A_1276, %get3A_1274, %select_n3A_1228 : vector<16xi1>, vector<16xf32>
      %select_n3A_1278 = arith.select %gt3A_1275, %select_n3A_1231, %select_n3A_1277 : vector<16xi1>, vector<16xf32>
      %select_n3A_1279 = arith.select %gt3A_1276, %broadcast_in_dim3A_1270, %select_n3A_1230 : vector<16xi1>, vector<16xi32>
      %select_n3A_1280 = arith.select %gt3A_1275, %select_n3A_1232, %select_n3A_1279 : vector<16xi1>, vector<16xi32>
      %select_n3A_1281 = arith.select %gt3A_1275, %get3A_1274, %select_n3A_1231 : vector<16xi1>, vector<16xf32>
      %select_n3A_1282 = arith.select %gt3A_1275, %broadcast_in_dim3A_1270, %select_n3A_1232 : vector<16xi1>, vector<16xi32>
      %get3A_1283 = arith.constant 24 : i32
      %get3A_1284 = arith.index_cast %get3A_1283 : i32 to index
      %get3A_1285 = arith.index_cast %mul3A_59 : i32 to index
      %get3A_1286 = tpu.vector_load %arg5[%get3A_1284, %get3A_1285] {strides = array<i32>} : memref<64x256xf32, #tpu.memory_space<vmem>>, vector<16xf32>,
      %gt3A_1287 = arith.cmpf ogt, %get3A_1286, %select_n3A_1243 : vector<16xf32>
      %gt3A_1288 = arith.cmpf ogt, %get3A_1286, %select_n3A_1240 : vector<16xf32>
      %select_n3A_1289 = arith.select %gt3A_1288, %get3A_1286, %select_n3A_1240 : vector<16xi1>, vector<16xf32>
      %select_n3A_1290 = arith.select %gt3A_1287, %select_n3A_1243, %select_n3A_1289 : vector<16xi1>, vector<16xf32>
      %select_n3A_1291 = arith.select %gt3A_1288, %broadcast_in_dim3A_1270, %select_n3A_1242 : vector<16xi1>, vector<16xi32>
      %select_n3A_1292 = arith.select %gt3A_1287, %select_n3A_1244, %select_n3A_1291 : vector<16xi1>, vector<16xi32>
      %select_n3A_1293 = arith.select %gt3A_1287, %get3A_1286, %select_n3A_1243 : vector<16xi1>, vector<16xf32>
      %select_n3A_1294 = arith.select %gt3A_1287, %broadcast_in_dim3A_1270, %select_n3A_1244 : vector<16xi1>, vector<16xi32>
      %get3A_1295 = arith.constant 24 : i32
      %get3A_1296 = arith.index_cast %get3A_1295 : i32 to index
      %get3A_1297 = arith.index_cast %mul3A_65 : i32 to index
      %get3A_1298 = tpu.vector_load %arg5[%get3A_1296, %get3A_1297] {strides = array<i32>} : memref<64x256xf32, #tpu.memory_space<vmem>>, vector<16xf32>,
      %gt3A_1299 = arith.cmpf ogt, %get3A_1298, %select_n3A_1255 : vector<16xf32>
      %gt3A_1300 = arith.cmpf ogt, %get3A_1298, %select_n3A_1252 : vector<16xf32>
      %select_n3A_1301 = arith.select %gt3A_1300, %get3A_1298, %select_n3A_1252 : vector<16xi1>, vector<16xf32>
      %select_n3A_1302 = arith.select %gt3A_1299, %select_n3A_1255, %select_n3A_1301 : vector<16xi1>, vector<16xf32>
      %select_n3A_1303 = arith.select %gt3A_1300, %broadcast_in_dim3A_1270, %select_n3A_1254 : vector<16xi1>, vector<16xi32>
      %select_n3A_1304 = arith.select %gt3A_1299, %select_n3A_1256, %select_n3A_1303 : vector<16xi1>, vector<16xi32>
      %select_n3A_1305 = arith.select %gt3A_1299, %get3A_1298, %select_n3A_1255 : vector<16xi1>, vector<16xf32>
      %select_n3A_1306 = arith.select %gt3A_1299, %broadcast_in_dim3A_1270, %select_n3A_1256 : vector<16xi1>, vector<16xi32>
      %get3A_1307 = arith.constant 24 : i32
      %get3A_1308 = arith.index_cast %get3A_1307 : i32 to index
      %get3A_1309 = arith.index_cast %mul3A_71 : i32 to index
      %get3A_1310 = tpu.vector_load %arg5[%get3A_1308, %get3A_1309] {strides = array<i32>} : memref<64x256xf32, #tpu.memory_space<vmem>>, vector<16xf32>,
      %gt3A_1311 = arith.cmpf ogt, %get3A_1310, %select_n3A_1267 : vector<16xf32>
      %gt3A_1312 = arith.cmpf ogt, %get3A_1310, %select_n3A_1264 : vector<16xf32>
      %select_n3A_1313 = arith.select %gt3A_1312, %get3A_1310, %select_n3A_1264 : vector<16xi1>, vector<16xf32>
      %select_n3A_1314 = arith.select %gt3A_1311, %select_n3A_1267, %select_n3A_1313 : vector<16xi1>, vector<16xf32>
      %select_n3A_1315 = arith.select %gt3A_1312, %broadcast_in_dim3A_1270, %select_n3A_1266 : vector<16xi1>, vector<16xi32>
      %select_n3A_1316 = arith.select %gt3A_1311, %select_n3A_1268, %select_n3A_1315 : vector<16xi1>, vector<16xi32>
      %select_n3A_1317 = arith.select %gt3A_1311, %get3A_1310, %select_n3A_1267 : vector<16xi1>, vector<16xf32>
      %select_n3A_1318 = arith.select %gt3A_1311, %broadcast_in_dim3A_1270, %select_n3A_1268 : vector<16xi1>, vector<16xi32>
      %broadcast_in_dim3A_1319 = arith.constant 25 : i32
      %broadcast_in_dim3A_1320 = vector.broadcast %broadcast_in_dim3A_1319 : i32 to vector<16xi32>
      %get3A_1321 = arith.constant 25 : i32
      %get3A_1322 = arith.index_cast %get3A_1321 : i32 to index
      %get3A_1323 = arith.index_cast %mul3A_53 : i32 to index
      %get3A_1324 = tpu.vector_load %arg5[%get3A_1322, %get3A_1323] {strides = array<i32>} : memref<64x256xf32, #tpu.memory_space<vmem>>, vector<16xf32>,
      %gt3A_1325 = arith.cmpf ogt, %get3A_1324, %select_n3A_1281 : vector<16xf32>
      %gt3A_1326 = arith.cmpf ogt, %get3A_1324, %select_n3A_1278 : vector<16xf32>
      %select_n3A_1327 = arith.select %gt3A_1326, %get3A_1324, %select_n3A_1278 : vector<16xi1>, vector<16xf32>
      %select_n3A_1328 = arith.select %gt3A_1325, %select_n3A_1281, %select_n3A_1327 : vector<16xi1>, vector<16xf32>
      %select_n3A_1329 = arith.select %gt3A_1326, %broadcast_in_dim3A_1320, %select_n3A_1280 : vector<16xi1>, vector<16xi32>
      %select_n3A_1330 = arith.select %gt3A_1325, %select_n3A_1282, %select_n3A_1329 : vector<16xi1>, vector<16xi32>
      %select_n3A_1331 = arith.select %gt3A_1325, %get3A_1324, %select_n3A_1281 : vector<16xi1>, vector<16xf32>
      %select_n3A_1332 = arith.select %gt3A_1325, %broadcast_in_dim3A_1320, %select_n3A_1282 : vector<16xi1>, vector<16xi32>
      %get3A_1333 = arith.constant 25 : i32
      %get3A_1334 = arith.index_cast %get3A_1333 : i32 to index
      %get3A_1335 = arith.index_cast %mul3A_59 : i32 to index
      %get3A_1336 = tpu.vector_load %arg5[%get3A_1334, %get3A_1335] {strides = array<i32>} : memref<64x256xf32, #tpu.memory_space<vmem>>, vector<16xf32>,
      %gt3A_1337 = arith.cmpf ogt, %get3A_1336, %select_n3A_1293 : vector<16xf32>
      %gt3A_1338 = arith.cmpf ogt, %get3A_1336, %select_n3A_1290 : vector<16xf32>
      %select_n3A_1339 = arith.select %gt3A_1338, %get3A_1336, %select_n3A_1290 : vector<16xi1>, vector<16xf32>
      %select_n3A_1340 = arith.select %gt3A_1337, %select_n3A_1293, %select_n3A_1339 : vector<16xi1>, vector<16xf32>
      %select_n3A_1341 = arith.select %gt3A_1338, %broadcast_in_dim3A_1320, %select_n3A_1292 : vector<16xi1>, vector<16xi32>
      %select_n3A_1342 = arith.select %gt3A_1337, %select_n3A_1294, %select_n3A_1341 : vector<16xi1>, vector<16xi32>
      %select_n3A_1343 = arith.select %gt3A_1337, %get3A_1336, %select_n3A_1293 : vector<16xi1>, vector<16xf32>
      %select_n3A_1344 = arith.select %gt3A_1337, %broadcast_in_dim3A_1320, %select_n3A_1294 : vector<16xi1>, vector<16xi32>
      %get3A_1345 = arith.constant 25 : i32
      %get3A_1346 = arith.index_cast %get3A_1345 : i32 to index
      %get3A_1347 = arith.index_cast %mul3A_65 : i32 to index
      %get3A_1348 = tpu.vector_load %arg5[%get3A_1346, %get3A_1347] {strides = array<i32>} : memref<64x256xf32, #tpu.memory_space<vmem>>, vector<16xf32>,
      %gt3A_1349 = arith.cmpf ogt, %get3A_1348, %select_n3A_1305 : vector<16xf32>
      %gt3A_1350 = arith.cmpf ogt, %get3A_1348, %select_n3A_1302 : vector<16xf32>
      %select_n3A_1351 = arith.select %gt3A_1350, %get3A_1348, %select_n3A_1302 : vector<16xi1>, vector<16xf32>
      %select_n3A_1352 = arith.select %gt3A_1349, %select_n3A_1305, %select_n3A_1351 : vector<16xi1>, vector<16xf32>
      %select_n3A_1353 = arith.select %gt3A_1350, %broadcast_in_dim3A_1320, %select_n3A_1304 : vector<16xi1>, vector<16xi32>
      %select_n3A_1354 = arith.select %gt3A_1349, %select_n3A_1306, %select_n3A_1353 : vector<16xi1>, vector<16xi32>
      %select_n3A_1355 = arith.select %gt3A_1349, %get3A_1348, %select_n3A_1305 : vector<16xi1>, vector<16xf32>
      %select_n3A_1356 = arith.select %gt3A_1349, %broadcast_in_dim3A_1320, %select_n3A_1306 : vector<16xi1>, vector<16xi32>
      %get3A_1357 = arith.constant 25 : i32
      %get3A_1358 = arith.index_cast %get3A_1357 : i32 to index
      %get3A_1359 = arith.index_cast %mul3A_71 : i32 to index
      %get3A_1360 = tpu.vector_load %arg5[%get3A_1358, %get3A_1359] {strides = array<i32>} : memref<64x256xf32, #tpu.memory_space<vmem>>, vector<16xf32>,
      %gt3A_1361 = arith.cmpf ogt, %get3A_1360, %select_n3A_1317 : vector<16xf32>
      %gt3A_1362 = arith.cmpf ogt, %get3A_1360, %select_n3A_1314 : vector<16xf32>
      %select_n3A_1363 = arith.select %gt3A_1362, %get3A_1360, %select_n3A_1314 : vector<16xi1>, vector<16xf32>
      %select_n3A_1364 = arith.select %gt3A_1361, %select_n3A_1317, %select_n3A_1363 : vector<16xi1>, vector<16xf32>
      %select_n3A_1365 = arith.select %gt3A_1362, %broadcast_in_dim3A_1320, %select_n3A_1316 : vector<16xi1>, vector<16xi32>
      %select_n3A_1366 = arith.select %gt3A_1361, %select_n3A_1318, %select_n3A_1365 : vector<16xi1>, vector<16xi32>
      %select_n3A_1367 = arith.select %gt3A_1361, %get3A_1360, %select_n3A_1317 : vector<16xi1>, vector<16xf32>
      %select_n3A_1368 = arith.select %gt3A_1361, %broadcast_in_dim3A_1320, %select_n3A_1318 : vector<16xi1>, vector<16xi32>
      %broadcast_in_dim3A_1369 = arith.constant 26 : i32
      %broadcast_in_dim3A_1370 = vector.broadcast %broadcast_in_dim3A_1369 : i32 to vector<16xi32>
      %get3A_1371 = arith.constant 26 : i32
      %get3A_1372 = arith.index_cast %get3A_1371 : i32 to index
      %get3A_1373 = arith.index_cast %mul3A_53 : i32 to index
      %get3A_1374 = tpu.vector_load %arg5[%get3A_1372, %get3A_1373] {strides = array<i32>} : memref<64x256xf32, #tpu.memory_space<vmem>>, vector<16xf32>,
      %gt3A_1375 = arith.cmpf ogt, %get3A_1374, %select_n3A_1331 : vector<16xf32>
      %gt3A_1376 = arith.cmpf ogt, %get3A_1374, %select_n3A_1328 : vector<16xf32>
      %select_n3A_1377 = arith.select %gt3A_1376, %get3A_1374, %select_n3A_1328 : vector<16xi1>, vector<16xf32>
      %select_n3A_1378 = arith.select %gt3A_1375, %select_n3A_1331, %select_n3A_1377 : vector<16xi1>, vector<16xf32>
      %select_n3A_1379 = arith.select %gt3A_1376, %broadcast_in_dim3A_1370, %select_n3A_1330 : vector<16xi1>, vector<16xi32>
      %select_n3A_1380 = arith.select %gt3A_1375, %select_n3A_1332, %select_n3A_1379 : vector<16xi1>, vector<16xi32>
      %select_n3A_1381 = arith.select %gt3A_1375, %get3A_1374, %select_n3A_1331 : vector<16xi1>, vector<16xf32>
      %select_n3A_1382 = arith.select %gt3A_1375, %broadcast_in_dim3A_1370, %select_n3A_1332 : vector<16xi1>, vector<16xi32>
      %get3A_1383 = arith.constant 26 : i32
      %get3A_1384 = arith.index_cast %get3A_1383 : i32 to index
      %get3A_1385 = arith.index_cast %mul3A_59 : i32 to index
      %get3A_1386 = tpu.vector_load %arg5[%get3A_1384, %get3A_1385] {strides = array<i32>} : memref<64x256xf32, #tpu.memory_space<vmem>>, vector<16xf32>,
      %gt3A_1387 = arith.cmpf ogt, %get3A_1386, %select_n3A_1343 : vector<16xf32>
      %gt3A_1388 = arith.cmpf ogt, %get3A_1386, %select_n3A_1340 : vector<16xf32>
      %select_n3A_1389 = arith.select %gt3A_1388, %get3A_1386, %select_n3A_1340 : vector<16xi1>, vector<16xf32>
      %select_n3A_1390 = arith.select %gt3A_1387, %select_n3A_1343, %select_n3A_1389 : vector<16xi1>, vector<16xf32>
      %select_n3A_1391 = arith.select %gt3A_1388, %broadcast_in_dim3A_1370, %select_n3A_1342 : vector<16xi1>, vector<16xi32>
      %select_n3A_1392 = arith.select %gt3A_1387, %select_n3A_1344, %select_n3A_1391 : vector<16xi1>, vector<16xi32>
      %select_n3A_1393 = arith.select %gt3A_1387, %get3A_1386, %select_n3A_1343 : vector<16xi1>, vector<16xf32>
      %select_n3A_1394 = arith.select %gt3A_1387, %broadcast_in_dim3A_1370, %select_n3A_1344 : vector<16xi1>, vector<16xi32>
      %get3A_1395 = arith.constant 26 : i32
      %get3A_1396 = arith.index_cast %get3A_1395 : i32 to index
      %get3A_1397 = arith.index_cast %mul3A_65 : i32 to index
      %get3A_1398 = tpu.vector_load %arg5[%get3A_1396, %get3A_1397] {strides = array<i32>} : memref<64x256xf32, #tpu.memory_space<vmem>>, vector<16xf32>,
      %gt3A_1399 = arith.cmpf ogt, %get3A_1398, %select_n3A_1355 : vector<16xf32>
      %gt3A_1400 = arith.cmpf ogt, %get3A_1398, %select_n3A_1352 : vector<16xf32>
      %select_n3A_1401 = arith.select %gt3A_1400, %get3A_1398, %select_n3A_1352 : vector<16xi1>, vector<16xf32>
      %select_n3A_1402 = arith.select %gt3A_1399, %select_n3A_1355, %select_n3A_1401 : vector<16xi1>, vector<16xf32>
      %select_n3A_1403 = arith.select %gt3A_1400, %broadcast_in_dim3A_1370, %select_n3A_1354 : vector<16xi1>, vector<16xi32>
      %select_n3A_1404 = arith.select %gt3A_1399, %select_n3A_1356, %select_n3A_1403 : vector<16xi1>, vector<16xi32>
      %select_n3A_1405 = arith.select %gt3A_1399, %get3A_1398, %select_n3A_1355 : vector<16xi1>, vector<16xf32>
      %select_n3A_1406 = arith.select %gt3A_1399, %broadcast_in_dim3A_1370, %select_n3A_1356 : vector<16xi1>, vector<16xi32>
      %get3A_1407 = arith.constant 26 : i32
      %get3A_1408 = arith.index_cast %get3A_1407 : i32 to index
      %get3A_1409 = arith.index_cast %mul3A_71 : i32 to index
      %get3A_1410 = tpu.vector_load %arg5[%get3A_1408, %get3A_1409] {strides = array<i32>} : memref<64x256xf32, #tpu.memory_space<vmem>>, vector<16xf32>,
      %gt3A_1411 = arith.cmpf ogt, %get3A_1410, %select_n3A_1367 : vector<16xf32>
      %gt3A_1412 = arith.cmpf ogt, %get3A_1410, %select_n3A_1364 : vector<16xf32>
      %select_n3A_1413 = arith.select %gt3A_1412, %get3A_1410, %select_n3A_1364 : vector<16xi1>, vector<16xf32>
      %select_n3A_1414 = arith.select %gt3A_1411, %select_n3A_1367, %select_n3A_1413 : vector<16xi1>, vector<16xf32>
      %select_n3A_1415 = arith.select %gt3A_1412, %broadcast_in_dim3A_1370, %select_n3A_1366 : vector<16xi1>, vector<16xi32>
      %select_n3A_1416 = arith.select %gt3A_1411, %select_n3A_1368, %select_n3A_1415 : vector<16xi1>, vector<16xi32>
      %select_n3A_1417 = arith.select %gt3A_1411, %get3A_1410, %select_n3A_1367 : vector<16xi1>, vector<16xf32>
      %select_n3A_1418 = arith.select %gt3A_1411, %broadcast_in_dim3A_1370, %select_n3A_1368 : vector<16xi1>, vector<16xi32>
      %broadcast_in_dim3A_1419 = arith.constant 27 : i32
      %broadcast_in_dim3A_1420 = vector.broadcast %broadcast_in_dim3A_1419 : i32 to vector<16xi32>
      %get3A_1421 = arith.constant 27 : i32
      %get3A_1422 = arith.index_cast %get3A_1421 : i32 to index
      %get3A_1423 = arith.index_cast %mul3A_53 : i32 to index
      %get3A_1424 = tpu.vector_load %arg5[%get3A_1422, %get3A_1423] {strides = array<i32>} : memref<64x256xf32, #tpu.memory_space<vmem>>, vector<16xf32>,
      %gt3A_1425 = arith.cmpf ogt, %get3A_1424, %select_n3A_1381 : vector<16xf32>
      %gt3A_1426 = arith.cmpf ogt, %get3A_1424, %select_n3A_1378 : vector<16xf32>
      %select_n3A_1427 = arith.select %gt3A_1426, %get3A_1424, %select_n3A_1378 : vector<16xi1>, vector<16xf32>
      %select_n3A_1428 = arith.select %gt3A_1425, %select_n3A_1381, %select_n3A_1427 : vector<16xi1>, vector<16xf32>
      %select_n3A_1429 = arith.select %gt3A_1426, %broadcast_in_dim3A_1420, %select_n3A_1380 : vector<16xi1>, vector<16xi32>
      %select_n3A_1430 = arith.select %gt3A_1425, %select_n3A_1382, %select_n3A_1429 : vector<16xi1>, vector<16xi32>
      %select_n3A_1431 = arith.select %gt3A_1425, %get3A_1424, %select_n3A_1381 : vector<16xi1>, vector<16xf32>
      %select_n3A_1432 = arith.select %gt3A_1425, %broadcast_in_dim3A_1420, %select_n3A_1382 : vector<16xi1>, vector<16xi32>
      %get3A_1433 = arith.constant 27 : i32
      %get3A_1434 = arith.index_cast %get3A_1433 : i32 to index
      %get3A_1435 = arith.index_cast %mul3A_59 : i32 to index
      %get3A_1436 = tpu.vector_load %arg5[%get3A_1434, %get3A_1435] {strides = array<i32>} : memref<64x256xf32, #tpu.memory_space<vmem>>, vector<16xf32>,
      %gt3A_1437 = arith.cmpf ogt, %get3A_1436, %select_n3A_1393 : vector<16xf32>
      %gt3A_1438 = arith.cmpf ogt, %get3A_1436, %select_n3A_1390 : vector<16xf32>
      %select_n3A_1439 = arith.select %gt3A_1438, %get3A_1436, %select_n3A_1390 : vector<16xi1>, vector<16xf32>
      %select_n3A_1440 = arith.select %gt3A_1437, %select_n3A_1393, %select_n3A_1439 : vector<16xi1>, vector<16xf32>
      %select_n3A_1441 = arith.select %gt3A_1438, %broadcast_in_dim3A_1420, %select_n3A_1392 : vector<16xi1>, vector<16xi32>
      %select_n3A_1442 = arith.select %gt3A_1437, %select_n3A_1394, %select_n3A_1441 : vector<16xi1>, vector<16xi32>
      %select_n3A_1443 = arith.select %gt3A_1437, %get3A_1436, %select_n3A_1393 : vector<16xi1>, vector<16xf32>
      %select_n3A_1444 = arith.select %gt3A_1437, %broadcast_in_dim3A_1420, %select_n3A_1394 : vector<16xi1>, vector<16xi32>
      %get3A_1445 = arith.constant 27 : i32
      %get3A_1446 = arith.index_cast %get3A_1445 : i32 to index
      %get3A_1447 = arith.index_cast %mul3A_65 : i32 to index
      %get3A_1448 = tpu.vector_load %arg5[%get3A_1446, %get3A_1447] {strides = array<i32>} : memref<64x256xf32, #tpu.memory_space<vmem>>, vector<16xf32>,
      %gt3A_1449 = arith.cmpf ogt, %get3A_1448, %select_n3A_1405 : vector<16xf32>
      %gt3A_1450 = arith.cmpf ogt, %get3A_1448, %select_n3A_1402 : vector<16xf32>
      %select_n3A_1451 = arith.select %gt3A_1450, %get3A_1448, %select_n3A_1402 : vector<16xi1>, vector<16xf32>
      %select_n3A_1452 = arith.select %gt3A_1449, %select_n3A_1405, %select_n3A_1451 : vector<16xi1>, vector<16xf32>
      %select_n3A_1453 = arith.select %gt3A_1450, %broadcast_in_dim3A_1420, %select_n3A_1404 : vector<16xi1>, vector<16xi32>
      %select_n3A_1454 = arith.select %gt3A_1449, %select_n3A_1406, %select_n3A_1453 : vector<16xi1>, vector<16xi32>
      %select_n3A_1455 = arith.select %gt3A_1449, %get3A_1448, %select_n3A_1405 : vector<16xi1>, vector<16xf32>
      %select_n3A_1456 = arith.select %gt3A_1449, %broadcast_in_dim3A_1420, %select_n3A_1406 : vector<16xi1>, vector<16xi32>
      %get3A_1457 = arith.constant 27 : i32
      %get3A_1458 = arith.index_cast %get3A_1457 : i32 to index
      %get3A_1459 = arith.index_cast %mul3A_71 : i32 to index
      %get3A_1460 = tpu.vector_load %arg5[%get3A_1458, %get3A_1459] {strides = array<i32>} : memref<64x256xf32, #tpu.memory_space<vmem>>, vector<16xf32>,
      %gt3A_1461 = arith.cmpf ogt, %get3A_1460, %select_n3A_1417 : vector<16xf32>
      %gt3A_1462 = arith.cmpf ogt, %get3A_1460, %select_n3A_1414 : vector<16xf32>
      %select_n3A_1463 = arith.select %gt3A_1462, %get3A_1460, %select_n3A_1414 : vector<16xi1>, vector<16xf32>
      %select_n3A_1464 = arith.select %gt3A_1461, %select_n3A_1417, %select_n3A_1463 : vector<16xi1>, vector<16xf32>
      %select_n3A_1465 = arith.select %gt3A_1462, %broadcast_in_dim3A_1420, %select_n3A_1416 : vector<16xi1>, vector<16xi32>
      %select_n3A_1466 = arith.select %gt3A_1461, %select_n3A_1418, %select_n3A_1465 : vector<16xi1>, vector<16xi32>
      %select_n3A_1467 = arith.select %gt3A_1461, %get3A_1460, %select_n3A_1417 : vector<16xi1>, vector<16xf32>
      %select_n3A_1468 = arith.select %gt3A_1461, %broadcast_in_dim3A_1420, %select_n3A_1418 : vector<16xi1>, vector<16xi32>
      %broadcast_in_dim3A_1469 = arith.constant 28 : i32
      %broadcast_in_dim3A_1470 = vector.broadcast %broadcast_in_dim3A_1469 : i32 to vector<16xi32>
      %get3A_1471 = arith.constant 28 : i32
      %get3A_1472 = arith.index_cast %get3A_1471 : i32 to index
      %get3A_1473 = arith.index_cast %mul3A_53 : i32 to index
      %get3A_1474 = tpu.vector_load %arg5[%get3A_1472, %get3A_1473] {strides = array<i32>} : memref<64x256xf32, #tpu.memory_space<vmem>>, vector<16xf32>,
      %gt3A_1475 = arith.cmpf ogt, %get3A_1474, %select_n3A_1431 : vector<16xf32>
      %gt3A_1476 = arith.cmpf ogt, %get3A_1474, %select_n3A_1428 : vector<16xf32>
      %select_n3A_1477 = arith.select %gt3A_1476, %get3A_1474, %select_n3A_1428 : vector<16xi1>, vector<16xf32>
      %select_n3A_1478 = arith.select %gt3A_1475, %select_n3A_1431, %select_n3A_1477 : vector<16xi1>, vector<16xf32>
      %select_n3A_1479 = arith.select %gt3A_1476, %broadcast_in_dim3A_1470, %select_n3A_1430 : vector<16xi1>, vector<16xi32>
      %select_n3A_1480 = arith.select %gt3A_1475, %select_n3A_1432, %select_n3A_1479 : vector<16xi1>, vector<16xi32>
      %select_n3A_1481 = arith.select %gt3A_1475, %get3A_1474, %select_n3A_1431 : vector<16xi1>, vector<16xf32>
      %select_n3A_1482 = arith.select %gt3A_1475, %broadcast_in_dim3A_1470, %select_n3A_1432 : vector<16xi1>, vector<16xi32>
      %get3A_1483 = arith.constant 28 : i32
      %get3A_1484 = arith.index_cast %get3A_1483 : i32 to index
      %get3A_1485 = arith.index_cast %mul3A_59 : i32 to index
      %get3A_1486 = tpu.vector_load %arg5[%get3A_1484, %get3A_1485] {strides = array<i32>} : memref<64x256xf32, #tpu.memory_space<vmem>>, vector<16xf32>,
      %gt3A_1487 = arith.cmpf ogt, %get3A_1486, %select_n3A_1443 : vector<16xf32>
      %gt3A_1488 = arith.cmpf ogt, %get3A_1486, %select_n3A_1440 : vector<16xf32>
      %select_n3A_1489 = arith.select %gt3A_1488, %get3A_1486, %select_n3A_1440 : vector<16xi1>, vector<16xf32>
      %select_n3A_1490 = arith.select %gt3A_1487, %select_n3A_1443, %select_n3A_1489 : vector<16xi1>, vector<16xf32>
      %select_n3A_1491 = arith.select %gt3A_1488, %broadcast_in_dim3A_1470, %select_n3A_1442 : vector<16xi1>, vector<16xi32>
      %select_n3A_1492 = arith.select %gt3A_1487, %select_n3A_1444, %select_n3A_1491 : vector<16xi1>, vector<16xi32>
      %select_n3A_1493 = arith.select %gt3A_1487, %get3A_1486, %select_n3A_1443 : vector<16xi1>, vector<16xf32>
      %select_n3A_1494 = arith.select %gt3A_1487, %broadcast_in_dim3A_1470, %select_n3A_1444 : vector<16xi1>, vector<16xi32>
      %get3A_1495 = arith.constant 28 : i32
      %get3A_1496 = arith.index_cast %get3A_1495 : i32 to index
      %get3A_1497 = arith.index_cast %mul3A_65 : i32 to index
      %get3A_1498 = tpu.vector_load %arg5[%get3A_1496, %get3A_1497] {strides = array<i32>} : memref<64x256xf32, #tpu.memory_space<vmem>>, vector<16xf32>,
      %gt3A_1499 = arith.cmpf ogt, %get3A_1498, %select_n3A_1455 : vector<16xf32>
      %gt3A_1500 = arith.cmpf ogt, %get3A_1498, %select_n3A_1452 : vector<16xf32>
      %select_n3A_1501 = arith.select %gt3A_1500, %get3A_1498, %select_n3A_1452 : vector<16xi1>, vector<16xf32>
      %select_n3A_1502 = arith.select %gt3A_1499, %select_n3A_1455, %select_n3A_1501 : vector<16xi1>, vector<16xf32>
      %select_n3A_1503 = arith.select %gt3A_1500, %broadcast_in_dim3A_1470, %select_n3A_1454 : vector<16xi1>, vector<16xi32>
      %select_n3A_1504 = arith.select %gt3A_1499, %select_n3A_1456, %select_n3A_1503 : vector<16xi1>, vector<16xi32>
      %select_n3A_1505 = arith.select %gt3A_1499, %get3A_1498, %select_n3A_1455 : vector<16xi1>, vector<16xf32>
      %select_n3A_1506 = arith.select %gt3A_1499, %broadcast_in_dim3A_1470, %select_n3A_1456 : vector<16xi1>, vector<16xi32>
      %get3A_1507 = arith.constant 28 : i32
      %get3A_1508 = arith.index_cast %get3A_1507 : i32 to index
      %get3A_1509 = arith.index_cast %mul3A_71 : i32 to index
      %get3A_1510 = tpu.vector_load %arg5[%get3A_1508, %get3A_1509] {strides = array<i32>} : memref<64x256xf32, #tpu.memory_space<vmem>>, vector<16xf32>,
      %gt3A_1511 = arith.cmpf ogt, %get3A_1510, %select_n3A_1467 : vector<16xf32>
      %gt3A_1512 = arith.cmpf ogt, %get3A_1510, %select_n3A_1464 : vector<16xf32>
      %select_n3A_1513 = arith.select %gt3A_1512, %get3A_1510, %select_n3A_1464 : vector<16xi1>, vector<16xf32>
      %select_n3A_1514 = arith.select %gt3A_1511, %select_n3A_1467, %select_n3A_1513 : vector<16xi1>, vector<16xf32>
      %select_n3A_1515 = arith.select %gt3A_1512, %broadcast_in_dim3A_1470, %select_n3A_1466 : vector<16xi1>, vector<16xi32>
      %select_n3A_1516 = arith.select %gt3A_1511, %select_n3A_1468, %select_n3A_1515 : vector<16xi1>, vector<16xi32>
      %select_n3A_1517 = arith.select %gt3A_1511, %get3A_1510, %select_n3A_1467 : vector<16xi1>, vector<16xf32>
      %select_n3A_1518 = arith.select %gt3A_1511, %broadcast_in_dim3A_1470, %select_n3A_1468 : vector<16xi1>, vector<16xi32>
      %broadcast_in_dim3A_1519 = arith.constant 29 : i32
      %broadcast_in_dim3A_1520 = vector.broadcast %broadcast_in_dim3A_1519 : i32 to vector<16xi32>
      %get3A_1521 = arith.constant 29 : i32
      %get3A_1522 = arith.index_cast %get3A_1521 : i32 to index
      %get3A_1523 = arith.index_cast %mul3A_53 : i32 to index
      %get3A_1524 = tpu.vector_load %arg5[%get3A_1522, %get3A_1523] {strides = array<i32>} : memref<64x256xf32, #tpu.memory_space<vmem>>, vector<16xf32>,
      %gt3A_1525 = arith.cmpf ogt, %get3A_1524, %select_n3A_1481 : vector<16xf32>
      %gt3A_1526 = arith.cmpf ogt, %get3A_1524, %select_n3A_1478 : vector<16xf32>
      %select_n3A_1527 = arith.select %gt3A_1526, %get3A_1524, %select_n3A_1478 : vector<16xi1>, vector<16xf32>
      %select_n3A_1528 = arith.select %gt3A_1525, %select_n3A_1481, %select_n3A_1527 : vector<16xi1>, vector<16xf32>
      %select_n3A_1529 = arith.select %gt3A_1526, %broadcast_in_dim3A_1520, %select_n3A_1480 : vector<16xi1>, vector<16xi32>
      %select_n3A_1530 = arith.select %gt3A_1525, %select_n3A_1482, %select_n3A_1529 : vector<16xi1>, vector<16xi32>
      %select_n3A_1531 = arith.select %gt3A_1525, %get3A_1524, %select_n3A_1481 : vector<16xi1>, vector<16xf32>
      %select_n3A_1532 = arith.select %gt3A_1525, %broadcast_in_dim3A_1520, %select_n3A_1482 : vector<16xi1>, vector<16xi32>
      %get3A_1533 = arith.constant 29 : i32
      %get3A_1534 = arith.index_cast %get3A_1533 : i32 to index
      %get3A_1535 = arith.index_cast %mul3A_59 : i32 to index
      %get3A_1536 = tpu.vector_load %arg5[%get3A_1534, %get3A_1535] {strides = array<i32>} : memref<64x256xf32, #tpu.memory_space<vmem>>, vector<16xf32>,
      %gt3A_1537 = arith.cmpf ogt, %get3A_1536, %select_n3A_1493 : vector<16xf32>
      %gt3A_1538 = arith.cmpf ogt, %get3A_1536, %select_n3A_1490 : vector<16xf32>
      %select_n3A_1539 = arith.select %gt3A_1538, %get3A_1536, %select_n3A_1490 : vector<16xi1>, vector<16xf32>
      %select_n3A_1540 = arith.select %gt3A_1537, %select_n3A_1493, %select_n3A_1539 : vector<16xi1>, vector<16xf32>
      %select_n3A_1541 = arith.select %gt3A_1538, %broadcast_in_dim3A_1520, %select_n3A_1492 : vector<16xi1>, vector<16xi32>
      %select_n3A_1542 = arith.select %gt3A_1537, %select_n3A_1494, %select_n3A_1541 : vector<16xi1>, vector<16xi32>
      %select_n3A_1543 = arith.select %gt3A_1537, %get3A_1536, %select_n3A_1493 : vector<16xi1>, vector<16xf32>
      %select_n3A_1544 = arith.select %gt3A_1537, %broadcast_in_dim3A_1520, %select_n3A_1494 : vector<16xi1>, vector<16xi32>
      %get3A_1545 = arith.constant 29 : i32
      %get3A_1546 = arith.index_cast %get3A_1545 : i32 to index
      %get3A_1547 = arith.index_cast %mul3A_65 : i32 to index
      %get3A_1548 = tpu.vector_load %arg5[%get3A_1546, %get3A_1547] {strides = array<i32>} : memref<64x256xf32, #tpu.memory_space<vmem>>, vector<16xf32>,
      %gt3A_1549 = arith.cmpf ogt, %get3A_1548, %select_n3A_1505 : vector<16xf32>
      %gt3A_1550 = arith.cmpf ogt, %get3A_1548, %select_n3A_1502 : vector<16xf32>
      %select_n3A_1551 = arith.select %gt3A_1550, %get3A_1548, %select_n3A_1502 : vector<16xi1>, vector<16xf32>
      %select_n3A_1552 = arith.select %gt3A_1549, %select_n3A_1505, %select_n3A_1551 : vector<16xi1>, vector<16xf32>
      %select_n3A_1553 = arith.select %gt3A_1550, %broadcast_in_dim3A_1520, %select_n3A_1504 : vector<16xi1>, vector<16xi32>
      %select_n3A_1554 = arith.select %gt3A_1549, %select_n3A_1506, %select_n3A_1553 : vector<16xi1>, vector<16xi32>
      %select_n3A_1555 = arith.select %gt3A_1549, %get3A_1548, %select_n3A_1505 : vector<16xi1>, vector<16xf32>
      %select_n3A_1556 = arith.select %gt3A_1549, %broadcast_in_dim3A_1520, %select_n3A_1506 : vector<16xi1>, vector<16xi32>
      %get3A_1557 = arith.constant 29 : i32
      %get3A_1558 = arith.index_cast %get3A_1557 : i32 to index
      %get3A_1559 = arith.index_cast %mul3A_71 : i32 to index
      %get3A_1560 = tpu.vector_load %arg5[%get3A_1558, %get3A_1559] {strides = array<i32>} : memref<64x256xf32, #tpu.memory_space<vmem>>, vector<16xf32>,
      %gt3A_1561 = arith.cmpf ogt, %get3A_1560, %select_n3A_1517 : vector<16xf32>
      %gt3A_1562 = arith.cmpf ogt, %get3A_1560, %select_n3A_1514 : vector<16xf32>
      %select_n3A_1563 = arith.select %gt3A_1562, %get3A_1560, %select_n3A_1514 : vector<16xi1>, vector<16xf32>
      %select_n3A_1564 = arith.select %gt3A_1561, %select_n3A_1517, %select_n3A_1563 : vector<16xi1>, vector<16xf32>
      %select_n3A_1565 = arith.select %gt3A_1562, %broadcast_in_dim3A_1520, %select_n3A_1516 : vector<16xi1>, vector<16xi32>
      %select_n3A_1566 = arith.select %gt3A_1561, %select_n3A_1518, %select_n3A_1565 : vector<16xi1>, vector<16xi32>
      %select_n3A_1567 = arith.select %gt3A_1561, %get3A_1560, %select_n3A_1517 : vector<16xi1>, vector<16xf32>
      %select_n3A_1568 = arith.select %gt3A_1561, %broadcast_in_dim3A_1520, %select_n3A_1518 : vector<16xi1>, vector<16xi32>
      %broadcast_in_dim3A_1569 = arith.constant 30 : i32
      %broadcast_in_dim3A_1570 = vector.broadcast %broadcast_in_dim3A_1569 : i32 to vector<16xi32>
      %get3A_1571 = arith.constant 30 : i32
      %get3A_1572 = arith.index_cast %get3A_1571 : i32 to index
      %get3A_1573 = arith.index_cast %mul3A_53 : i32 to index
      %get3A_1574 = tpu.vector_load %arg5[%get3A_1572, %get3A_1573] {strides = array<i32>} : memref<64x256xf32, #tpu.memory_space<vmem>>, vector<16xf32>,
      %gt3A_1575 = arith.cmpf ogt, %get3A_1574, %select_n3A_1531 : vector<16xf32>
      %gt3A_1576 = arith.cmpf ogt, %get3A_1574, %select_n3A_1528 : vector<16xf32>
      %select_n3A_1577 = arith.select %gt3A_1576, %get3A_1574, %select_n3A_1528 : vector<16xi1>, vector<16xf32>
      %select_n3A_1578 = arith.select %gt3A_1575, %select_n3A_1531, %select_n3A_1577 : vector<16xi1>, vector<16xf32>
      %select_n3A_1579 = arith.select %gt3A_1576, %broadcast_in_dim3A_1570, %select_n3A_1530 : vector<16xi1>, vector<16xi32>
      %select_n3A_1580 = arith.select %gt3A_1575, %select_n3A_1532, %select_n3A_1579 : vector<16xi1>, vector<16xi32>
      %select_n3A_1581 = arith.select %gt3A_1575, %get3A_1574, %select_n3A_1531 : vector<16xi1>, vector<16xf32>
      %select_n3A_1582 = arith.select %gt3A_1575, %broadcast_in_dim3A_1570, %select_n3A_1532 : vector<16xi1>, vector<16xi32>
      %get3A_1583 = arith.constant 30 : i32
      %get3A_1584 = arith.index_cast %get3A_1583 : i32 to index
      %get3A_1585 = arith.index_cast %mul3A_59 : i32 to index
      %get3A_1586 = tpu.vector_load %arg5[%get3A_1584, %get3A_1585] {strides = array<i32>} : memref<64x256xf32, #tpu.memory_space<vmem>>, vector<16xf32>,
      %gt3A_1587 = arith.cmpf ogt, %get3A_1586, %select_n3A_1543 : vector<16xf32>
      %gt3A_1588 = arith.cmpf ogt, %get3A_1586, %select_n3A_1540 : vector<16xf32>
      %select_n3A_1589 = arith.select %gt3A_1588, %get3A_1586, %select_n3A_1540 : vector<16xi1>, vector<16xf32>
      %select_n3A_1590 = arith.select %gt3A_1587, %select_n3A_1543, %select_n3A_1589 : vector<16xi1>, vector<16xf32>
      %select_n3A_1591 = arith.select %gt3A_1588, %broadcast_in_dim3A_1570, %select_n3A_1542 : vector<16xi1>, vector<16xi32>
      %select_n3A_1592 = arith.select %gt3A_1587, %select_n3A_1544, %select_n3A_1591 : vector<16xi1>, vector<16xi32>
      %select_n3A_1593 = arith.select %gt3A_1587, %get3A_1586, %select_n3A_1543 : vector<16xi1>, vector<16xf32>
      %select_n3A_1594 = arith.select %gt3A_1587, %broadcast_in_dim3A_1570, %select_n3A_1544 : vector<16xi1>, vector<16xi32>
      %get3A_1595 = arith.constant 30 : i32
      %get3A_1596 = arith.index_cast %get3A_1595 : i32 to index
      %get3A_1597 = arith.index_cast %mul3A_65 : i32 to index
      %get3A_1598 = tpu.vector_load %arg5[%get3A_1596, %get3A_1597] {strides = array<i32>} : memref<64x256xf32, #tpu.memory_space<vmem>>, vector<16xf32>,
      %gt3A_1599 = arith.cmpf ogt, %get3A_1598, %select_n3A_1555 : vector<16xf32>
      %gt3A_1600 = arith.cmpf ogt, %get3A_1598, %select_n3A_1552 : vector<16xf32>
      %select_n3A_1601 = arith.select %gt3A_1600, %get3A_1598, %select_n3A_1552 : vector<16xi1>, vector<16xf32>
      %select_n3A_1602 = arith.select %gt3A_1599, %select_n3A_1555, %select_n3A_1601 : vector<16xi1>, vector<16xf32>
      %select_n3A_1603 = arith.select %gt3A_1600, %broadcast_in_dim3A_1570, %select_n3A_1554 : vector<16xi1>, vector<16xi32>
      %select_n3A_1604 = arith.select %gt3A_1599, %select_n3A_1556, %select_n3A_1603 : vector<16xi1>, vector<16xi32>
      %select_n3A_1605 = arith.select %gt3A_1599, %get3A_1598, %select_n3A_1555 : vector<16xi1>, vector<16xf32>
      %select_n3A_1606 = arith.select %gt3A_1599, %broadcast_in_dim3A_1570, %select_n3A_1556 : vector<16xi1>, vector<16xi32>
      %get3A_1607 = arith.constant 30 : i32
      %get3A_1608 = arith.index_cast %get3A_1607 : i32 to index
      %get3A_1609 = arith.index_cast %mul3A_71 : i32 to index
      %get3A_1610 = tpu.vector_load %arg5[%get3A_1608, %get3A_1609] {strides = array<i32>} : memref<64x256xf32, #tpu.memory_space<vmem>>, vector<16xf32>,
      %gt3A_1611 = arith.cmpf ogt, %get3A_1610, %select_n3A_1567 : vector<16xf32>
      %gt3A_1612 = arith.cmpf ogt, %get3A_1610, %select_n3A_1564 : vector<16xf32>
      %select_n3A_1613 = arith.select %gt3A_1612, %get3A_1610, %select_n3A_1564 : vector<16xi1>, vector<16xf32>
      %select_n3A_1614 = arith.select %gt3A_1611, %select_n3A_1567, %select_n3A_1613 : vector<16xi1>, vector<16xf32>
      %select_n3A_1615 = arith.select %gt3A_1612, %broadcast_in_dim3A_1570, %select_n3A_1566 : vector<16xi1>, vector<16xi32>
      %select_n3A_1616 = arith.select %gt3A_1611, %select_n3A_1568, %select_n3A_1615 : vector<16xi1>, vector<16xi32>
      %select_n3A_1617 = arith.select %gt3A_1611, %get3A_1610, %select_n3A_1567 : vector<16xi1>, vector<16xf32>
      %select_n3A_1618 = arith.select %gt3A_1611, %broadcast_in_dim3A_1570, %select_n3A_1568 : vector<16xi1>, vector<16xi32>
      %broadcast_in_dim3A_1619 = arith.constant 31 : i32
      %broadcast_in_dim3A_1620 = vector.broadcast %broadcast_in_dim3A_1619 : i32 to vector<16xi32>
      %get3A_1621 = arith.constant 31 : i32
      %get3A_1622 = arith.index_cast %get3A_1621 : i32 to index
      %get3A_1623 = arith.index_cast %mul3A_53 : i32 to index
      %get3A_1624 = tpu.vector_load %arg5[%get3A_1622, %get3A_1623] {strides = array<i32>} : memref<64x256xf32, #tpu.memory_space<vmem>>, vector<16xf32>,
      %gt3A_1625 = arith.cmpf ogt, %get3A_1624, %select_n3A_1581 : vector<16xf32>
      %gt3A_1626 = arith.cmpf ogt, %get3A_1624, %select_n3A_1578 : vector<16xf32>
      %select_n3A_1627 = arith.select %gt3A_1626, %get3A_1624, %select_n3A_1578 : vector<16xi1>, vector<16xf32>
      %select_n3A_1628 = arith.select %gt3A_1625, %select_n3A_1581, %select_n3A_1627 : vector<16xi1>, vector<16xf32>
      %select_n3A_1629 = arith.select %gt3A_1626, %broadcast_in_dim3A_1620, %select_n3A_1580 : vector<16xi1>, vector<16xi32>
      %select_n3A_1630 = arith.select %gt3A_1625, %select_n3A_1582, %select_n3A_1629 : vector<16xi1>, vector<16xi32>
      %select_n3A_1631 = arith.select %gt3A_1625, %get3A_1624, %select_n3A_1581 : vector<16xi1>, vector<16xf32>
      %select_n3A_1632 = arith.select %gt3A_1625, %broadcast_in_dim3A_1620, %select_n3A_1582 : vector<16xi1>, vector<16xi32>
      %get3A_1633 = arith.constant 31 : i32
      %get3A_1634 = arith.index_cast %get3A_1633 : i32 to index
      %get3A_1635 = arith.index_cast %mul3A_59 : i32 to index
      %get3A_1636 = tpu.vector_load %arg5[%get3A_1634, %get3A_1635] {strides = array<i32>} : memref<64x256xf32, #tpu.memory_space<vmem>>, vector<16xf32>,
      %gt3A_1637 = arith.cmpf ogt, %get3A_1636, %select_n3A_1593 : vector<16xf32>
      %gt3A_1638 = arith.cmpf ogt, %get3A_1636, %select_n3A_1590 : vector<16xf32>
      %select_n3A_1639 = arith.select %gt3A_1638, %get3A_1636, %select_n3A_1590 : vector<16xi1>, vector<16xf32>
      %select_n3A_1640 = arith.select %gt3A_1637, %select_n3A_1593, %select_n3A_1639 : vector<16xi1>, vector<16xf32>
      %select_n3A_1641 = arith.select %gt3A_1638, %broadcast_in_dim3A_1620, %select_n3A_1592 : vector<16xi1>, vector<16xi32>
      %select_n3A_1642 = arith.select %gt3A_1637, %select_n3A_1594, %select_n3A_1641 : vector<16xi1>, vector<16xi32>
      %select_n3A_1643 = arith.select %gt3A_1637, %get3A_1636, %select_n3A_1593 : vector<16xi1>, vector<16xf32>
      %select_n3A_1644 = arith.select %gt3A_1637, %broadcast_in_dim3A_1620, %select_n3A_1594 : vector<16xi1>, vector<16xi32>
      %get3A_1645 = arith.constant 31 : i32
      %get3A_1646 = arith.index_cast %get3A_1645 : i32 to index
      %get3A_1647 = arith.index_cast %mul3A_65 : i32 to index
      %get3A_1648 = tpu.vector_load %arg5[%get3A_1646, %get3A_1647] {strides = array<i32>} : memref<64x256xf32, #tpu.memory_space<vmem>>, vector<16xf32>,
      %gt3A_1649 = arith.cmpf ogt, %get3A_1648, %select_n3A_1605 : vector<16xf32>
      %gt3A_1650 = arith.cmpf ogt, %get3A_1648, %select_n3A_1602 : vector<16xf32>
      %select_n3A_1651 = arith.select %gt3A_1650, %get3A_1648, %select_n3A_1602 : vector<16xi1>, vector<16xf32>
      %select_n3A_1652 = arith.select %gt3A_1649, %select_n3A_1605, %select_n3A_1651 : vector<16xi1>, vector<16xf32>
      %select_n3A_1653 = arith.select %gt3A_1650, %broadcast_in_dim3A_1620, %select_n3A_1604 : vector<16xi1>, vector<16xi32>
      %select_n3A_1654 = arith.select %gt3A_1649, %select_n3A_1606, %select_n3A_1653 : vector<16xi1>, vector<16xi32>
      %select_n3A_1655 = arith.select %gt3A_1649, %get3A_1648, %select_n3A_1605 : vector<16xi1>, vector<16xf32>
      %select_n3A_1656 = arith.select %gt3A_1649, %broadcast_in_dim3A_1620, %select_n3A_1606 : vector<16xi1>, vector<16xi32>
      %get3A_1657 = arith.constant 31 : i32
      %get3A_1658 = arith.index_cast %get3A_1657 : i32 to index
      %get3A_1659 = arith.index_cast %mul3A_71 : i32 to index
      %get3A_1660 = tpu.vector_load %arg5[%get3A_1658, %get3A_1659] {strides = array<i32>} : memref<64x256xf32, #tpu.memory_space<vmem>>, vector<16xf32>,
      %gt3A_1661 = arith.cmpf ogt, %get3A_1660, %select_n3A_1617 : vector<16xf32>
      %gt3A_1662 = arith.cmpf ogt, %get3A_1660, %select_n3A_1614 : vector<16xf32>
      %select_n3A_1663 = arith.select %gt3A_1662, %get3A_1660, %select_n3A_1614 : vector<16xi1>, vector<16xf32>
      %select_n3A_1664 = arith.select %gt3A_1661, %select_n3A_1617, %select_n3A_1663 : vector<16xi1>, vector<16xf32>
      %select_n3A_1665 = arith.select %gt3A_1662, %broadcast_in_dim3A_1620, %select_n3A_1616 : vector<16xi1>, vector<16xi32>
      %select_n3A_1666 = arith.select %gt3A_1661, %select_n3A_1618, %select_n3A_1665 : vector<16xi1>, vector<16xi32>
      %select_n3A_1667 = arith.select %gt3A_1661, %get3A_1660, %select_n3A_1617 : vector<16xi1>, vector<16xf32>
      %select_n3A_1668 = arith.select %gt3A_1661, %broadcast_in_dim3A_1620, %select_n3A_1618 : vector<16xi1>, vector<16xi32>
      %broadcast_in_dim3A_1669 = arith.constant 32 : i32
      %broadcast_in_dim3A_1670 = vector.broadcast %broadcast_in_dim3A_1669 : i32 to vector<16xi32>
      %get3A_1671 = arith.constant 32 : i32
      %get3A_1672 = arith.index_cast %get3A_1671 : i32 to index
      %get3A_1673 = arith.index_cast %mul3A_53 : i32 to index
      %get3A_1674 = tpu.vector_load %arg5[%get3A_1672, %get3A_1673] {strides = array<i32>} : memref<64x256xf32, #tpu.memory_space<vmem>>, vector<16xf32>,
      %gt3A_1675 = arith.cmpf ogt, %get3A_1674, %select_n3A_1631 : vector<16xf32>
      %gt3A_1676 = arith.cmpf ogt, %get3A_1674, %select_n3A_1628 : vector<16xf32>
      %select_n3A_1677 = arith.select %gt3A_1676, %get3A_1674, %select_n3A_1628 : vector<16xi1>, vector<16xf32>
      %select_n3A_1678 = arith.select %gt3A_1675, %select_n3A_1631, %select_n3A_1677 : vector<16xi1>, vector<16xf32>
      %select_n3A_1679 = arith.select %gt3A_1676, %broadcast_in_dim3A_1670, %select_n3A_1630 : vector<16xi1>, vector<16xi32>
      %select_n3A_1680 = arith.select %gt3A_1675, %select_n3A_1632, %select_n3A_1679 : vector<16xi1>, vector<16xi32>
      %select_n3A_1681 = arith.select %gt3A_1675, %get3A_1674, %select_n3A_1631 : vector<16xi1>, vector<16xf32>
      %select_n3A_1682 = arith.select %gt3A_1675, %broadcast_in_dim3A_1670, %select_n3A_1632 : vector<16xi1>, vector<16xi32>
      %get3A_1683 = arith.constant 32 : i32
      %get3A_1684 = arith.index_cast %get3A_1683 : i32 to index
      %get3A_1685 = arith.index_cast %mul3A_59 : i32 to index
      %get3A_1686 = tpu.vector_load %arg5[%get3A_1684, %get3A_1685] {strides = array<i32>} : memref<64x256xf32, #tpu.memory_space<vmem>>, vector<16xf32>,
      %gt3A_1687 = arith.cmpf ogt, %get3A_1686, %select_n3A_1643 : vector<16xf32>
      %gt3A_1688 = arith.cmpf ogt, %get3A_1686, %select_n3A_1640 : vector<16xf32>
      %select_n3A_1689 = arith.select %gt3A_1688, %get3A_1686, %select_n3A_1640 : vector<16xi1>, vector<16xf32>
      %select_n3A_1690 = arith.select %gt3A_1687, %select_n3A_1643, %select_n3A_1689 : vector<16xi1>, vector<16xf32>
      %select_n3A_1691 = arith.select %gt3A_1688, %broadcast_in_dim3A_1670, %select_n3A_1642 : vector<16xi1>, vector<16xi32>
      %select_n3A_1692 = arith.select %gt3A_1687, %select_n3A_1644, %select_n3A_1691 : vector<16xi1>, vector<16xi32>
      %select_n3A_1693 = arith.select %gt3A_1687, %get3A_1686, %select_n3A_1643 : vector<16xi1>, vector<16xf32>
      %select_n3A_1694 = arith.select %gt3A_1687, %broadcast_in_dim3A_1670, %select_n3A_1644 : vector<16xi1>, vector<16xi32>
      %get3A_1695 = arith.constant 32 : i32
      %get3A_1696 = arith.index_cast %get3A_1695 : i32 to index
      %get3A_1697 = arith.index_cast %mul3A_65 : i32 to index
      %get3A_1698 = tpu.vector_load %arg5[%get3A_1696, %get3A_1697] {strides = array<i32>} : memref<64x256xf32, #tpu.memory_space<vmem>>, vector<16xf32>,
      %gt3A_1699 = arith.cmpf ogt, %get3A_1698, %select_n3A_1655 : vector<16xf32>
      %gt3A_1700 = arith.cmpf ogt, %get3A_1698, %select_n3A_1652 : vector<16xf32>
      %select_n3A_1701 = arith.select %gt3A_1700, %get3A_1698, %select_n3A_1652 : vector<16xi1>, vector<16xf32>
      %select_n3A_1702 = arith.select %gt3A_1699, %select_n3A_1655, %select_n3A_1701 : vector<16xi1>, vector<16xf32>
      %select_n3A_1703 = arith.select %gt3A_1700, %broadcast_in_dim3A_1670, %select_n3A_1654 : vector<16xi1>, vector<16xi32>
      %select_n3A_1704 = arith.select %gt3A_1699, %select_n3A_1656, %select_n3A_1703 : vector<16xi1>, vector<16xi32>
      %select_n3A_1705 = arith.select %gt3A_1699, %get3A_1698, %select_n3A_1655 : vector<16xi1>, vector<16xf32>
      %select_n3A_1706 = arith.select %gt3A_1699, %broadcast_in_dim3A_1670, %select_n3A_1656 : vector<16xi1>, vector<16xi32>
      %get3A_1707 = arith.constant 32 : i32
      %get3A_1708 = arith.index_cast %get3A_1707 : i32 to index
      %get3A_1709 = arith.index_cast %mul3A_71 : i32 to index
      %get3A_1710 = tpu.vector_load %arg5[%get3A_1708, %get3A_1709] {strides = array<i32>} : memref<64x256xf32, #tpu.memory_space<vmem>>, vector<16xf32>,
      %gt3A_1711 = arith.cmpf ogt, %get3A_1710, %select_n3A_1667 : vector<16xf32>
      %gt3A_1712 = arith.cmpf ogt, %get3A_1710, %select_n3A_1664 : vector<16xf32>
      %select_n3A_1713 = arith.select %gt3A_1712, %get3A_1710, %select_n3A_1664 : vector<16xi1>, vector<16xf32>
      %select_n3A_1714 = arith.select %gt3A_1711, %select_n3A_1667, %select_n3A_1713 : vector<16xi1>, vector<16xf32>
      %select_n3A_1715 = arith.select %gt3A_1712, %broadcast_in_dim3A_1670, %select_n3A_1666 : vector<16xi1>, vector<16xi32>
      %select_n3A_1716 = arith.select %gt3A_1711, %select_n3A_1668, %select_n3A_1715 : vector<16xi1>, vector<16xi32>
      %select_n3A_1717 = arith.select %gt3A_1711, %get3A_1710, %select_n3A_1667 : vector<16xi1>, vector<16xf32>
      %select_n3A_1718 = arith.select %gt3A_1711, %broadcast_in_dim3A_1670, %select_n3A_1668 : vector<16xi1>, vector<16xi32>
      %broadcast_in_dim3A_1719 = arith.constant 33 : i32
      %broadcast_in_dim3A_1720 = vector.broadcast %broadcast_in_dim3A_1719 : i32 to vector<16xi32>
      %get3A_1721 = arith.constant 33 : i32
      %get3A_1722 = arith.index_cast %get3A_1721 : i32 to index
      %get3A_1723 = arith.index_cast %mul3A_53 : i32 to index
      %get3A_1724 = tpu.vector_load %arg5[%get3A_1722, %get3A_1723] {strides = array<i32>} : memref<64x256xf32, #tpu.memory_space<vmem>>, vector<16xf32>,
      %gt3A_1725 = arith.cmpf ogt, %get3A_1724, %select_n3A_1681 : vector<16xf32>
      %gt3A_1726 = arith.cmpf ogt, %get3A_1724, %select_n3A_1678 : vector<16xf32>
      %select_n3A_1727 = arith.select %gt3A_1726, %get3A_1724, %select_n3A_1678 : vector<16xi1>, vector<16xf32>
      %select_n3A_1728 = arith.select %gt3A_1725, %select_n3A_1681, %select_n3A_1727 : vector<16xi1>, vector<16xf32>
      %select_n3A_1729 = arith.select %gt3A_1726, %broadcast_in_dim3A_1720, %select_n3A_1680 : vector<16xi1>, vector<16xi32>
      %select_n3A_1730 = arith.select %gt3A_1725, %select_n3A_1682, %select_n3A_1729 : vector<16xi1>, vector<16xi32>
      %select_n3A_1731 = arith.select %gt3A_1725, %get3A_1724, %select_n3A_1681 : vector<16xi1>, vector<16xf32>
      %select_n3A_1732 = arith.select %gt3A_1725, %broadcast_in_dim3A_1720, %select_n3A_1682 : vector<16xi1>, vector<16xi32>
      %get3A_1733 = arith.constant 33 : i32
      %get3A_1734 = arith.index_cast %get3A_1733 : i32 to index
      %get3A_1735 = arith.index_cast %mul3A_59 : i32 to index
      %get3A_1736 = tpu.vector_load %arg5[%get3A_1734, %get3A_1735] {strides = array<i32>} : memref<64x256xf32, #tpu.memory_space<vmem>>, vector<16xf32>,
      %gt3A_1737 = arith.cmpf ogt, %get3A_1736, %select_n3A_1693 : vector<16xf32>
      %gt3A_1738 = arith.cmpf ogt, %get3A_1736, %select_n3A_1690 : vector<16xf32>
      %select_n3A_1739 = arith.select %gt3A_1738, %get3A_1736, %select_n3A_1690 : vector<16xi1>, vector<16xf32>
      %select_n3A_1740 = arith.select %gt3A_1737, %select_n3A_1693, %select_n3A_1739 : vector<16xi1>, vector<16xf32>
      %select_n3A_1741 = arith.select %gt3A_1738, %broadcast_in_dim3A_1720, %select_n3A_1692 : vector<16xi1>, vector<16xi32>
      %select_n3A_1742 = arith.select %gt3A_1737, %select_n3A_1694, %select_n3A_1741 : vector<16xi1>, vector<16xi32>
      %select_n3A_1743 = arith.select %gt3A_1737, %get3A_1736, %select_n3A_1693 : vector<16xi1>, vector<16xf32>
      %select_n3A_1744 = arith.select %gt3A_1737, %broadcast_in_dim3A_1720, %select_n3A_1694 : vector<16xi1>, vector<16xi32>
      %get3A_1745 = arith.constant 33 : i32
      %get3A_1746 = arith.index_cast %get3A_1745 : i32 to index
      %get3A_1747 = arith.index_cast %mul3A_65 : i32 to index
      %get3A_1748 = tpu.vector_load %arg5[%get3A_1746, %get3A_1747] {strides = array<i32>} : memref<64x256xf32, #tpu.memory_space<vmem>>, vector<16xf32>,
      %gt3A_1749 = arith.cmpf ogt, %get3A_1748, %select_n3A_1705 : vector<16xf32>
      %gt3A_1750 = arith.cmpf ogt, %get3A_1748, %select_n3A_1702 : vector<16xf32>
      %select_n3A_1751 = arith.select %gt3A_1750, %get3A_1748, %select_n3A_1702 : vector<16xi1>, vector<16xf32>
      %select_n3A_1752 = arith.select %gt3A_1749, %select_n3A_1705, %select_n3A_1751 : vector<16xi1>, vector<16xf32>
      %select_n3A_1753 = arith.select %gt3A_1750, %broadcast_in_dim3A_1720, %select_n3A_1704 : vector<16xi1>, vector<16xi32>
      %select_n3A_1754 = arith.select %gt3A_1749, %select_n3A_1706, %select_n3A_1753 : vector<16xi1>, vector<16xi32>
      %select_n3A_1755 = arith.select %gt3A_1749, %get3A_1748, %select_n3A_1705 : vector<16xi1>, vector<16xf32>
      %select_n3A_1756 = arith.select %gt3A_1749, %broadcast_in_dim3A_1720, %select_n3A_1706 : vector<16xi1>, vector<16xi32>
      %get3A_1757 = arith.constant 33 : i32
      %get3A_1758 = arith.index_cast %get3A_1757 : i32 to index
      %get3A_1759 = arith.index_cast %mul3A_71 : i32 to index
      %get3A_1760 = tpu.vector_load %arg5[%get3A_1758, %get3A_1759] {strides = array<i32>} : memref<64x256xf32, #tpu.memory_space<vmem>>, vector<16xf32>,
      %gt3A_1761 = arith.cmpf ogt, %get3A_1760, %select_n3A_1717 : vector<16xf32>
      %gt3A_1762 = arith.cmpf ogt, %get3A_1760, %select_n3A_1714 : vector<16xf32>
      %select_n3A_1763 = arith.select %gt3A_1762, %get3A_1760, %select_n3A_1714 : vector<16xi1>, vector<16xf32>
      %select_n3A_1764 = arith.select %gt3A_1761, %select_n3A_1717, %select_n3A_1763 : vector<16xi1>, vector<16xf32>
      %select_n3A_1765 = arith.select %gt3A_1762, %broadcast_in_dim3A_1720, %select_n3A_1716 : vector<16xi1>, vector<16xi32>
      %select_n3A_1766 = arith.select %gt3A_1761, %select_n3A_1718, %select_n3A_1765 : vector<16xi1>, vector<16xi32>
      %select_n3A_1767 = arith.select %gt3A_1761, %get3A_1760, %select_n3A_1717 : vector<16xi1>, vector<16xf32>
      %select_n3A_1768 = arith.select %gt3A_1761, %broadcast_in_dim3A_1720, %select_n3A_1718 : vector<16xi1>, vector<16xi32>
      %broadcast_in_dim3A_1769 = arith.constant 34 : i32
      %broadcast_in_dim3A_1770 = vector.broadcast %broadcast_in_dim3A_1769 : i32 to vector<16xi32>
      %get3A_1771 = arith.constant 34 : i32
      %get3A_1772 = arith.index_cast %get3A_1771 : i32 to index
      %get3A_1773 = arith.index_cast %mul3A_53 : i32 to index
      %get3A_1774 = tpu.vector_load %arg5[%get3A_1772, %get3A_1773] {strides = array<i32>} : memref<64x256xf32, #tpu.memory_space<vmem>>, vector<16xf32>,
      %gt3A_1775 = arith.cmpf ogt, %get3A_1774, %select_n3A_1731 : vector<16xf32>
      %gt3A_1776 = arith.cmpf ogt, %get3A_1774, %select_n3A_1728 : vector<16xf32>
      %select_n3A_1777 = arith.select %gt3A_1776, %get3A_1774, %select_n3A_1728 : vector<16xi1>, vector<16xf32>
      %select_n3A_1778 = arith.select %gt3A_1775, %select_n3A_1731, %select_n3A_1777 : vector<16xi1>, vector<16xf32>
      %select_n3A_1779 = arith.select %gt3A_1776, %broadcast_in_dim3A_1770, %select_n3A_1730 : vector<16xi1>, vector<16xi32>
      %select_n3A_1780 = arith.select %gt3A_1775, %select_n3A_1732, %select_n3A_1779 : vector<16xi1>, vector<16xi32>
      %select_n3A_1781 = arith.select %gt3A_1775, %get3A_1774, %select_n3A_1731 : vector<16xi1>, vector<16xf32>
      %select_n3A_1782 = arith.select %gt3A_1775, %broadcast_in_dim3A_1770, %select_n3A_1732 : vector<16xi1>, vector<16xi32>
      %get3A_1783 = arith.constant 34 : i32
      %get3A_1784 = arith.index_cast %get3A_1783 : i32 to index
      %get3A_1785 = arith.index_cast %mul3A_59 : i32 to index
      %get3A_1786 = tpu.vector_load %arg5[%get3A_1784, %get3A_1785] {strides = array<i32>} : memref<64x256xf32, #tpu.memory_space<vmem>>, vector<16xf32>,
      %gt3A_1787 = arith.cmpf ogt, %get3A_1786, %select_n3A_1743 : vector<16xf32>
      %gt3A_1788 = arith.cmpf ogt, %get3A_1786, %select_n3A_1740 : vector<16xf32>
      %select_n3A_1789 = arith.select %gt3A_1788, %get3A_1786, %select_n3A_1740 : vector<16xi1>, vector<16xf32>
      %select_n3A_1790 = arith.select %gt3A_1787, %select_n3A_1743, %select_n3A_1789 : vector<16xi1>, vector<16xf32>
      %select_n3A_1791 = arith.select %gt3A_1788, %broadcast_in_dim3A_1770, %select_n3A_1742 : vector<16xi1>, vector<16xi32>
      %select_n3A_1792 = arith.select %gt3A_1787, %select_n3A_1744, %select_n3A_1791 : vector<16xi1>, vector<16xi32>
      %select_n3A_1793 = arith.select %gt3A_1787, %get3A_1786, %select_n3A_1743 : vector<16xi1>, vector<16xf32>
      %select_n3A_1794 = arith.select %gt3A_1787, %broadcast_in_dim3A_1770, %select_n3A_1744 : vector<16xi1>, vector<16xi32>
      %get3A_1795 = arith.constant 34 : i32
      %get3A_1796 = arith.index_cast %get3A_1795 : i32 to index
      %get3A_1797 = arith.index_cast %mul3A_65 : i32 to index
      %get3A_1798 = tpu.vector_load %arg5[%get3A_1796, %get3A_1797] {strides = array<i32>} : memref<64x256xf32, #tpu.memory_space<vmem>>, vector<16xf32>,
      %gt3A_1799 = arith.cmpf ogt, %get3A_1798, %select_n3A_1755 : vector<16xf32>
      %gt3A_1800 = arith.cmpf ogt, %get3A_1798, %select_n3A_1752 : vector<16xf32>
      %select_n3A_1801 = arith.select %gt3A_1800, %get3A_1798, %select_n3A_1752 : vector<16xi1>, vector<16xf32>
      %select_n3A_1802 = arith.select %gt3A_1799, %select_n3A_1755, %select_n3A_1801 : vector<16xi1>, vector<16xf32>
      %select_n3A_1803 = arith.select %gt3A_1800, %broadcast_in_dim3A_1770, %select_n3A_1754 : vector<16xi1>, vector<16xi32>
      %select_n3A_1804 = arith.select %gt3A_1799, %select_n3A_1756, %select_n3A_1803 : vector<16xi1>, vector<16xi32>
      %select_n3A_1805 = arith.select %gt3A_1799, %get3A_1798, %select_n3A_1755 : vector<16xi1>, vector<16xf32>
      %select_n3A_1806 = arith.select %gt3A_1799, %broadcast_in_dim3A_1770, %select_n3A_1756 : vector<16xi1>, vector<16xi32>
      %get3A_1807 = arith.constant 34 : i32
      %get3A_1808 = arith.index_cast %get3A_1807 : i32 to index
      %get3A_1809 = arith.index_cast %mul3A_71 : i32 to index
      %get3A_1810 = tpu.vector_load %arg5[%get3A_1808, %get3A_1809] {strides = array<i32>} : memref<64x256xf32, #tpu.memory_space<vmem>>, vector<16xf32>,
      %gt3A_1811 = arith.cmpf ogt, %get3A_1810, %select_n3A_1767 : vector<16xf32>
      %gt3A_1812 = arith.cmpf ogt, %get3A_1810, %select_n3A_1764 : vector<16xf32>
      %select_n3A_1813 = arith.select %gt3A_1812, %get3A_1810, %select_n3A_1764 : vector<16xi1>, vector<16xf32>
      %select_n3A_1814 = arith.select %gt3A_1811, %select_n3A_1767, %select_n3A_1813 : vector<16xi1>, vector<16xf32>
      %select_n3A_1815 = arith.select %gt3A_1812, %broadcast_in_dim3A_1770, %select_n3A_1766 : vector<16xi1>, vector<16xi32>
      %select_n3A_1816 = arith.select %gt3A_1811, %select_n3A_1768, %select_n3A_1815 : vector<16xi1>, vector<16xi32>
      %select_n3A_1817 = arith.select %gt3A_1811, %get3A_1810, %select_n3A_1767 : vector<16xi1>, vector<16xf32>
      %select_n3A_1818 = arith.select %gt3A_1811, %broadcast_in_dim3A_1770, %select_n3A_1768 : vector<16xi1>, vector<16xi32>
      %broadcast_in_dim3A_1819 = arith.constant 35 : i32
      %broadcast_in_dim3A_1820 = vector.broadcast %broadcast_in_dim3A_1819 : i32 to vector<16xi32>
      %get3A_1821 = arith.constant 35 : i32
      %get3A_1822 = arith.index_cast %get3A_1821 : i32 to index
      %get3A_1823 = arith.index_cast %mul3A_53 : i32 to index
      %get3A_1824 = tpu.vector_load %arg5[%get3A_1822, %get3A_1823] {strides = array<i32>} : memref<64x256xf32, #tpu.memory_space<vmem>>, vector<16xf32>,
      %gt3A_1825 = arith.cmpf ogt, %get3A_1824, %select_n3A_1781 : vector<16xf32>
      %gt3A_1826 = arith.cmpf ogt, %get3A_1824, %select_n3A_1778 : vector<16xf32>
      %select_n3A_1827 = arith.select %gt3A_1826, %get3A_1824, %select_n3A_1778 : vector<16xi1>, vector<16xf32>
      %select_n3A_1828 = arith.select %gt3A_1825, %select_n3A_1781, %select_n3A_1827 : vector<16xi1>, vector<16xf32>
      %select_n3A_1829 = arith.select %gt3A_1826, %broadcast_in_dim3A_1820, %select_n3A_1780 : vector<16xi1>, vector<16xi32>
      %select_n3A_1830 = arith.select %gt3A_1825, %select_n3A_1782, %select_n3A_1829 : vector<16xi1>, vector<16xi32>
      %select_n3A_1831 = arith.select %gt3A_1825, %get3A_1824, %select_n3A_1781 : vector<16xi1>, vector<16xf32>
      %select_n3A_1832 = arith.select %gt3A_1825, %broadcast_in_dim3A_1820, %select_n3A_1782 : vector<16xi1>, vector<16xi32>
      %get3A_1833 = arith.constant 35 : i32
      %get3A_1834 = arith.index_cast %get3A_1833 : i32 to index
      %get3A_1835 = arith.index_cast %mul3A_59 : i32 to index
      %get3A_1836 = tpu.vector_load %arg5[%get3A_1834, %get3A_1835] {strides = array<i32>} : memref<64x256xf32, #tpu.memory_space<vmem>>, vector<16xf32>,
      %gt3A_1837 = arith.cmpf ogt, %get3A_1836, %select_n3A_1793 : vector<16xf32>
      %gt3A_1838 = arith.cmpf ogt, %get3A_1836, %select_n3A_1790 : vector<16xf32>
      %select_n3A_1839 = arith.select %gt3A_1838, %get3A_1836, %select_n3A_1790 : vector<16xi1>, vector<16xf32>
      %select_n3A_1840 = arith.select %gt3A_1837, %select_n3A_1793, %select_n3A_1839 : vector<16xi1>, vector<16xf32>
      %select_n3A_1841 = arith.select %gt3A_1838, %broadcast_in_dim3A_1820, %select_n3A_1792 : vector<16xi1>, vector<16xi32>
      %select_n3A_1842 = arith.select %gt3A_1837, %select_n3A_1794, %select_n3A_1841 : vector<16xi1>, vector<16xi32>
      %select_n3A_1843 = arith.select %gt3A_1837, %get3A_1836, %select_n3A_1793 : vector<16xi1>, vector<16xf32>
      %select_n3A_1844 = arith.select %gt3A_1837, %broadcast_in_dim3A_1820, %select_n3A_1794 : vector<16xi1>, vector<16xi32>
      %get3A_1845 = arith.constant 35 : i32
      %get3A_1846 = arith.index_cast %get3A_1845 : i32 to index
      %get3A_1847 = arith.index_cast %mul3A_65 : i32 to index
      %get3A_1848 = tpu.vector_load %arg5[%get3A_1846, %get3A_1847] {strides = array<i32>} : memref<64x256xf32, #tpu.memory_space<vmem>>, vector<16xf32>,
      %gt3A_1849 = arith.cmpf ogt, %get3A_1848, %select_n3A_1805 : vector<16xf32>
      %gt3A_1850 = arith.cmpf ogt, %get3A_1848, %select_n3A_1802 : vector<16xf32>
      %select_n3A_1851 = arith.select %gt3A_1850, %get3A_1848, %select_n3A_1802 : vector<16xi1>, vector<16xf32>
      %select_n3A_1852 = arith.select %gt3A_1849, %select_n3A_1805, %select_n3A_1851 : vector<16xi1>, vector<16xf32>
      %select_n3A_1853 = arith.select %gt3A_1850, %broadcast_in_dim3A_1820, %select_n3A_1804 : vector<16xi1>, vector<16xi32>
      %select_n3A_1854 = arith.select %gt3A_1849, %select_n3A_1806, %select_n3A_1853 : vector<16xi1>, vector<16xi32>
      %select_n3A_1855 = arith.select %gt3A_1849, %get3A_1848, %select_n3A_1805 : vector<16xi1>, vector<16xf32>
      %select_n3A_1856 = arith.select %gt3A_1849, %broadcast_in_dim3A_1820, %select_n3A_1806 : vector<16xi1>, vector<16xi32>
      %get3A_1857 = arith.constant 35 : i32
      %get3A_1858 = arith.index_cast %get3A_1857 : i32 to index
      %get3A_1859 = arith.index_cast %mul3A_71 : i32 to index
      %get3A_1860 = tpu.vector_load %arg5[%get3A_1858, %get3A_1859] {strides = array<i32>} : memref<64x256xf32, #tpu.memory_space<vmem>>, vector<16xf32>,
      %gt3A_1861 = arith.cmpf ogt, %get3A_1860, %select_n3A_1817 : vector<16xf32>
      %gt3A_1862 = arith.cmpf ogt, %get3A_1860, %select_n3A_1814 : vector<16xf32>
      %select_n3A_1863 = arith.select %gt3A_1862, %get3A_1860, %select_n3A_1814 : vector<16xi1>, vector<16xf32>
      %select_n3A_1864 = arith.select %gt3A_1861, %select_n3A_1817, %select_n3A_1863 : vector<16xi1>, vector<16xf32>
      %select_n3A_1865 = arith.select %gt3A_1862, %broadcast_in_dim3A_1820, %select_n3A_1816 : vector<16xi1>, vector<16xi32>
      %select_n3A_1866 = arith.select %gt3A_1861, %select_n3A_1818, %select_n3A_1865 : vector<16xi1>, vector<16xi32>
      %select_n3A_1867 = arith.select %gt3A_1861, %get3A_1860, %select_n3A_1817 : vector<16xi1>, vector<16xf32>
      %select_n3A_1868 = arith.select %gt3A_1861, %broadcast_in_dim3A_1820, %select_n3A_1818 : vector<16xi1>, vector<16xi32>
      %broadcast_in_dim3A_1869 = arith.constant 36 : i32
      %broadcast_in_dim3A_1870 = vector.broadcast %broadcast_in_dim3A_1869 : i32 to vector<16xi32>
      %get3A_1871 = arith.constant 36 : i32
      %get3A_1872 = arith.index_cast %get3A_1871 : i32 to index
      %get3A_1873 = arith.index_cast %mul3A_53 : i32 to index
      %get3A_1874 = tpu.vector_load %arg5[%get3A_1872, %get3A_1873] {strides = array<i32>} : memref<64x256xf32, #tpu.memory_space<vmem>>, vector<16xf32>,
      %gt3A_1875 = arith.cmpf ogt, %get3A_1874, %select_n3A_1831 : vector<16xf32>
      %gt3A_1876 = arith.cmpf ogt, %get3A_1874, %select_n3A_1828 : vector<16xf32>
      %select_n3A_1877 = arith.select %gt3A_1876, %get3A_1874, %select_n3A_1828 : vector<16xi1>, vector<16xf32>
      %select_n3A_1878 = arith.select %gt3A_1875, %select_n3A_1831, %select_n3A_1877 : vector<16xi1>, vector<16xf32>
      %select_n3A_1879 = arith.select %gt3A_1876, %broadcast_in_dim3A_1870, %select_n3A_1830 : vector<16xi1>, vector<16xi32>
      %select_n3A_1880 = arith.select %gt3A_1875, %select_n3A_1832, %select_n3A_1879 : vector<16xi1>, vector<16xi32>
      %select_n3A_1881 = arith.select %gt3A_1875, %get3A_1874, %select_n3A_1831 : vector<16xi1>, vector<16xf32>
      %select_n3A_1882 = arith.select %gt3A_1875, %broadcast_in_dim3A_1870, %select_n3A_1832 : vector<16xi1>, vector<16xi32>
      %get3A_1883 = arith.constant 36 : i32
      %get3A_1884 = arith.index_cast %get3A_1883 : i32 to index
      %get3A_1885 = arith.index_cast %mul3A_59 : i32 to index
      %get3A_1886 = tpu.vector_load %arg5[%get3A_1884, %get3A_1885] {strides = array<i32>} : memref<64x256xf32, #tpu.memory_space<vmem>>, vector<16xf32>,
      %gt3A_1887 = arith.cmpf ogt, %get3A_1886, %select_n3A_1843 : vector<16xf32>
      %gt3A_1888 = arith.cmpf ogt, %get3A_1886, %select_n3A_1840 : vector<16xf32>
      %select_n3A_1889 = arith.select %gt3A_1888, %get3A_1886, %select_n3A_1840 : vector<16xi1>, vector<16xf32>
      %select_n3A_1890 = arith.select %gt3A_1887, %select_n3A_1843, %select_n3A_1889 : vector<16xi1>, vector<16xf32>
      %select_n3A_1891 = arith.select %gt3A_1888, %broadcast_in_dim3A_1870, %select_n3A_1842 : vector<16xi1>, vector<16xi32>
      %select_n3A_1892 = arith.select %gt3A_1887, %select_n3A_1844, %select_n3A_1891 : vector<16xi1>, vector<16xi32>
      %select_n3A_1893 = arith.select %gt3A_1887, %get3A_1886, %select_n3A_1843 : vector<16xi1>, vector<16xf32>
      %select_n3A_1894 = arith.select %gt3A_1887, %broadcast_in_dim3A_1870, %select_n3A_1844 : vector<16xi1>, vector<16xi32>
      %get3A_1895 = arith.constant 36 : i32
      %get3A_1896 = arith.index_cast %get3A_1895 : i32 to index
      %get3A_1897 = arith.index_cast %mul3A_65 : i32 to index
      %get3A_1898 = tpu.vector_load %arg5[%get3A_1896, %get3A_1897] {strides = array<i32>} : memref<64x256xf32, #tpu.memory_space<vmem>>, vector<16xf32>,
      %gt3A_1899 = arith.cmpf ogt, %get3A_1898, %select_n3A_1855 : vector<16xf32>
      %gt3A_1900 = arith.cmpf ogt, %get3A_1898, %select_n3A_1852 : vector<16xf32>
      %select_n3A_1901 = arith.select %gt3A_1900, %get3A_1898, %select_n3A_1852 : vector<16xi1>, vector<16xf32>
      %select_n3A_1902 = arith.select %gt3A_1899, %select_n3A_1855, %select_n3A_1901 : vector<16xi1>, vector<16xf32>
      %select_n3A_1903 = arith.select %gt3A_1900, %broadcast_in_dim3A_1870, %select_n3A_1854 : vector<16xi1>, vector<16xi32>
      %select_n3A_1904 = arith.select %gt3A_1899, %select_n3A_1856, %select_n3A_1903 : vector<16xi1>, vector<16xi32>
      %select_n3A_1905 = arith.select %gt3A_1899, %get3A_1898, %select_n3A_1855 : vector<16xi1>, vector<16xf32>
      %select_n3A_1906 = arith.select %gt3A_1899, %broadcast_in_dim3A_1870, %select_n3A_1856 : vector<16xi1>, vector<16xi32>
      %get3A_1907 = arith.constant 36 : i32
      %get3A_1908 = arith.index_cast %get3A_1907 : i32 to index
      %get3A_1909 = arith.index_cast %mul3A_71 : i32 to index
      %get3A_1910 = tpu.vector_load %arg5[%get3A_1908, %get3A_1909] {strides = array<i32>} : memref<64x256xf32, #tpu.memory_space<vmem>>, vector<16xf32>,
      %gt3A_1911 = arith.cmpf ogt, %get3A_1910, %select_n3A_1867 : vector<16xf32>
      %gt3A_1912 = arith.cmpf ogt, %get3A_1910, %select_n3A_1864 : vector<16xf32>
      %select_n3A_1913 = arith.select %gt3A_1912, %get3A_1910, %select_n3A_1864 : vector<16xi1>, vector<16xf32>
      %select_n3A_1914 = arith.select %gt3A_1911, %select_n3A_1867, %select_n3A_1913 : vector<16xi1>, vector<16xf32>
      %select_n3A_1915 = arith.select %gt3A_1912, %broadcast_in_dim3A_1870, %select_n3A_1866 : vector<16xi1>, vector<16xi32>
      %select_n3A_1916 = arith.select %gt3A_1911, %select_n3A_1868, %select_n3A_1915 : vector<16xi1>, vector<16xi32>
      %select_n3A_1917 = arith.select %gt3A_1911, %get3A_1910, %select_n3A_1867 : vector<16xi1>, vector<16xf32>
      %select_n3A_1918 = arith.select %gt3A_1911, %broadcast_in_dim3A_1870, %select_n3A_1868 : vector<16xi1>, vector<16xi32>
      %broadcast_in_dim3A_1919 = arith.constant 37 : i32
      %broadcast_in_dim3A_1920 = vector.broadcast %broadcast_in_dim3A_1919 : i32 to vector<16xi32>
      %get3A_1921 = arith.constant 37 : i32
      %get3A_1922 = arith.index_cast %get3A_1921 : i32 to index
      %get3A_1923 = arith.index_cast %mul3A_53 : i32 to index
      %get3A_1924 = tpu.vector_load %arg5[%get3A_1922, %get3A_1923] {strides = array<i32>} : memref<64x256xf32, #tpu.memory_space<vmem>>, vector<16xf32>,
      %gt3A_1925 = arith.cmpf ogt, %get3A_1924, %select_n3A_1881 : vector<16xf32>
      %gt3A_1926 = arith.cmpf ogt, %get3A_1924, %select_n3A_1878 : vector<16xf32>
      %select_n3A_1927 = arith.select %gt3A_1926, %get3A_1924, %select_n3A_1878 : vector<16xi1>, vector<16xf32>
      %select_n3A_1928 = arith.select %gt3A_1925, %select_n3A_1881, %select_n3A_1927 : vector<16xi1>, vector<16xf32>
      %select_n3A_1929 = arith.select %gt3A_1926, %broadcast_in_dim3A_1920, %select_n3A_1880 : vector<16xi1>, vector<16xi32>
      %select_n3A_1930 = arith.select %gt3A_1925, %select_n3A_1882, %select_n3A_1929 : vector<16xi1>, vector<16xi32>
      %select_n3A_1931 = arith.select %gt3A_1925, %get3A_1924, %select_n3A_1881 : vector<16xi1>, vector<16xf32>
      %select_n3A_1932 = arith.select %gt3A_1925, %broadcast_in_dim3A_1920, %select_n3A_1882 : vector<16xi1>, vector<16xi32>
      %get3A_1933 = arith.constant 37 : i32
      %get3A_1934 = arith.index_cast %get3A_1933 : i32 to index
      %get3A_1935 = arith.index_cast %mul3A_59 : i32 to index
      %get3A_1936 = tpu.vector_load %arg5[%get3A_1934, %get3A_1935] {strides = array<i32>} : memref<64x256xf32, #tpu.memory_space<vmem>>, vector<16xf32>,
      %gt3A_1937 = arith.cmpf ogt, %get3A_1936, %select_n3A_1893 : vector<16xf32>
      %gt3A_1938 = arith.cmpf ogt, %get3A_1936, %select_n3A_1890 : vector<16xf32>
      %select_n3A_1939 = arith.select %gt3A_1938, %get3A_1936, %select_n3A_1890 : vector<16xi1>, vector<16xf32>
      %select_n3A_1940 = arith.select %gt3A_1937, %select_n3A_1893, %select_n3A_1939 : vector<16xi1>, vector<16xf32>
      %select_n3A_1941 = arith.select %gt3A_1938, %broadcast_in_dim3A_1920, %select_n3A_1892 : vector<16xi1>, vector<16xi32>
      %select_n3A_1942 = arith.select %gt3A_1937, %select_n3A_1894, %select_n3A_1941 : vector<16xi1>, vector<16xi32>
      %select_n3A_1943 = arith.select %gt3A_1937, %get3A_1936, %select_n3A_1893 : vector<16xi1>, vector<16xf32>
      %select_n3A_1944 = arith.select %gt3A_1937, %broadcast_in_dim3A_1920, %select_n3A_1894 : vector<16xi1>, vector<16xi32>
      %get3A_1945 = arith.constant 37 : i32
      %get3A_1946 = arith.index_cast %get3A_1945 : i32 to index
      %get3A_1947 = arith.index_cast %mul3A_65 : i32 to index
      %get3A_1948 = tpu.vector_load %arg5[%get3A_1946, %get3A_1947] {strides = array<i32>} : memref<64x256xf32, #tpu.memory_space<vmem>>, vector<16xf32>,
      %gt3A_1949 = arith.cmpf ogt, %get3A_1948, %select_n3A_1905 : vector<16xf32>
      %gt3A_1950 = arith.cmpf ogt, %get3A_1948, %select_n3A_1902 : vector<16xf32>
      %select_n3A_1951 = arith.select %gt3A_1950, %get3A_1948, %select_n3A_1902 : vector<16xi1>, vector<16xf32>
      %select_n3A_1952 = arith.select %gt3A_1949, %select_n3A_1905, %select_n3A_1951 : vector<16xi1>, vector<16xf32>
      %select_n3A_1953 = arith.select %gt3A_1950, %broadcast_in_dim3A_1920, %select_n3A_1904 : vector<16xi1>, vector<16xi32>
      %select_n3A_1954 = arith.select %gt3A_1949, %select_n3A_1906, %select_n3A_1953 : vector<16xi1>, vector<16xi32>
      %select_n3A_1955 = arith.select %gt3A_1949, %get3A_1948, %select_n3A_1905 : vector<16xi1>, vector<16xf32>
      %select_n3A_1956 = arith.select %gt3A_1949, %broadcast_in_dim3A_1920, %select_n3A_1906 : vector<16xi1>, vector<16xi32>
      %get3A_1957 = arith.constant 37 : i32
      %get3A_1958 = arith.index_cast %get3A_1957 : i32 to index
      %get3A_1959 = arith.index_cast %mul3A_71 : i32 to index
      %get3A_1960 = tpu.vector_load %arg5[%get3A_1958, %get3A_1959] {strides = array<i32>} : memref<64x256xf32, #tpu.memory_space<vmem>>, vector<16xf32>,
      %gt3A_1961 = arith.cmpf ogt, %get3A_1960, %select_n3A_1917 : vector<16xf32>
      %gt3A_1962 = arith.cmpf ogt, %get3A_1960, %select_n3A_1914 : vector<16xf32>
      %select_n3A_1963 = arith.select %gt3A_1962, %get3A_1960, %select_n3A_1914 : vector<16xi1>, vector<16xf32>
      %select_n3A_1964 = arith.select %gt3A_1961, %select_n3A_1917, %select_n3A_1963 : vector<16xi1>, vector<16xf32>
      %select_n3A_1965 = arith.select %gt3A_1962, %broadcast_in_dim3A_1920, %select_n3A_1916 : vector<16xi1>, vector<16xi32>
      %select_n3A_1966 = arith.select %gt3A_1961, %select_n3A_1918, %select_n3A_1965 : vector<16xi1>, vector<16xi32>
      %select_n3A_1967 = arith.select %gt3A_1961, %get3A_1960, %select_n3A_1917 : vector<16xi1>, vector<16xf32>
      %select_n3A_1968 = arith.select %gt3A_1961, %broadcast_in_dim3A_1920, %select_n3A_1918 : vector<16xi1>, vector<16xi32>
      %broadcast_in_dim3A_1969 = arith.constant 38 : i32
      %broadcast_in_dim3A_1970 = vector.broadcast %broadcast_in_dim3A_1969 : i32 to vector<16xi32>
      %get3A_1971 = arith.constant 38 : i32
      %get3A_1972 = arith.index_cast %get3A_1971 : i32 to index
      %get3A_1973 = arith.index_cast %mul3A_53 : i32 to index
      %get3A_1974 = tpu.vector_load %arg5[%get3A_1972, %get3A_1973] {strides = array<i32>} : memref<64x256xf32, #tpu.memory_space<vmem>>, vector<16xf32>,
      %gt3A_1975 = arith.cmpf ogt, %get3A_1974, %select_n3A_1931 : vector<16xf32>
      %gt3A_1976 = arith.cmpf ogt, %get3A_1974, %select_n3A_1928 : vector<16xf32>
      %select_n3A_1977 = arith.select %gt3A_1976, %get3A_1974, %select_n3A_1928 : vector<16xi1>, vector<16xf32>
      %select_n3A_1978 = arith.select %gt3A_1975, %select_n3A_1931, %select_n3A_1977 : vector<16xi1>, vector<16xf32>
      %select_n3A_1979 = arith.select %gt3A_1976, %broadcast_in_dim3A_1970, %select_n3A_1930 : vector<16xi1>, vector<16xi32>
      %select_n3A_1980 = arith.select %gt3A_1975, %select_n3A_1932, %select_n3A_1979 : vector<16xi1>, vector<16xi32>
      %select_n3A_1981 = arith.select %gt3A_1975, %get3A_1974, %select_n3A_1931 : vector<16xi1>, vector<16xf32>
      %select_n3A_1982 = arith.select %gt3A_1975, %broadcast_in_dim3A_1970, %select_n3A_1932 : vector<16xi1>, vector<16xi32>
      %get3A_1983 = arith.constant 38 : i32
      %get3A_1984 = arith.index_cast %get3A_1983 : i32 to index
      %get3A_1985 = arith.index_cast %mul3A_59 : i32 to index
      %get3A_1986 = tpu.vector_load %arg5[%get3A_1984, %get3A_1985] {strides = array<i32>} : memref<64x256xf32, #tpu.memory_space<vmem>>, vector<16xf32>,
      %gt3A_1987 = arith.cmpf ogt, %get3A_1986, %select_n3A_1943 : vector<16xf32>
      %gt3A_1988 = arith.cmpf ogt, %get3A_1986, %select_n3A_1940 : vector<16xf32>
      %select_n3A_1989 = arith.select %gt3A_1988, %get3A_1986, %select_n3A_1940 : vector<16xi1>, vector<16xf32>
      %select_n3A_1990 = arith.select %gt3A_1987, %select_n3A_1943, %select_n3A_1989 : vector<16xi1>, vector<16xf32>
      %select_n3A_1991 = arith.select %gt3A_1988, %broadcast_in_dim3A_1970, %select_n3A_1942 : vector<16xi1>, vector<16xi32>
      %select_n3A_1992 = arith.select %gt3A_1987, %select_n3A_1944, %select_n3A_1991 : vector<16xi1>, vector<16xi32>
      %select_n3A_1993 = arith.select %gt3A_1987, %get3A_1986, %select_n3A_1943 : vector<16xi1>, vector<16xf32>
      %select_n3A_1994 = arith.select %gt3A_1987, %broadcast_in_dim3A_1970, %select_n3A_1944 : vector<16xi1>, vector<16xi32>
      %get3A_1995 = arith.constant 38 : i32
      %get3A_1996 = arith.index_cast %get3A_1995 : i32 to index
      %get3A_1997 = arith.index_cast %mul3A_65 : i32 to index
      %get3A_1998 = tpu.vector_load %arg5[%get3A_1996, %get3A_1997] {strides = array<i32>} : memref<64x256xf32, #tpu.memory_space<vmem>>, vector<16xf32>,
      %gt3A_1999 = arith.cmpf ogt, %get3A_1998, %select_n3A_1955 : vector<16xf32>
      %gt3A_2000 = arith.cmpf ogt, %get3A_1998, %select_n3A_1952 : vector<16xf32>
      %select_n3A_2001 = arith.select %gt3A_2000, %get3A_1998, %select_n3A_1952 : vector<16xi1>, vector<16xf32>
      %select_n3A_2002 = arith.select %gt3A_1999, %select_n3A_1955, %select_n3A_2001 : vector<16xi1>, vector<16xf32>
      %select_n3A_2003 = arith.select %gt3A_2000, %broadcast_in_dim3A_1970, %select_n3A_1954 : vector<16xi1>, vector<16xi32>
      %select_n3A_2004 = arith.select %gt3A_1999, %select_n3A_1956, %select_n3A_2003 : vector<16xi1>, vector<16xi32>
      %select_n3A_2005 = arith.select %gt3A_1999, %get3A_1998, %select_n3A_1955 : vector<16xi1>, vector<16xf32>
      %select_n3A_2006 = arith.select %gt3A_1999, %broadcast_in_dim3A_1970, %select_n3A_1956 : vector<16xi1>, vector<16xi32>
      %get3A_2007 = arith.constant 38 : i32
      %get3A_2008 = arith.index_cast %get3A_2007 : i32 to index
      %get3A_2009 = arith.index_cast %mul3A_71 : i32 to index
      %get3A_2010 = tpu.vector_load %arg5[%get3A_2008, %get3A_2009] {strides = array<i32>} : memref<64x256xf32, #tpu.memory_space<vmem>>, vector<16xf32>,
      %gt3A_2011 = arith.cmpf ogt, %get3A_2010, %select_n3A_1967 : vector<16xf32>
      %gt3A_2012 = arith.cmpf ogt, %get3A_2010, %select_n3A_1964 : vector<16xf32>
      %select_n3A_2013 = arith.select %gt3A_2012, %get3A_2010, %select_n3A_1964 : vector<16xi1>, vector<16xf32>
      %select_n3A_2014 = arith.select %gt3A_2011, %select_n3A_1967, %select_n3A_2013 : vector<16xi1>, vector<16xf32>
      %select_n3A_2015 = arith.select %gt3A_2012, %broadcast_in_dim3A_1970, %select_n3A_1966 : vector<16xi1>, vector<16xi32>
      %select_n3A_2016 = arith.select %gt3A_2011, %select_n3A_1968, %select_n3A_2015 : vector<16xi1>, vector<16xi32>
      %select_n3A_2017 = arith.select %gt3A_2011, %get3A_2010, %select_n3A_1967 : vector<16xi1>, vector<16xf32>
      %select_n3A_2018 = arith.select %gt3A_2011, %broadcast_in_dim3A_1970, %select_n3A_1968 : vector<16xi1>, vector<16xi32>
      %broadcast_in_dim3A_2019 = arith.constant 39 : i32
      %broadcast_in_dim3A_2020 = vector.broadcast %broadcast_in_dim3A_2019 : i32 to vector<16xi32>
      %get3A_2021 = arith.constant 39 : i32
      %get3A_2022 = arith.index_cast %get3A_2021 : i32 to index
      %get3A_2023 = arith.index_cast %mul3A_53 : i32 to index
      %get3A_2024 = tpu.vector_load %arg5[%get3A_2022, %get3A_2023] {strides = array<i32>} : memref<64x256xf32, #tpu.memory_space<vmem>>, vector<16xf32>,
      %gt3A_2025 = arith.cmpf ogt, %get3A_2024, %select_n3A_1981 : vector<16xf32>
      %gt3A_2026 = arith.cmpf ogt, %get3A_2024, %select_n3A_1978 : vector<16xf32>
      %select_n3A_2027 = arith.select %gt3A_2026, %get3A_2024, %select_n3A_1978 : vector<16xi1>, vector<16xf32>
      %select_n3A_2028 = arith.select %gt3A_2025, %select_n3A_1981, %select_n3A_2027 : vector<16xi1>, vector<16xf32>
      %select_n3A_2029 = arith.select %gt3A_2026, %broadcast_in_dim3A_2020, %select_n3A_1980 : vector<16xi1>, vector<16xi32>
      %select_n3A_2030 = arith.select %gt3A_2025, %select_n3A_1982, %select_n3A_2029 : vector<16xi1>, vector<16xi32>
      %select_n3A_2031 = arith.select %gt3A_2025, %get3A_2024, %select_n3A_1981 : vector<16xi1>, vector<16xf32>
      %select_n3A_2032 = arith.select %gt3A_2025, %broadcast_in_dim3A_2020, %select_n3A_1982 : vector<16xi1>, vector<16xi32>
      %get3A_2033 = arith.constant 39 : i32
      %get3A_2034 = arith.index_cast %get3A_2033 : i32 to index
      %get3A_2035 = arith.index_cast %mul3A_59 : i32 to index
      %get3A_2036 = tpu.vector_load %arg5[%get3A_2034, %get3A_2035] {strides = array<i32>} : memref<64x256xf32, #tpu.memory_space<vmem>>, vector<16xf32>,
      %gt3A_2037 = arith.cmpf ogt, %get3A_2036, %select_n3A_1993 : vector<16xf32>
      %gt3A_2038 = arith.cmpf ogt, %get3A_2036, %select_n3A_1990 : vector<16xf32>
      %select_n3A_2039 = arith.select %gt3A_2038, %get3A_2036, %select_n3A_1990 : vector<16xi1>, vector<16xf32>
      %select_n3A_2040 = arith.select %gt3A_2037, %select_n3A_1993, %select_n3A_2039 : vector<16xi1>, vector<16xf32>
      %select_n3A_2041 = arith.select %gt3A_2038, %broadcast_in_dim3A_2020, %select_n3A_1992 : vector<16xi1>, vector<16xi32>
      %select_n3A_2042 = arith.select %gt3A_2037, %select_n3A_1994, %select_n3A_2041 : vector<16xi1>, vector<16xi32>
      %select_n3A_2043 = arith.select %gt3A_2037, %get3A_2036, %select_n3A_1993 : vector<16xi1>, vector<16xf32>
      %select_n3A_2044 = arith.select %gt3A_2037, %broadcast_in_dim3A_2020, %select_n3A_1994 : vector<16xi1>, vector<16xi32>
      %get3A_2045 = arith.constant 39 : i32
      %get3A_2046 = arith.index_cast %get3A_2045 : i32 to index
      %get3A_2047 = arith.index_cast %mul3A_65 : i32 to index
      %get3A_2048 = tpu.vector_load %arg5[%get3A_2046, %get3A_2047] {strides = array<i32>} : memref<64x256xf32, #tpu.memory_space<vmem>>, vector<16xf32>,
      %gt3A_2049 = arith.cmpf ogt, %get3A_2048, %select_n3A_2005 : vector<16xf32>
      %gt3A_2050 = arith.cmpf ogt, %get3A_2048, %select_n3A_2002 : vector<16xf32>
      %select_n3A_2051 = arith.select %gt3A_2050, %get3A_2048, %select_n3A_2002 : vector<16xi1>, vector<16xf32>
      %select_n3A_2052 = arith.select %gt3A_2049, %select_n3A_2005, %select_n3A_2051 : vector<16xi1>, vector<16xf32>
      %select_n3A_2053 = arith.select %gt3A_2050, %broadcast_in_dim3A_2020, %select_n3A_2004 : vector<16xi1>, vector<16xi32>
      %select_n3A_2054 = arith.select %gt3A_2049, %select_n3A_2006, %select_n3A_2053 : vector<16xi1>, vector<16xi32>
      %select_n3A_2055 = arith.select %gt3A_2049, %get3A_2048, %select_n3A_2005 : vector<16xi1>, vector<16xf32>
      %select_n3A_2056 = arith.select %gt3A_2049, %broadcast_in_dim3A_2020, %select_n3A_2006 : vector<16xi1>, vector<16xi32>
      %get3A_2057 = arith.constant 39 : i32
      %get3A_2058 = arith.index_cast %get3A_2057 : i32 to index
      %get3A_2059 = arith.index_cast %mul3A_71 : i32 to index
      %get3A_2060 = tpu.vector_load %arg5[%get3A_2058, %get3A_2059] {strides = array<i32>} : memref<64x256xf32, #tpu.memory_space<vmem>>, vector<16xf32>,
      %gt3A_2061 = arith.cmpf ogt, %get3A_2060, %select_n3A_2017 : vector<16xf32>
      %gt3A_2062 = arith.cmpf ogt, %get3A_2060, %select_n3A_2014 : vector<16xf32>
      %select_n3A_2063 = arith.select %gt3A_2062, %get3A_2060, %select_n3A_2014 : vector<16xi1>, vector<16xf32>
      %select_n3A_2064 = arith.select %gt3A_2061, %select_n3A_2017, %select_n3A_2063 : vector<16xi1>, vector<16xf32>
      %select_n3A_2065 = arith.select %gt3A_2062, %broadcast_in_dim3A_2020, %select_n3A_2016 : vector<16xi1>, vector<16xi32>
      %select_n3A_2066 = arith.select %gt3A_2061, %select_n3A_2018, %select_n3A_2065 : vector<16xi1>, vector<16xi32>
      %select_n3A_2067 = arith.select %gt3A_2061, %get3A_2060, %select_n3A_2017 : vector<16xi1>, vector<16xf32>
      %select_n3A_2068 = arith.select %gt3A_2061, %broadcast_in_dim3A_2020, %select_n3A_2018 : vector<16xi1>, vector<16xi32>
      %broadcast_in_dim3A_2069 = arith.constant 40 : i32
      %broadcast_in_dim3A_2070 = vector.broadcast %broadcast_in_dim3A_2069 : i32 to vector<16xi32>
      %get3A_2071 = arith.constant 40 : i32
      %get3A_2072 = arith.index_cast %get3A_2071 : i32 to index
      %get3A_2073 = arith.index_cast %mul3A_53 : i32 to index
      %get3A_2074 = tpu.vector_load %arg5[%get3A_2072, %get3A_2073] {strides = array<i32>} : memref<64x256xf32, #tpu.memory_space<vmem>>, vector<16xf32>,
      %gt3A_2075 = arith.cmpf ogt, %get3A_2074, %select_n3A_2031 : vector<16xf32>
      %gt3A_2076 = arith.cmpf ogt, %get3A_2074, %select_n3A_2028 : vector<16xf32>
      %select_n3A_2077 = arith.select %gt3A_2076, %get3A_2074, %select_n3A_2028 : vector<16xi1>, vector<16xf32>
      %select_n3A_2078 = arith.select %gt3A_2075, %select_n3A_2031, %select_n3A_2077 : vector<16xi1>, vector<16xf32>
      %select_n3A_2079 = arith.select %gt3A_2076, %broadcast_in_dim3A_2070, %select_n3A_2030 : vector<16xi1>, vector<16xi32>
      %select_n3A_2080 = arith.select %gt3A_2075, %select_n3A_2032, %select_n3A_2079 : vector<16xi1>, vector<16xi32>
      %select_n3A_2081 = arith.select %gt3A_2075, %get3A_2074, %select_n3A_2031 : vector<16xi1>, vector<16xf32>
      %select_n3A_2082 = arith.select %gt3A_2075, %broadcast_in_dim3A_2070, %select_n3A_2032 : vector<16xi1>, vector<16xi32>
      %get3A_2083 = arith.constant 40 : i32
      %get3A_2084 = arith.index_cast %get3A_2083 : i32 to index
      %get3A_2085 = arith.index_cast %mul3A_59 : i32 to index
      %get3A_2086 = tpu.vector_load %arg5[%get3A_2084, %get3A_2085] {strides = array<i32>} : memref<64x256xf32, #tpu.memory_space<vmem>>, vector<16xf32>,
      %gt3A_2087 = arith.cmpf ogt, %get3A_2086, %select_n3A_2043 : vector<16xf32>
      %gt3A_2088 = arith.cmpf ogt, %get3A_2086, %select_n3A_2040 : vector<16xf32>
      %select_n3A_2089 = arith.select %gt3A_2088, %get3A_2086, %select_n3A_2040 : vector<16xi1>, vector<16xf32>
      %select_n3A_2090 = arith.select %gt3A_2087, %select_n3A_2043, %select_n3A_2089 : vector<16xi1>, vector<16xf32>
      %select_n3A_2091 = arith.select %gt3A_2088, %broadcast_in_dim3A_2070, %select_n3A_2042 : vector<16xi1>, vector<16xi32>
      %select_n3A_2092 = arith.select %gt3A_2087, %select_n3A_2044, %select_n3A_2091 : vector<16xi1>, vector<16xi32>
      %select_n3A_2093 = arith.select %gt3A_2087, %get3A_2086, %select_n3A_2043 : vector<16xi1>, vector<16xf32>
      %select_n3A_2094 = arith.select %gt3A_2087, %broadcast_in_dim3A_2070, %select_n3A_2044 : vector<16xi1>, vector<16xi32>
      %get3A_2095 = arith.constant 40 : i32
      %get3A_2096 = arith.index_cast %get3A_2095 : i32 to index
      %get3A_2097 = arith.index_cast %mul3A_65 : i32 to index
      %get3A_2098 = tpu.vector_load %arg5[%get3A_2096, %get3A_2097] {strides = array<i32>} : memref<64x256xf32, #tpu.memory_space<vmem>>, vector<16xf32>,
      %gt3A_2099 = arith.cmpf ogt, %get3A_2098, %select_n3A_2055 : vector<16xf32>
      %gt3A_2100 = arith.cmpf ogt, %get3A_2098, %select_n3A_2052 : vector<16xf32>
      %select_n3A_2101 = arith.select %gt3A_2100, %get3A_2098, %select_n3A_2052 : vector<16xi1>, vector<16xf32>
      %select_n3A_2102 = arith.select %gt3A_2099, %select_n3A_2055, %select_n3A_2101 : vector<16xi1>, vector<16xf32>
      %select_n3A_2103 = arith.select %gt3A_2100, %broadcast_in_dim3A_2070, %select_n3A_2054 : vector<16xi1>, vector<16xi32>
      %select_n3A_2104 = arith.select %gt3A_2099, %select_n3A_2056, %select_n3A_2103 : vector<16xi1>, vector<16xi32>
      %select_n3A_2105 = arith.select %gt3A_2099, %get3A_2098, %select_n3A_2055 : vector<16xi1>, vector<16xf32>
      %select_n3A_2106 = arith.select %gt3A_2099, %broadcast_in_dim3A_2070, %select_n3A_2056 : vector<16xi1>, vector<16xi32>
      %get3A_2107 = arith.constant 40 : i32
      %get3A_2108 = arith.index_cast %get3A_2107 : i32 to index
      %get3A_2109 = arith.index_cast %mul3A_71 : i32 to index
      %get3A_2110 = tpu.vector_load %arg5[%get3A_2108, %get3A_2109] {strides = array<i32>} : memref<64x256xf32, #tpu.memory_space<vmem>>, vector<16xf32>,
      %gt3A_2111 = arith.cmpf ogt, %get3A_2110, %select_n3A_2067 : vector<16xf32>
      %gt3A_2112 = arith.cmpf ogt, %get3A_2110, %select_n3A_2064 : vector<16xf32>
      %select_n3A_2113 = arith.select %gt3A_2112, %get3A_2110, %select_n3A_2064 : vector<16xi1>, vector<16xf32>
      %select_n3A_2114 = arith.select %gt3A_2111, %select_n3A_2067, %select_n3A_2113 : vector<16xi1>, vector<16xf32>
      %select_n3A_2115 = arith.select %gt3A_2112, %broadcast_in_dim3A_2070, %select_n3A_2066 : vector<16xi1>, vector<16xi32>
      %select_n3A_2116 = arith.select %gt3A_2111, %select_n3A_2068, %select_n3A_2115 : vector<16xi1>, vector<16xi32>
      %select_n3A_2117 = arith.select %gt3A_2111, %get3A_2110, %select_n3A_2067 : vector<16xi1>, vector<16xf32>
      %select_n3A_2118 = arith.select %gt3A_2111, %broadcast_in_dim3A_2070, %select_n3A_2068 : vector<16xi1>, vector<16xi32>
      %broadcast_in_dim3A_2119 = arith.constant 41 : i32
      %broadcast_in_dim3A_2120 = vector.broadcast %broadcast_in_dim3A_2119 : i32 to vector<16xi32>
      %get3A_2121 = arith.constant 41 : i32
      %get3A_2122 = arith.index_cast %get3A_2121 : i32 to index
      %get3A_2123 = arith.index_cast %mul3A_53 : i32 to index
      %get3A_2124 = tpu.vector_load %arg5[%get3A_2122, %get3A_2123] {strides = array<i32>} : memref<64x256xf32, #tpu.memory_space<vmem>>, vector<16xf32>,
      %gt3A_2125 = arith.cmpf ogt, %get3A_2124, %select_n3A_2081 : vector<16xf32>
      %gt3A_2126 = arith.cmpf ogt, %get3A_2124, %select_n3A_2078 : vector<16xf32>
      %select_n3A_2127 = arith.select %gt3A_2126, %get3A_2124, %select_n3A_2078 : vector<16xi1>, vector<16xf32>
      %select_n3A_2128 = arith.select %gt3A_2125, %select_n3A_2081, %select_n3A_2127 : vector<16xi1>, vector<16xf32>
      %select_n3A_2129 = arith.select %gt3A_2126, %broadcast_in_dim3A_2120, %select_n3A_2080 : vector<16xi1>, vector<16xi32>
      %select_n3A_2130 = arith.select %gt3A_2125, %select_n3A_2082, %select_n3A_2129 : vector<16xi1>, vector<16xi32>
      %select_n3A_2131 = arith.select %gt3A_2125, %get3A_2124, %select_n3A_2081 : vector<16xi1>, vector<16xf32>
      %select_n3A_2132 = arith.select %gt3A_2125, %broadcast_in_dim3A_2120, %select_n3A_2082 : vector<16xi1>, vector<16xi32>
      %get3A_2133 = arith.constant 41 : i32
      %get3A_2134 = arith.index_cast %get3A_2133 : i32 to index
      %get3A_2135 = arith.index_cast %mul3A_59 : i32 to index
      %get3A_2136 = tpu.vector_load %arg5[%get3A_2134, %get3A_2135] {strides = array<i32>} : memref<64x256xf32, #tpu.memory_space<vmem>>, vector<16xf32>,
      %gt3A_2137 = arith.cmpf ogt, %get3A_2136, %select_n3A_2093 : vector<16xf32>
      %gt3A_2138 = arith.cmpf ogt, %get3A_2136, %select_n3A_2090 : vector<16xf32>
      %select_n3A_2139 = arith.select %gt3A_2138, %get3A_2136, %select_n3A_2090 : vector<16xi1>, vector<16xf32>
      %select_n3A_2140 = arith.select %gt3A_2137, %select_n3A_2093, %select_n3A_2139 : vector<16xi1>, vector<16xf32>
      %select_n3A_2141 = arith.select %gt3A_2138, %broadcast_in_dim3A_2120, %select_n3A_2092 : vector<16xi1>, vector<16xi32>
      %select_n3A_2142 = arith.select %gt3A_2137, %select_n3A_2094, %select_n3A_2141 : vector<16xi1>, vector<16xi32>
      %select_n3A_2143 = arith.select %gt3A_2137, %get3A_2136, %select_n3A_2093 : vector<16xi1>, vector<16xf32>
      %select_n3A_2144 = arith.select %gt3A_2137, %broadcast_in_dim3A_2120, %select_n3A_2094 : vector<16xi1>, vector<16xi32>
      %get3A_2145 = arith.constant 41 : i32
      %get3A_2146 = arith.index_cast %get3A_2145 : i32 to index
      %get3A_2147 = arith.index_cast %mul3A_65 : i32 to index
      %get3A_2148 = tpu.vector_load %arg5[%get3A_2146, %get3A_2147] {strides = array<i32>} : memref<64x256xf32, #tpu.memory_space<vmem>>, vector<16xf32>,
      %gt3A_2149 = arith.cmpf ogt, %get3A_2148, %select_n3A_2105 : vector<16xf32>
      %gt3A_2150 = arith.cmpf ogt, %get3A_2148, %select_n3A_2102 : vector<16xf32>
      %select_n3A_2151 = arith.select %gt3A_2150, %get3A_2148, %select_n3A_2102 : vector<16xi1>, vector<16xf32>
      %select_n3A_2152 = arith.select %gt3A_2149, %select_n3A_2105, %select_n3A_2151 : vector<16xi1>, vector<16xf32>
      %select_n3A_2153 = arith.select %gt3A_2150, %broadcast_in_dim3A_2120, %select_n3A_2104 : vector<16xi1>, vector<16xi32>
      %select_n3A_2154 = arith.select %gt3A_2149, %select_n3A_2106, %select_n3A_2153 : vector<16xi1>, vector<16xi32>
      %select_n3A_2155 = arith.select %gt3A_2149, %get3A_2148, %select_n3A_2105 : vector<16xi1>, vector<16xf32>
      %select_n3A_2156 = arith.select %gt3A_2149, %broadcast_in_dim3A_2120, %select_n3A_2106 : vector<16xi1>, vector<16xi32>
      %get3A_2157 = arith.constant 41 : i32
      %get3A_2158 = arith.index_cast %get3A_2157 : i32 to index
      %get3A_2159 = arith.index_cast %mul3A_71 : i32 to index
      %get3A_2160 = tpu.vector_load %arg5[%get3A_2158, %get3A_2159] {strides = array<i32>} : memref<64x256xf32, #tpu.memory_space<vmem>>, vector<16xf32>,
      %gt3A_2161 = arith.cmpf ogt, %get3A_2160, %select_n3A_2117 : vector<16xf32>
      %gt3A_2162 = arith.cmpf ogt, %get3A_2160, %select_n3A_2114 : vector<16xf32>
      %select_n3A_2163 = arith.select %gt3A_2162, %get3A_2160, %select_n3A_2114 : vector<16xi1>, vector<16xf32>
      %select_n3A_2164 = arith.select %gt3A_2161, %select_n3A_2117, %select_n3A_2163 : vector<16xi1>, vector<16xf32>
      %select_n3A_2165 = arith.select %gt3A_2162, %broadcast_in_dim3A_2120, %select_n3A_2116 : vector<16xi1>, vector<16xi32>
      %select_n3A_2166 = arith.select %gt3A_2161, %select_n3A_2118, %select_n3A_2165 : vector<16xi1>, vector<16xi32>
      %select_n3A_2167 = arith.select %gt3A_2161, %get3A_2160, %select_n3A_2117 : vector<16xi1>, vector<16xf32>
      %select_n3A_2168 = arith.select %gt3A_2161, %broadcast_in_dim3A_2120, %select_n3A_2118 : vector<16xi1>, vector<16xi32>
      %broadcast_in_dim3A_2169 = arith.constant 42 : i32
      %broadcast_in_dim3A_2170 = vector.broadcast %broadcast_in_dim3A_2169 : i32 to vector<16xi32>
      %get3A_2171 = arith.constant 42 : i32
      %get3A_2172 = arith.index_cast %get3A_2171 : i32 to index
      %get3A_2173 = arith.index_cast %mul3A_53 : i32 to index
      %get3A_2174 = tpu.vector_load %arg5[%get3A_2172, %get3A_2173] {strides = array<i32>} : memref<64x256xf32, #tpu.memory_space<vmem>>, vector<16xf32>,
      %gt3A_2175 = arith.cmpf ogt, %get3A_2174, %select_n3A_2131 : vector<16xf32>
      %gt3A_2176 = arith.cmpf ogt, %get3A_2174, %select_n3A_2128 : vector<16xf32>
      %select_n3A_2177 = arith.select %gt3A_2176, %get3A_2174, %select_n3A_2128 : vector<16xi1>, vector<16xf32>
      %select_n3A_2178 = arith.select %gt3A_2175, %select_n3A_2131, %select_n3A_2177 : vector<16xi1>, vector<16xf32>
      %select_n3A_2179 = arith.select %gt3A_2176, %broadcast_in_dim3A_2170, %select_n3A_2130 : vector<16xi1>, vector<16xi32>
      %select_n3A_2180 = arith.select %gt3A_2175, %select_n3A_2132, %select_n3A_2179 : vector<16xi1>, vector<16xi32>
      %select_n3A_2181 = arith.select %gt3A_2175, %get3A_2174, %select_n3A_2131 : vector<16xi1>, vector<16xf32>
      %select_n3A_2182 = arith.select %gt3A_2175, %broadcast_in_dim3A_2170, %select_n3A_2132 : vector<16xi1>, vector<16xi32>
      %get3A_2183 = arith.constant 42 : i32
      %get3A_2184 = arith.index_cast %get3A_2183 : i32 to index
      %get3A_2185 = arith.index_cast %mul3A_59 : i32 to index
      %get3A_2186 = tpu.vector_load %arg5[%get3A_2184, %get3A_2185] {strides = array<i32>} : memref<64x256xf32, #tpu.memory_space<vmem>>, vector<16xf32>,
      %gt3A_2187 = arith.cmpf ogt, %get3A_2186, %select_n3A_2143 : vector<16xf32>
      %gt3A_2188 = arith.cmpf ogt, %get3A_2186, %select_n3A_2140 : vector<16xf32>
      %select_n3A_2189 = arith.select %gt3A_2188, %get3A_2186, %select_n3A_2140 : vector<16xi1>, vector<16xf32>
      %select_n3A_2190 = arith.select %gt3A_2187, %select_n3A_2143, %select_n3A_2189 : vector<16xi1>, vector<16xf32>
      %select_n3A_2191 = arith.select %gt3A_2188, %broadcast_in_dim3A_2170, %select_n3A_2142 : vector<16xi1>, vector<16xi32>
      %select_n3A_2192 = arith.select %gt3A_2187, %select_n3A_2144, %select_n3A_2191 : vector<16xi1>, vector<16xi32>
      %select_n3A_2193 = arith.select %gt3A_2187, %get3A_2186, %select_n3A_2143 : vector<16xi1>, vector<16xf32>
      %select_n3A_2194 = arith.select %gt3A_2187, %broadcast_in_dim3A_2170, %select_n3A_2144 : vector<16xi1>, vector<16xi32>
      %get3A_2195 = arith.constant 42 : i32
      %get3A_2196 = arith.index_cast %get3A_2195 : i32 to index
      %get3A_2197 = arith.index_cast %mul3A_65 : i32 to index
      %get3A_2198 = tpu.vector_load %arg5[%get3A_2196, %get3A_2197] {strides = array<i32>} : memref<64x256xf32, #tpu.memory_space<vmem>>, vector<16xf32>,
      %gt3A_2199 = arith.cmpf ogt, %get3A_2198, %select_n3A_2155 : vector<16xf32>
      %gt3A_2200 = arith.cmpf ogt, %get3A_2198, %select_n3A_2152 : vector<16xf32>
      %select_n3A_2201 = arith.select %gt3A_2200, %get3A_2198, %select_n3A_2152 : vector<16xi1>, vector<16xf32>
      %select_n3A_2202 = arith.select %gt3A_2199, %select_n3A_2155, %select_n3A_2201 : vector<16xi1>, vector<16xf32>
      %select_n3A_2203 = arith.select %gt3A_2200, %broadcast_in_dim3A_2170, %select_n3A_2154 : vector<16xi1>, vector<16xi32>
      %select_n3A_2204 = arith.select %gt3A_2199, %select_n3A_2156, %select_n3A_2203 : vector<16xi1>, vector<16xi32>
      %select_n3A_2205 = arith.select %gt3A_2199, %get3A_2198, %select_n3A_2155 : vector<16xi1>, vector<16xf32>
      %select_n3A_2206 = arith.select %gt3A_2199, %broadcast_in_dim3A_2170, %select_n3A_2156 : vector<16xi1>, vector<16xi32>
      %get3A_2207 = arith.constant 42 : i32
      %get3A_2208 = arith.index_cast %get3A_2207 : i32 to index
      %get3A_2209 = arith.index_cast %mul3A_71 : i32 to index
      %get3A_2210 = tpu.vector_load %arg5[%get3A_2208, %get3A_2209] {strides = array<i32>} : memref<64x256xf32, #tpu.memory_space<vmem>>, vector<16xf32>,
      %gt3A_2211 = arith.cmpf ogt, %get3A_2210, %select_n3A_2167 : vector<16xf32>
      %gt3A_2212 = arith.cmpf ogt, %get3A_2210, %select_n3A_2164 : vector<16xf32>
      %select_n3A_2213 = arith.select %gt3A_2212, %get3A_2210, %select_n3A_2164 : vector<16xi1>, vector<16xf32>
      %select_n3A_2214 = arith.select %gt3A_2211, %select_n3A_2167, %select_n3A_2213 : vector<16xi1>, vector<16xf32>
      %select_n3A_2215 = arith.select %gt3A_2212, %broadcast_in_dim3A_2170, %select_n3A_2166 : vector<16xi1>, vector<16xi32>
      %select_n3A_2216 = arith.select %gt3A_2211, %select_n3A_2168, %select_n3A_2215 : vector<16xi1>, vector<16xi32>
      %select_n3A_2217 = arith.select %gt3A_2211, %get3A_2210, %select_n3A_2167 : vector<16xi1>, vector<16xf32>
      %select_n3A_2218 = arith.select %gt3A_2211, %broadcast_in_dim3A_2170, %select_n3A_2168 : vector<16xi1>, vector<16xi32>
      %broadcast_in_dim3A_2219 = arith.constant 43 : i32
      %broadcast_in_dim3A_2220 = vector.broadcast %broadcast_in_dim3A_2219 : i32 to vector<16xi32>
      %get3A_2221 = arith.constant 43 : i32
      %get3A_2222 = arith.index_cast %get3A_2221 : i32 to index
      %get3A_2223 = arith.index_cast %mul3A_53 : i32 to index
      %get3A_2224 = tpu.vector_load %arg5[%get3A_2222, %get3A_2223] {strides = array<i32>} : memref<64x256xf32, #tpu.memory_space<vmem>>, vector<16xf32>,
      %gt3A_2225 = arith.cmpf ogt, %get3A_2224, %select_n3A_2181 : vector<16xf32>
      %gt3A_2226 = arith.cmpf ogt, %get3A_2224, %select_n3A_2178 : vector<16xf32>
      %select_n3A_2227 = arith.select %gt3A_2226, %get3A_2224, %select_n3A_2178 : vector<16xi1>, vector<16xf32>
      %select_n3A_2228 = arith.select %gt3A_2225, %select_n3A_2181, %select_n3A_2227 : vector<16xi1>, vector<16xf32>
      %select_n3A_2229 = arith.select %gt3A_2226, %broadcast_in_dim3A_2220, %select_n3A_2180 : vector<16xi1>, vector<16xi32>
      %select_n3A_2230 = arith.select %gt3A_2225, %select_n3A_2182, %select_n3A_2229 : vector<16xi1>, vector<16xi32>
      %select_n3A_2231 = arith.select %gt3A_2225, %get3A_2224, %select_n3A_2181 : vector<16xi1>, vector<16xf32>
      %select_n3A_2232 = arith.select %gt3A_2225, %broadcast_in_dim3A_2220, %select_n3A_2182 : vector<16xi1>, vector<16xi32>
      %get3A_2233 = arith.constant 43 : i32
      %get3A_2234 = arith.index_cast %get3A_2233 : i32 to index
      %get3A_2235 = arith.index_cast %mul3A_59 : i32 to index
      %get3A_2236 = tpu.vector_load %arg5[%get3A_2234, %get3A_2235] {strides = array<i32>} : memref<64x256xf32, #tpu.memory_space<vmem>>, vector<16xf32>,
      %gt3A_2237 = arith.cmpf ogt, %get3A_2236, %select_n3A_2193 : vector<16xf32>
      %gt3A_2238 = arith.cmpf ogt, %get3A_2236, %select_n3A_2190 : vector<16xf32>
      %select_n3A_2239 = arith.select %gt3A_2238, %get3A_2236, %select_n3A_2190 : vector<16xi1>, vector<16xf32>
      %select_n3A_2240 = arith.select %gt3A_2237, %select_n3A_2193, %select_n3A_2239 : vector<16xi1>, vector<16xf32>
      %select_n3A_2241 = arith.select %gt3A_2238, %broadcast_in_dim3A_2220, %select_n3A_2192 : vector<16xi1>, vector<16xi32>
      %select_n3A_2242 = arith.select %gt3A_2237, %select_n3A_2194, %select_n3A_2241 : vector<16xi1>, vector<16xi32>
      %select_n3A_2243 = arith.select %gt3A_2237, %get3A_2236, %select_n3A_2193 : vector<16xi1>, vector<16xf32>
      %select_n3A_2244 = arith.select %gt3A_2237, %broadcast_in_dim3A_2220, %select_n3A_2194 : vector<16xi1>, vector<16xi32>
      %get3A_2245 = arith.constant 43 : i32
      %get3A_2246 = arith.index_cast %get3A_2245 : i32 to index
      %get3A_2247 = arith.index_cast %mul3A_65 : i32 to index
      %get3A_2248 = tpu.vector_load %arg5[%get3A_2246, %get3A_2247] {strides = array<i32>} : memref<64x256xf32, #tpu.memory_space<vmem>>, vector<16xf32>,
      %gt3A_2249 = arith.cmpf ogt, %get3A_2248, %select_n3A_2205 : vector<16xf32>
      %gt3A_2250 = arith.cmpf ogt, %get3A_2248, %select_n3A_2202 : vector<16xf32>
      %select_n3A_2251 = arith.select %gt3A_2250, %get3A_2248, %select_n3A_2202 : vector<16xi1>, vector<16xf32>
      %select_n3A_2252 = arith.select %gt3A_2249, %select_n3A_2205, %select_n3A_2251 : vector<16xi1>, vector<16xf32>
      %select_n3A_2253 = arith.select %gt3A_2250, %broadcast_in_dim3A_2220, %select_n3A_2204 : vector<16xi1>, vector<16xi32>
      %select_n3A_2254 = arith.select %gt3A_2249, %select_n3A_2206, %select_n3A_2253 : vector<16xi1>, vector<16xi32>
      %select_n3A_2255 = arith.select %gt3A_2249, %get3A_2248, %select_n3A_2205 : vector<16xi1>, vector<16xf32>
      %select_n3A_2256 = arith.select %gt3A_2249, %broadcast_in_dim3A_2220, %select_n3A_2206 : vector<16xi1>, vector<16xi32>
      %get3A_2257 = arith.constant 43 : i32
      %get3A_2258 = arith.index_cast %get3A_2257 : i32 to index
      %get3A_2259 = arith.index_cast %mul3A_71 : i32 to index
      %get3A_2260 = tpu.vector_load %arg5[%get3A_2258, %get3A_2259] {strides = array<i32>} : memref<64x256xf32, #tpu.memory_space<vmem>>, vector<16xf32>,
      %gt3A_2261 = arith.cmpf ogt, %get3A_2260, %select_n3A_2217 : vector<16xf32>
      %gt3A_2262 = arith.cmpf ogt, %get3A_2260, %select_n3A_2214 : vector<16xf32>
      %select_n3A_2263 = arith.select %gt3A_2262, %get3A_2260, %select_n3A_2214 : vector<16xi1>, vector<16xf32>
      %select_n3A_2264 = arith.select %gt3A_2261, %select_n3A_2217, %select_n3A_2263 : vector<16xi1>, vector<16xf32>
      %select_n3A_2265 = arith.select %gt3A_2262, %broadcast_in_dim3A_2220, %select_n3A_2216 : vector<16xi1>, vector<16xi32>
      %select_n3A_2266 = arith.select %gt3A_2261, %select_n3A_2218, %select_n3A_2265 : vector<16xi1>, vector<16xi32>
      %select_n3A_2267 = arith.select %gt3A_2261, %get3A_2260, %select_n3A_2217 : vector<16xi1>, vector<16xf32>
      %select_n3A_2268 = arith.select %gt3A_2261, %broadcast_in_dim3A_2220, %select_n3A_2218 : vector<16xi1>, vector<16xi32>
      %broadcast_in_dim3A_2269 = arith.constant 44 : i32
      %broadcast_in_dim3A_2270 = vector.broadcast %broadcast_in_dim3A_2269 : i32 to vector<16xi32>
      %get3A_2271 = arith.constant 44 : i32
      %get3A_2272 = arith.index_cast %get3A_2271 : i32 to index
      %get3A_2273 = arith.index_cast %mul3A_53 : i32 to index
      %get3A_2274 = tpu.vector_load %arg5[%get3A_2272, %get3A_2273] {strides = array<i32>} : memref<64x256xf32, #tpu.memory_space<vmem>>, vector<16xf32>,
      %gt3A_2275 = arith.cmpf ogt, %get3A_2274, %select_n3A_2231 : vector<16xf32>
      %gt3A_2276 = arith.cmpf ogt, %get3A_2274, %select_n3A_2228 : vector<16xf32>
      %select_n3A_2277 = arith.select %gt3A_2276, %get3A_2274, %select_n3A_2228 : vector<16xi1>, vector<16xf32>
      %select_n3A_2278 = arith.select %gt3A_2275, %select_n3A_2231, %select_n3A_2277 : vector<16xi1>, vector<16xf32>
      %select_n3A_2279 = arith.select %gt3A_2276, %broadcast_in_dim3A_2270, %select_n3A_2230 : vector<16xi1>, vector<16xi32>
      %select_n3A_2280 = arith.select %gt3A_2275, %select_n3A_2232, %select_n3A_2279 : vector<16xi1>, vector<16xi32>
      %select_n3A_2281 = arith.select %gt3A_2275, %get3A_2274, %select_n3A_2231 : vector<16xi1>, vector<16xf32>
      %select_n3A_2282 = arith.select %gt3A_2275, %broadcast_in_dim3A_2270, %select_n3A_2232 : vector<16xi1>, vector<16xi32>
      %get3A_2283 = arith.constant 44 : i32
      %get3A_2284 = arith.index_cast %get3A_2283 : i32 to index
      %get3A_2285 = arith.index_cast %mul3A_59 : i32 to index
      %get3A_2286 = tpu.vector_load %arg5[%get3A_2284, %get3A_2285] {strides = array<i32>} : memref<64x256xf32, #tpu.memory_space<vmem>>, vector<16xf32>,
      %gt3A_2287 = arith.cmpf ogt, %get3A_2286, %select_n3A_2243 : vector<16xf32>
      %gt3A_2288 = arith.cmpf ogt, %get3A_2286, %select_n3A_2240 : vector<16xf32>
      %select_n3A_2289 = arith.select %gt3A_2288, %get3A_2286, %select_n3A_2240 : vector<16xi1>, vector<16xf32>
      %select_n3A_2290 = arith.select %gt3A_2287, %select_n3A_2243, %select_n3A_2289 : vector<16xi1>, vector<16xf32>
      %select_n3A_2291 = arith.select %gt3A_2288, %broadcast_in_dim3A_2270, %select_n3A_2242 : vector<16xi1>, vector<16xi32>
      %select_n3A_2292 = arith.select %gt3A_2287, %select_n3A_2244, %select_n3A_2291 : vector<16xi1>, vector<16xi32>
      %select_n3A_2293 = arith.select %gt3A_2287, %get3A_2286, %select_n3A_2243 : vector<16xi1>, vector<16xf32>
      %select_n3A_2294 = arith.select %gt3A_2287, %broadcast_in_dim3A_2270, %select_n3A_2244 : vector<16xi1>, vector<16xi32>
      %get3A_2295 = arith.constant 44 : i32
      %get3A_2296 = arith.index_cast %get3A_2295 : i32 to index
      %get3A_2297 = arith.index_cast %mul3A_65 : i32 to index
      %get3A_2298 = tpu.vector_load %arg5[%get3A_2296, %get3A_2297] {strides = array<i32>} : memref<64x256xf32, #tpu.memory_space<vmem>>, vector<16xf32>,
      %gt3A_2299 = arith.cmpf ogt, %get3A_2298, %select_n3A_2255 : vector<16xf32>
      %gt3A_2300 = arith.cmpf ogt, %get3A_2298, %select_n3A_2252 : vector<16xf32>
      %select_n3A_2301 = arith.select %gt3A_2300, %get3A_2298, %select_n3A_2252 : vector<16xi1>, vector<16xf32>
      %select_n3A_2302 = arith.select %gt3A_2299, %select_n3A_2255, %select_n3A_2301 : vector<16xi1>, vector<16xf32>
      %select_n3A_2303 = arith.select %gt3A_2300, %broadcast_in_dim3A_2270, %select_n3A_2254 : vector<16xi1>, vector<16xi32>
      %select_n3A_2304 = arith.select %gt3A_2299, %select_n3A_2256, %select_n3A_2303 : vector<16xi1>, vector<16xi32>
      %select_n3A_2305 = arith.select %gt3A_2299, %get3A_2298, %select_n3A_2255 : vector<16xi1>, vector<16xf32>
      %select_n3A_2306 = arith.select %gt3A_2299, %broadcast_in_dim3A_2270, %select_n3A_2256 : vector<16xi1>, vector<16xi32>
      %get3A_2307 = arith.constant 44 : i32
      %get3A_2308 = arith.index_cast %get3A_2307 : i32 to index
      %get3A_2309 = arith.index_cast %mul3A_71 : i32 to index
      %get3A_2310 = tpu.vector_load %arg5[%get3A_2308, %get3A_2309] {strides = array<i32>} : memref<64x256xf32, #tpu.memory_space<vmem>>, vector<16xf32>,
      %gt3A_2311 = arith.cmpf ogt, %get3A_2310, %select_n3A_2267 : vector<16xf32>
      %gt3A_2312 = arith.cmpf ogt, %get3A_2310, %select_n3A_2264 : vector<16xf32>
      %select_n3A_2313 = arith.select %gt3A_2312, %get3A_2310, %select_n3A_2264 : vector<16xi1>, vector<16xf32>
      %select_n3A_2314 = arith.select %gt3A_2311, %select_n3A_2267, %select_n3A_2313 : vector<16xi1>, vector<16xf32>
      %select_n3A_2315 = arith.select %gt3A_2312, %broadcast_in_dim3A_2270, %select_n3A_2266 : vector<16xi1>, vector<16xi32>
      %select_n3A_2316 = arith.select %gt3A_2311, %select_n3A_2268, %select_n3A_2315 : vector<16xi1>, vector<16xi32>
      %select_n3A_2317 = arith.select %gt3A_2311, %get3A_2310, %select_n3A_2267 : vector<16xi1>, vector<16xf32>
      %select_n3A_2318 = arith.select %gt3A_2311, %broadcast_in_dim3A_2270, %select_n3A_2268 : vector<16xi1>, vector<16xi32>
      %broadcast_in_dim3A_2319 = arith.constant 45 : i32
      %broadcast_in_dim3A_2320 = vector.broadcast %broadcast_in_dim3A_2319 : i32 to vector<16xi32>
      %get3A_2321 = arith.constant 45 : i32
      %get3A_2322 = arith.index_cast %get3A_2321 : i32 to index
      %get3A_2323 = arith.index_cast %mul3A_53 : i32 to index
      %get3A_2324 = tpu.vector_load %arg5[%get3A_2322, %get3A_2323] {strides = array<i32>} : memref<64x256xf32, #tpu.memory_space<vmem>>, vector<16xf32>,
      %gt3A_2325 = arith.cmpf ogt, %get3A_2324, %select_n3A_2281 : vector<16xf32>
      %gt3A_2326 = arith.cmpf ogt, %get3A_2324, %select_n3A_2278 : vector<16xf32>
      %select_n3A_2327 = arith.select %gt3A_2326, %get3A_2324, %select_n3A_2278 : vector<16xi1>, vector<16xf32>
      %select_n3A_2328 = arith.select %gt3A_2325, %select_n3A_2281, %select_n3A_2327 : vector<16xi1>, vector<16xf32>
      %select_n3A_2329 = arith.select %gt3A_2326, %broadcast_in_dim3A_2320, %select_n3A_2280 : vector<16xi1>, vector<16xi32>
      %select_n3A_2330 = arith.select %gt3A_2325, %select_n3A_2282, %select_n3A_2329 : vector<16xi1>, vector<16xi32>
      %select_n3A_2331 = arith.select %gt3A_2325, %get3A_2324, %select_n3A_2281 : vector<16xi1>, vector<16xf32>
      %select_n3A_2332 = arith.select %gt3A_2325, %broadcast_in_dim3A_2320, %select_n3A_2282 : vector<16xi1>, vector<16xi32>
      %get3A_2333 = arith.constant 45 : i32
      %get3A_2334 = arith.index_cast %get3A_2333 : i32 to index
      %get3A_2335 = arith.index_cast %mul3A_59 : i32 to index
      %get3A_2336 = tpu.vector_load %arg5[%get3A_2334, %get3A_2335] {strides = array<i32>} : memref<64x256xf32, #tpu.memory_space<vmem>>, vector<16xf32>,
      %gt3A_2337 = arith.cmpf ogt, %get3A_2336, %select_n3A_2293 : vector<16xf32>
      %gt3A_2338 = arith.cmpf ogt, %get3A_2336, %select_n3A_2290 : vector<16xf32>
      %select_n3A_2339 = arith.select %gt3A_2338, %get3A_2336, %select_n3A_2290 : vector<16xi1>, vector<16xf32>
      %select_n3A_2340 = arith.select %gt3A_2337, %select_n3A_2293, %select_n3A_2339 : vector<16xi1>, vector<16xf32>
      %select_n3A_2341 = arith.select %gt3A_2338, %broadcast_in_dim3A_2320, %select_n3A_2292 : vector<16xi1>, vector<16xi32>
      %select_n3A_2342 = arith.select %gt3A_2337, %select_n3A_2294, %select_n3A_2341 : vector<16xi1>, vector<16xi32>
      %select_n3A_2343 = arith.select %gt3A_2337, %get3A_2336, %select_n3A_2293 : vector<16xi1>, vector<16xf32>
      %select_n3A_2344 = arith.select %gt3A_2337, %broadcast_in_dim3A_2320, %select_n3A_2294 : vector<16xi1>, vector<16xi32>
      %get3A_2345 = arith.constant 45 : i32
      %get3A_2346 = arith.index_cast %get3A_2345 : i32 to index
      %get3A_2347 = arith.index_cast %mul3A_65 : i32 to index
      %get3A_2348 = tpu.vector_load %arg5[%get3A_2346, %get3A_2347] {strides = array<i32>} : memref<64x256xf32, #tpu.memory_space<vmem>>, vector<16xf32>,
      %gt3A_2349 = arith.cmpf ogt, %get3A_2348, %select_n3A_2305 : vector<16xf32>
      %gt3A_2350 = arith.cmpf ogt, %get3A_2348, %select_n3A_2302 : vector<16xf32>
      %select_n3A_2351 = arith.select %gt3A_2350, %get3A_2348, %select_n3A_2302 : vector<16xi1>, vector<16xf32>
      %select_n3A_2352 = arith.select %gt3A_2349, %select_n3A_2305, %select_n3A_2351 : vector<16xi1>, vector<16xf32>
      %select_n3A_2353 = arith.select %gt3A_2350, %broadcast_in_dim3A_2320, %select_n3A_2304 : vector<16xi1>, vector<16xi32>
      %select_n3A_2354 = arith.select %gt3A_2349, %select_n3A_2306, %select_n3A_2353 : vector<16xi1>, vector<16xi32>
      %select_n3A_2355 = arith.select %gt3A_2349, %get3A_2348, %select_n3A_2305 : vector<16xi1>, vector<16xf32>
      %select_n3A_2356 = arith.select %gt3A_2349, %broadcast_in_dim3A_2320, %select_n3A_2306 : vector<16xi1>, vector<16xi32>
      %get3A_2357 = arith.constant 45 : i32
      %get3A_2358 = arith.index_cast %get3A_2357 : i32 to index
      %get3A_2359 = arith.index_cast %mul3A_71 : i32 to index
      %get3A_2360 = tpu.vector_load %arg5[%get3A_2358, %get3A_2359] {strides = array<i32>} : memref<64x256xf32, #tpu.memory_space<vmem>>, vector<16xf32>,
      %gt3A_2361 = arith.cmpf ogt, %get3A_2360, %select_n3A_2317 : vector<16xf32>
      %gt3A_2362 = arith.cmpf ogt, %get3A_2360, %select_n3A_2314 : vector<16xf32>
      %select_n3A_2363 = arith.select %gt3A_2362, %get3A_2360, %select_n3A_2314 : vector<16xi1>, vector<16xf32>
      %select_n3A_2364 = arith.select %gt3A_2361, %select_n3A_2317, %select_n3A_2363 : vector<16xi1>, vector<16xf32>
      %select_n3A_2365 = arith.select %gt3A_2362, %broadcast_in_dim3A_2320, %select_n3A_2316 : vector<16xi1>, vector<16xi32>
      %select_n3A_2366 = arith.select %gt3A_2361, %select_n3A_2318, %select_n3A_2365 : vector<16xi1>, vector<16xi32>
      %select_n3A_2367 = arith.select %gt3A_2361, %get3A_2360, %select_n3A_2317 : vector<16xi1>, vector<16xf32>
      %select_n3A_2368 = arith.select %gt3A_2361, %broadcast_in_dim3A_2320, %select_n3A_2318 : vector<16xi1>, vector<16xi32>
      %broadcast_in_dim3A_2369 = arith.constant 46 : i32
      %broadcast_in_dim3A_2370 = vector.broadcast %broadcast_in_dim3A_2369 : i32 to vector<16xi32>
      %get3A_2371 = arith.constant 46 : i32
      %get3A_2372 = arith.index_cast %get3A_2371 : i32 to index
      %get3A_2373 = arith.index_cast %mul3A_53 : i32 to index
      %get3A_2374 = tpu.vector_load %arg5[%get3A_2372, %get3A_2373] {strides = array<i32>} : memref<64x256xf32, #tpu.memory_space<vmem>>, vector<16xf32>,
      %gt3A_2375 = arith.cmpf ogt, %get3A_2374, %select_n3A_2331 : vector<16xf32>
      %gt3A_2376 = arith.cmpf ogt, %get3A_2374, %select_n3A_2328 : vector<16xf32>
      %select_n3A_2377 = arith.select %gt3A_2376, %get3A_2374, %select_n3A_2328 : vector<16xi1>, vector<16xf32>
      %select_n3A_2378 = arith.select %gt3A_2375, %select_n3A_2331, %select_n3A_2377 : vector<16xi1>, vector<16xf32>
      %select_n3A_2379 = arith.select %gt3A_2376, %broadcast_in_dim3A_2370, %select_n3A_2330 : vector<16xi1>, vector<16xi32>
      %select_n3A_2380 = arith.select %gt3A_2375, %select_n3A_2332, %select_n3A_2379 : vector<16xi1>, vector<16xi32>
      %select_n3A_2381 = arith.select %gt3A_2375, %get3A_2374, %select_n3A_2331 : vector<16xi1>, vector<16xf32>
      %select_n3A_2382 = arith.select %gt3A_2375, %broadcast_in_dim3A_2370, %select_n3A_2332 : vector<16xi1>, vector<16xi32>
      %get3A_2383 = arith.constant 46 : i32
      %get3A_2384 = arith.index_cast %get3A_2383 : i32 to index
      %get3A_2385 = arith.index_cast %mul3A_59 : i32 to index
      %get3A_2386 = tpu.vector_load %arg5[%get3A_2384, %get3A_2385] {strides = array<i32>} : memref<64x256xf32, #tpu.memory_space<vmem>>, vector<16xf32>,
      %gt3A_2387 = arith.cmpf ogt, %get3A_2386, %select_n3A_2343 : vector<16xf32>
      %gt3A_2388 = arith.cmpf ogt, %get3A_2386, %select_n3A_2340 : vector<16xf32>
      %select_n3A_2389 = arith.select %gt3A_2388, %get3A_2386, %select_n3A_2340 : vector<16xi1>, vector<16xf32>
      %select_n3A_2390 = arith.select %gt3A_2387, %select_n3A_2343, %select_n3A_2389 : vector<16xi1>, vector<16xf32>
      %select_n3A_2391 = arith.select %gt3A_2388, %broadcast_in_dim3A_2370, %select_n3A_2342 : vector<16xi1>, vector<16xi32>
      %select_n3A_2392 = arith.select %gt3A_2387, %select_n3A_2344, %select_n3A_2391 : vector<16xi1>, vector<16xi32>
      %select_n3A_2393 = arith.select %gt3A_2387, %get3A_2386, %select_n3A_2343 : vector<16xi1>, vector<16xf32>
      %select_n3A_2394 = arith.select %gt3A_2387, %broadcast_in_dim3A_2370, %select_n3A_2344 : vector<16xi1>, vector<16xi32>
      %get3A_2395 = arith.constant 46 : i32
      %get3A_2396 = arith.index_cast %get3A_2395 : i32 to index
      %get3A_2397 = arith.index_cast %mul3A_65 : i32 to index
      %get3A_2398 = tpu.vector_load %arg5[%get3A_2396, %get3A_2397] {strides = array<i32>} : memref<64x256xf32, #tpu.memory_space<vmem>>, vector<16xf32>,
      %gt3A_2399 = arith.cmpf ogt, %get3A_2398, %select_n3A_2355 : vector<16xf32>
      %gt3A_2400 = arith.cmpf ogt, %get3A_2398, %select_n3A_2352 : vector<16xf32>
      %select_n3A_2401 = arith.select %gt3A_2400, %get3A_2398, %select_n3A_2352 : vector<16xi1>, vector<16xf32>
      %select_n3A_2402 = arith.select %gt3A_2399, %select_n3A_2355, %select_n3A_2401 : vector<16xi1>, vector<16xf32>
      %select_n3A_2403 = arith.select %gt3A_2400, %broadcast_in_dim3A_2370, %select_n3A_2354 : vector<16xi1>, vector<16xi32>
      %select_n3A_2404 = arith.select %gt3A_2399, %select_n3A_2356, %select_n3A_2403 : vector<16xi1>, vector<16xi32>
      %select_n3A_2405 = arith.select %gt3A_2399, %get3A_2398, %select_n3A_2355 : vector<16xi1>, vector<16xf32>
      %select_n3A_2406 = arith.select %gt3A_2399, %broadcast_in_dim3A_2370, %select_n3A_2356 : vector<16xi1>, vector<16xi32>
      %get3A_2407 = arith.constant 46 : i32
      %get3A_2408 = arith.index_cast %get3A_2407 : i32 to index
      %get3A_2409 = arith.index_cast %mul3A_71 : i32 to index
      %get3A_2410 = tpu.vector_load %arg5[%get3A_2408, %get3A_2409] {strides = array<i32>} : memref<64x256xf32, #tpu.memory_space<vmem>>, vector<16xf32>,
      %gt3A_2411 = arith.cmpf ogt, %get3A_2410, %select_n3A_2367 : vector<16xf32>
      %gt3A_2412 = arith.cmpf ogt, %get3A_2410, %select_n3A_2364 : vector<16xf32>
      %select_n3A_2413 = arith.select %gt3A_2412, %get3A_2410, %select_n3A_2364 : vector<16xi1>, vector<16xf32>
      %select_n3A_2414 = arith.select %gt3A_2411, %select_n3A_2367, %select_n3A_2413 : vector<16xi1>, vector<16xf32>
      %select_n3A_2415 = arith.select %gt3A_2412, %broadcast_in_dim3A_2370, %select_n3A_2366 : vector<16xi1>, vector<16xi32>
      %select_n3A_2416 = arith.select %gt3A_2411, %select_n3A_2368, %select_n3A_2415 : vector<16xi1>, vector<16xi32>
      %select_n3A_2417 = arith.select %gt3A_2411, %get3A_2410, %select_n3A_2367 : vector<16xi1>, vector<16xf32>
      %select_n3A_2418 = arith.select %gt3A_2411, %broadcast_in_dim3A_2370, %select_n3A_2368 : vector<16xi1>, vector<16xi32>
      %broadcast_in_dim3A_2419 = arith.constant 47 : i32
      %broadcast_in_dim3A_2420 = vector.broadcast %broadcast_in_dim3A_2419 : i32 to vector<16xi32>
      %get3A_2421 = arith.constant 47 : i32
      %get3A_2422 = arith.index_cast %get3A_2421 : i32 to index
      %get3A_2423 = arith.index_cast %mul3A_53 : i32 to index
      %get3A_2424 = tpu.vector_load %arg5[%get3A_2422, %get3A_2423] {strides = array<i32>} : memref<64x256xf32, #tpu.memory_space<vmem>>, vector<16xf32>,
      %gt3A_2425 = arith.cmpf ogt, %get3A_2424, %select_n3A_2381 : vector<16xf32>
      %gt3A_2426 = arith.cmpf ogt, %get3A_2424, %select_n3A_2378 : vector<16xf32>
      %select_n3A_2427 = arith.select %gt3A_2426, %get3A_2424, %select_n3A_2378 : vector<16xi1>, vector<16xf32>
      %select_n3A_2428 = arith.select %gt3A_2425, %select_n3A_2381, %select_n3A_2427 : vector<16xi1>, vector<16xf32>
      %select_n3A_2429 = arith.select %gt3A_2426, %broadcast_in_dim3A_2420, %select_n3A_2380 : vector<16xi1>, vector<16xi32>
      %select_n3A_2430 = arith.select %gt3A_2425, %select_n3A_2382, %select_n3A_2429 : vector<16xi1>, vector<16xi32>
      %select_n3A_2431 = arith.select %gt3A_2425, %get3A_2424, %select_n3A_2381 : vector<16xi1>, vector<16xf32>
      %select_n3A_2432 = arith.select %gt3A_2425, %broadcast_in_dim3A_2420, %select_n3A_2382 : vector<16xi1>, vector<16xi32>
      %get3A_2433 = arith.constant 47 : i32
      %get3A_2434 = arith.index_cast %get3A_2433 : i32 to index
      %get3A_2435 = arith.index_cast %mul3A_59 : i32 to index
      %get3A_2436 = tpu.vector_load %arg5[%get3A_2434, %get3A_2435] {strides = array<i32>} : memref<64x256xf32, #tpu.memory_space<vmem>>, vector<16xf32>,
      %gt3A_2437 = arith.cmpf ogt, %get3A_2436, %select_n3A_2393 : vector<16xf32>
      %gt3A_2438 = arith.cmpf ogt, %get3A_2436, %select_n3A_2390 : vector<16xf32>
      %select_n3A_2439 = arith.select %gt3A_2438, %get3A_2436, %select_n3A_2390 : vector<16xi1>, vector<16xf32>
      %select_n3A_2440 = arith.select %gt3A_2437, %select_n3A_2393, %select_n3A_2439 : vector<16xi1>, vector<16xf32>
      %select_n3A_2441 = arith.select %gt3A_2438, %broadcast_in_dim3A_2420, %select_n3A_2392 : vector<16xi1>, vector<16xi32>
      %select_n3A_2442 = arith.select %gt3A_2437, %select_n3A_2394, %select_n3A_2441 : vector<16xi1>, vector<16xi32>
      %select_n3A_2443 = arith.select %gt3A_2437, %get3A_2436, %select_n3A_2393 : vector<16xi1>, vector<16xf32>
      %select_n3A_2444 = arith.select %gt3A_2437, %broadcast_in_dim3A_2420, %select_n3A_2394 : vector<16xi1>, vector<16xi32>
      %get3A_2445 = arith.constant 47 : i32
      %get3A_2446 = arith.index_cast %get3A_2445 : i32 to index
      %get3A_2447 = arith.index_cast %mul3A_65 : i32 to index
      %get3A_2448 = tpu.vector_load %arg5[%get3A_2446, %get3A_2447] {strides = array<i32>} : memref<64x256xf32, #tpu.memory_space<vmem>>, vector<16xf32>,
      %gt3A_2449 = arith.cmpf ogt, %get3A_2448, %select_n3A_2405 : vector<16xf32>
      %gt3A_2450 = arith.cmpf ogt, %get3A_2448, %select_n3A_2402 : vector<16xf32>
      %select_n3A_2451 = arith.select %gt3A_2450, %get3A_2448, %select_n3A_2402 : vector<16xi1>, vector<16xf32>
      %select_n3A_2452 = arith.select %gt3A_2449, %select_n3A_2405, %select_n3A_2451 : vector<16xi1>, vector<16xf32>
      %select_n3A_2453 = arith.select %gt3A_2450, %broadcast_in_dim3A_2420, %select_n3A_2404 : vector<16xi1>, vector<16xi32>
      %select_n3A_2454 = arith.select %gt3A_2449, %select_n3A_2406, %select_n3A_2453 : vector<16xi1>, vector<16xi32>
      %select_n3A_2455 = arith.select %gt3A_2449, %get3A_2448, %select_n3A_2405 : vector<16xi1>, vector<16xf32>
      %select_n3A_2456 = arith.select %gt3A_2449, %broadcast_in_dim3A_2420, %select_n3A_2406 : vector<16xi1>, vector<16xi32>
      %get3A_2457 = arith.constant 47 : i32
      %get3A_2458 = arith.index_cast %get3A_2457 : i32 to index
      %get3A_2459 = arith.index_cast %mul3A_71 : i32 to index
      %get3A_2460 = tpu.vector_load %arg5[%get3A_2458, %get3A_2459] {strides = array<i32>} : memref<64x256xf32, #tpu.memory_space<vmem>>, vector<16xf32>,
      %gt3A_2461 = arith.cmpf ogt, %get3A_2460, %select_n3A_2417 : vector<16xf32>
      %gt3A_2462 = arith.cmpf ogt, %get3A_2460, %select_n3A_2414 : vector<16xf32>
      %select_n3A_2463 = arith.select %gt3A_2462, %get3A_2460, %select_n3A_2414 : vector<16xi1>, vector<16xf32>
      %select_n3A_2464 = arith.select %gt3A_2461, %select_n3A_2417, %select_n3A_2463 : vector<16xi1>, vector<16xf32>
      %select_n3A_2465 = arith.select %gt3A_2462, %broadcast_in_dim3A_2420, %select_n3A_2416 : vector<16xi1>, vector<16xi32>
      %select_n3A_2466 = arith.select %gt3A_2461, %select_n3A_2418, %select_n3A_2465 : vector<16xi1>, vector<16xi32>
      %select_n3A_2467 = arith.select %gt3A_2461, %get3A_2460, %select_n3A_2417 : vector<16xi1>, vector<16xf32>
      %select_n3A_2468 = arith.select %gt3A_2461, %broadcast_in_dim3A_2420, %select_n3A_2418 : vector<16xi1>, vector<16xi32>
      %broadcast_in_dim3A_2469 = arith.constant 48 : i32
      %broadcast_in_dim3A_2470 = vector.broadcast %broadcast_in_dim3A_2469 : i32 to vector<16xi32>
      %get3A_2471 = arith.constant 48 : i32
      %get3A_2472 = arith.index_cast %get3A_2471 : i32 to index
      %get3A_2473 = arith.index_cast %mul3A_53 : i32 to index
      %get3A_2474 = tpu.vector_load %arg5[%get3A_2472, %get3A_2473] {strides = array<i32>} : memref<64x256xf32, #tpu.memory_space<vmem>>, vector<16xf32>,
      %gt3A_2475 = arith.cmpf ogt, %get3A_2474, %select_n3A_2431 : vector<16xf32>
      %gt3A_2476 = arith.cmpf ogt, %get3A_2474, %select_n3A_2428 : vector<16xf32>
      %select_n3A_2477 = arith.select %gt3A_2476, %get3A_2474, %select_n3A_2428 : vector<16xi1>, vector<16xf32>
      %select_n3A_2478 = arith.select %gt3A_2475, %select_n3A_2431, %select_n3A_2477 : vector<16xi1>, vector<16xf32>
      %select_n3A_2479 = arith.select %gt3A_2476, %broadcast_in_dim3A_2470, %select_n3A_2430 : vector<16xi1>, vector<16xi32>
      %select_n3A_2480 = arith.select %gt3A_2475, %select_n3A_2432, %select_n3A_2479 : vector<16xi1>, vector<16xi32>
      %select_n3A_2481 = arith.select %gt3A_2475, %get3A_2474, %select_n3A_2431 : vector<16xi1>, vector<16xf32>
      %select_n3A_2482 = arith.select %gt3A_2475, %broadcast_in_dim3A_2470, %select_n3A_2432 : vector<16xi1>, vector<16xi32>
      %get3A_2483 = arith.constant 48 : i32
      %get3A_2484 = arith.index_cast %get3A_2483 : i32 to index
      %get3A_2485 = arith.index_cast %mul3A_59 : i32 to index
      %get3A_2486 = tpu.vector_load %arg5[%get3A_2484, %get3A_2485] {strides = array<i32>} : memref<64x256xf32, #tpu.memory_space<vmem>>, vector<16xf32>,
      %gt3A_2487 = arith.cmpf ogt, %get3A_2486, %select_n3A_2443 : vector<16xf32>
      %gt3A_2488 = arith.cmpf ogt, %get3A_2486, %select_n3A_2440 : vector<16xf32>
      %select_n3A_2489 = arith.select %gt3A_2488, %get3A_2486, %select_n3A_2440 : vector<16xi1>, vector<16xf32>
      %select_n3A_2490 = arith.select %gt3A_2487, %select_n3A_2443, %select_n3A_2489 : vector<16xi1>, vector<16xf32>
      %select_n3A_2491 = arith.select %gt3A_2488, %broadcast_in_dim3A_2470, %select_n3A_2442 : vector<16xi1>, vector<16xi32>
      %select_n3A_2492 = arith.select %gt3A_2487, %select_n3A_2444, %select_n3A_2491 : vector<16xi1>, vector<16xi32>
      %select_n3A_2493 = arith.select %gt3A_2487, %get3A_2486, %select_n3A_2443 : vector<16xi1>, vector<16xf32>
      %select_n3A_2494 = arith.select %gt3A_2487, %broadcast_in_dim3A_2470, %select_n3A_2444 : vector<16xi1>, vector<16xi32>
      %get3A_2495 = arith.constant 48 : i32
      %get3A_2496 = arith.index_cast %get3A_2495 : i32 to index
      %get3A_2497 = arith.index_cast %mul3A_65 : i32 to index
      %get3A_2498 = tpu.vector_load %arg5[%get3A_2496, %get3A_2497] {strides = array<i32>} : memref<64x256xf32, #tpu.memory_space<vmem>>, vector<16xf32>,
      %gt3A_2499 = arith.cmpf ogt, %get3A_2498, %select_n3A_2455 : vector<16xf32>
      %gt3A_2500 = arith.cmpf ogt, %get3A_2498, %select_n3A_2452 : vector<16xf32>
      %select_n3A_2501 = arith.select %gt3A_2500, %get3A_2498, %select_n3A_2452 : vector<16xi1>, vector<16xf32>
      %select_n3A_2502 = arith.select %gt3A_2499, %select_n3A_2455, %select_n3A_2501 : vector<16xi1>, vector<16xf32>
      %select_n3A_2503 = arith.select %gt3A_2500, %broadcast_in_dim3A_2470, %select_n3A_2454 : vector<16xi1>, vector<16xi32>
      %select_n3A_2504 = arith.select %gt3A_2499, %select_n3A_2456, %select_n3A_2503 : vector<16xi1>, vector<16xi32>
      %select_n3A_2505 = arith.select %gt3A_2499, %get3A_2498, %select_n3A_2455 : vector<16xi1>, vector<16xf32>
      %select_n3A_2506 = arith.select %gt3A_2499, %broadcast_in_dim3A_2470, %select_n3A_2456 : vector<16xi1>, vector<16xi32>
      %get3A_2507 = arith.constant 48 : i32
      %get3A_2508 = arith.index_cast %get3A_2507 : i32 to index
      %get3A_2509 = arith.index_cast %mul3A_71 : i32 to index
      %get3A_2510 = tpu.vector_load %arg5[%get3A_2508, %get3A_2509] {strides = array<i32>} : memref<64x256xf32, #tpu.memory_space<vmem>>, vector<16xf32>,
      %gt3A_2511 = arith.cmpf ogt, %get3A_2510, %select_n3A_2467 : vector<16xf32>
      %gt3A_2512 = arith.cmpf ogt, %get3A_2510, %select_n3A_2464 : vector<16xf32>
      %select_n3A_2513 = arith.select %gt3A_2512, %get3A_2510, %select_n3A_2464 : vector<16xi1>, vector<16xf32>
      %select_n3A_2514 = arith.select %gt3A_2511, %select_n3A_2467, %select_n3A_2513 : vector<16xi1>, vector<16xf32>
      %select_n3A_2515 = arith.select %gt3A_2512, %broadcast_in_dim3A_2470, %select_n3A_2466 : vector<16xi1>, vector<16xi32>
      %select_n3A_2516 = arith.select %gt3A_2511, %select_n3A_2468, %select_n3A_2515 : vector<16xi1>, vector<16xi32>
      %select_n3A_2517 = arith.select %gt3A_2511, %get3A_2510, %select_n3A_2467 : vector<16xi1>, vector<16xf32>
      %select_n3A_2518 = arith.select %gt3A_2511, %broadcast_in_dim3A_2470, %select_n3A_2468 : vector<16xi1>, vector<16xi32>
      %broadcast_in_dim3A_2519 = arith.constant 49 : i32
      %broadcast_in_dim3A_2520 = vector.broadcast %broadcast_in_dim3A_2519 : i32 to vector<16xi32>
      %get3A_2521 = arith.constant 49 : i32
      %get3A_2522 = arith.index_cast %get3A_2521 : i32 to index
      %get3A_2523 = arith.index_cast %mul3A_53 : i32 to index
      %get3A_2524 = tpu.vector_load %arg5[%get3A_2522, %get3A_2523] {strides = array<i32>} : memref<64x256xf32, #tpu.memory_space<vmem>>, vector<16xf32>,
      %gt3A_2525 = arith.cmpf ogt, %get3A_2524, %select_n3A_2481 : vector<16xf32>
      %gt3A_2526 = arith.cmpf ogt, %get3A_2524, %select_n3A_2478 : vector<16xf32>
      %select_n3A_2527 = arith.select %gt3A_2526, %get3A_2524, %select_n3A_2478 : vector<16xi1>, vector<16xf32>
      %select_n3A_2528 = arith.select %gt3A_2525, %select_n3A_2481, %select_n3A_2527 : vector<16xi1>, vector<16xf32>
      %select_n3A_2529 = arith.select %gt3A_2526, %broadcast_in_dim3A_2520, %select_n3A_2480 : vector<16xi1>, vector<16xi32>
      %select_n3A_2530 = arith.select %gt3A_2525, %select_n3A_2482, %select_n3A_2529 : vector<16xi1>, vector<16xi32>
      %select_n3A_2531 = arith.select %gt3A_2525, %get3A_2524, %select_n3A_2481 : vector<16xi1>, vector<16xf32>
      %select_n3A_2532 = arith.select %gt3A_2525, %broadcast_in_dim3A_2520, %select_n3A_2482 : vector<16xi1>, vector<16xi32>
      %get3A_2533 = arith.constant 49 : i32
      %get3A_2534 = arith.index_cast %get3A_2533 : i32 to index
      %get3A_2535 = arith.index_cast %mul3A_59 : i32 to index
      %get3A_2536 = tpu.vector_load %arg5[%get3A_2534, %get3A_2535] {strides = array<i32>} : memref<64x256xf32, #tpu.memory_space<vmem>>, vector<16xf32>,
      %gt3A_2537 = arith.cmpf ogt, %get3A_2536, %select_n3A_2493 : vector<16xf32>
      %gt3A_2538 = arith.cmpf ogt, %get3A_2536, %select_n3A_2490 : vector<16xf32>
      %select_n3A_2539 = arith.select %gt3A_2538, %get3A_2536, %select_n3A_2490 : vector<16xi1>, vector<16xf32>
      %select_n3A_2540 = arith.select %gt3A_2537, %select_n3A_2493, %select_n3A_2539 : vector<16xi1>, vector<16xf32>
      %select_n3A_2541 = arith.select %gt3A_2538, %broadcast_in_dim3A_2520, %select_n3A_2492 : vector<16xi1>, vector<16xi32>
      %select_n3A_2542 = arith.select %gt3A_2537, %select_n3A_2494, %select_n3A_2541 : vector<16xi1>, vector<16xi32>
      %select_n3A_2543 = arith.select %gt3A_2537, %get3A_2536, %select_n3A_2493 : vector<16xi1>, vector<16xf32>
      %select_n3A_2544 = arith.select %gt3A_2537, %broadcast_in_dim3A_2520, %select_n3A_2494 : vector<16xi1>, vector<16xi32>
      %get3A_2545 = arith.constant 49 : i32
      %get3A_2546 = arith.index_cast %get3A_2545 : i32 to index
      %get3A_2547 = arith.index_cast %mul3A_65 : i32 to index
      %get3A_2548 = tpu.vector_load %arg5[%get3A_2546, %get3A_2547] {strides = array<i32>} : memref<64x256xf32, #tpu.memory_space<vmem>>, vector<16xf32>,
      %gt3A_2549 = arith.cmpf ogt, %get3A_2548, %select_n3A_2505 : vector<16xf32>
      %gt3A_2550 = arith.cmpf ogt, %get3A_2548, %select_n3A_2502 : vector<16xf32>
      %select_n3A_2551 = arith.select %gt3A_2550, %get3A_2548, %select_n3A_2502 : vector<16xi1>, vector<16xf32>
      %select_n3A_2552 = arith.select %gt3A_2549, %select_n3A_2505, %select_n3A_2551 : vector<16xi1>, vector<16xf32>
      %select_n3A_2553 = arith.select %gt3A_2550, %broadcast_in_dim3A_2520, %select_n3A_2504 : vector<16xi1>, vector<16xi32>
      %select_n3A_2554 = arith.select %gt3A_2549, %select_n3A_2506, %select_n3A_2553 : vector<16xi1>, vector<16xi32>
      %select_n3A_2555 = arith.select %gt3A_2549, %get3A_2548, %select_n3A_2505 : vector<16xi1>, vector<16xf32>
      %select_n3A_2556 = arith.select %gt3A_2549, %broadcast_in_dim3A_2520, %select_n3A_2506 : vector<16xi1>, vector<16xi32>
      %get3A_2557 = arith.constant 49 : i32
      %get3A_2558 = arith.index_cast %get3A_2557 : i32 to index
      %get3A_2559 = arith.index_cast %mul3A_71 : i32 to index
      %get3A_2560 = tpu.vector_load %arg5[%get3A_2558, %get3A_2559] {strides = array<i32>} : memref<64x256xf32, #tpu.memory_space<vmem>>, vector<16xf32>,
      %gt3A_2561 = arith.cmpf ogt, %get3A_2560, %select_n3A_2517 : vector<16xf32>
      %gt3A_2562 = arith.cmpf ogt, %get3A_2560, %select_n3A_2514 : vector<16xf32>
      %select_n3A_2563 = arith.select %gt3A_2562, %get3A_2560, %select_n3A_2514 : vector<16xi1>, vector<16xf32>
      %select_n3A_2564 = arith.select %gt3A_2561, %select_n3A_2517, %select_n3A_2563 : vector<16xi1>, vector<16xf32>
      %select_n3A_2565 = arith.select %gt3A_2562, %broadcast_in_dim3A_2520, %select_n3A_2516 : vector<16xi1>, vector<16xi32>
      %select_n3A_2566 = arith.select %gt3A_2561, %select_n3A_2518, %select_n3A_2565 : vector<16xi1>, vector<16xi32>
      %select_n3A_2567 = arith.select %gt3A_2561, %get3A_2560, %select_n3A_2517 : vector<16xi1>, vector<16xf32>
      %select_n3A_2568 = arith.select %gt3A_2561, %broadcast_in_dim3A_2520, %select_n3A_2518 : vector<16xi1>, vector<16xi32>
      %broadcast_in_dim3A_2569 = arith.constant 50 : i32
      %broadcast_in_dim3A_2570 = vector.broadcast %broadcast_in_dim3A_2569 : i32 to vector<16xi32>
      %get3A_2571 = arith.constant 50 : i32
      %get3A_2572 = arith.index_cast %get3A_2571 : i32 to index
      %get3A_2573 = arith.index_cast %mul3A_53 : i32 to index
      %get3A_2574 = tpu.vector_load %arg5[%get3A_2572, %get3A_2573] {strides = array<i32>} : memref<64x256xf32, #tpu.memory_space<vmem>>, vector<16xf32>,
      %gt3A_2575 = arith.cmpf ogt, %get3A_2574, %select_n3A_2531 : vector<16xf32>
      %gt3A_2576 = arith.cmpf ogt, %get3A_2574, %select_n3A_2528 : vector<16xf32>
      %select_n3A_2577 = arith.select %gt3A_2576, %get3A_2574, %select_n3A_2528 : vector<16xi1>, vector<16xf32>
      %select_n3A_2578 = arith.select %gt3A_2575, %select_n3A_2531, %select_n3A_2577 : vector<16xi1>, vector<16xf32>
      %select_n3A_2579 = arith.select %gt3A_2576, %broadcast_in_dim3A_2570, %select_n3A_2530 : vector<16xi1>, vector<16xi32>
      %select_n3A_2580 = arith.select %gt3A_2575, %select_n3A_2532, %select_n3A_2579 : vector<16xi1>, vector<16xi32>
      %select_n3A_2581 = arith.select %gt3A_2575, %get3A_2574, %select_n3A_2531 : vector<16xi1>, vector<16xf32>
      %select_n3A_2582 = arith.select %gt3A_2575, %broadcast_in_dim3A_2570, %select_n3A_2532 : vector<16xi1>, vector<16xi32>
      %get3A_2583 = arith.constant 50 : i32
      %get3A_2584 = arith.index_cast %get3A_2583 : i32 to index
      %get3A_2585 = arith.index_cast %mul3A_59 : i32 to index
      %get3A_2586 = tpu.vector_load %arg5[%get3A_2584, %get3A_2585] {strides = array<i32>} : memref<64x256xf32, #tpu.memory_space<vmem>>, vector<16xf32>,
      %gt3A_2587 = arith.cmpf ogt, %get3A_2586, %select_n3A_2543 : vector<16xf32>
      %gt3A_2588 = arith.cmpf ogt, %get3A_2586, %select_n3A_2540 : vector<16xf32>
      %select_n3A_2589 = arith.select %gt3A_2588, %get3A_2586, %select_n3A_2540 : vector<16xi1>, vector<16xf32>
      %select_n3A_2590 = arith.select %gt3A_2587, %select_n3A_2543, %select_n3A_2589 : vector<16xi1>, vector<16xf32>
      %select_n3A_2591 = arith.select %gt3A_2588, %broadcast_in_dim3A_2570, %select_n3A_2542 : vector<16xi1>, vector<16xi32>
      %select_n3A_2592 = arith.select %gt3A_2587, %select_n3A_2544, %select_n3A_2591 : vector<16xi1>, vector<16xi32>
      %select_n3A_2593 = arith.select %gt3A_2587, %get3A_2586, %select_n3A_2543 : vector<16xi1>, vector<16xf32>
      %select_n3A_2594 = arith.select %gt3A_2587, %broadcast_in_dim3A_2570, %select_n3A_2544 : vector<16xi1>, vector<16xi32>
      %get3A_2595 = arith.constant 50 : i32
      %get3A_2596 = arith.index_cast %get3A_2595 : i32 to index
      %get3A_2597 = arith.index_cast %mul3A_65 : i32 to index
      %get3A_2598 = tpu.vector_load %arg5[%get3A_2596, %get3A_2597] {strides = array<i32>} : memref<64x256xf32, #tpu.memory_space<vmem>>, vector<16xf32>,
      %gt3A_2599 = arith.cmpf ogt, %get3A_2598, %select_n3A_2555 : vector<16xf32>
      %gt3A_2600 = arith.cmpf ogt, %get3A_2598, %select_n3A_2552 : vector<16xf32>
      %select_n3A_2601 = arith.select %gt3A_2600, %get3A_2598, %select_n3A_2552 : vector<16xi1>, vector<16xf32>
      %select_n3A_2602 = arith.select %gt3A_2599, %select_n3A_2555, %select_n3A_2601 : vector<16xi1>, vector<16xf32>
      %select_n3A_2603 = arith.select %gt3A_2600, %broadcast_in_dim3A_2570, %select_n3A_2554 : vector<16xi1>, vector<16xi32>
      %select_n3A_2604 = arith.select %gt3A_2599, %select_n3A_2556, %select_n3A_2603 : vector<16xi1>, vector<16xi32>
      %select_n3A_2605 = arith.select %gt3A_2599, %get3A_2598, %select_n3A_2555 : vector<16xi1>, vector<16xf32>
      %select_n3A_2606 = arith.select %gt3A_2599, %broadcast_in_dim3A_2570, %select_n3A_2556 : vector<16xi1>, vector<16xi32>
      %get3A_2607 = arith.constant 50 : i32
      %get3A_2608 = arith.index_cast %get3A_2607 : i32 to index
      %get3A_2609 = arith.index_cast %mul3A_71 : i32 to index
      %get3A_2610 = tpu.vector_load %arg5[%get3A_2608, %get3A_2609] {strides = array<i32>} : memref<64x256xf32, #tpu.memory_space<vmem>>, vector<16xf32>,
      %gt3A_2611 = arith.cmpf ogt, %get3A_2610, %select_n3A_2567 : vector<16xf32>
      %gt3A_2612 = arith.cmpf ogt, %get3A_2610, %select_n3A_2564 : vector<16xf32>
      %select_n3A_2613 = arith.select %gt3A_2612, %get3A_2610, %select_n3A_2564 : vector<16xi1>, vector<16xf32>
      %select_n3A_2614 = arith.select %gt3A_2611, %select_n3A_2567, %select_n3A_2613 : vector<16xi1>, vector<16xf32>
      %select_n3A_2615 = arith.select %gt3A_2612, %broadcast_in_dim3A_2570, %select_n3A_2566 : vector<16xi1>, vector<16xi32>
      %select_n3A_2616 = arith.select %gt3A_2611, %select_n3A_2568, %select_n3A_2615 : vector<16xi1>, vector<16xi32>
      %select_n3A_2617 = arith.select %gt3A_2611, %get3A_2610, %select_n3A_2567 : vector<16xi1>, vector<16xf32>
      %select_n3A_2618 = arith.select %gt3A_2611, %broadcast_in_dim3A_2570, %select_n3A_2568 : vector<16xi1>, vector<16xi32>
      %broadcast_in_dim3A_2619 = arith.constant 51 : i32
      %broadcast_in_dim3A_2620 = vector.broadcast %broadcast_in_dim3A_2619 : i32 to vector<16xi32>
      %get3A_2621 = arith.constant 51 : i32
      %get3A_2622 = arith.index_cast %get3A_2621 : i32 to index
      %get3A_2623 = arith.index_cast %mul3A_53 : i32 to index
      %get3A_2624 = tpu.vector_load %arg5[%get3A_2622, %get3A_2623] {strides = array<i32>} : memref<64x256xf32, #tpu.memory_space<vmem>>, vector<16xf32>,
      %gt3A_2625 = arith.cmpf ogt, %get3A_2624, %select_n3A_2581 : vector<16xf32>
      %gt3A_2626 = arith.cmpf ogt, %get3A_2624, %select_n3A_2578 : vector<16xf32>
      %select_n3A_2627 = arith.select %gt3A_2626, %get3A_2624, %select_n3A_2578 : vector<16xi1>, vector<16xf32>
      %select_n3A_2628 = arith.select %gt3A_2625, %select_n3A_2581, %select_n3A_2627 : vector<16xi1>, vector<16xf32>
      %select_n3A_2629 = arith.select %gt3A_2626, %broadcast_in_dim3A_2620, %select_n3A_2580 : vector<16xi1>, vector<16xi32>
      %select_n3A_2630 = arith.select %gt3A_2625, %select_n3A_2582, %select_n3A_2629 : vector<16xi1>, vector<16xi32>
      %select_n3A_2631 = arith.select %gt3A_2625, %get3A_2624, %select_n3A_2581 : vector<16xi1>, vector<16xf32>
      %select_n3A_2632 = arith.select %gt3A_2625, %broadcast_in_dim3A_2620, %select_n3A_2582 : vector<16xi1>, vector<16xi32>
      %get3A_2633 = arith.constant 51 : i32
      %get3A_2634 = arith.index_cast %get3A_2633 : i32 to index
      %get3A_2635 = arith.index_cast %mul3A_59 : i32 to index
      %get3A_2636 = tpu.vector_load %arg5[%get3A_2634, %get3A_2635] {strides = array<i32>} : memref<64x256xf32, #tpu.memory_space<vmem>>, vector<16xf32>,
      %gt3A_2637 = arith.cmpf ogt, %get3A_2636, %select_n3A_2593 : vector<16xf32>
      %gt3A_2638 = arith.cmpf ogt, %get3A_2636, %select_n3A_2590 : vector<16xf32>
      %select_n3A_2639 = arith.select %gt3A_2638, %get3A_2636, %select_n3A_2590 : vector<16xi1>, vector<16xf32>
      %select_n3A_2640 = arith.select %gt3A_2637, %select_n3A_2593, %select_n3A_2639 : vector<16xi1>, vector<16xf32>
      %select_n3A_2641 = arith.select %gt3A_2638, %broadcast_in_dim3A_2620, %select_n3A_2592 : vector<16xi1>, vector<16xi32>
      %select_n3A_2642 = arith.select %gt3A_2637, %select_n3A_2594, %select_n3A_2641 : vector<16xi1>, vector<16xi32>
      %select_n3A_2643 = arith.select %gt3A_2637, %get3A_2636, %select_n3A_2593 : vector<16xi1>, vector<16xf32>
      %select_n3A_2644 = arith.select %gt3A_2637, %broadcast_in_dim3A_2620, %select_n3A_2594 : vector<16xi1>, vector<16xi32>
      %get3A_2645 = arith.constant 51 : i32
      %get3A_2646 = arith.index_cast %get3A_2645 : i32 to index
      %get3A_2647 = arith.index_cast %mul3A_65 : i32 to index
      %get3A_2648 = tpu.vector_load %arg5[%get3A_2646, %get3A_2647] {strides = array<i32>} : memref<64x256xf32, #tpu.memory_space<vmem>>, vector<16xf32>,
      %gt3A_2649 = arith.cmpf ogt, %get3A_2648, %select_n3A_2605 : vector<16xf32>
      %gt3A_2650 = arith.cmpf ogt, %get3A_2648, %select_n3A_2602 : vector<16xf32>
      %select_n3A_2651 = arith.select %gt3A_2650, %get3A_2648, %select_n3A_2602 : vector<16xi1>, vector<16xf32>
      %select_n3A_2652 = arith.select %gt3A_2649, %select_n3A_2605, %select_n3A_2651 : vector<16xi1>, vector<16xf32>
      %select_n3A_2653 = arith.select %gt3A_2650, %broadcast_in_dim3A_2620, %select_n3A_2604 : vector<16xi1>, vector<16xi32>
      %select_n3A_2654 = arith.select %gt3A_2649, %select_n3A_2606, %select_n3A_2653 : vector<16xi1>, vector<16xi32>
      %select_n3A_2655 = arith.select %gt3A_2649, %get3A_2648, %select_n3A_2605 : vector<16xi1>, vector<16xf32>
      %select_n3A_2656 = arith.select %gt3A_2649, %broadcast_in_dim3A_2620, %select_n3A_2606 : vector<16xi1>, vector<16xi32>
      %get3A_2657 = arith.constant 51 : i32
      %get3A_2658 = arith.index_cast %get3A_2657 : i32 to index
      %get3A_2659 = arith.index_cast %mul3A_71 : i32 to index
      %get3A_2660 = tpu.vector_load %arg5[%get3A_2658, %get3A_2659] {strides = array<i32>} : memref<64x256xf32, #tpu.memory_space<vmem>>, vector<16xf32>,
      %gt3A_2661 = arith.cmpf ogt, %get3A_2660, %select_n3A_2617 : vector<16xf32>
      %gt3A_2662 = arith.cmpf ogt, %get3A_2660, %select_n3A_2614 : vector<16xf32>
      %select_n3A_2663 = arith.select %gt3A_2662, %get3A_2660, %select_n3A_2614 : vector<16xi1>, vector<16xf32>
      %select_n3A_2664 = arith.select %gt3A_2661, %select_n3A_2617, %select_n3A_2663 : vector<16xi1>, vector<16xf32>
      %select_n3A_2665 = arith.select %gt3A_2662, %broadcast_in_dim3A_2620, %select_n3A_2616 : vector<16xi1>, vector<16xi32>
      %select_n3A_2666 = arith.select %gt3A_2661, %select_n3A_2618, %select_n3A_2665 : vector<16xi1>, vector<16xi32>
      %select_n3A_2667 = arith.select %gt3A_2661, %get3A_2660, %select_n3A_2617 : vector<16xi1>, vector<16xf32>
      %select_n3A_2668 = arith.select %gt3A_2661, %broadcast_in_dim3A_2620, %select_n3A_2618 : vector<16xi1>, vector<16xi32>
      %broadcast_in_dim3A_2669 = arith.constant 52 : i32
      %broadcast_in_dim3A_2670 = vector.broadcast %broadcast_in_dim3A_2669 : i32 to vector<16xi32>
      %get3A_2671 = arith.constant 52 : i32
      %get3A_2672 = arith.index_cast %get3A_2671 : i32 to index
      %get3A_2673 = arith.index_cast %mul3A_53 : i32 to index
      %get3A_2674 = tpu.vector_load %arg5[%get3A_2672, %get3A_2673] {strides = array<i32>} : memref<64x256xf32, #tpu.memory_space<vmem>>, vector<16xf32>,
      %gt3A_2675 = arith.cmpf ogt, %get3A_2674, %select_n3A_2631 : vector<16xf32>
      %gt3A_2676 = arith.cmpf ogt, %get3A_2674, %select_n3A_2628 : vector<16xf32>
      %select_n3A_2677 = arith.select %gt3A_2676, %get3A_2674, %select_n3A_2628 : vector<16xi1>, vector<16xf32>
      %select_n3A_2678 = arith.select %gt3A_2675, %select_n3A_2631, %select_n3A_2677 : vector<16xi1>, vector<16xf32>
      %select_n3A_2679 = arith.select %gt3A_2676, %broadcast_in_dim3A_2670, %select_n3A_2630 : vector<16xi1>, vector<16xi32>
      %select_n3A_2680 = arith.select %gt3A_2675, %select_n3A_2632, %select_n3A_2679 : vector<16xi1>, vector<16xi32>
      %select_n3A_2681 = arith.select %gt3A_2675, %get3A_2674, %select_n3A_2631 : vector<16xi1>, vector<16xf32>
      %select_n3A_2682 = arith.select %gt3A_2675, %broadcast_in_dim3A_2670, %select_n3A_2632 : vector<16xi1>, vector<16xi32>
      %get3A_2683 = arith.constant 52 : i32
      %get3A_2684 = arith.index_cast %get3A_2683 : i32 to index
      %get3A_2685 = arith.index_cast %mul3A_59 : i32 to index
      %get3A_2686 = tpu.vector_load %arg5[%get3A_2684, %get3A_2685] {strides = array<i32>} : memref<64x256xf32, #tpu.memory_space<vmem>>, vector<16xf32>,
      %gt3A_2687 = arith.cmpf ogt, %get3A_2686, %select_n3A_2643 : vector<16xf32>
      %gt3A_2688 = arith.cmpf ogt, %get3A_2686, %select_n3A_2640 : vector<16xf32>
      %select_n3A_2689 = arith.select %gt3A_2688, %get3A_2686, %select_n3A_2640 : vector<16xi1>, vector<16xf32>
      %select_n3A_2690 = arith.select %gt3A_2687, %select_n3A_2643, %select_n3A_2689 : vector<16xi1>, vector<16xf32>
      %select_n3A_2691 = arith.select %gt3A_2688, %broadcast_in_dim3A_2670, %select_n3A_2642 : vector<16xi1>, vector<16xi32>
      %select_n3A_2692 = arith.select %gt3A_2687, %select_n3A_2644, %select_n3A_2691 : vector<16xi1>, vector<16xi32>
      %select_n3A_2693 = arith.select %gt3A_2687, %get3A_2686, %select_n3A_2643 : vector<16xi1>, vector<16xf32>
      %select_n3A_2694 = arith.select %gt3A_2687, %broadcast_in_dim3A_2670, %select_n3A_2644 : vector<16xi1>, vector<16xi32>
      %get3A_2695 = arith.constant 52 : i32
      %get3A_2696 = arith.index_cast %get3A_2695 : i32 to index
      %get3A_2697 = arith.index_cast %mul3A_65 : i32 to index
      %get3A_2698 = tpu.vector_load %arg5[%get3A_2696, %get3A_2697] {strides = array<i32>} : memref<64x256xf32, #tpu.memory_space<vmem>>, vector<16xf32>,
      %gt3A_2699 = arith.cmpf ogt, %get3A_2698, %select_n3A_2655 : vector<16xf32>
      %gt3A_2700 = arith.cmpf ogt, %get3A_2698, %select_n3A_2652 : vector<16xf32>
      %select_n3A_2701 = arith.select %gt3A_2700, %get3A_2698, %select_n3A_2652 : vector<16xi1>, vector<16xf32>
      %select_n3A_2702 = arith.select %gt3A_2699, %select_n3A_2655, %select_n3A_2701 : vector<16xi1>, vector<16xf32>
      %select_n3A_2703 = arith.select %gt3A_2700, %broadcast_in_dim3A_2670, %select_n3A_2654 : vector<16xi1>, vector<16xi32>
      %select_n3A_2704 = arith.select %gt3A_2699, %select_n3A_2656, %select_n3A_2703 : vector<16xi1>, vector<16xi32>
      %select_n3A_2705 = arith.select %gt3A_2699, %get3A_2698, %select_n3A_2655 : vector<16xi1>, vector<16xf32>
      %select_n3A_2706 = arith.select %gt3A_2699, %broadcast_in_dim3A_2670, %select_n3A_2656 : vector<16xi1>, vector<16xi32>
      %get3A_2707 = arith.constant 52 : i32
      %get3A_2708 = arith.index_cast %get3A_2707 : i32 to index
      %get3A_2709 = arith.index_cast %mul3A_71 : i32 to index
      %get3A_2710 = tpu.vector_load %arg5[%get3A_2708, %get3A_2709] {strides = array<i32>} : memref<64x256xf32, #tpu.memory_space<vmem>>, vector<16xf32>,
      %gt3A_2711 = arith.cmpf ogt, %get3A_2710, %select_n3A_2667 : vector<16xf32>
      %gt3A_2712 = arith.cmpf ogt, %get3A_2710, %select_n3A_2664 : vector<16xf32>
      %select_n3A_2713 = arith.select %gt3A_2712, %get3A_2710, %select_n3A_2664 : vector<16xi1>, vector<16xf32>
      %select_n3A_2714 = arith.select %gt3A_2711, %select_n3A_2667, %select_n3A_2713 : vector<16xi1>, vector<16xf32>
      %select_n3A_2715 = arith.select %gt3A_2712, %broadcast_in_dim3A_2670, %select_n3A_2666 : vector<16xi1>, vector<16xi32>
      %select_n3A_2716 = arith.select %gt3A_2711, %select_n3A_2668, %select_n3A_2715 : vector<16xi1>, vector<16xi32>
      %select_n3A_2717 = arith.select %gt3A_2711, %get3A_2710, %select_n3A_2667 : vector<16xi1>, vector<16xf32>
      %select_n3A_2718 = arith.select %gt3A_2711, %broadcast_in_dim3A_2670, %select_n3A_2668 : vector<16xi1>, vector<16xi32>
      %broadcast_in_dim3A_2719 = arith.constant 53 : i32
      %broadcast_in_dim3A_2720 = vector.broadcast %broadcast_in_dim3A_2719 : i32 to vector<16xi32>
      %get3A_2721 = arith.constant 53 : i32
      %get3A_2722 = arith.index_cast %get3A_2721 : i32 to index
      %get3A_2723 = arith.index_cast %mul3A_53 : i32 to index
      %get3A_2724 = tpu.vector_load %arg5[%get3A_2722, %get3A_2723] {strides = array<i32>} : memref<64x256xf32, #tpu.memory_space<vmem>>, vector<16xf32>,
      %gt3A_2725 = arith.cmpf ogt, %get3A_2724, %select_n3A_2681 : vector<16xf32>
      %gt3A_2726 = arith.cmpf ogt, %get3A_2724, %select_n3A_2678 : vector<16xf32>
      %select_n3A_2727 = arith.select %gt3A_2726, %get3A_2724, %select_n3A_2678 : vector<16xi1>, vector<16xf32>
      %select_n3A_2728 = arith.select %gt3A_2725, %select_n3A_2681, %select_n3A_2727 : vector<16xi1>, vector<16xf32>
      %select_n3A_2729 = arith.select %gt3A_2726, %broadcast_in_dim3A_2720, %select_n3A_2680 : vector<16xi1>, vector<16xi32>
      %select_n3A_2730 = arith.select %gt3A_2725, %select_n3A_2682, %select_n3A_2729 : vector<16xi1>, vector<16xi32>
      %select_n3A_2731 = arith.select %gt3A_2725, %get3A_2724, %select_n3A_2681 : vector<16xi1>, vector<16xf32>
      %select_n3A_2732 = arith.select %gt3A_2725, %broadcast_in_dim3A_2720, %select_n3A_2682 : vector<16xi1>, vector<16xi32>
      %get3A_2733 = arith.constant 53 : i32
      %get3A_2734 = arith.index_cast %get3A_2733 : i32 to index
      %get3A_2735 = arith.index_cast %mul3A_59 : i32 to index
      %get3A_2736 = tpu.vector_load %arg5[%get3A_2734, %get3A_2735] {strides = array<i32>} : memref<64x256xf32, #tpu.memory_space<vmem>>, vector<16xf32>,
      %gt3A_2737 = arith.cmpf ogt, %get3A_2736, %select_n3A_2693 : vector<16xf32>
      %gt3A_2738 = arith.cmpf ogt, %get3A_2736, %select_n3A_2690 : vector<16xf32>
      %select_n3A_2739 = arith.select %gt3A_2738, %get3A_2736, %select_n3A_2690 : vector<16xi1>, vector<16xf32>
      %select_n3A_2740 = arith.select %gt3A_2737, %select_n3A_2693, %select_n3A_2739 : vector<16xi1>, vector<16xf32>
      %select_n3A_2741 = arith.select %gt3A_2738, %broadcast_in_dim3A_2720, %select_n3A_2692 : vector<16xi1>, vector<16xi32>
      %select_n3A_2742 = arith.select %gt3A_2737, %select_n3A_2694, %select_n3A_2741 : vector<16xi1>, vector<16xi32>
      %select_n3A_2743 = arith.select %gt3A_2737, %get3A_2736, %select_n3A_2693 : vector<16xi1>, vector<16xf32>
      %select_n3A_2744 = arith.select %gt3A_2737, %broadcast_in_dim3A_2720, %select_n3A_2694 : vector<16xi1>, vector<16xi32>
      %get3A_2745 = arith.constant 53 : i32
      %get3A_2746 = arith.index_cast %get3A_2745 : i32 to index
      %get3A_2747 = arith.index_cast %mul3A_65 : i32 to index
      %get3A_2748 = tpu.vector_load %arg5[%get3A_2746, %get3A_2747] {strides = array<i32>} : memref<64x256xf32, #tpu.memory_space<vmem>>, vector<16xf32>,
      %gt3A_2749 = arith.cmpf ogt, %get3A_2748, %select_n3A_2705 : vector<16xf32>
      %gt3A_2750 = arith.cmpf ogt, %get3A_2748, %select_n3A_2702 : vector<16xf32>
      %select_n3A_2751 = arith.select %gt3A_2750, %get3A_2748, %select_n3A_2702 : vector<16xi1>, vector<16xf32>
      %select_n3A_2752 = arith.select %gt3A_2749, %select_n3A_2705, %select_n3A_2751 : vector<16xi1>, vector<16xf32>
      %select_n3A_2753 = arith.select %gt3A_2750, %broadcast_in_dim3A_2720, %select_n3A_2704 : vector<16xi1>, vector<16xi32>
      %select_n3A_2754 = arith.select %gt3A_2749, %select_n3A_2706, %select_n3A_2753 : vector<16xi1>, vector<16xi32>
      %select_n3A_2755 = arith.select %gt3A_2749, %get3A_2748, %select_n3A_2705 : vector<16xi1>, vector<16xf32>
      %select_n3A_2756 = arith.select %gt3A_2749, %broadcast_in_dim3A_2720, %select_n3A_2706 : vector<16xi1>, vector<16xi32>
      %get3A_2757 = arith.constant 53 : i32
      %get3A_2758 = arith.index_cast %get3A_2757 : i32 to index
      %get3A_2759 = arith.index_cast %mul3A_71 : i32 to index
      %get3A_2760 = tpu.vector_load %arg5[%get3A_2758, %get3A_2759] {strides = array<i32>} : memref<64x256xf32, #tpu.memory_space<vmem>>, vector<16xf32>,
      %gt3A_2761 = arith.cmpf ogt, %get3A_2760, %select_n3A_2717 : vector<16xf32>
      %gt3A_2762 = arith.cmpf ogt, %get3A_2760, %select_n3A_2714 : vector<16xf32>
      %select_n3A_2763 = arith.select %gt3A_2762, %get3A_2760, %select_n3A_2714 : vector<16xi1>, vector<16xf32>
      %select_n3A_2764 = arith.select %gt3A_2761, %select_n3A_2717, %select_n3A_2763 : vector<16xi1>, vector<16xf32>
      %select_n3A_2765 = arith.select %gt3A_2762, %broadcast_in_dim3A_2720, %select_n3A_2716 : vector<16xi1>, vector<16xi32>
      %select_n3A_2766 = arith.select %gt3A_2761, %select_n3A_2718, %select_n3A_2765 : vector<16xi1>, vector<16xi32>
      %select_n3A_2767 = arith.select %gt3A_2761, %get3A_2760, %select_n3A_2717 : vector<16xi1>, vector<16xf32>
      %select_n3A_2768 = arith.select %gt3A_2761, %broadcast_in_dim3A_2720, %select_n3A_2718 : vector<16xi1>, vector<16xi32>
      %broadcast_in_dim3A_2769 = arith.constant 54 : i32
      %broadcast_in_dim3A_2770 = vector.broadcast %broadcast_in_dim3A_2769 : i32 to vector<16xi32>
      %get3A_2771 = arith.constant 54 : i32
      %get3A_2772 = arith.index_cast %get3A_2771 : i32 to index
      %get3A_2773 = arith.index_cast %mul3A_53 : i32 to index
      %get3A_2774 = tpu.vector_load %arg5[%get3A_2772, %get3A_2773] {strides = array<i32>} : memref<64x256xf32, #tpu.memory_space<vmem>>, vector<16xf32>,
      %gt3A_2775 = arith.cmpf ogt, %get3A_2774, %select_n3A_2731 : vector<16xf32>
      %gt3A_2776 = arith.cmpf ogt, %get3A_2774, %select_n3A_2728 : vector<16xf32>
      %select_n3A_2777 = arith.select %gt3A_2776, %get3A_2774, %select_n3A_2728 : vector<16xi1>, vector<16xf32>
      %select_n3A_2778 = arith.select %gt3A_2775, %select_n3A_2731, %select_n3A_2777 : vector<16xi1>, vector<16xf32>
      %select_n3A_2779 = arith.select %gt3A_2776, %broadcast_in_dim3A_2770, %select_n3A_2730 : vector<16xi1>, vector<16xi32>
      %select_n3A_2780 = arith.select %gt3A_2775, %select_n3A_2732, %select_n3A_2779 : vector<16xi1>, vector<16xi32>
      %select_n3A_2781 = arith.select %gt3A_2775, %get3A_2774, %select_n3A_2731 : vector<16xi1>, vector<16xf32>
      %select_n3A_2782 = arith.select %gt3A_2775, %broadcast_in_dim3A_2770, %select_n3A_2732 : vector<16xi1>, vector<16xi32>
      %get3A_2783 = arith.constant 54 : i32
      %get3A_2784 = arith.index_cast %get3A_2783 : i32 to index
      %get3A_2785 = arith.index_cast %mul3A_59 : i32 to index
      %get3A_2786 = tpu.vector_load %arg5[%get3A_2784, %get3A_2785] {strides = array<i32>} : memref<64x256xf32, #tpu.memory_space<vmem>>, vector<16xf32>,
      %gt3A_2787 = arith.cmpf ogt, %get3A_2786, %select_n3A_2743 : vector<16xf32>
      %gt3A_2788 = arith.cmpf ogt, %get3A_2786, %select_n3A_2740 : vector<16xf32>
      %select_n3A_2789 = arith.select %gt3A_2788, %get3A_2786, %select_n3A_2740 : vector<16xi1>, vector<16xf32>
      %select_n3A_2790 = arith.select %gt3A_2787, %select_n3A_2743, %select_n3A_2789 : vector<16xi1>, vector<16xf32>
      %select_n3A_2791 = arith.select %gt3A_2788, %broadcast_in_dim3A_2770, %select_n3A_2742 : vector<16xi1>, vector<16xi32>
      %select_n3A_2792 = arith.select %gt3A_2787, %select_n3A_2744, %select_n3A_2791 : vector<16xi1>, vector<16xi32>
      %select_n3A_2793 = arith.select %gt3A_2787, %get3A_2786, %select_n3A_2743 : vector<16xi1>, vector<16xf32>
      %select_n3A_2794 = arith.select %gt3A_2787, %broadcast_in_dim3A_2770, %select_n3A_2744 : vector<16xi1>, vector<16xi32>
      %get3A_2795 = arith.constant 54 : i32
      %get3A_2796 = arith.index_cast %get3A_2795 : i32 to index
      %get3A_2797 = arith.index_cast %mul3A_65 : i32 to index
      %get3A_2798 = tpu.vector_load %arg5[%get3A_2796, %get3A_2797] {strides = array<i32>} : memref<64x256xf32, #tpu.memory_space<vmem>>, vector<16xf32>,
      %gt3A_2799 = arith.cmpf ogt, %get3A_2798, %select_n3A_2755 : vector<16xf32>
      %gt3A_2800 = arith.cmpf ogt, %get3A_2798, %select_n3A_2752 : vector<16xf32>
      %select_n3A_2801 = arith.select %gt3A_2800, %get3A_2798, %select_n3A_2752 : vector<16xi1>, vector<16xf32>
      %select_n3A_2802 = arith.select %gt3A_2799, %select_n3A_2755, %select_n3A_2801 : vector<16xi1>, vector<16xf32>
      %select_n3A_2803 = arith.select %gt3A_2800, %broadcast_in_dim3A_2770, %select_n3A_2754 : vector<16xi1>, vector<16xi32>
      %select_n3A_2804 = arith.select %gt3A_2799, %select_n3A_2756, %select_n3A_2803 : vector<16xi1>, vector<16xi32>
      %select_n3A_2805 = arith.select %gt3A_2799, %get3A_2798, %select_n3A_2755 : vector<16xi1>, vector<16xf32>
      %select_n3A_2806 = arith.select %gt3A_2799, %broadcast_in_dim3A_2770, %select_n3A_2756 : vector<16xi1>, vector<16xi32>
      %get3A_2807 = arith.constant 54 : i32
      %get3A_2808 = arith.index_cast %get3A_2807 : i32 to index
      %get3A_2809 = arith.index_cast %mul3A_71 : i32 to index
      %get3A_2810 = tpu.vector_load %arg5[%get3A_2808, %get3A_2809] {strides = array<i32>} : memref<64x256xf32, #tpu.memory_space<vmem>>, vector<16xf32>,
      %gt3A_2811 = arith.cmpf ogt, %get3A_2810, %select_n3A_2767 : vector<16xf32>
      %gt3A_2812 = arith.cmpf ogt, %get3A_2810, %select_n3A_2764 : vector<16xf32>
      %select_n3A_2813 = arith.select %gt3A_2812, %get3A_2810, %select_n3A_2764 : vector<16xi1>, vector<16xf32>
      %select_n3A_2814 = arith.select %gt3A_2811, %select_n3A_2767, %select_n3A_2813 : vector<16xi1>, vector<16xf32>
      %select_n3A_2815 = arith.select %gt3A_2812, %broadcast_in_dim3A_2770, %select_n3A_2766 : vector<16xi1>, vector<16xi32>
      %select_n3A_2816 = arith.select %gt3A_2811, %select_n3A_2768, %select_n3A_2815 : vector<16xi1>, vector<16xi32>
      %select_n3A_2817 = arith.select %gt3A_2811, %get3A_2810, %select_n3A_2767 : vector<16xi1>, vector<16xf32>
      %select_n3A_2818 = arith.select %gt3A_2811, %broadcast_in_dim3A_2770, %select_n3A_2768 : vector<16xi1>, vector<16xi32>
      %broadcast_in_dim3A_2819 = arith.constant 55 : i32
      %broadcast_in_dim3A_2820 = vector.broadcast %broadcast_in_dim3A_2819 : i32 to vector<16xi32>
      %get3A_2821 = arith.constant 55 : i32
      %get3A_2822 = arith.index_cast %get3A_2821 : i32 to index
      %get3A_2823 = arith.index_cast %mul3A_53 : i32 to index
      %get3A_2824 = tpu.vector_load %arg5[%get3A_2822, %get3A_2823] {strides = array<i32>} : memref<64x256xf32, #tpu.memory_space<vmem>>, vector<16xf32>,
      %gt3A_2825 = arith.cmpf ogt, %get3A_2824, %select_n3A_2781 : vector<16xf32>
      %gt3A_2826 = arith.cmpf ogt, %get3A_2824, %select_n3A_2778 : vector<16xf32>
      %select_n3A_2827 = arith.select %gt3A_2826, %get3A_2824, %select_n3A_2778 : vector<16xi1>, vector<16xf32>
      %select_n3A_2828 = arith.select %gt3A_2825, %select_n3A_2781, %select_n3A_2827 : vector<16xi1>, vector<16xf32>
      %select_n3A_2829 = arith.select %gt3A_2826, %broadcast_in_dim3A_2820, %select_n3A_2780 : vector<16xi1>, vector<16xi32>
      %select_n3A_2830 = arith.select %gt3A_2825, %select_n3A_2782, %select_n3A_2829 : vector<16xi1>, vector<16xi32>
      %select_n3A_2831 = arith.select %gt3A_2825, %get3A_2824, %select_n3A_2781 : vector<16xi1>, vector<16xf32>
      %select_n3A_2832 = arith.select %gt3A_2825, %broadcast_in_dim3A_2820, %select_n3A_2782 : vector<16xi1>, vector<16xi32>
      %get3A_2833 = arith.constant 55 : i32
      %get3A_2834 = arith.index_cast %get3A_2833 : i32 to index
      %get3A_2835 = arith.index_cast %mul3A_59 : i32 to index
      %get3A_2836 = tpu.vector_load %arg5[%get3A_2834, %get3A_2835] {strides = array<i32>} : memref<64x256xf32, #tpu.memory_space<vmem>>, vector<16xf32>,
      %gt3A_2837 = arith.cmpf ogt, %get3A_2836, %select_n3A_2793 : vector<16xf32>
      %gt3A_2838 = arith.cmpf ogt, %get3A_2836, %select_n3A_2790 : vector<16xf32>
      %select_n3A_2839 = arith.select %gt3A_2838, %get3A_2836, %select_n3A_2790 : vector<16xi1>, vector<16xf32>
      %select_n3A_2840 = arith.select %gt3A_2837, %select_n3A_2793, %select_n3A_2839 : vector<16xi1>, vector<16xf32>
      %select_n3A_2841 = arith.select %gt3A_2838, %broadcast_in_dim3A_2820, %select_n3A_2792 : vector<16xi1>, vector<16xi32>
      %select_n3A_2842 = arith.select %gt3A_2837, %select_n3A_2794, %select_n3A_2841 : vector<16xi1>, vector<16xi32>
      %select_n3A_2843 = arith.select %gt3A_2837, %get3A_2836, %select_n3A_2793 : vector<16xi1>, vector<16xf32>
      %select_n3A_2844 = arith.select %gt3A_2837, %broadcast_in_dim3A_2820, %select_n3A_2794 : vector<16xi1>, vector<16xi32>
      %get3A_2845 = arith.constant 55 : i32
      %get3A_2846 = arith.index_cast %get3A_2845 : i32 to index
      %get3A_2847 = arith.index_cast %mul3A_65 : i32 to index
      %get3A_2848 = tpu.vector_load %arg5[%get3A_2846, %get3A_2847] {strides = array<i32>} : memref<64x256xf32, #tpu.memory_space<vmem>>, vector<16xf32>,
      %gt3A_2849 = arith.cmpf ogt, %get3A_2848, %select_n3A_2805 : vector<16xf32>
      %gt3A_2850 = arith.cmpf ogt, %get3A_2848, %select_n3A_2802 : vector<16xf32>
      %select_n3A_2851 = arith.select %gt3A_2850, %get3A_2848, %select_n3A_2802 : vector<16xi1>, vector<16xf32>
      %select_n3A_2852 = arith.select %gt3A_2849, %select_n3A_2805, %select_n3A_2851 : vector<16xi1>, vector<16xf32>
      %select_n3A_2853 = arith.select %gt3A_2850, %broadcast_in_dim3A_2820, %select_n3A_2804 : vector<16xi1>, vector<16xi32>
      %select_n3A_2854 = arith.select %gt3A_2849, %select_n3A_2806, %select_n3A_2853 : vector<16xi1>, vector<16xi32>
      %select_n3A_2855 = arith.select %gt3A_2849, %get3A_2848, %select_n3A_2805 : vector<16xi1>, vector<16xf32>
      %select_n3A_2856 = arith.select %gt3A_2849, %broadcast_in_dim3A_2820, %select_n3A_2806 : vector<16xi1>, vector<16xi32>
      %get3A_2857 = arith.constant 55 : i32
      %get3A_2858 = arith.index_cast %get3A_2857 : i32 to index
      %get3A_2859 = arith.index_cast %mul3A_71 : i32 to index
      %get3A_2860 = tpu.vector_load %arg5[%get3A_2858, %get3A_2859] {strides = array<i32>} : memref<64x256xf32, #tpu.memory_space<vmem>>, vector<16xf32>,
      %gt3A_2861 = arith.cmpf ogt, %get3A_2860, %select_n3A_2817 : vector<16xf32>
      %gt3A_2862 = arith.cmpf ogt, %get3A_2860, %select_n3A_2814 : vector<16xf32>
      %select_n3A_2863 = arith.select %gt3A_2862, %get3A_2860, %select_n3A_2814 : vector<16xi1>, vector<16xf32>
      %select_n3A_2864 = arith.select %gt3A_2861, %select_n3A_2817, %select_n3A_2863 : vector<16xi1>, vector<16xf32>
      %select_n3A_2865 = arith.select %gt3A_2862, %broadcast_in_dim3A_2820, %select_n3A_2816 : vector<16xi1>, vector<16xi32>
      %select_n3A_2866 = arith.select %gt3A_2861, %select_n3A_2818, %select_n3A_2865 : vector<16xi1>, vector<16xi32>
      %select_n3A_2867 = arith.select %gt3A_2861, %get3A_2860, %select_n3A_2817 : vector<16xi1>, vector<16xf32>
      %select_n3A_2868 = arith.select %gt3A_2861, %broadcast_in_dim3A_2820, %select_n3A_2818 : vector<16xi1>, vector<16xi32>
      %broadcast_in_dim3A_2869 = arith.constant 56 : i32
      %broadcast_in_dim3A_2870 = vector.broadcast %broadcast_in_dim3A_2869 : i32 to vector<16xi32>
      %get3A_2871 = arith.constant 56 : i32
      %get3A_2872 = arith.index_cast %get3A_2871 : i32 to index
      %get3A_2873 = arith.index_cast %mul3A_53 : i32 to index
      %get3A_2874 = tpu.vector_load %arg5[%get3A_2872, %get3A_2873] {strides = array<i32>} : memref<64x256xf32, #tpu.memory_space<vmem>>, vector<16xf32>,
      %gt3A_2875 = arith.cmpf ogt, %get3A_2874, %select_n3A_2831 : vector<16xf32>
      %gt3A_2876 = arith.cmpf ogt, %get3A_2874, %select_n3A_2828 : vector<16xf32>
      %select_n3A_2877 = arith.select %gt3A_2876, %get3A_2874, %select_n3A_2828 : vector<16xi1>, vector<16xf32>
      %select_n3A_2878 = arith.select %gt3A_2875, %select_n3A_2831, %select_n3A_2877 : vector<16xi1>, vector<16xf32>
      %select_n3A_2879 = arith.select %gt3A_2876, %broadcast_in_dim3A_2870, %select_n3A_2830 : vector<16xi1>, vector<16xi32>
      %select_n3A_2880 = arith.select %gt3A_2875, %select_n3A_2832, %select_n3A_2879 : vector<16xi1>, vector<16xi32>
      %select_n3A_2881 = arith.select %gt3A_2875, %get3A_2874, %select_n3A_2831 : vector<16xi1>, vector<16xf32>
      %select_n3A_2882 = arith.select %gt3A_2875, %broadcast_in_dim3A_2870, %select_n3A_2832 : vector<16xi1>, vector<16xi32>
      %get3A_2883 = arith.constant 56 : i32
      %get3A_2884 = arith.index_cast %get3A_2883 : i32 to index
      %get3A_2885 = arith.index_cast %mul3A_59 : i32 to index
      %get3A_2886 = tpu.vector_load %arg5[%get3A_2884, %get3A_2885] {strides = array<i32>} : memref<64x256xf32, #tpu.memory_space<vmem>>, vector<16xf32>,
      %gt3A_2887 = arith.cmpf ogt, %get3A_2886, %select_n3A_2843 : vector<16xf32>
      %gt3A_2888 = arith.cmpf ogt, %get3A_2886, %select_n3A_2840 : vector<16xf32>
      %select_n3A_2889 = arith.select %gt3A_2888, %get3A_2886, %select_n3A_2840 : vector<16xi1>, vector<16xf32>
      %select_n3A_2890 = arith.select %gt3A_2887, %select_n3A_2843, %select_n3A_2889 : vector<16xi1>, vector<16xf32>
      %select_n3A_2891 = arith.select %gt3A_2888, %broadcast_in_dim3A_2870, %select_n3A_2842 : vector<16xi1>, vector<16xi32>
      %select_n3A_2892 = arith.select %gt3A_2887, %select_n3A_2844, %select_n3A_2891 : vector<16xi1>, vector<16xi32>
      %select_n3A_2893 = arith.select %gt3A_2887, %get3A_2886, %select_n3A_2843 : vector<16xi1>, vector<16xf32>
      %select_n3A_2894 = arith.select %gt3A_2887, %broadcast_in_dim3A_2870, %select_n3A_2844 : vector<16xi1>, vector<16xi32>
      %get3A_2895 = arith.constant 56 : i32
      %get3A_2896 = arith.index_cast %get3A_2895 : i32 to index
      %get3A_2897 = arith.index_cast %mul3A_65 : i32 to index
      %get3A_2898 = tpu.vector_load %arg5[%get3A_2896, %get3A_2897] {strides = array<i32>} : memref<64x256xf32, #tpu.memory_space<vmem>>, vector<16xf32>,
      %gt3A_2899 = arith.cmpf ogt, %get3A_2898, %select_n3A_2855 : vector<16xf32>
      %gt3A_2900 = arith.cmpf ogt, %get3A_2898, %select_n3A_2852 : vector<16xf32>
      %select_n3A_2901 = arith.select %gt3A_2900, %get3A_2898, %select_n3A_2852 : vector<16xi1>, vector<16xf32>
      %select_n3A_2902 = arith.select %gt3A_2899, %select_n3A_2855, %select_n3A_2901 : vector<16xi1>, vector<16xf32>
      %select_n3A_2903 = arith.select %gt3A_2900, %broadcast_in_dim3A_2870, %select_n3A_2854 : vector<16xi1>, vector<16xi32>
      %select_n3A_2904 = arith.select %gt3A_2899, %select_n3A_2856, %select_n3A_2903 : vector<16xi1>, vector<16xi32>
      %select_n3A_2905 = arith.select %gt3A_2899, %get3A_2898, %select_n3A_2855 : vector<16xi1>, vector<16xf32>
      %select_n3A_2906 = arith.select %gt3A_2899, %broadcast_in_dim3A_2870, %select_n3A_2856 : vector<16xi1>, vector<16xi32>
      %get3A_2907 = arith.constant 56 : i32
      %get3A_2908 = arith.index_cast %get3A_2907 : i32 to index
      %get3A_2909 = arith.index_cast %mul3A_71 : i32 to index
      %get3A_2910 = tpu.vector_load %arg5[%get3A_2908, %get3A_2909] {strides = array<i32>} : memref<64x256xf32, #tpu.memory_space<vmem>>, vector<16xf32>,
      %gt3A_2911 = arith.cmpf ogt, %get3A_2910, %select_n3A_2867 : vector<16xf32>
      %gt3A_2912 = arith.cmpf ogt, %get3A_2910, %select_n3A_2864 : vector<16xf32>
      %select_n3A_2913 = arith.select %gt3A_2912, %get3A_2910, %select_n3A_2864 : vector<16xi1>, vector<16xf32>
      %select_n3A_2914 = arith.select %gt3A_2911, %select_n3A_2867, %select_n3A_2913 : vector<16xi1>, vector<16xf32>
      %select_n3A_2915 = arith.select %gt3A_2912, %broadcast_in_dim3A_2870, %select_n3A_2866 : vector<16xi1>, vector<16xi32>
      %select_n3A_2916 = arith.select %gt3A_2911, %select_n3A_2868, %select_n3A_2915 : vector<16xi1>, vector<16xi32>
      %select_n3A_2917 = arith.select %gt3A_2911, %get3A_2910, %select_n3A_2867 : vector<16xi1>, vector<16xf32>
      %select_n3A_2918 = arith.select %gt3A_2911, %broadcast_in_dim3A_2870, %select_n3A_2868 : vector<16xi1>, vector<16xi32>
      %broadcast_in_dim3A_2919 = arith.constant 57 : i32
      %broadcast_in_dim3A_2920 = vector.broadcast %broadcast_in_dim3A_2919 : i32 to vector<16xi32>
      %get3A_2921 = arith.constant 57 : i32
      %get3A_2922 = arith.index_cast %get3A_2921 : i32 to index
      %get3A_2923 = arith.index_cast %mul3A_53 : i32 to index
      %get3A_2924 = tpu.vector_load %arg5[%get3A_2922, %get3A_2923] {strides = array<i32>} : memref<64x256xf32, #tpu.memory_space<vmem>>, vector<16xf32>,
      %gt3A_2925 = arith.cmpf ogt, %get3A_2924, %select_n3A_2881 : vector<16xf32>
      %gt3A_2926 = arith.cmpf ogt, %get3A_2924, %select_n3A_2878 : vector<16xf32>
      %select_n3A_2927 = arith.select %gt3A_2926, %get3A_2924, %select_n3A_2878 : vector<16xi1>, vector<16xf32>
      %select_n3A_2928 = arith.select %gt3A_2925, %select_n3A_2881, %select_n3A_2927 : vector<16xi1>, vector<16xf32>
      %select_n3A_2929 = arith.select %gt3A_2926, %broadcast_in_dim3A_2920, %select_n3A_2880 : vector<16xi1>, vector<16xi32>
      %select_n3A_2930 = arith.select %gt3A_2925, %select_n3A_2882, %select_n3A_2929 : vector<16xi1>, vector<16xi32>
      %select_n3A_2931 = arith.select %gt3A_2925, %get3A_2924, %select_n3A_2881 : vector<16xi1>, vector<16xf32>
      %select_n3A_2932 = arith.select %gt3A_2925, %broadcast_in_dim3A_2920, %select_n3A_2882 : vector<16xi1>, vector<16xi32>
      %get3A_2933 = arith.constant 57 : i32
      %get3A_2934 = arith.index_cast %get3A_2933 : i32 to index
      %get3A_2935 = arith.index_cast %mul3A_59 : i32 to index
      %get3A_2936 = tpu.vector_load %arg5[%get3A_2934, %get3A_2935] {strides = array<i32>} : memref<64x256xf32, #tpu.memory_space<vmem>>, vector<16xf32>,
      %gt3A_2937 = arith.cmpf ogt, %get3A_2936, %select_n3A_2893 : vector<16xf32>
      %gt3A_2938 = arith.cmpf ogt, %get3A_2936, %select_n3A_2890 : vector<16xf32>
      %select_n3A_2939 = arith.select %gt3A_2938, %get3A_2936, %select_n3A_2890 : vector<16xi1>, vector<16xf32>
      %select_n3A_2940 = arith.select %gt3A_2937, %select_n3A_2893, %select_n3A_2939 : vector<16xi1>, vector<16xf32>
      %select_n3A_2941 = arith.select %gt3A_2938, %broadcast_in_dim3A_2920, %select_n3A_2892 : vector<16xi1>, vector<16xi32>
      %select_n3A_2942 = arith.select %gt3A_2937, %select_n3A_2894, %select_n3A_2941 : vector<16xi1>, vector<16xi32>
      %select_n3A_2943 = arith.select %gt3A_2937, %get3A_2936, %select_n3A_2893 : vector<16xi1>, vector<16xf32>
      %select_n3A_2944 = arith.select %gt3A_2937, %broadcast_in_dim3A_2920, %select_n3A_2894 : vector<16xi1>, vector<16xi32>
      %get3A_2945 = arith.constant 57 : i32
      %get3A_2946 = arith.index_cast %get3A_2945 : i32 to index
      %get3A_2947 = arith.index_cast %mul3A_65 : i32 to index
      %get3A_2948 = tpu.vector_load %arg5[%get3A_2946, %get3A_2947] {strides = array<i32>} : memref<64x256xf32, #tpu.memory_space<vmem>>, vector<16xf32>,
      %gt3A_2949 = arith.cmpf ogt, %get3A_2948, %select_n3A_2905 : vector<16xf32>
      %gt3A_2950 = arith.cmpf ogt, %get3A_2948, %select_n3A_2902 : vector<16xf32>
      %select_n3A_2951 = arith.select %gt3A_2950, %get3A_2948, %select_n3A_2902 : vector<16xi1>, vector<16xf32>
      %select_n3A_2952 = arith.select %gt3A_2949, %select_n3A_2905, %select_n3A_2951 : vector<16xi1>, vector<16xf32>
      %select_n3A_2953 = arith.select %gt3A_2950, %broadcast_in_dim3A_2920, %select_n3A_2904 : vector<16xi1>, vector<16xi32>
      %select_n3A_2954 = arith.select %gt3A_2949, %select_n3A_2906, %select_n3A_2953 : vector<16xi1>, vector<16xi32>
      %select_n3A_2955 = arith.select %gt3A_2949, %get3A_2948, %select_n3A_2905 : vector<16xi1>, vector<16xf32>
      %select_n3A_2956 = arith.select %gt3A_2949, %broadcast_in_dim3A_2920, %select_n3A_2906 : vector<16xi1>, vector<16xi32>
      %get3A_2957 = arith.constant 57 : i32
      %get3A_2958 = arith.index_cast %get3A_2957 : i32 to index
      %get3A_2959 = arith.index_cast %mul3A_71 : i32 to index
      %get3A_2960 = tpu.vector_load %arg5[%get3A_2958, %get3A_2959] {strides = array<i32>} : memref<64x256xf32, #tpu.memory_space<vmem>>, vector<16xf32>,
      %gt3A_2961 = arith.cmpf ogt, %get3A_2960, %select_n3A_2917 : vector<16xf32>
      %gt3A_2962 = arith.cmpf ogt, %get3A_2960, %select_n3A_2914 : vector<16xf32>
      %select_n3A_2963 = arith.select %gt3A_2962, %get3A_2960, %select_n3A_2914 : vector<16xi1>, vector<16xf32>
      %select_n3A_2964 = arith.select %gt3A_2961, %select_n3A_2917, %select_n3A_2963 : vector<16xi1>, vector<16xf32>
      %select_n3A_2965 = arith.select %gt3A_2962, %broadcast_in_dim3A_2920, %select_n3A_2916 : vector<16xi1>, vector<16xi32>
      %select_n3A_2966 = arith.select %gt3A_2961, %select_n3A_2918, %select_n3A_2965 : vector<16xi1>, vector<16xi32>
      %select_n3A_2967 = arith.select %gt3A_2961, %get3A_2960, %select_n3A_2917 : vector<16xi1>, vector<16xf32>
      %select_n3A_2968 = arith.select %gt3A_2961, %broadcast_in_dim3A_2920, %select_n3A_2918 : vector<16xi1>, vector<16xi32>
      %broadcast_in_dim3A_2969 = arith.constant 58 : i32
      %broadcast_in_dim3A_2970 = vector.broadcast %broadcast_in_dim3A_2969 : i32 to vector<16xi32>
      %get3A_2971 = arith.constant 58 : i32
      %get3A_2972 = arith.index_cast %get3A_2971 : i32 to index
      %get3A_2973 = arith.index_cast %mul3A_53 : i32 to index
      %get3A_2974 = tpu.vector_load %arg5[%get3A_2972, %get3A_2973] {strides = array<i32>} : memref<64x256xf32, #tpu.memory_space<vmem>>, vector<16xf32>,
      %gt3A_2975 = arith.cmpf ogt, %get3A_2974, %select_n3A_2931 : vector<16xf32>
      %gt3A_2976 = arith.cmpf ogt, %get3A_2974, %select_n3A_2928 : vector<16xf32>
      %select_n3A_2977 = arith.select %gt3A_2976, %get3A_2974, %select_n3A_2928 : vector<16xi1>, vector<16xf32>
      %select_n3A_2978 = arith.select %gt3A_2975, %select_n3A_2931, %select_n3A_2977 : vector<16xi1>, vector<16xf32>
      %select_n3A_2979 = arith.select %gt3A_2976, %broadcast_in_dim3A_2970, %select_n3A_2930 : vector<16xi1>, vector<16xi32>
      %select_n3A_2980 = arith.select %gt3A_2975, %select_n3A_2932, %select_n3A_2979 : vector<16xi1>, vector<16xi32>
      %select_n3A_2981 = arith.select %gt3A_2975, %get3A_2974, %select_n3A_2931 : vector<16xi1>, vector<16xf32>
      %select_n3A_2982 = arith.select %gt3A_2975, %broadcast_in_dim3A_2970, %select_n3A_2932 : vector<16xi1>, vector<16xi32>
      %get3A_2983 = arith.constant 58 : i32
      %get3A_2984 = arith.index_cast %get3A_2983 : i32 to index
      %get3A_2985 = arith.index_cast %mul3A_59 : i32 to index
      %get3A_2986 = tpu.vector_load %arg5[%get3A_2984, %get3A_2985] {strides = array<i32>} : memref<64x256xf32, #tpu.memory_space<vmem>>, vector<16xf32>,
      %gt3A_2987 = arith.cmpf ogt, %get3A_2986, %select_n3A_2943 : vector<16xf32>
      %gt3A_2988 = arith.cmpf ogt, %get3A_2986, %select_n3A_2940 : vector<16xf32>
      %select_n3A_2989 = arith.select %gt3A_2988, %get3A_2986, %select_n3A_2940 : vector<16xi1>, vector<16xf32>
      %select_n3A_2990 = arith.select %gt3A_2987, %select_n3A_2943, %select_n3A_2989 : vector<16xi1>, vector<16xf32>
      %select_n3A_2991 = arith.select %gt3A_2988, %broadcast_in_dim3A_2970, %select_n3A_2942 : vector<16xi1>, vector<16xi32>
      %select_n3A_2992 = arith.select %gt3A_2987, %select_n3A_2944, %select_n3A_2991 : vector<16xi1>, vector<16xi32>
      %select_n3A_2993 = arith.select %gt3A_2987, %get3A_2986, %select_n3A_2943 : vector<16xi1>, vector<16xf32>
      %select_n3A_2994 = arith.select %gt3A_2987, %broadcast_in_dim3A_2970, %select_n3A_2944 : vector<16xi1>, vector<16xi32>
      %get3A_2995 = arith.constant 58 : i32
      %get3A_2996 = arith.index_cast %get3A_2995 : i32 to index
      %get3A_2997 = arith.index_cast %mul3A_65 : i32 to index
      %get3A_2998 = tpu.vector_load %arg5[%get3A_2996, %get3A_2997] {strides = array<i32>} : memref<64x256xf32, #tpu.memory_space<vmem>>, vector<16xf32>,
      %gt3A_2999 = arith.cmpf ogt, %get3A_2998, %select_n3A_2955 : vector<16xf32>
      %gt3A_3000 = arith.cmpf ogt, %get3A_2998, %select_n3A_2952 : vector<16xf32>
      %select_n3A_3001 = arith.select %gt3A_3000, %get3A_2998, %select_n3A_2952 : vector<16xi1>, vector<16xf32>
      %select_n3A_3002 = arith.select %gt3A_2999, %select_n3A_2955, %select_n3A_3001 : vector<16xi1>, vector<16xf32>
      %select_n3A_3003 = arith.select %gt3A_3000, %broadcast_in_dim3A_2970, %select_n3A_2954 : vector<16xi1>, vector<16xi32>
      %select_n3A_3004 = arith.select %gt3A_2999, %select_n3A_2956, %select_n3A_3003 : vector<16xi1>, vector<16xi32>
      %select_n3A_3005 = arith.select %gt3A_2999, %get3A_2998, %select_n3A_2955 : vector<16xi1>, vector<16xf32>
      %select_n3A_3006 = arith.select %gt3A_2999, %broadcast_in_dim3A_2970, %select_n3A_2956 : vector<16xi1>, vector<16xi32>
      %get3A_3007 = arith.constant 58 : i32
      %get3A_3008 = arith.index_cast %get3A_3007 : i32 to index
      %get3A_3009 = arith.index_cast %mul3A_71 : i32 to index
      %get3A_3010 = tpu.vector_load %arg5[%get3A_3008, %get3A_3009] {strides = array<i32>} : memref<64x256xf32, #tpu.memory_space<vmem>>, vector<16xf32>,
      %gt3A_3011 = arith.cmpf ogt, %get3A_3010, %select_n3A_2967 : vector<16xf32>
      %gt3A_3012 = arith.cmpf ogt, %get3A_3010, %select_n3A_2964 : vector<16xf32>
      %select_n3A_3013 = arith.select %gt3A_3012, %get3A_3010, %select_n3A_2964 : vector<16xi1>, vector<16xf32>
      %select_n3A_3014 = arith.select %gt3A_3011, %select_n3A_2967, %select_n3A_3013 : vector<16xi1>, vector<16xf32>
      %select_n3A_3015 = arith.select %gt3A_3012, %broadcast_in_dim3A_2970, %select_n3A_2966 : vector<16xi1>, vector<16xi32>
      %select_n3A_3016 = arith.select %gt3A_3011, %select_n3A_2968, %select_n3A_3015 : vector<16xi1>, vector<16xi32>
      %select_n3A_3017 = arith.select %gt3A_3011, %get3A_3010, %select_n3A_2967 : vector<16xi1>, vector<16xf32>
      %select_n3A_3018 = arith.select %gt3A_3011, %broadcast_in_dim3A_2970, %select_n3A_2968 : vector<16xi1>, vector<16xi32>
      %broadcast_in_dim3A_3019 = arith.constant 59 : i32
      %broadcast_in_dim3A_3020 = vector.broadcast %broadcast_in_dim3A_3019 : i32 to vector<16xi32>
      %get3A_3021 = arith.constant 59 : i32
      %get3A_3022 = arith.index_cast %get3A_3021 : i32 to index
      %get3A_3023 = arith.index_cast %mul3A_53 : i32 to index
      %get3A_3024 = tpu.vector_load %arg5[%get3A_3022, %get3A_3023] {strides = array<i32>} : memref<64x256xf32, #tpu.memory_space<vmem>>, vector<16xf32>,
      %gt3A_3025 = arith.cmpf ogt, %get3A_3024, %select_n3A_2981 : vector<16xf32>
      %gt3A_3026 = arith.cmpf ogt, %get3A_3024, %select_n3A_2978 : vector<16xf32>
      %select_n3A_3027 = arith.select %gt3A_3026, %get3A_3024, %select_n3A_2978 : vector<16xi1>, vector<16xf32>
      %select_n3A_3028 = arith.select %gt3A_3025, %select_n3A_2981, %select_n3A_3027 : vector<16xi1>, vector<16xf32>
      %select_n3A_3029 = arith.select %gt3A_3026, %broadcast_in_dim3A_3020, %select_n3A_2980 : vector<16xi1>, vector<16xi32>
      %select_n3A_3030 = arith.select %gt3A_3025, %select_n3A_2982, %select_n3A_3029 : vector<16xi1>, vector<16xi32>
      %select_n3A_3031 = arith.select %gt3A_3025, %get3A_3024, %select_n3A_2981 : vector<16xi1>, vector<16xf32>
      %select_n3A_3032 = arith.select %gt3A_3025, %broadcast_in_dim3A_3020, %select_n3A_2982 : vector<16xi1>, vector<16xi32>
      %get3A_3033 = arith.constant 59 : i32
      %get3A_3034 = arith.index_cast %get3A_3033 : i32 to index
      %get3A_3035 = arith.index_cast %mul3A_59 : i32 to index
      %get3A_3036 = tpu.vector_load %arg5[%get3A_3034, %get3A_3035] {strides = array<i32>} : memref<64x256xf32, #tpu.memory_space<vmem>>, vector<16xf32>,
      %gt3A_3037 = arith.cmpf ogt, %get3A_3036, %select_n3A_2993 : vector<16xf32>
      %gt3A_3038 = arith.cmpf ogt, %get3A_3036, %select_n3A_2990 : vector<16xf32>
      %select_n3A_3039 = arith.select %gt3A_3038, %get3A_3036, %select_n3A_2990 : vector<16xi1>, vector<16xf32>
      %select_n3A_3040 = arith.select %gt3A_3037, %select_n3A_2993, %select_n3A_3039 : vector<16xi1>, vector<16xf32>
      %select_n3A_3041 = arith.select %gt3A_3038, %broadcast_in_dim3A_3020, %select_n3A_2992 : vector<16xi1>, vector<16xi32>
      %select_n3A_3042 = arith.select %gt3A_3037, %select_n3A_2994, %select_n3A_3041 : vector<16xi1>, vector<16xi32>
      %select_n3A_3043 = arith.select %gt3A_3037, %get3A_3036, %select_n3A_2993 : vector<16xi1>, vector<16xf32>
      %select_n3A_3044 = arith.select %gt3A_3037, %broadcast_in_dim3A_3020, %select_n3A_2994 : vector<16xi1>, vector<16xi32>
      %get3A_3045 = arith.constant 59 : i32
      %get3A_3046 = arith.index_cast %get3A_3045 : i32 to index
      %get3A_3047 = arith.index_cast %mul3A_65 : i32 to index
      %get3A_3048 = tpu.vector_load %arg5[%get3A_3046, %get3A_3047] {strides = array<i32>} : memref<64x256xf32, #tpu.memory_space<vmem>>, vector<16xf32>,
      %gt3A_3049 = arith.cmpf ogt, %get3A_3048, %select_n3A_3005 : vector<16xf32>
      %gt3A_3050 = arith.cmpf ogt, %get3A_3048, %select_n3A_3002 : vector<16xf32>
      %select_n3A_3051 = arith.select %gt3A_3050, %get3A_3048, %select_n3A_3002 : vector<16xi1>, vector<16xf32>
      %select_n3A_3052 = arith.select %gt3A_3049, %select_n3A_3005, %select_n3A_3051 : vector<16xi1>, vector<16xf32>
      %select_n3A_3053 = arith.select %gt3A_3050, %broadcast_in_dim3A_3020, %select_n3A_3004 : vector<16xi1>, vector<16xi32>
      %select_n3A_3054 = arith.select %gt3A_3049, %select_n3A_3006, %select_n3A_3053 : vector<16xi1>, vector<16xi32>
      %select_n3A_3055 = arith.select %gt3A_3049, %get3A_3048, %select_n3A_3005 : vector<16xi1>, vector<16xf32>
      %select_n3A_3056 = arith.select %gt3A_3049, %broadcast_in_dim3A_3020, %select_n3A_3006 : vector<16xi1>, vector<16xi32>
      %get3A_3057 = arith.constant 59 : i32
      %get3A_3058 = arith.index_cast %get3A_3057 : i32 to index
      %get3A_3059 = arith.index_cast %mul3A_71 : i32 to index
      %get3A_3060 = tpu.vector_load %arg5[%get3A_3058, %get3A_3059] {strides = array<i32>} : memref<64x256xf32, #tpu.memory_space<vmem>>, vector<16xf32>,
      %gt3A_3061 = arith.cmpf ogt, %get3A_3060, %select_n3A_3017 : vector<16xf32>
      %gt3A_3062 = arith.cmpf ogt, %get3A_3060, %select_n3A_3014 : vector<16xf32>
      %select_n3A_3063 = arith.select %gt3A_3062, %get3A_3060, %select_n3A_3014 : vector<16xi1>, vector<16xf32>
      %select_n3A_3064 = arith.select %gt3A_3061, %select_n3A_3017, %select_n3A_3063 : vector<16xi1>, vector<16xf32>
      %select_n3A_3065 = arith.select %gt3A_3062, %broadcast_in_dim3A_3020, %select_n3A_3016 : vector<16xi1>, vector<16xi32>
      %select_n3A_3066 = arith.select %gt3A_3061, %select_n3A_3018, %select_n3A_3065 : vector<16xi1>, vector<16xi32>
      %select_n3A_3067 = arith.select %gt3A_3061, %get3A_3060, %select_n3A_3017 : vector<16xi1>, vector<16xf32>
      %select_n3A_3068 = arith.select %gt3A_3061, %broadcast_in_dim3A_3020, %select_n3A_3018 : vector<16xi1>, vector<16xi32>
      %broadcast_in_dim3A_3069 = arith.constant 60 : i32
      %broadcast_in_dim3A_3070 = vector.broadcast %broadcast_in_dim3A_3069 : i32 to vector<16xi32>
      %get3A_3071 = arith.constant 60 : i32
      %get3A_3072 = arith.index_cast %get3A_3071 : i32 to index
      %get3A_3073 = arith.index_cast %mul3A_53 : i32 to index
      %get3A_3074 = tpu.vector_load %arg5[%get3A_3072, %get3A_3073] {strides = array<i32>} : memref<64x256xf32, #tpu.memory_space<vmem>>, vector<16xf32>,
      %gt3A_3075 = arith.cmpf ogt, %get3A_3074, %select_n3A_3031 : vector<16xf32>
      %gt3A_3076 = arith.cmpf ogt, %get3A_3074, %select_n3A_3028 : vector<16xf32>
      %select_n3A_3077 = arith.select %gt3A_3076, %get3A_3074, %select_n3A_3028 : vector<16xi1>, vector<16xf32>
      %select_n3A_3078 = arith.select %gt3A_3075, %select_n3A_3031, %select_n3A_3077 : vector<16xi1>, vector<16xf32>
      %select_n3A_3079 = arith.select %gt3A_3076, %broadcast_in_dim3A_3070, %select_n3A_3030 : vector<16xi1>, vector<16xi32>
      %select_n3A_3080 = arith.select %gt3A_3075, %select_n3A_3032, %select_n3A_3079 : vector<16xi1>, vector<16xi32>
      %select_n3A_3081 = arith.select %gt3A_3075, %get3A_3074, %select_n3A_3031 : vector<16xi1>, vector<16xf32>
      %select_n3A_3082 = arith.select %gt3A_3075, %broadcast_in_dim3A_3070, %select_n3A_3032 : vector<16xi1>, vector<16xi32>
      %get3A_3083 = arith.constant 60 : i32
      %get3A_3084 = arith.index_cast %get3A_3083 : i32 to index
      %get3A_3085 = arith.index_cast %mul3A_59 : i32 to index
      %get3A_3086 = tpu.vector_load %arg5[%get3A_3084, %get3A_3085] {strides = array<i32>} : memref<64x256xf32, #tpu.memory_space<vmem>>, vector<16xf32>,
      %gt3A_3087 = arith.cmpf ogt, %get3A_3086, %select_n3A_3043 : vector<16xf32>
      %gt3A_3088 = arith.cmpf ogt, %get3A_3086, %select_n3A_3040 : vector<16xf32>
      %select_n3A_3089 = arith.select %gt3A_3088, %get3A_3086, %select_n3A_3040 : vector<16xi1>, vector<16xf32>
      %select_n3A_3090 = arith.select %gt3A_3087, %select_n3A_3043, %select_n3A_3089 : vector<16xi1>, vector<16xf32>
      %select_n3A_3091 = arith.select %gt3A_3088, %broadcast_in_dim3A_3070, %select_n3A_3042 : vector<16xi1>, vector<16xi32>
      %select_n3A_3092 = arith.select %gt3A_3087, %select_n3A_3044, %select_n3A_3091 : vector<16xi1>, vector<16xi32>
      %select_n3A_3093 = arith.select %gt3A_3087, %get3A_3086, %select_n3A_3043 : vector<16xi1>, vector<16xf32>
      %select_n3A_3094 = arith.select %gt3A_3087, %broadcast_in_dim3A_3070, %select_n3A_3044 : vector<16xi1>, vector<16xi32>
      %get3A_3095 = arith.constant 60 : i32
      %get3A_3096 = arith.index_cast %get3A_3095 : i32 to index
      %get3A_3097 = arith.index_cast %mul3A_65 : i32 to index
      %get3A_3098 = tpu.vector_load %arg5[%get3A_3096, %get3A_3097] {strides = array<i32>} : memref<64x256xf32, #tpu.memory_space<vmem>>, vector<16xf32>,
      %gt3A_3099 = arith.cmpf ogt, %get3A_3098, %select_n3A_3055 : vector<16xf32>
      %gt3A_3100 = arith.cmpf ogt, %get3A_3098, %select_n3A_3052 : vector<16xf32>
      %select_n3A_3101 = arith.select %gt3A_3100, %get3A_3098, %select_n3A_3052 : vector<16xi1>, vector<16xf32>
      %select_n3A_3102 = arith.select %gt3A_3099, %select_n3A_3055, %select_n3A_3101 : vector<16xi1>, vector<16xf32>
      %select_n3A_3103 = arith.select %gt3A_3100, %broadcast_in_dim3A_3070, %select_n3A_3054 : vector<16xi1>, vector<16xi32>
      %select_n3A_3104 = arith.select %gt3A_3099, %select_n3A_3056, %select_n3A_3103 : vector<16xi1>, vector<16xi32>
      %select_n3A_3105 = arith.select %gt3A_3099, %get3A_3098, %select_n3A_3055 : vector<16xi1>, vector<16xf32>
      %select_n3A_3106 = arith.select %gt3A_3099, %broadcast_in_dim3A_3070, %select_n3A_3056 : vector<16xi1>, vector<16xi32>
      %get3A_3107 = arith.constant 60 : i32
      %get3A_3108 = arith.index_cast %get3A_3107 : i32 to index
      %get3A_3109 = arith.index_cast %mul3A_71 : i32 to index
      %get3A_3110 = tpu.vector_load %arg5[%get3A_3108, %get3A_3109] {strides = array<i32>} : memref<64x256xf32, #tpu.memory_space<vmem>>, vector<16xf32>,
      %gt3A_3111 = arith.cmpf ogt, %get3A_3110, %select_n3A_3067 : vector<16xf32>
      %gt3A_3112 = arith.cmpf ogt, %get3A_3110, %select_n3A_3064 : vector<16xf32>
      %select_n3A_3113 = arith.select %gt3A_3112, %get3A_3110, %select_n3A_3064 : vector<16xi1>, vector<16xf32>
      %select_n3A_3114 = arith.select %gt3A_3111, %select_n3A_3067, %select_n3A_3113 : vector<16xi1>, vector<16xf32>
      %select_n3A_3115 = arith.select %gt3A_3112, %broadcast_in_dim3A_3070, %select_n3A_3066 : vector<16xi1>, vector<16xi32>
      %select_n3A_3116 = arith.select %gt3A_3111, %select_n3A_3068, %select_n3A_3115 : vector<16xi1>, vector<16xi32>
      %select_n3A_3117 = arith.select %gt3A_3111, %get3A_3110, %select_n3A_3067 : vector<16xi1>, vector<16xf32>
      %select_n3A_3118 = arith.select %gt3A_3111, %broadcast_in_dim3A_3070, %select_n3A_3068 : vector<16xi1>, vector<16xi32>
      %broadcast_in_dim3A_3119 = arith.constant 61 : i32
      %broadcast_in_dim3A_3120 = vector.broadcast %broadcast_in_dim3A_3119 : i32 to vector<16xi32>
      %get3A_3121 = arith.constant 61 : i32
      %get3A_3122 = arith.index_cast %get3A_3121 : i32 to index
      %get3A_3123 = arith.index_cast %mul3A_53 : i32 to index
      %get3A_3124 = tpu.vector_load %arg5[%get3A_3122, %get3A_3123] {strides = array<i32>} : memref<64x256xf32, #tpu.memory_space<vmem>>, vector<16xf32>,
      %gt3A_3125 = arith.cmpf ogt, %get3A_3124, %select_n3A_3081 : vector<16xf32>
      %gt3A_3126 = arith.cmpf ogt, %get3A_3124, %select_n3A_3078 : vector<16xf32>
      %select_n3A_3127 = arith.select %gt3A_3126, %get3A_3124, %select_n3A_3078 : vector<16xi1>, vector<16xf32>
      %select_n3A_3128 = arith.select %gt3A_3125, %select_n3A_3081, %select_n3A_3127 : vector<16xi1>, vector<16xf32>
      %select_n3A_3129 = arith.select %gt3A_3126, %broadcast_in_dim3A_3120, %select_n3A_3080 : vector<16xi1>, vector<16xi32>
      %select_n3A_3130 = arith.select %gt3A_3125, %select_n3A_3082, %select_n3A_3129 : vector<16xi1>, vector<16xi32>
      %select_n3A_3131 = arith.select %gt3A_3125, %get3A_3124, %select_n3A_3081 : vector<16xi1>, vector<16xf32>
      %select_n3A_3132 = arith.select %gt3A_3125, %broadcast_in_dim3A_3120, %select_n3A_3082 : vector<16xi1>, vector<16xi32>
      %get3A_3133 = arith.constant 61 : i32
      %get3A_3134 = arith.index_cast %get3A_3133 : i32 to index
      %get3A_3135 = arith.index_cast %mul3A_59 : i32 to index
      %get3A_3136 = tpu.vector_load %arg5[%get3A_3134, %get3A_3135] {strides = array<i32>} : memref<64x256xf32, #tpu.memory_space<vmem>>, vector<16xf32>,
      %gt3A_3137 = arith.cmpf ogt, %get3A_3136, %select_n3A_3093 : vector<16xf32>
      %gt3A_3138 = arith.cmpf ogt, %get3A_3136, %select_n3A_3090 : vector<16xf32>
      %select_n3A_3139 = arith.select %gt3A_3138, %get3A_3136, %select_n3A_3090 : vector<16xi1>, vector<16xf32>
      %select_n3A_3140 = arith.select %gt3A_3137, %select_n3A_3093, %select_n3A_3139 : vector<16xi1>, vector<16xf32>
      %select_n3A_3141 = arith.select %gt3A_3138, %broadcast_in_dim3A_3120, %select_n3A_3092 : vector<16xi1>, vector<16xi32>
      %select_n3A_3142 = arith.select %gt3A_3137, %select_n3A_3094, %select_n3A_3141 : vector<16xi1>, vector<16xi32>
      %select_n3A_3143 = arith.select %gt3A_3137, %get3A_3136, %select_n3A_3093 : vector<16xi1>, vector<16xf32>
      %select_n3A_3144 = arith.select %gt3A_3137, %broadcast_in_dim3A_3120, %select_n3A_3094 : vector<16xi1>, vector<16xi32>
      %get3A_3145 = arith.constant 61 : i32
      %get3A_3146 = arith.index_cast %get3A_3145 : i32 to index
      %get3A_3147 = arith.index_cast %mul3A_65 : i32 to index
      %get3A_3148 = tpu.vector_load %arg5[%get3A_3146, %get3A_3147] {strides = array<i32>} : memref<64x256xf32, #tpu.memory_space<vmem>>, vector<16xf32>,
      %gt3A_3149 = arith.cmpf ogt, %get3A_3148, %select_n3A_3105 : vector<16xf32>
      %gt3A_3150 = arith.cmpf ogt, %get3A_3148, %select_n3A_3102 : vector<16xf32>
      %select_n3A_3151 = arith.select %gt3A_3150, %get3A_3148, %select_n3A_3102 : vector<16xi1>, vector<16xf32>
      %select_n3A_3152 = arith.select %gt3A_3149, %select_n3A_3105, %select_n3A_3151 : vector<16xi1>, vector<16xf32>
      %select_n3A_3153 = arith.select %gt3A_3150, %broadcast_in_dim3A_3120, %select_n3A_3104 : vector<16xi1>, vector<16xi32>
      %select_n3A_3154 = arith.select %gt3A_3149, %select_n3A_3106, %select_n3A_3153 : vector<16xi1>, vector<16xi32>
      %select_n3A_3155 = arith.select %gt3A_3149, %get3A_3148, %select_n3A_3105 : vector<16xi1>, vector<16xf32>
      %select_n3A_3156 = arith.select %gt3A_3149, %broadcast_in_dim3A_3120, %select_n3A_3106 : vector<16xi1>, vector<16xi32>
      %get3A_3157 = arith.constant 61 : i32
      %get3A_3158 = arith.index_cast %get3A_3157 : i32 to index
      %get3A_3159 = arith.index_cast %mul3A_71 : i32 to index
      %get3A_3160 = tpu.vector_load %arg5[%get3A_3158, %get3A_3159] {strides = array<i32>} : memref<64x256xf32, #tpu.memory_space<vmem>>, vector<16xf32>,
      %gt3A_3161 = arith.cmpf ogt, %get3A_3160, %select_n3A_3117 : vector<16xf32>
      %gt3A_3162 = arith.cmpf ogt, %get3A_3160, %select_n3A_3114 : vector<16xf32>
      %select_n3A_3163 = arith.select %gt3A_3162, %get3A_3160, %select_n3A_3114 : vector<16xi1>, vector<16xf32>
      %select_n3A_3164 = arith.select %gt3A_3161, %select_n3A_3117, %select_n3A_3163 : vector<16xi1>, vector<16xf32>
      %select_n3A_3165 = arith.select %gt3A_3162, %broadcast_in_dim3A_3120, %select_n3A_3116 : vector<16xi1>, vector<16xi32>
      %select_n3A_3166 = arith.select %gt3A_3161, %select_n3A_3118, %select_n3A_3165 : vector<16xi1>, vector<16xi32>
      %select_n3A_3167 = arith.select %gt3A_3161, %get3A_3160, %select_n3A_3117 : vector<16xi1>, vector<16xf32>
      %select_n3A_3168 = arith.select %gt3A_3161, %broadcast_in_dim3A_3120, %select_n3A_3118 : vector<16xi1>, vector<16xi32>
      %broadcast_in_dim3A_3169 = arith.constant 62 : i32
      %broadcast_in_dim3A_3170 = vector.broadcast %broadcast_in_dim3A_3169 : i32 to vector<16xi32>
      %get3A_3171 = arith.constant 62 : i32
      %get3A_3172 = arith.index_cast %get3A_3171 : i32 to index
      %get3A_3173 = arith.index_cast %mul3A_53 : i32 to index
      %get3A_3174 = tpu.vector_load %arg5[%get3A_3172, %get3A_3173] {strides = array<i32>} : memref<64x256xf32, #tpu.memory_space<vmem>>, vector<16xf32>,
      %gt3A_3175 = arith.cmpf ogt, %get3A_3174, %select_n3A_3131 : vector<16xf32>
      %gt3A_3176 = arith.cmpf ogt, %get3A_3174, %select_n3A_3128 : vector<16xf32>
      %select_n3A_3177 = arith.select %gt3A_3176, %get3A_3174, %select_n3A_3128 : vector<16xi1>, vector<16xf32>
      %select_n3A_3178 = arith.select %gt3A_3175, %select_n3A_3131, %select_n3A_3177 : vector<16xi1>, vector<16xf32>
      %select_n3A_3179 = arith.select %gt3A_3176, %broadcast_in_dim3A_3170, %select_n3A_3130 : vector<16xi1>, vector<16xi32>
      %select_n3A_3180 = arith.select %gt3A_3175, %select_n3A_3132, %select_n3A_3179 : vector<16xi1>, vector<16xi32>
      %select_n3A_3181 = arith.select %gt3A_3175, %get3A_3174, %select_n3A_3131 : vector<16xi1>, vector<16xf32>
      %select_n3A_3182 = arith.select %gt3A_3175, %broadcast_in_dim3A_3170, %select_n3A_3132 : vector<16xi1>, vector<16xi32>
      %get3A_3183 = arith.constant 62 : i32
      %get3A_3184 = arith.index_cast %get3A_3183 : i32 to index
      %get3A_3185 = arith.index_cast %mul3A_59 : i32 to index
      %get3A_3186 = tpu.vector_load %arg5[%get3A_3184, %get3A_3185] {strides = array<i32>} : memref<64x256xf32, #tpu.memory_space<vmem>>, vector<16xf32>,
      %gt3A_3187 = arith.cmpf ogt, %get3A_3186, %select_n3A_3143 : vector<16xf32>
      %gt3A_3188 = arith.cmpf ogt, %get3A_3186, %select_n3A_3140 : vector<16xf32>
      %select_n3A_3189 = arith.select %gt3A_3188, %get3A_3186, %select_n3A_3140 : vector<16xi1>, vector<16xf32>
      %select_n3A_3190 = arith.select %gt3A_3187, %select_n3A_3143, %select_n3A_3189 : vector<16xi1>, vector<16xf32>
      %select_n3A_3191 = arith.select %gt3A_3188, %broadcast_in_dim3A_3170, %select_n3A_3142 : vector<16xi1>, vector<16xi32>
      %select_n3A_3192 = arith.select %gt3A_3187, %select_n3A_3144, %select_n3A_3191 : vector<16xi1>, vector<16xi32>
      %select_n3A_3193 = arith.select %gt3A_3187, %get3A_3186, %select_n3A_3143 : vector<16xi1>, vector<16xf32>
      %select_n3A_3194 = arith.select %gt3A_3187, %broadcast_in_dim3A_3170, %select_n3A_3144 : vector<16xi1>, vector<16xi32>
      %get3A_3195 = arith.constant 62 : i32
      %get3A_3196 = arith.index_cast %get3A_3195 : i32 to index
      %get3A_3197 = arith.index_cast %mul3A_65 : i32 to index
      %get3A_3198 = tpu.vector_load %arg5[%get3A_3196, %get3A_3197] {strides = array<i32>} : memref<64x256xf32, #tpu.memory_space<vmem>>, vector<16xf32>,
      %gt3A_3199 = arith.cmpf ogt, %get3A_3198, %select_n3A_3155 : vector<16xf32>
      %gt3A_3200 = arith.cmpf ogt, %get3A_3198, %select_n3A_3152 : vector<16xf32>
      %select_n3A_3201 = arith.select %gt3A_3200, %get3A_3198, %select_n3A_3152 : vector<16xi1>, vector<16xf32>
      %select_n3A_3202 = arith.select %gt3A_3199, %select_n3A_3155, %select_n3A_3201 : vector<16xi1>, vector<16xf32>
      %select_n3A_3203 = arith.select %gt3A_3200, %broadcast_in_dim3A_3170, %select_n3A_3154 : vector<16xi1>, vector<16xi32>
      %select_n3A_3204 = arith.select %gt3A_3199, %select_n3A_3156, %select_n3A_3203 : vector<16xi1>, vector<16xi32>
      %select_n3A_3205 = arith.select %gt3A_3199, %get3A_3198, %select_n3A_3155 : vector<16xi1>, vector<16xf32>
      %select_n3A_3206 = arith.select %gt3A_3199, %broadcast_in_dim3A_3170, %select_n3A_3156 : vector<16xi1>, vector<16xi32>
      %get3A_3207 = arith.constant 62 : i32
      %get3A_3208 = arith.index_cast %get3A_3207 : i32 to index
      %get3A_3209 = arith.index_cast %mul3A_71 : i32 to index
      %get3A_3210 = tpu.vector_load %arg5[%get3A_3208, %get3A_3209] {strides = array<i32>} : memref<64x256xf32, #tpu.memory_space<vmem>>, vector<16xf32>,
      %gt3A_3211 = arith.cmpf ogt, %get3A_3210, %select_n3A_3167 : vector<16xf32>
      %gt3A_3212 = arith.cmpf ogt, %get3A_3210, %select_n3A_3164 : vector<16xf32>
      %select_n3A_3213 = arith.select %gt3A_3212, %get3A_3210, %select_n3A_3164 : vector<16xi1>, vector<16xf32>
      %select_n3A_3214 = arith.select %gt3A_3211, %select_n3A_3167, %select_n3A_3213 : vector<16xi1>, vector<16xf32>
      %select_n3A_3215 = arith.select %gt3A_3212, %broadcast_in_dim3A_3170, %select_n3A_3166 : vector<16xi1>, vector<16xi32>
      %select_n3A_3216 = arith.select %gt3A_3211, %select_n3A_3168, %select_n3A_3215 : vector<16xi1>, vector<16xi32>
      %select_n3A_3217 = arith.select %gt3A_3211, %get3A_3210, %select_n3A_3167 : vector<16xi1>, vector<16xf32>
      %select_n3A_3218 = arith.select %gt3A_3211, %broadcast_in_dim3A_3170, %select_n3A_3168 : vector<16xi1>, vector<16xi32>
      %broadcast_in_dim3A_3219 = arith.constant 63 : i32
      %broadcast_in_dim3A_3220 = vector.broadcast %broadcast_in_dim3A_3219 : i32 to vector<16xi32>
      %get3A_3221 = arith.constant 63 : i32
      %get3A_3222 = arith.index_cast %get3A_3221 : i32 to index
      %get3A_3223 = arith.index_cast %mul3A_53 : i32 to index
      %get3A_3224 = tpu.vector_load %arg5[%get3A_3222, %get3A_3223] {strides = array<i32>} : memref<64x256xf32, #tpu.memory_space<vmem>>, vector<16xf32>,
      %gt3A_3225 = arith.cmpf ogt, %get3A_3224, %select_n3A_3181 : vector<16xf32>
      %gt3A_3226 = arith.cmpf ogt, %get3A_3224, %select_n3A_3178 : vector<16xf32>
      %select_n3A_3227 = arith.select %gt3A_3226, %get3A_3224, %select_n3A_3178 : vector<16xi1>, vector<16xf32>
      %select_n3A_3228 = arith.select %gt3A_3225, %select_n3A_3181, %select_n3A_3227 : vector<16xi1>, vector<16xf32>
      %select_n3A_3229 = arith.select %gt3A_3226, %broadcast_in_dim3A_3220, %select_n3A_3180 : vector<16xi1>, vector<16xi32>
      %select_n3A_3230 = arith.select %gt3A_3225, %select_n3A_3182, %select_n3A_3229 : vector<16xi1>, vector<16xi32>
      %select_n3A_3231 = arith.select %gt3A_3225, %get3A_3224, %select_n3A_3181 : vector<16xi1>, vector<16xf32>
      %select_n3A_3232 = arith.select %gt3A_3225, %broadcast_in_dim3A_3220, %select_n3A_3182 : vector<16xi1>, vector<16xi32>
      %get3A_3233 = arith.constant 63 : i32
      %get3A_3234 = arith.index_cast %get3A_3233 : i32 to index
      %get3A_3235 = arith.index_cast %mul3A_59 : i32 to index
      %get3A_3236 = tpu.vector_load %arg5[%get3A_3234, %get3A_3235] {strides = array<i32>} : memref<64x256xf32, #tpu.memory_space<vmem>>, vector<16xf32>,
      %gt3A_3237 = arith.cmpf ogt, %get3A_3236, %select_n3A_3193 : vector<16xf32>
      %gt3A_3238 = arith.cmpf ogt, %get3A_3236, %select_n3A_3190 : vector<16xf32>
      %select_n3A_3239 = arith.select %gt3A_3238, %get3A_3236, %select_n3A_3190 : vector<16xi1>, vector<16xf32>
      %select_n3A_3240 = arith.select %gt3A_3237, %select_n3A_3193, %select_n3A_3239 : vector<16xi1>, vector<16xf32>
      %select_n3A_3241 = arith.select %gt3A_3238, %broadcast_in_dim3A_3220, %select_n3A_3192 : vector<16xi1>, vector<16xi32>
      %select_n3A_3242 = arith.select %gt3A_3237, %select_n3A_3194, %select_n3A_3241 : vector<16xi1>, vector<16xi32>
      %select_n3A_3243 = arith.select %gt3A_3237, %get3A_3236, %select_n3A_3193 : vector<16xi1>, vector<16xf32>
      %select_n3A_3244 = arith.select %gt3A_3237, %broadcast_in_dim3A_3220, %select_n3A_3194 : vector<16xi1>, vector<16xi32>
      %get3A_3245 = arith.constant 63 : i32
      %get3A_3246 = arith.index_cast %get3A_3245 : i32 to index
      %get3A_3247 = arith.index_cast %mul3A_65 : i32 to index
      %get3A_3248 = tpu.vector_load %arg5[%get3A_3246, %get3A_3247] {strides = array<i32>} : memref<64x256xf32, #tpu.memory_space<vmem>>, vector<16xf32>,
      %gt3A_3249 = arith.cmpf ogt, %get3A_3248, %select_n3A_3205 : vector<16xf32>
      %gt3A_3250 = arith.cmpf ogt, %get3A_3248, %select_n3A_3202 : vector<16xf32>
      %select_n3A_3251 = arith.select %gt3A_3250, %get3A_3248, %select_n3A_3202 : vector<16xi1>, vector<16xf32>
      %select_n3A_3252 = arith.select %gt3A_3249, %select_n3A_3205, %select_n3A_3251 : vector<16xi1>, vector<16xf32>
      %select_n3A_3253 = arith.select %gt3A_3250, %broadcast_in_dim3A_3220, %select_n3A_3204 : vector<16xi1>, vector<16xi32>
      %select_n3A_3254 = arith.select %gt3A_3249, %select_n3A_3206, %select_n3A_3253 : vector<16xi1>, vector<16xi32>
      %select_n3A_3255 = arith.select %gt3A_3249, %get3A_3248, %select_n3A_3205 : vector<16xi1>, vector<16xf32>
      %select_n3A_3256 = arith.select %gt3A_3249, %broadcast_in_dim3A_3220, %select_n3A_3206 : vector<16xi1>, vector<16xi32>
      %get3A_3257 = arith.constant 63 : i32
      %get3A_3258 = arith.index_cast %get3A_3257 : i32 to index
      %get3A_3259 = arith.index_cast %mul3A_71 : i32 to index
      %get3A_3260 = tpu.vector_load %arg5[%get3A_3258, %get3A_3259] {strides = array<i32>} : memref<64x256xf32, #tpu.memory_space<vmem>>, vector<16xf32>,
      %gt3A_3261 = arith.cmpf ogt, %get3A_3260, %select_n3A_3217 : vector<16xf32>
      %gt3A_3262 = arith.cmpf ogt, %get3A_3260, %select_n3A_3214 : vector<16xf32>
      %select_n3A_3263 = arith.select %gt3A_3262, %get3A_3260, %select_n3A_3214 : vector<16xi1>, vector<16xf32>
      %select_n3A_3264 = arith.select %gt3A_3261, %select_n3A_3217, %select_n3A_3263 : vector<16xi1>, vector<16xf32>
      %select_n3A_3265 = arith.select %gt3A_3262, %broadcast_in_dim3A_3220, %select_n3A_3216 : vector<16xi1>, vector<16xi32>
      %select_n3A_3266 = arith.select %gt3A_3261, %select_n3A_3218, %select_n3A_3265 : vector<16xi1>, vector<16xi32>
      %select_n3A_3267 = arith.select %gt3A_3261, %get3A_3260, %select_n3A_3217 : vector<16xi1>, vector<16xf32>
      %select_n3A_3268 = arith.select %gt3A_3261, %broadcast_in_dim3A_3220, %select_n3A_3218 : vector<16xi1>, vector<16xi32>
      %sub3A = arith.subf %select_n3A_3228, %select_n3A_3231 : vector<16xf32>
      %exp3A = math.exp %sub3A : vector<16xf32>
      %add3A_3269 = arith.constant 1.000000e+00 : f32
      %add3A_3270 = vector.broadcast %add3A_3269 : f32 to vector<16xf32>
      %add3A_3271 = arith.addf %exp3A, %add3A_3270 : vector<16xf32>
      %div3A = arith.constant 1.000000e+00 : f32
      %div3A_3272 = vector.broadcast %div3A : f32 to vector<16xf32>
      %div3A_3273 = arith.divf %div3A_3272, %add3A_3271 : vector<16xf32>
      %div3A_3274 = arith.divf %exp3A, %add3A_3271 : vector<16xf32>
      tpu.vector_store_idx %arg6[%add3A_23, %broadcast_in_dim3A_5], %select_n3A_3232 : memref<256x2xi32, #tpu.memory_space<vmem>>[vector<16xi32>, vector<16xi32>], vector<16xi32>,
      tpu.vector_store_idx %arg6[%add3A_23, %broadcast_in_dim3A_7], %select_n3A_3230 : memref<256x2xi32, #tpu.memory_space<vmem>>[vector<16xi32>, vector<16xi32>], vector<16xi32>,
      tpu.vector_store_idx %arg7[%add3A_23, %broadcast_in_dim3A_5], %div3A_3273 : memref<256x2xf32, #tpu.memory_space<vmem>>[vector<16xi32>, vector<16xi32>], vector<16xf32>,
      tpu.vector_store_idx %arg7[%add3A_23, %broadcast_in_dim3A_7], %div3A_3274 : memref<256x2xf32, #tpu.memory_space<vmem>>[vector<16xi32>, vector<16xi32>], vector<16xf32>,
      %sub3A_3275 = arith.subf %select_n3A_3240, %select_n3A_3243 : vector<16xf32>
      %exp3A_3276 = math.exp %sub3A_3275 : vector<16xf32>
      %add3A_3277 = arith.constant 1.000000e+00 : f32
      %add3A_3278 = vector.broadcast %add3A_3277 : f32 to vector<16xf32>
      %add3A_3279 = arith.addf %exp3A_3276, %add3A_3278 : vector<16xf32>
      %div3A_3280 = arith.constant 1.000000e+00 : f32
      %div3A_3281 = vector.broadcast %div3A_3280 : f32 to vector<16xf32>
      %div3A_3282 = arith.divf %div3A_3281, %add3A_3279 : vector<16xf32>
      %div3A_3283 = arith.divf %exp3A_3276, %add3A_3279 : vector<16xf32>
      tpu.vector_store_idx %arg6[%add3A_31, %broadcast_in_dim3A_5], %select_n3A_3244 : memref<256x2xi32, #tpu.memory_space<vmem>>[vector<16xi32>, vector<16xi32>], vector<16xi32>,
      tpu.vector_store_idx %arg6[%add3A_31, %broadcast_in_dim3A_7], %select_n3A_3242 : memref<256x2xi32, #tpu.memory_space<vmem>>[vector<16xi32>, vector<16xi32>], vector<16xi32>,
      tpu.vector_store_idx %arg7[%add3A_31, %broadcast_in_dim3A_5], %div3A_3282 : memref<256x2xf32, #tpu.memory_space<vmem>>[vector<16xi32>, vector<16xi32>], vector<16xf32>,
      tpu.vector_store_idx %arg7[%add3A_31, %broadcast_in_dim3A_7], %div3A_3283 : memref<256x2xf32, #tpu.memory_space<vmem>>[vector<16xi32>, vector<16xi32>], vector<16xf32>,
      %sub3A_3284 = arith.subf %select_n3A_3252, %select_n3A_3255 : vector<16xf32>
      %exp3A_3285 = math.exp %sub3A_3284 : vector<16xf32>
      %add3A_3286 = arith.constant 1.000000e+00 : f32
      %add3A_3287 = vector.broadcast %add3A_3286 : f32 to vector<16xf32>
      %add3A_3288 = arith.addf %exp3A_3285, %add3A_3287 : vector<16xf32>
      %div3A_3289 = arith.constant 1.000000e+00 : f32
      %div3A_3290 = vector.broadcast %div3A_3289 : f32 to vector<16xf32>
      %div3A_3291 = arith.divf %div3A_3290, %add3A_3288 : vector<16xf32>
      %div3A_3292 = arith.divf %exp3A_3285, %add3A_3288 : vector<16xf32>
      tpu.vector_store_idx %arg6[%add3A_39, %broadcast_in_dim3A_5], %select_n3A_3256 : memref<256x2xi32, #tpu.memory_space<vmem>>[vector<16xi32>, vector<16xi32>], vector<16xi32>,
      tpu.vector_store_idx %arg6[%add3A_39, %broadcast_in_dim3A_7], %select_n3A_3254 : memref<256x2xi32, #tpu.memory_space<vmem>>[vector<16xi32>, vector<16xi32>], vector<16xi32>,
      tpu.vector_store_idx %arg7[%add3A_39, %broadcast_in_dim3A_5], %div3A_3291 : memref<256x2xf32, #tpu.memory_space<vmem>>[vector<16xi32>, vector<16xi32>], vector<16xf32>,
      tpu.vector_store_idx %arg7[%add3A_39, %broadcast_in_dim3A_7], %div3A_3292 : memref<256x2xf32, #tpu.memory_space<vmem>>[vector<16xi32>, vector<16xi32>], vector<16xf32>,
      %sub3A_3293 = arith.subf %select_n3A_3264, %select_n3A_3267 : vector<16xf32>
      %exp3A_3294 = math.exp %sub3A_3293 : vector<16xf32>
      %add3A_3295 = arith.constant 1.000000e+00 : f32
      %add3A_3296 = vector.broadcast %add3A_3295 : f32 to vector<16xf32>
      %add3A_3297 = arith.addf %exp3A_3294, %add3A_3296 : vector<16xf32>
      %div3A_3298 = arith.constant 1.000000e+00 : f32
      %div3A_3299 = vector.broadcast %div3A_3298 : f32 to vector<16xf32>
      %div3A_3300 = arith.divf %div3A_3299, %add3A_3297 : vector<16xf32>
      %div3A_3301 = arith.divf %exp3A_3294, %add3A_3297 : vector<16xf32>
      tpu.vector_store_idx %arg6[%add3A_47, %broadcast_in_dim3A_5], %select_n3A_3268 : memref<256x2xi32, #tpu.memory_space<vmem>>[vector<16xi32>, vector<16xi32>], vector<16xi32>,
      tpu.vector_store_idx %arg6[%add3A_47, %broadcast_in_dim3A_7], %select_n3A_3266 : memref<256x2xi32, #tpu.memory_space<vmem>>[vector<16xi32>, vector<16xi32>], vector<16xi32>,
      tpu.vector_store_idx %arg7[%add3A_47, %broadcast_in_dim3A_5], %div3A_3300 : memref<256x2xf32, #tpu.memory_space<vmem>>[vector<16xi32>, vector<16xi32>], vector<16xf32>,
      tpu.vector_store_idx %arg7[%add3A_47, %broadcast_in_dim3A_7], %div3A_3301 : memref<256x2xf32, #tpu.memory_space<vmem>>[vector<16xi32>, vector<16xi32>], vector<16xf32>,
      %scan3A_3302 = arith.constant 0 : i32
      scf.yield %scan3A_3302 : i32
    }
    %scan3A_13 = arith.constant 4 : i32
    "tpu.region"() ({
      %run_scoped3A = tpu.sem_alloc : memref<!tpu.dma_semaphore, #tpu.memory_space<semaphore_mem>>
      %dma_start3A = arith.constant 0 : i32
      %dma_start3A_14 = tpu.memref_slice %arg3[%mul3A_2, %dma_start3A] : memref<8192x2xi32, #tpu.memory_space<hbm>> -> memref<256x2xi32, #tpu.memory_space<hbm>>
      %dma_start3A_15 = arith.constant 0 : i32
      %dma_start3A_16 = tpu.memref_slice %arg3[%mul3A_2, %dma_start3A_15] : memref<8192x2xi32, #tpu.memory_space<hbm>> -> memref<256x2xi32, #tpu.memory_space<hbm>>
      tpu.enqueue_dma source(%arg6 : memref<256x2xi32, #tpu.memory_space<vmem>>) target(%dma_start3A_16 : memref<256x2xi32, #tpu.memory_space<hbm>>) target_semaphore(%run_scoped3A : memref<!tpu.dma_semaphore, #tpu.memory_space<semaphore_mem>>)
      %dma_wait3A = arith.constant 0 : i32
      %dma_wait3A_17 = tpu.memref_slice %arg3[%mul3A_2, %dma_wait3A] : memref<8192x2xi32, #tpu.memory_space<hbm>> -> memref<256x2xi32, #tpu.memory_space<hbm>>
      %dma_wait3A_18 = arith.constant 0 : i32
      %dma_wait3A_19 = tpu.memref_slice %arg3[%mul3A_2, %dma_wait3A_18] : memref<8192x2xi32, #tpu.memory_space<hbm>> -> memref<256x2xi32, #tpu.memory_space<hbm>>
      tpu.wait_dma2 semaphore(%run_scoped3A : memref<!tpu.dma_semaphore, #tpu.memory_space<semaphore_mem>>) src(%arg6 : memref<256x2xi32, #tpu.memory_space<vmem>>) dst(%dma_wait3A_19 : memref<256x2xi32, #tpu.memory_space<hbm>>)
      tpu.yield
    }) : () -> ()
    "tpu.region"() ({
      %run_scoped3A = tpu.sem_alloc : memref<!tpu.dma_semaphore, #tpu.memory_space<semaphore_mem>>
      %dma_start3A = arith.constant 0 : i32
      %dma_start3A_14 = tpu.memref_slice %arg4[%mul3A_2, %dma_start3A] : memref<8192x2xf32, #tpu.memory_space<hbm>> -> memref<256x2xf32, #tpu.memory_space<hbm>>
      %dma_start3A_15 = arith.constant 0 : i32
      %dma_start3A_16 = tpu.memref_slice %arg4[%mul3A_2, %dma_start3A_15] : memref<8192x2xf32, #tpu.memory_space<hbm>> -> memref<256x2xf32, #tpu.memory_space<hbm>>
      tpu.enqueue_dma source(%arg7 : memref<256x2xf32, #tpu.memory_space<vmem>>) target(%dma_start3A_16 : memref<256x2xf32, #tpu.memory_space<hbm>>) target_semaphore(%run_scoped3A : memref<!tpu.dma_semaphore, #tpu.memory_space<semaphore_mem>>)
      %dma_wait3A = arith.constant 0 : i32
      %dma_wait3A_17 = tpu.memref_slice %arg4[%mul3A_2, %dma_wait3A] : memref<8192x2xf32, #tpu.memory_space<hbm>> -> memref<256x2xf32, #tpu.memory_space<hbm>>
      %dma_wait3A_18 = arith.constant 0 : i32
      %dma_wait3A_19 = tpu.memref_slice %arg4[%mul3A_2, %dma_wait3A_18] : memref<8192x2xf32, #tpu.memory_space<hbm>> -> memref<256x2xf32, #tpu.memory_space<hbm>>
      tpu.wait_dma2 semaphore(%run_scoped3A : memref<!tpu.dma_semaphore, #tpu.memory_space<semaphore_mem>>) src(%arg7 : memref<256x2xf32, #tpu.memory_space<vmem>>) dst(%dma_wait3A_19 : memref<256x2xf32, #tpu.memory_space<hbm>>)
      tpu.yield
    }) : () -> ()
    return
  }
}

module attributes {stable_mosaic.version = 14 : i64} {
  func.func @_gate_matmul_body(%arg0: i32, %arg1: memref<1024x2048xf32, #tpu.memory_space<vmem>>, %arg2: memref<64x2048xf32, #tpu.memory_space<vmem>>, %arg3: memref<1024x64xf32, #tpu.memory_space<vmem>>, %arg4: memref<64x1024xf32, #tpu.memory_space<vmem>>) attributes {dimension_semantics = [#tpu.dimension_semantics<arbitrary>], iteration_bounds = array<i64: 8>, scalar_prefetch = 0 : i64, scratch_operands = 0 : i64, tpu.core_type = #tpu.core_type<tc>, window_params = [{transform_indices = @transform_0, window_bounds = array<i64: 1024, 2048>}, {pipeline_mode = #tpu.pipeline_mode<synchronous>, transform_indices = @transform_1, window_bounds = array<i64: 64, 2048>}, {transform_indices = @transform_2, window_bounds = array<i64: 1024, 64>}, {transform_indices = @transform_3, window_bounds = array<i64: 64, 1024>}]} {
    %get3A = arith.constant 0 : index
    %get3A_0 = arith.constant 0 : index
    %get3A_1 = vector.load %arg1[%get3A, %get3A_0] : memref<1024x2048xf32, #tpu.memory_space<vmem>>, vector<1024x2048xf32>
    %get3A_2 = arith.constant 0 : index
    %get3A_3 = arith.constant 0 : index
    %get3A_4 = vector.load %arg2[%get3A_2, %get3A_3] : memref<64x2048xf32, #tpu.memory_space<vmem>>, vector<64x2048xf32>
    %dot_general3A = arith.constant dense<0.000000e+00> : vector<1024x64xf32>
    %dot_general3A_5 = tpu.matmul %get3A_1, %get3A_4, %dot_general3A {dimension_numbers = #tpu.dot_dimension_numbers<[1], [1], [0], [0], [0, 0, 1, 0], [], []>, transpose_lhs_hint = false} : vector<1024x2048xf32>, vector<64x2048xf32>, vector<1024x64xf32> -> vector<1024x64xf32>
    %swap3A = arith.constant 0 : index
    %swap3A_6 = arith.constant 0 : index
    %swap3A_7 = vector.load %arg3[%swap3A, %swap3A_6] : memref<1024x64xf32, #tpu.memory_space<vmem>>, vector<1024x64xf32>
    tpu.vector_store %arg3[%swap3A, %swap3A_6], %dot_general3A_5 {strides = array<i32>} : memref<1024x64xf32, #tpu.memory_space<vmem>>, vector<1024x64xf32>,
    %transpose3A = tpu.transpose %dot_general3A_5, [1, 0] : vector<1024x64xf32> -> vector<64x1024xf32>
    %swap3A_8 = arith.constant 0 : index
    %swap3A_9 = arith.constant 0 : index
    %swap3A_10 = vector.load %arg4[%swap3A_8, %swap3A_9] : memref<64x1024xf32, #tpu.memory_space<vmem>>, vector<64x1024xf32>
    tpu.vector_store %arg4[%swap3A_8, %swap3A_9], %transpose3A {strides = array<i32>} : memref<64x1024xf32, #tpu.memory_space<vmem>>, vector<64x1024xf32>,
    return
  }
  func.func @transform_0(%arg0: i32) -> (i32, i32) {
    %c0_i32 = arith.constant 0 : i32
    %c0_i32_0 = arith.constant 0 : i32
    return %arg0, %c0_i32 : i32, i32
  }
  func.func @transform_1(%arg0: i32) -> (i32, i32) {
    %c0_i32 = arith.constant 0 : i32
    %c0_i32_0 = arith.constant 0 : i32
    %c0_i32_1 = arith.constant 0 : i32
    return %c0_i32, %c0_i32_0 : i32, i32
  }
  func.func @transform_2(%arg0: i32) -> (i32, i32) {
    %c0_i32 = arith.constant 0 : i32
    %c0_i32_0 = arith.constant 0 : i32
    return %arg0, %c0_i32 : i32, i32
  }
  func.func @transform_3(%arg0: i32) -> (i32, i32) {
    %c0_i32 = arith.constant 0 : i32
    %c0_i32_0 = arith.constant 0 : i32
    return %c0_i32, %arg0 : i32, i32
  }
}

</mosaic_0001>

<sc_bundles>
// kernel: kernel.4.cloned.1.call-start
scs
__scs_entry_jumppad:
0x0: {  	(pc) =	sbr.rel $0x88, $3  }
0x1: {  	(tag) =	ssettag $0x0;
	lr =	simm.s32 $0x1  }
0x2: {  	[smem:$0x3F9F] =	sst lr;
	_ =	strace $0xD0000000  }
0x3: {  	_ = 	snop  }
0x4: {  	_ = 	snop  }
0x5: {  	_ = 	snop  }
0x6: {  	_ = 	snop  }
0x7: {  	_ = 	snop  }
__scs_overlays_trampoline_lowered:
0x8: {  	[smem:$0x3FAE] =	sst s0  }
0x9: {  	[smem:$0x3FAF] =	sst s1  }
0xa: {  	[smem:$0x3FB0] =	sst s2  }
0xb: {  	[smem:$0x3FB1] =	sst s3  }
0xc: {  	[smem:$0x3FB2] =	sst s4  }
0xd: {  	[smem:$0x3FB3] =	sst s5  }
0xe: {  	[smem:$0x3FB4] =	sst s6  }
0xf: {  	[smem:$0x3FB5] =	sst s7  }
0x10: {  	[smem:$0x3FB6] =	sst s8  }
0x11: {  	[smem:$0x3FB7] =	sst s9;
	s0 =	simm.s32 @!p0 $0x0  }
0x12: {  	s1 =	sld [smem:$0x3F9D];
	s0 =	simm.s32 @p0 $0x1  }
0x13: {  	[smem:$0x3FB8] =	sst s0;
	s0 =	simm.s32 @!p1 $0x0  }
0x14: {  	s2 =	sld [smem:$0x3F9C];
	s0 =	simm.s32 @p1 $0x1  }
0x15: {  	[smem:$0x3FB9] =	sst s0;
	s0 =	simm.s32 @!p2 $0x0  }
0x16: {  	s3 =	sld [smem:$0x3FDB];
	s0 =	simm.s32 @p2 $0x1  }
0x17: {  	s4 =	simm.s32 $0x1BF5;
	[smem:$0x3FBB] =	sst s0  }
0x18: {  	s0 =	sld [smem:$0x3F9E];
	_ =	swait.ge [sflag:s4], $0x0  }
0x19: {  	s7 =	sld [smem:$0x3F9F]  }
0x1a: {  	s8 =	sadd.s32 $0xFFFFE003, lr  }
0x1b: {  	s9 =	sadd.s32 $0xFFFFFEF7, lr;
	s5 =	simm.s32 $0xFFFFFFFF;
	p2 =	slt.u32 s8, $0xFFFFF086  }
0x1c: {  	p1 =	slt.u32 s9, $0xF7A;
	s5 =	simm.s32 @!p2 $0x0  }
0x1d: {  	s5 =	simm.s32 @p1 $0x1;
	p0 =	seq.s32 s7, s2  }
0x1e: {  	s7 =	smul.u32 @!p0 $0xF7A, s2;
	p2 =	seq.s32 @!p0 s5, $0x0  }
0x1f: {  	s9 =	smul.u32 $0xF7A, s1;
	s8 =	simm.s32 @!p0 $0x1BF5;
	p2 =	por !p2, p0  }
0x20: {  	[sflag:s8] =	ssyncset.s32 @!p0 $0xFFFFF086;
	s6 =	sadd.s32 @!p0 s3, s7;
	s7 =	simm.s32 @!p0 $0x108  }
0x21: {  	s3 =	sadd.s32 s3, s9;
	s6 =	sadd.s32 @!p0 $0x88, s6;
	s7 =	simm.s32 @p2 $0x1082  }
0x22: {  	[simem:s7], [sflag:s8] =	dma.local @!p0 [hbm:s6], $0xF7A  }
0x23: {  	s9 =	sor.u32 $0xD0000000, s2;
	s6 =	simm.s32 $0x108;
	_ =	swait.ge @!p0 [sflag:s8], $0x0  }
0x24: {  	s3 =	sadd.s32 $0x88, s3;
	s6 =	simm.s32 @!p1 $0x1082;
	[sflag:s4] =	ssyncset.s32 $0xFFFFF086  }
0x25: {  	[simem:s6], [sflag:s4] =	dma.local [hbm:s3], $0xF7A  }
0x26: {  	[smem:$0x3F9F] =	sst s1;
	(tag) =	ssettag s2;
	_ =	strace s9  }
0x27: {  	s1 =	sld [smem:$0x3FAF]  }
0x28: {  	s2 =	sld [smem:$0x3FB0]  }
0x29: {  	s4 =	sld [smem:$0x3FB2]  }
0x2a: {  	p0 =	seq.s32 s5, $0x0;
	s5 =	sld [smem:$0x3FB3]  }
0x2b: {  	s6 =	sld [smem:$0x3FB4]  }
0x2c: {  	s7 =	sld [smem:$0x3FB5]  }
0x2d: {  	s3 =	simm.s32 $0x108;
	s8 =	sld [smem:$0x3FB6]  }
0x2e: {  	s3 =	simm.s32 @!p0 $0x1082;
	s9 =	sld [smem:$0x3FB7]  }
0x2f: {  	lr =	sadd.s32 s0, s3;
	s0 =	sld [smem:$0x3FAE]  }
0x30: {  	s3 =	sld [smem:$0x3FB1]  }
0x31: {  	[smem:$0x3FBA] =	sst s10  }
0x32: {  	s10 =	sld [smem:$0x3FB8];
	_ =	sdelay $0x3  }
0x33: {  	p0 =	seq.s32 s10, $0x1;
	s10 =	sld [smem:$0x3FBA];
	_ =	sdelay $0x3  }
0x34: {  	[smem:$0x3FBA] =	sst s10  }
0x35: {  	s10 =	sld [smem:$0x3FB9];
	_ =	sdelay $0x3  }
0x36: {  	p1 =	seq.s32 s10, $0x1;
	s10 =	sld [smem:$0x3FBA];
	_ =	sdelay $0x3  }
0x37: {  	[smem:$0x3FBA] =	sst s10  }
0x38: {  	s10 =	sld [smem:$0x3FBB]  }
0x39: {  	_ = 	snop;
	(pc) =	sbr.ind lr, $3  }
0x3a: {  	_ = 	snop  }
0x3b: {  	_ = 	snop  }
0x3c: {  	p2 =	seq.s32 s10, $0x1;
	s10 =	sld [smem:$0x3FBA]  }
0x3d: {  	_ =	shalt  }
0x3e: {  	_ =	shalt  }
0x3f: {  	_ =	shalt  }
0x40: {  	_ =	shalt  }
0x41: {  	_ =	shalt  }
0x42: {  	_ =	shalt  }
0x43: {  	_ =	shalt  }
0x44: {  	_ =	shalt  }
0x45: {  	_ =	shalt  }
0x46: {  	_ =	shalt  }
0x47: {  	_ =	shalt  }
0x48: {  	_ =	shalt  }
0x49: {  	_ =	shalt  }
0x4a: {  	_ =	shalt  }
0x4b: {  	_ =	shalt  }
0x4c: {  	_ =	shalt  }
0x4d: {  	_ =	shalt  }
0x4e: {  	_ =	shalt  }
0x4f: {  	_ =	shalt  }
0x50: {  	_ =	shalt  }
0x51: {  	_ =	shalt  }
0x52: {  	_ =	shalt  }
0x53: {  	_ =	shalt  }
0x54: {  	_ =	shalt  }
0x55: {  	_ =	shalt  }
0x56: {  	_ =	shalt  }
0x57: {  	_ =	shalt  }
0x58: {  	_ =	shalt  }
0x59: {  	_ =	shalt  }
0x5a: {  	_ =	shalt  }
0x5b: {  	_ =	shalt  }
0x5c: {  	_ =	shalt  }
0x5d: {  	_ =	shalt  }
0x5e: {  	_ =	shalt  }
0x5f: {  	_ =	shalt  }
0x60: {  	_ =	shalt  }
0x61: {  	_ =	shalt  }
0x62: {  	_ =	shalt  }
0x63: {  	_ =	shalt  }
0x64: {  	_ =	shalt  }
0x65: {  	_ =	shalt  }
0x66: {  	_ =	shalt  }
0x67: {  	_ =	shalt  }
0x68: {  	_ =	shalt  }
0x69: {  	_ =	shalt  }
0x6a: {  	_ =	shalt  }
0x6b: {  	_ =	shalt  }
0x6c: {  	_ =	shalt  }
0x6d: {  	_ =	shalt  }
0x6e: {  	_ =	shalt  }
0x6f: {  	_ =	shalt  }
0x70: {  	_ =	shalt  }
0x71: {  	_ =	shalt  }
0x72: {  	_ =	shalt  }
0x73: {  	_ =	shalt  }
0x74: {  	_ =	shalt  }
0x75: {  	_ =	shalt  }
0x76: {  	_ =	shalt  }
0x77: {  	_ =	shalt  }
0x78: {  	_ =	shalt  }
0x79: {  	_ =	shalt  }
0x7a: {  	_ =	shalt  }
0x7b: {  	_ =	shalt  }
0x7c: {  	_ =	shalt  }
0x7d: {  	_ =	shalt  }
0x7e: {  	_ =	shalt  }
0x7f: {  	_ =	shalt  }
0x80: {  	_ =	shalt  }
0x81: {  	_ =	shalt  }
0x82: {  	_ =	shalt  }
0x83: {  	_ =	shalt  }
0x84: {  	_ =	shalt  }
0x85: {  	_ =	shalt  }
0x86: {  	_ =	shalt  }
0x87: {  	_ =	shalt  }
.Lfunc_end0:
.L_simem_size_0:
called_computation_lowered:
.L_overlay_start_0:
0x88: {  	s2 =	sld [smem:$0x3FD9]  }
0x89: {  	s3 =	sld [smem:$0x3FFE];
	_ =	sdelay $0x1  }
0x8a: {  	s1 =	srdreg.scid  }
0x8b: {  	s0 =	sand.u32 $0x1, s1  }
0x8c: {  	s16 =	sshll.u32 s0, $0xA;
	s2 =	sadd.s32 s3, s2  }
0x8d: {  	s2 =	sadd.s32 s2, s16  }
0x8e: {  	[smem:$0x3FC6] =	sst s2  }
0x8f: {  	_ = 	snop  }
0x90: {  	(tm) =	ssettm $0x1  }
0x91: {  	s17 =	sld [smem:$0x3FFB];
	_ =	sdelay $0x3  }
0x92: {  	_ =	strace s17  }
0x93: {  	s2 =	sld [smem:$0x3FFC];
	_ =	sdelay $0x3  }
0x94: {  	_ =	strace s2  }
0x95: {  	s2 =	sld [smem:$0x3FFD];
	_ =	sdelay $0x3  }
0x96: {  	_ =	strace s2  }
0x97: {  	_ =	strace $0x8FFFFFFF  }
0x98: {  	s18 =	sld [smem:$0x3FDB];
	_ =	sdelay $0x1  }
0x99: {  	s19 =	simm.s32 $_scs_section_size  }
0x9a: {  	s4 =	simm.s32 $_size__tile_overlayer_lowered;
	s5 =	simm.s32 $_tile_overlayer_lowered  }
0x9b: {  	s22 =	simm.s32 $0x1BFF;
	s21 =	sshll.u32 s5, $0x1;
	s2 =	sadd.s32 s19, s18  }
0x9c: {  	s6 =	simm.s32 $0x0;
	s20 =	sshll.u32 s4, $0x1;
	s4 =	sadd.s32 s21, s2  }
0x9d: {  	[timem:s6], [sflag:s22] =	dma.local [hbm:s4], s20  }
0x9e: {  	_ =	swait.ge [sflag:s22], s20  }
0x9f: {  	s3 =	ssub.s32 $0x0, s20;
	[sflag:s22] =	ssyncset.done $0x0  }
0xa0: {  	[sflag:s22] =	ssyncadd.s32 s3;
	_ =	sdelay $0x1  }
0xa1: {  	s23 =	simm.s32 $0x1B8B  }
0xa2: {  	_ =	swait.ge [sflag:s23], $0x1  }
0xa3: {  	[sflag:s23] =	ssyncset.done $0x0  }
0xa4: {  	s25 =	simm.s32 $0x1B8E;
	s24 =	sld [smem:$0x3FFE];
	[sflag:s23] =	ssyncadd.s32 $0xFFFFFFFF  }
0xa5: {  	s26 =	simm.s32 $execute0_lowered;
	[smem:$0x3FD2] =	sst s25  }
0xa6: {  	s4 =	sshll.u32 s26, $0x1;
	_ =	strace $0x80000046;
	[dreg:$0x1] =	wrdreg $0xFFFFFFFF  }
0xa7: {  	s28 =	simm.s32 $_size_execute0_lowered;
	s2 =	sadd.s32 s2, s4;
	[dreg:$0x0] =	wrdreg $0x0  }
0xa8: {  	s4 =	sshll.u32 s28, $0x1;
	[dreg:$0x2] =	wrdreg s2  }
0xa9: {  	[dreg:$0x3] =	wrdreg s4  }
0xaa: {  	[dreg:$0x4] =	wrdreg $0xC0  }
0xab: {  	_ =	task [dreg:s6], $0x5FFFF  }
0xac: {  	[dreg:$0x1] =	wrdreg $0xFFFFFFFF  }
0xad: {  	[dreg:$0x0] =	wrdreg $0x60  }
0xae: {  	[dreg:$0x2] =	wrdreg s24  }
0xaf: {  	[dreg:$0x3] =	wrdreg $0x9  }
0xb0: {  	_ =	task.clear_ibuf [dreg:s6], $0x4FFFF;
	_ =	strace $0x90000046  }
0xb1: {  	s29 =	simm.s32 $0x9;
	_ =	strace $0x80000048  }
0xb2: {  	_ =	swait.ge [sflag:s29], $0x1  }
0xb3: {  	[sflag:s29] =	ssyncadd.s32 $0xFFFFFFFF  }
0xb4: {  	_ =	strace $0x90000048  }
0xb5: {  	_ =	sfence  }
0xb6: {  	s30 =	sld [smem:$0x0];
	_ =	sdelay $0x2  }
0xb7: {  	s31 =	sshll.u32 s1, $0xD;
	s1 =	sshrl.u32 s1, $0x2  }
0xb8: {  	s3 =	sand.u32 $0x4000, s31;
	s1 =	sadd.s32 s1, s30  }
0xb9: {  	s0 =	sor.u32 s3, s0;
	s1 =	sshll.u32 s1, $0x11  }
0xba: {  	s0 =	sor.u32 s1, s0  }
0xbb: {  	s0 =	sadd.s32 $0x8F2B, s0  }
0xbc: {  	[sflag:s0] =	ssyncadd.remote.s32 $0x1  }
0xbd: {  	_ =	sfence.sel $0xFFFF  }
0xbe: {  	[dreg:$0x0] =	wrdreg $0xFFFFFFFF;
	(pc) =	sbr.abs _section_cstart, $3  }
0xbf: {  	[dreg:$0x1] =	wrdreg $0xFFFFFFFF  }
0xc0: {  	_ =	task.clear_ibuf [dreg:s6], $0x2FFFF;
	_ =	strace $0x9FFFFFFF  }
0xc1: {  	(tm) =	ssettm $0x7FFFFFFF  }
tec
execute0_lowered:
.L_overlay_start_1:
0x0: {  	(tag) =	ssettag $0x1  }
0x1: {  	s0 =	rddreg [dreg:$0x0]  }
0x2: {  	s1 =	srdreg.scid;
	s2 =	simm.s32 $0x0;
	s3 =	stileid.u32  }
0x3: {  	s8 =	simm.s32 $0x10000;
	s9 =	simm.s32 $0x1;
	s10 =	simm.s32 $0x4000  }
0x4: {  	s11 =	simm.s32 $0xC000;
	s12 =	simm.s32 $0x0;
	s1 =	sand.u32 $0x1, s1  }
0x5: {  	[smem:$0x7FF] =	sst s2;
	s3 =	sshll.u32 s3, $0x9;
	s4 =	sshll.u32 s1, $0x8  }
0x6: {  	_ =	strace $0x80000047;
	s1 =	ssub.s32 $0x2, s1;
	s3 =	sor.u32 s4, s3  }
0x7: {  	s5 =	sshrl.u32 s1, $0x1;
	s4 =	sadd.s32 s3, s0;
	s3 =	sshll.u32 s3, $0x4  }
0x8: {  	v1 =	vlaneseq.u32;
	s1 =	ssub.s32 s1, s5;
	s0 =	sadd.s32 s3, s0;
	s3 =	sadd.s32 $0x1000, s4  }
0x9: {  	v0 =	vimm.s32 $0x0;
	v1 =	vmul.u32 $0x80, v1;
	s6 =	smax.u32 s1, $0x1;
	s4 =	sadd.s32 $0x11000, s0;
	s5 =	sadd.s32 $0x31000, s0  }
.LBB2_1:
0xa: {  	s0 =	simm.s32 $0x800  }
0xb: {  	[tilespmem:s2], [sflag:$0x1] =	stream.strided.gather [hbm4b:s3+s0], $0x4000, s8, s0, $0x38;
	[tilespmem:$0x14000] =	vst v63  }
0xc: {  	s13 =	simm.s32 $0x30;
	p0 =	por $0x0, $0x0;
	_ =	swait.ge [sflag:s9], $0x4000  }
0xd: {  	s14 =	simm.s32 $0x0;
	s15 =	simm.s32 $0x0;
	[sflag:s9] =	ssyncset.done $0x0  }
0xe: {  	s16 =	simm.s32 $0x0;
	s17 =	simm.s32 $0x0;
	[sflag:s9] =	ssyncadd.s32 $0xFFFFC000  }
.LBB2_2:
0xf: {  	s24 =	sand.u32 $0x40, s14;
	s25 =	sand.u32 $0x400, s17  }
0x10: {  	s20 =	sadd.s32 $0x10, s14;
	s30 =	sor.u32 s24, s25  }
0x11: {  	s19 =	sadd.s32 $0x20, s14;
	s23 =	sand.u32 $0x50, s20;
	v2 =	vld [tilespmem:s30+$0x0]  }
0x12: {  	s18 =	sadd.s32 $0x30, s14;
	s22 =	sand.u32 $0x60, s19;
	s29 =	sor.u32 s23, s25;
	v4 =	vld [tilespmem:s30+$0x80]  }
0x13: {  	s21 =	sand.u32 $0x70, s18;
	s28 =	sor.u32 s22, s25;
	v3 =	vld [tilespmem:s29+$0x0]  }
0x14: {  	s26 =	sor.u32 s21, s25;
	v5 =	vld [tilespmem:s28+$0x0]  }
0x15: {  	v6 =	vld [tilespmem:s26+$0x0]  }
0x16: {  	v7 =	vld [tilespmem:s29+$0x80]  }
0x17: {  	v9 =	vld [tilespmem:s28+$0x80]  }
0x18: {  	vm0 =	vgt.f32 v2, $-Inf  }
0x19: {  	v12 =	vld [tilespmem:s26+$0x80];
	vm14 =	vlt.f32 v4, $-Inf;
	vm1 =	vgt.f32 v4, $-Inf;
	v2 =	vnsel vm0, $0xFF800000, v2  }
0x1a: {  	vm13 =	vgt.f32 v3, $-Inf;
	vm2 =	vgt.f32 v5, $-Inf;
	vm0 =	vmor vm1, vm14  }
0x1b: {  	vm15 =	vgt.f32 v6, $-Inf;
	vm6 =	vlt.f32 v7, $-Inf;
	vm7 =	vgt.f32 v7, $-Inf  }
0x1c: {  	vm11 =	vlt.f32 v9, $-Inf;
	vm5 =	vgt.f32 v9, $-Inf;
	v3 =	vnsel vm13, $0xFF800000, v3  }
0x1d: {  	vm3 =	vgt.f32 v4, v2;
	v8 =	vnsel vm0, $0xFF800000, v4;
	v5 =	vnsel vm2, $0xFF800000, v5  }
0x1e: {  	v6 =	vnsel vm15, $0xFF800000, v6;
	vm1 =	vmor vm7, vm6;
	vm15 =	vlt.f32 v12, $-Inf  }
0x1f: {  	vm4 =	vmneg vm3;
	vm8 =	vgt.f32 v7, v3;
	v54 =	vnsel vm1, $0xFF800000, v7  }
0x20: {  	v11 =	vsel vm3, $0x1, v0;
	vm10 =	vgt.f32 v9, v5;
	vm14 =	vgt.f32 v12, v6  }
0x21: {  	v8 =	vsel vm4, v8, v2;
	vm0 =	vmand vm4, vm0;
	v2 =	vsel vm4, v2, v4  }
0x22: {  	v14 =	vld [tilespmem:s30+$0x100];
	vm9 =	vmneg vm8;
	vm12 =	vmneg vm10;
	vm4 =	vmor vm5, vm11  }
0x23: {  	v15 =	vsel vm8, $0x1, v0;
	vm8 =	vgt.f32 v12, $-Inf;
	v17 =	vsel vm10, $0x1, v0  }
0x24: {  	v20 =	vsel vm14, $0x1, v0;
	v10 =	vsel vm0, $0x1, v0;
	v4 =	vsel vm9, v54, v3  }
0x25: {  	v56 =	vld [tilespmem:s29+$0x100];
	vm1 =	vmand vm9, vm1;
	v3 =	vsel vm9, v3, v7;
	v55 =	vnsel vm4, $0xFF800000, v9  }
0x26: {  	vm13 =	vmand vm12, vm4;
	vm9 =	vmneg vm14;
	vm2 =	vmor vm8, vm15  }
0x27: {  	vm10 =	vgt.f32 v14, v8;
	vm11 =	vgt.f32 v14, v2;
	v13 =	vsel vm1, $0x1, v0  }
0x28: {  	v7 =	vsel vm12, v55, v5;
	v16 =	vsel vm13, $0x1, v0;
	v5 =	vsel vm12, v5, v9  }
0x29: {  	v57 =	vld [tilespmem:s28+$0x100];
	v18 =	vnsel vm2, $0xFF800000, v12;
	vm2 =	vmand vm9, vm2;
	v8 =	vsel vm10, v14, v8  }
0x2a: {  	v10 =	vsel vm10, $0x2, v10;
	vm12 =	vgt.f32 v56, v4;
	vm13 =	vgt.f32 v56, v3  }
0x2b: {  	v58 =	vld [tilespmem:s26+$0x100];
	v18 =	vsel vm9, v18, v6;
	v19 =	vsel vm2, $0x1, v0;
	v6 =	vsel vm9, v6, v12  }
0x2c: {  	v60 =	vld [tilespmem:s30+$0x180];
	v8 =	vsel vm11, v2, v8;
	v10 =	vsel vm11, v11, v10;
	v2 =	vsel vm11, v14, v2  }
0x2d: {  	v4 =	vsel vm12, v56, v4;
	v13 =	vsel vm12, $0x2, v13;
	v11 =	vsel vm11, $0x2, v11  }
0x2e: {  	v59 =	vsel vm13, $0x2, v15;
	vm14 =	vgt.f32 v57, v7;
	vm15 =	vgt.f32 v57, v5  }
0x2f: {  	v62 =	vld [tilespmem:s29+$0x180];
	v4 =	vsel vm13, v3, v4;
	v13 =	vsel vm13, v15, v13;
	v3 =	vsel vm13, v56, v3  }
0x30: {  	v7 =	vsel vm14, v57, v7;
	v16 =	vsel vm14, $0x2, v16;
	vm4 =	vgt.f32 v58, v18  }
0x31: {  	vm5 =	vgt.f32 v58, v6;
	vm6 =	vgt.f32 v60, v8;
	vm7 =	vgt.f32 v60, v2  }
0x32: {  	s0 =	simm.s32 $0x1;
	v7 =	vsel vm15, v5, v7;
	v16 =	vsel vm15, v17, v16;
	v5 =	vsel vm15, v57, v5  }
0x33: {  	s0 =	simm.s32 @!p0 $0x0;
	v63 =	vld [tilespmem:s28+$0x180];
	v61 =	vsel vm4, v58, v18;
	v17 =	vsel vm15, $0x2, v17;
	v19 =	vsel vm4, $0x2, v19  }
0x34: {  	s0 =	sshll.u32 s0, $0x6;
	v8 =	vsel vm6, v60, v8;
	v10 =	vsel vm6, $0x3, v10;
	vm8 =	vgt.f32 v62, v4  }
0x35: {  	s1 =	sand.u32 $0x7, s16;
	v23 =	vld [tilespmem:s26+$0x180];
	s26 =	sadd.s32 s0, s17;
	vm9 =	vgt.f32 v62, v3;
	v12 =	vsel vm5, v6, v61;
	v19 =	vsel vm5, v20, v19  }
0x36: {  	s1 =	sshll.u32 s1, $0x4;
	s31 =	sor.u32 $0x200, s26;
	v6 =	vsel vm5, v58, v6;
	v20 =	vsel vm5, $0x2, v20;
	v8 =	vsel vm7, v2, v8  }
0x37: {  	s0 =	sadd.s32 s17, s1;
	v24 =	vld [tilespmem:s31+$0x0];
	v10 =	vsel vm7, v11, v10;
	v2 =	vsel vm7, v60, v2;
	v11 =	vsel vm7, $0x3, v11  }
0x38: {  	s28 =	sadd.s32 $0x10, s0;
	v4 =	vsel vm8, v62, v4;
	v13 =	vsel vm8, $0x3, v13;
	vm10 =	vgt.f32 v63, v7  }
0x39: {  	s7 =	sand.u32 $0x3, s15;
	s31 =	sor.u32 $0x200, s28;
	vm11 =	vgt.f32 v63, v5;
	v9 =	vsel vm9, $0x3, v59;
	v4 =	vsel vm9, v3, v4  }
0x3a: {  	s30 =	sshll.u32 s7, $0x5;
	v25 =	vld [tilespmem:s31+$0x0];
	v13 =	vsel vm9, v59, v13;
	v3 =	vsel vm9, v62, v3;
	v7 =	vsel vm10, v63, v7  }
0x3b: {  	s1 =	sadd.s32 s17, s30;
	v16 =	vsel vm10, $0x3, v16;
	vm12 =	vgt.f32 v23, v12;
	vm13 =	vgt.f32 v23, v6  }
0x3c: {  	s30 =	sadd.s32 $0x20, s1;
	vm14 =	vgt.f32 v24, v8;
	vm15 =	vgt.f32 v24, v2;
	v7 =	vsel vm11, v5, v7  }
0x3d: {  	s1 =	sor.u32 $0x200, s30;
	v16 =	vsel vm11, v17, v16;
	v5 =	vsel vm11, v63, v5;
	v12 =	vsel vm12, v23, v12  }
0x3e: {  	s29 =	sadd.s32 $0xFFFFFFD0, s13;
	v27 =	vld [tilespmem:s1+$0x0];
	v19 =	vsel vm12, $0x3, v19;
	v17 =	vsel vm11, $0x3, v17;
	v26 =	vsel vm13, $0x3, v20  }
0x3f: {  	s31 =	sadd.s32 $0x30, s0;
	s1 =	sor.u32 $0x280, s29;
	v8 =	vsel vm14, v24, v8;
	v10 =	vsel vm14, $0x4, v10;
	vm4 =	vgt.f32 v25, v4  }
0x40: {  	s0 =	sor.u32 $0x200, s31;
	v29 =	vld [tilespmem:s1+$0x0];
	vm5 =	vgt.f32 v25, v3;
	v12 =	vsel vm13, v6, v12;
	v19 =	vsel vm13, v20, v19  }
0x41: {  	v28 =	vld [tilespmem:s0+$0x0];
	v6 =	vsel vm13, v23, v6;
	v8 =	vsel vm15, v2, v8;
	v10 =	vsel vm15, v11, v10  }
0x42: {  	v2 =	vsel vm15, v24, v2;
	v4 =	vsel vm4, v25, v4;
	v11 =	vsel vm15, $0x4, v11  }
0x43: {  	s0 =	sadd.s32 $0xFFFFFFE0, s13;
	v13 =	vsel vm4, $0x4, v13;
	vm6 =	vgt.f32 v27, v7;
	vm7 =	vgt.f32 v27, v5  }
0x44: {  	s7 =	sor.u32 $0x280, s0;
	v4 =	vsel vm5, v3, v4;
	v13 =	vsel vm5, v9, v13;
	v3 =	vsel vm5, v25, v3  }
0x45: {  	v30 =	vld [tilespmem:s7+$0x0];
	v7 =	vsel vm6, v27, v7;
	v16 =	vsel vm6, $0x4, v16;
	v9 =	vsel vm5, $0x4, v9  }
0x46: {  	vm8 =	vgt.f32 v28, v12;
	vm9 =	vgt.f32 v28, v6;
	vm10 =	vgt.f32 v29, v8  }
0x47: {  	s1 =	sadd.s32 $0xFFFFFFF0, s13;
	vm11 =	vgt.f32 v29, v2;
	v7 =	vsel vm7, v5, v7;
	v16 =	vsel vm7, v17, v16  }
0x48: {  	s7 =	sor.u32 $0x280, s1;
	v5 =	vsel vm7, v27, v5;
	v17 =	vsel vm7, $0x4, v17;
	v12 =	vsel vm8, v28, v12  }
0x49: {  	v31 =	vld [tilespmem:s7+$0x0];
	v19 =	vsel vm8, $0x4, v19;
	v8 =	vsel vm10, v29, v8;
	v15 =	vsel vm9, $0x4, v26  }
0x4a: {  	s7 =	sor.u32 $0x280, s13;
	v10 =	vsel vm10, $0x5, v10;
	vm12 =	vgt.f32 v30, v4;
	vm13 =	vgt.f32 v30, v3  }
0x4b: {  	s26 =	sor.u32 $0x300, s26;
	v21 =	vld [tilespmem:s7+$0x0];
	v12 =	vsel vm9, v6, v12;
	v19 =	vsel vm9, v26, v19;
	v6 =	vsel vm9, v28, v6  }
0x4c: {  	v32 =	vld [tilespmem:s26+$0x0];
	v8 =	vsel vm11, v2, v8;
	v10 =	vsel vm11, v11, v10;
	v2 =	vsel vm11, v29, v2  }
0x4d: {  	v4 =	vsel vm12, v30, v4;
	v13 =	vsel vm12, $0x5, v13;
	v11 =	vsel vm11, $0x5, v11  }
0x4e: {  	s28 =	sor.u32 $0x300, s28;
	vm14 =	vgt.f32 v31, v7;
	vm15 =	vgt.f32 v31, v5;
	v4 =	vsel vm13, v3, v4  }
0x4f: {  	v33 =	vld [tilespmem:s28+$0x0];
	v13 =	vsel vm13, v9, v13;
	v3 =	vsel vm13, v30, v3;
	v9 =	vsel vm13, $0x5, v9  }
0x50: {  	v7 =	vsel vm14, v31, v7;
	v16 =	vsel vm14, $0x5, v16;
	vm4 =	vgt.f32 v21, v12  }
0x51: {  	vm5 =	vgt.f32 v21, v6;
	vm6 =	vgt.f32 v32, v8;
	vm7 =	vgt.f32 v32, v2  }
0x52: {  	s30 =	sor.u32 $0x300, s30;
	v7 =	vsel vm15, v5, v7;
	v16 =	vsel vm15, v17, v16;
	v5 =	vsel vm15, v31, v5  }
0x53: {  	v34 =	vld [tilespmem:s30+$0x0];
	v12 =	vsel vm4, v21, v12;
	v17 =	vsel vm15, $0x5, v17;
	v19 =	vsel vm4, $0x5, v19  }
0x54: {  	v8 =	vsel vm6, v32, v8;
	v10 =	vsel vm6, $0x6, v10;
	vm8 =	vgt.f32 v33, v4  }
0x55: {  	s26 =	sor.u32 $0x300, s31;
	vm9 =	vgt.f32 v33, v3;
	v12 =	vsel vm5, v6, v12;
	v19 =	vsel vm5, v15, v19  }
0x56: {  	s28 =	sor.u32 $0x380, s29;
	v35 =	vld [tilespmem:s26+$0x0];
	v6 =	vsel vm5, v21, v6;
	v15 =	vsel vm5, $0x5, v15;
	v8 =	vsel vm7, v2, v8  }
0x57: {  	v36 =	vld [tilespmem:s28+$0x0];
	v10 =	vsel vm7, v11, v10;
	v2 =	vsel vm7, v32, v2;
	v11 =	vsel vm7, $0x6, v11  }
0x58: {  	v4 =	vsel vm8, v33, v4;
	v13 =	vsel vm8, $0x6, v13;
	vm10 =	vgt.f32 v34, v7  }
0x59: {  	vm11 =	vgt.f32 v34, v5;
	v21 =	vimm.s32 $0x0;
	v4 =	vsel vm9, v3, v4  }
0x5a: {  	s0 =	sor.u32 $0x380, s0;
	v13 =	vsel vm9, v9, v13;
	v3 =	vsel vm9, v33, v3;
	v7 =	vsel vm10, v34, v7  }
0x5b: {  	v37 =	vld [tilespmem:s0+$0x0];
	v9 =	vsel vm9, $0x6, v9;
	v16 =	vsel vm10, $0x6, v16;
	vm12 =	vgt.f32 v35, v12  }
0x5c: {  	vm13 =	vgt.f32 v35, v6;
	vm14 =	vgt.f32 v36, v8;
	vm15 =	vgt.f32 v36, v2  }
0x5d: {  	s29 =	sor.u32 $0x380, s1;
	v7 =	vsel vm11, v5, v7;
	v16 =	vsel vm11, v17, v16;
	v5 =	vsel vm11, v34, v5  }
0x5e: {  	v39 =	vld [tilespmem:s29+$0x0];
	v12 =	vsel vm12, v35, v12;
	v19 =	vsel vm12, $0x6, v19;
	v17 =	vsel vm11, $0x6, v17  }
0x5f: {  	v38 =	vsel vm13, $0x6, v15;
	v8 =	vsel vm14, v36, v8;
	v10 =	vsel vm14, $0x7, v10  }
0x60: {  	s30 =	sor.u32 $0x380, s13;
	s31 =	sor.u32 $0x800, s25;
	vm4 =	vgt.f32 v37, v4;
	vm5 =	vgt.f32 v37, v3;
	v12 =	vsel vm13, v6, v12  }
0x61: {  	v40 =	vld [tilespmem:s30+$0x0];
	s7 =	sor.u32 s24, s31;
	v19 =	vsel vm13, v15, v19;
	v6 =	vsel vm13, v35, v6;
	v8 =	vsel vm15, v2, v8  }
0x62: {  	v41 =	vld [tilespmem:s7+$0x0];
	v10 =	vsel vm15, v11, v10;
	v2 =	vsel vm15, v36, v2;
	v4 =	vsel vm4, v37, v4  }
0x63: {  	v11 =	vsel vm15, $0x7, v11;
	v13 =	vsel vm4, $0x7, v13;
	vm6 =	vgt.f32 v39, v7  }
0x64: {  	s26 =	sor.u32 s23, s31;
	vm7 =	vgt.f32 v39, v5;
	v4 =	vsel vm5, v3, v4;
	v13 =	vsel vm5, v9, v13  }
0x65: {  	v43 =	vld [tilespmem:s26+$0x0];
	v3 =	vsel vm5, v37, v3;
	v7 =	vsel vm6, v39, v7;
	v16 =	vsel vm6, $0x7, v16  }
0x66: {  	v9 =	vsel vm5, $0x7, v9;
	v42 =	vsel vm7, $0x7, v17;
	vm8 =	vgt.f32 v40, v12  }
0x67: {  	vm9 =	vgt.f32 v40, v6;
	vm10 =	vgt.f32 v41, v8;
	vm11 =	vgt.f32 v41, v2  }
0x68: {  	s28 =	sor.u32 s22, s31;
	v7 =	vsel vm7, v5, v7;
	v16 =	vsel vm7, v17, v16;
	v5 =	vsel vm7, v39, v5  }
0x69: {  	v44 =	vld [tilespmem:s28+$0x0];
	v12 =	vsel vm8, v40, v12;
	v19 =	vsel vm8, $0x7, v19;
	v8 =	vsel vm10, v41, v8  }
0x6a: {  	v14 =	vsel vm9, $0x7, v38;
	v10 =	vsel vm10, $0x8, v10;
	vm12 =	vgt.f32 v43, v4  }
0x6b: {  	s29 =	sor.u32 $0x880, s25;
	s0 =	sor.u32 s21, s31;
	vm13 =	vgt.f32 v43, v3;
	v12 =	vsel vm9, v6, v12;
	v19 =	vsel vm9, v38, v19  }
0x6c: {  	s30 =	sor.u32 s24, s29;
	v45 =	vld [tilespmem:s0+$0x0];
	v6 =	vsel vm9, v40, v6;
	v8 =	vsel vm11, v2, v8;
	v10 =	vsel vm11, v11, v10  }
0x6d: {  	v46 =	vld [tilespmem:s30+$0x0];
	v2 =	vsel vm11, v41, v2;
	v4 =	vsel vm12, v43, v4;
	v13 =	vsel vm12, $0x8, v13  }
0x6e: {  	v11 =	vsel vm11, $0x8, v11;
	vm14 =	vgt.f32 v44, v7;
	vm15 =	vgt.f32 v44, v5  }
0x6f: {  	s31 =	sor.u32 s23, s29;
	v4 =	vsel vm13, v3, v4;
	v13 =	vsel vm13, v9, v13;
	v3 =	vsel vm13, v43, v3  }
0x70: {  	v47 =	vld [tilespmem:s31+$0x0];
	v9 =	vsel vm13, $0x8, v9;
	v7 =	vsel vm14, v44, v7;
	v16 =	vsel vm14, $0x8, v16  }
0x71: {  	vm4 =	vgt.f32 v45, v12;
	vm5 =	vgt.f32 v45, v6;
	v15 =	vsel vm15, $0x8, v42  }
0x72: {  	vm6 =	vgt.f32 v46, v8;
	vm7 =	vgt.f32 v46, v2;
	v7 =	vsel vm15, v5, v7  }
0x73: {  	s7 =	sor.u32 s22, s29;
	v16 =	vsel vm15, v42, v16;
	v5 =	vsel vm15, v44, v5;
	v12 =	vsel vm4, v45, v12  }
0x74: {  	v48 =	vld [tilespmem:s7+$0x0];
	v19 =	vsel vm4, $0x8, v19;
	v8 =	vsel vm6, v46, v8;
	v10 =	vsel vm6, $0x9, v10  }
0x75: {  	s26 =	sor.u32 $0x900, s25;
	s0 =	sor.u32 s21, s29;
	vm8 =	vgt.f32 v47, v4;
	vm9 =	vgt.f32 v47, v3;
	v12 =	vsel vm5, v6, v12  }
0x76: {  	s28 =	sor.u32 s24, s26;
	v49 =	vld [tilespmem:s0+$0x0];
	v19 =	vsel vm5, v14, v19;
	v6 =	vsel vm5, v45, v6;
	v14 =	vsel vm5, $0x8, v14  }
0x77: {  	v50 =	vld [tilespmem:s28+$0x0];
	v8 =	vsel vm7, v2, v8;
	v10 =	vsel vm7, v11, v10;
	v2 =	vsel vm7, v46, v2  }
0x78: {  	v11 =	vsel vm7, $0x9, v11;
	v4 =	vsel vm8, v47, v4;
	v13 =	vsel vm8, $0x9, v13  }
0x79: {  	s29 =	sor.u32 s23, s26;
	vm10 =	vgt.f32 v48, v7;
	vm11 =	vgt.f32 v48, v5;
	v4 =	vsel vm9, v3, v4  }
0x7a: {  	v51 =	vld [tilespmem:s29+$0x0];
	v13 =	vsel vm9, v9, v13;
	v3 =	vsel vm9, v47, v3;
	v7 =	vsel vm10, v48, v7  }
0x7b: {  	v9 =	vsel vm9, $0x9, v9;
	v16 =	vsel vm10, $0x9, v16;
	vm12 =	vgt.f32 v49, v12  }
0x7c: {  	vm13 =	vgt.f32 v49, v6;
	vm14 =	vgt.f32 v50, v8;
	vm15 =	vgt.f32 v50, v2  }
0x7d: {  	s30 =	sor.u32 s22, s26;
	v7 =	vsel vm11, v5, v7;
	v16 =	vsel vm11, v15, v16;
	v5 =	vsel vm11, v48, v5  }
0x7e: {  	v52 =	vld [tilespmem:s30+$0x0];
	v12 =	vsel vm12, v49, v12;
	v19 =	vsel vm12, $0x9, v19;
	v15 =	vsel vm11, $0x9, v15  }
0x7f: {  	v8 =	vsel vm14, v50, v8;
	v10 =	vsel vm14, $0xA, v10;
	vm4 =	vgt.f32 v51, v4  }
0x80: {  	s0 =	sor.u32 s21, s26;
	s31 =	sor.u32 $0x980, s25;
	vm5 =	vgt.f32 v51, v3;
	v12 =	vsel vm13, v6, v12;
	v19 =	vsel vm13, v14, v19  }
0x81: {  	v53 =	vld [tilespmem:s0+$0x0];
	s7 =	sor.u32 s24, s31;
	v6 =	vsel vm13, v49, v6;
	v14 =	vsel vm13, $0x9, v14;
	v8 =	vsel vm15, v2, v8  }
0x82: {  	v54 =	vld [tilespmem:s7+$0x0];
	v10 =	vsel vm15, v11, v10;
	v2 =	vsel vm15, v50, v2;
	v4 =	vsel vm4, v51, v4  }
0x83: {  	v11 =	vsel vm15, $0xA, v11;
	v13 =	vsel vm4, $0xA, v13;
	vm6 =	vgt.f32 v52, v7  }
0x84: {  	s26 =	sor.u32 s23, s31;
	vm7 =	vgt.f32 v52, v5;
	v4 =	vsel vm5, v3, v4;
	v13 =	vsel vm5, v9, v13  }
0x85: {  	v55 =	vld [tilespmem:s26+$0x0];
	v3 =	vsel vm5, v51, v3;
	v7 =	vsel vm6, v52, v7;
	v16 =	vsel vm6, $0xA, v16  }
0x86: {  	v9 =	vsel vm5, $0xA, v9;
	vm8 =	vgt.f32 v53, v12;
	vm9 =	vgt.f32 v53, v6  }
0x87: {  	vm10 =	vgt.f32 v54, v8;
	vm11 =	vgt.f32 v54, v2;
	v7 =	vsel vm7, v5, v7  }
0x88: {  	s28 =	sor.u32 s22, s31;
	v16 =	vsel vm7, v15, v16;
	v5 =	vsel vm7, v52, v5;
	v15 =	vsel vm7, $0xA, v15  }
0x89: {  	v56 =	vld [tilespmem:s28+$0x0];
	v12 =	vsel vm8, v53, v12;
	v19 =	vsel vm8, $0xA, v19;
	v8 =	vsel vm10, v54, v8  }
0x8a: {  	s0 =	sor.u32 s21, s31;
	s29 =	sor.u32 $0xA00, s25;
	v10 =	vsel vm10, $0xB, v10;
	vm12 =	vgt.f32 v55, v4;
	vm13 =	vgt.f32 v55, v3  }
0x8b: {  	s30 =	sor.u32 s24, s29;
	v57 =	vld [tilespmem:s0+$0x0];
	v12 =	vsel vm9, v6, v12;
	v19 =	vsel vm9, v14, v19;
	v6 =	vsel vm9, v53, v6  }
0x8c: {  	v58 =	vld [tilespmem:s30+$0x0];
	v14 =	vsel vm9, $0xA, v14;
	v8 =	vsel vm11, v2, v8;
	v10 =	vsel vm11, v11, v10  }
0x8d: {  	v2 =	vsel vm11, v54, v2;
	v4 =	vsel vm12, v55, v4;
	v13 =	vsel vm12, $0xB, v13  }
0x8e: {  	v11 =	vsel vm11, $0xB, v11;
	vm14 =	vgt.f32 v56, v7;
	vm15 =	vgt.f32 v56, v5  }
0x8f: {  	s31 =	sor.u32 s23, s29;
	v4 =	vsel vm13, v3, v4;
	v13 =	vsel vm13, v9, v13;
	v3 =	vsel vm13, v55, v3  }
0x90: {  	v59 =	vld [tilespmem:s31+$0x0];
	v9 =	vsel vm13, $0xB, v9;
	v7 =	vsel vm14, v56, v7;
	v16 =	vsel vm14, $0xB, v16  }
0x91: {  	vm4 =	vgt.f32 v57, v12;
	vm5 =	vgt.f32 v57, v6;
	vm6 =	vgt.f32 v58, v8  }
0x92: {  	vm7 =	vgt.f32 v58, v2;
	v7 =	vsel vm15, v5, v7;
	v16 =	vsel vm15, v15, v16  }
0x93: {  	s7 =	sor.u32 s22, s29;
	v5 =	vsel vm15, v56, v5;
	v12 =	vsel vm4, v57, v12;
	v15 =	vsel vm15, $0xB, v15  }
0x94: {  	v60 =	vld [tilespmem:s7+$0x0];
	v19 =	vsel vm4, $0xB, v19;
	v8 =	vsel vm6, v58, v8;
	v10 =	vsel vm6, $0xC, v10  }
0x95: {  	s26 =	sor.u32 $0xA80, s25;
	s0 =	sor.u32 s21, s29;
	vm8 =	vgt.f32 v59, v4;
	vm9 =	vgt.f32 v59, v3;
	v12 =	vsel vm5, v6, v12  }
0x96: {  	s28 =	sor.u32 s24, s26;
	v61 =	vld [tilespmem:s0+$0x0];
	v19 =	vsel vm5, v14, v19;
	v6 =	vsel vm5, v57, v6;
	v14 =	vsel vm5, $0xB, v14  }
0x97: {  	v62 =	vld [tilespmem:s28+$0x0];
	v8 =	vsel vm7, v2, v8;
	v10 =	vsel vm7, v11, v10;
	v2 =	vsel vm7, v58, v2  }
0x98: {  	v11 =	vsel vm7, $0xC, v11;
	v4 =	vsel vm8, v59, v4;
	v13 =	vsel vm8, $0xC, v13  }
0x99: {  	s29 =	sor.u32 s23, s26;
	vm10 =	vgt.f32 v60, v7;
	vm11 =	vgt.f32 v60, v5;
	v4 =	vsel vm9, v3, v4  }
0x9a: {  	v63 =	vld [tilespmem:s29+$0x0];
	v13 =	vsel vm9, v9, v13;
	v3 =	vsel vm9, v59, v3;
	v7 =	vsel vm10, v60, v7  }
0x9b: {  	v9 =	vsel vm9, $0xC, v9;
	v16 =	vsel vm10, $0xC, v16;
	vm12 =	vgt.f32 v61, v12  }
0x9c: {  	vm13 =	vgt.f32 v61, v6;
	vm14 =	vgt.f32 v62, v8;
	vm15 =	vgt.f32 v62, v2  }
0x9d: {  	s30 =	sor.u32 s22, s26;
	v7 =	vsel vm11, v5, v7;
	v16 =	vsel vm11, v15, v16;
	v5 =	vsel vm11, v60, v5  }
0x9e: {  	v24 =	vld [tilespmem:s30+$0x0];
	v12 =	vsel vm12, v61, v12;
	v19 =	vsel vm12, $0xC, v19;
	v15 =	vsel vm11, $0xC, v15  }
0x9f: {  	v8 =	vsel vm14, v62, v8;
	v10 =	vsel vm14, $0xD, v10;
	vm4 =	vgt.f32 v63, v4  }
0xa0: {  	s0 =	sor.u32 s21, s26;
	s31 =	sor.u32 $0xB00, s25;
	vm5 =	vgt.f32 v63, v3;
	v12 =	vsel vm13, v6, v12;
	v19 =	vsel vm13, v14, v19  }
0xa1: {  	s7 =	sor.u32 s24, s31;
	v25 =	vld [tilespmem:s0+$0x0];
	v6 =	vsel vm13, v61, v6;
	v14 =	vsel vm13, $0xC, v14;
	v8 =	vsel vm15, v2, v8  }
0xa2: {  	v26 =	vld [tilespmem:s7+$0x0];
	v10 =	vsel vm15, v11, v10;
	v2 =	vsel vm15, v62, v2;
	v4 =	vsel vm4, v63, v4  }
0xa3: {  	v11 =	vsel vm15, $0xD, v11;
	v13 =	vsel vm4, $0xD, v13;
	vm6 =	vgt.f32 v24, v7  }
0xa4: {  	s26 =	sor.u32 s23, s31;
	vm7 =	vgt.f32 v24, v5;
	v4 =	vsel vm5, v3, v4;
	v13 =	vsel vm5, v9, v13  }
0xa5: {  	v27 =	vld [tilespmem:s26+$0x0];
	v3 =	vsel vm5, v63, v3;
	v7 =	vsel vm6, v24, v7;
	v16 =	vsel vm6, $0xD, v16  }
0xa6: {  	v9 =	vsel vm5, $0xD, v9;
	vm8 =	vgt.f32 v25, v12;
	vm9 =	vgt.f32 v25, v6  }
0xa7: {  	vm10 =	vgt.f32 v26, v8;
	vm11 =	vgt.f32 v26, v2;
	v7 =	vsel vm7, v5, v7  }
0xa8: {  	s28 =	sor.u32 s22, s31;
	v16 =	vsel vm7, v15, v16;
	v5 =	vsel vm7, v24, v5;
	v15 =	vsel vm7, $0xD, v15  }
0xa9: {  	v28 =	vld [tilespmem:s28+$0x0];
	v12 =	vsel vm8, v25, v12;
	v19 =	vsel vm8, $0xD, v19;
	v8 =	vsel vm10, v26, v8  }
0xaa: {  	s29 =	sor.u32 $0xB80, s25;
	s0 =	sor.u32 s21, s31;
	v10 =	vsel vm10, $0xE, v10;
	vm12 =	vgt.f32 v27, v4;
	vm13 =	vgt.f32 v27, v3  }
0xab: {  	s30 =	sor.u32 s24, s29;
	v29 =	vld [tilespmem:s0+$0x0];
	v12 =	vsel vm9, v6, v12;
	v19 =	vsel vm9, v14, v19;
	v6 =	vsel vm9, v25, v6  }
0xac: {  	v30 =	vld [tilespmem:s30+$0x0];
	v14 =	vsel vm9, $0xD, v14;
	v8 =	vsel vm11, v2, v8;
	v10 =	vsel vm11, v11, v10  }
0xad: {  	v2 =	vsel vm11, v26, v2;
	v4 =	vsel vm12, v27, v4;
	v13 =	vsel vm12, $0xE, v13  }
0xae: {  	v11 =	vsel vm11, $0xE, v11;
	vm14 =	vgt.f32 v28, v7;
	vm15 =	vgt.f32 v28, v5  }
0xaf: {  	s31 =	sor.u32 s23, s29;
	v4 =	vsel vm13, v3, v4;
	v13 =	vsel vm13, v9, v13;
	v3 =	vsel vm13, v27, v3  }
0xb0: {  	v31 =	vld [tilespmem:s31+$0x0];
	v9 =	vsel vm13, $0xE, v9;
	v7 =	vsel vm14, v28, v7;
	v16 =	vsel vm14, $0xE, v16  }
0xb1: {  	vm4 =	vgt.f32 v29, v12;
	vm5 =	vgt.f32 v29, v6;
	vm6 =	vgt.f32 v30, v8  }
0xb2: {  	vm7 =	vgt.f32 v30, v2;
	v7 =	vsel vm15, v5, v7;
	v16 =	vsel vm15, v15, v16  }
0xb3: {  	s7 =	sor.u32 s22, s29;
	v5 =	vsel vm15, v28, v5;
	v12 =	vsel vm4, v29, v12;
	v15 =	vsel vm15, $0xE, v15  }
0xb4: {  	v32 =	vld [tilespmem:s7+$0x0];
	v19 =	vsel vm4, $0xE, v19;
	v8 =	vsel vm6, v30, v8;
	v10 =	vsel vm6, $0xF, v10  }
0xb5: {  	s26 =	sor.u32 $0x1000, s25;
	s0 =	sor.u32 s21, s29;
	vm8 =	vgt.f32 v31, v4;
	vm9 =	vgt.f32 v31, v3;
	v12 =	vsel vm5, v6, v12  }
0xb6: {  	s28 =	sor.u32 s24, s26;
	v33 =	vld [tilespmem:s0+$0x0];
	v19 =	vsel vm5, v14, v19;
	v6 =	vsel vm5, v29, v6;
	v14 =	vsel vm5, $0xE, v14  }
0xb7: {  	v34 =	vld [tilespmem:s28+$0x0];
	v8 =	vsel vm7, v2, v8;
	v10 =	vsel vm7, v11, v10;
	v2 =	vsel vm7, v30, v2  }
0xb8: {  	v11 =	vsel vm7, $0xF, v11;
	v4 =	vsel vm8, v31, v4;
	v13 =	vsel vm8, $0xF, v13  }
0xb9: {  	s29 =	sor.u32 s23, s26;
	vm10 =	vgt.f32 v32, v7;
	vm11 =	vgt.f32 v32, v5;
	v4 =	vsel vm9, v3, v4  }
0xba: {  	v35 =	vld [tilespmem:s29+$0x0];
	v13 =	vsel vm9, v9, v13;
	v3 =	vsel vm9, v31, v3;
	v7 =	vsel vm10, v32, v7  }
0xbb: {  	v9 =	vsel vm9, $0xF, v9;
	v16 =	vsel vm10, $0xF, v16;
	vm12 =	vgt.f32 v33, v12  }
0xbc: {  	vm13 =	vgt.f32 v33, v6;
	vm14 =	vgt.f32 v34, v8;
	vm15 =	vgt.f32 v34, v2  }
0xbd: {  	s30 =	sor.u32 s22, s26;
	v7 =	vsel vm11, v5, v7;
	v16 =	vsel vm11, v15, v16;
	v5 =	vsel vm11, v32, v5  }
0xbe: {  	v36 =	vld [tilespmem:s30+$0x0];
	v12 =	vsel vm12, v33, v12;
	v19 =	vsel vm12, $0xF, v19;
	v15 =	vsel vm11, $0xF, v15  }
0xbf: {  	v8 =	vsel vm14, v34, v8;
	v10 =	vsel vm14, $0x10, v10;
	vm4 =	vgt.f32 v35, v4  }
0xc0: {  	s31 =	sor.u32 $0x1080, s25;
	s0 =	sor.u32 s21, s26;
	vm5 =	vgt.f32 v35, v3;
	v12 =	vsel vm13, v6, v12;
	v19 =	vsel vm13, v14, v19  }
0xc1: {  	s7 =	sor.u32 s24, s31;
	v37 =	vld [tilespmem:s0+$0x0];
	v6 =	vsel vm13, v33, v6;
	v14 =	vsel vm13, $0xF, v14;
	v8 =	vsel vm15, v2, v8  }
0xc2: {  	v38 =	vld [tilespmem:s7+$0x0];
	v10 =	vsel vm15, v11, v10;
	v2 =	vsel vm15, v34, v2;
	v4 =	vsel vm4, v35, v4  }
0xc3: {  	v11 =	vsel vm15, $0x10, v11;
	v13 =	vsel vm4, $0x10, v13;
	vm6 =	vgt.f32 v36, v7  }
0xc4: {  	s26 =	sor.u32 s23, s31;
	vm7 =	vgt.f32 v36, v5;
	v4 =	vsel vm5, v3, v4;
	v13 =	vsel vm5, v9, v13  }
0xc5: {  	v39 =	vld [tilespmem:s26+$0x0];
	v3 =	vsel vm5, v35, v3;
	v7 =	vsel vm6, v36, v7;
	v16 =	vsel vm6, $0x10, v16  }
0xc6: {  	v9 =	vsel vm5, $0x10, v9;
	vm8 =	vgt.f32 v37, v12;
	vm9 =	vgt.f32 v37, v6  }
0xc7: {  	vm10 =	vgt.f32 v38, v8;
	vm11 =	vgt.f32 v38, v2;
	v7 =	vsel vm7, v5, v7  }
0xc8: {  	s28 =	sor.u32 s22, s31;
	v16 =	vsel vm7, v15, v16;
	v5 =	vsel vm7, v36, v5;
	v15 =	vsel vm7, $0x10, v15  }
0xc9: {  	v40 =	vld [tilespmem:s28+$0x0];
	v12 =	vsel vm8, v37, v12;
	v19 =	vsel vm8, $0x10, v19;
	v8 =	vsel vm10, v38, v8  }
0xca: {  	s29 =	sor.u32 $0x1100, s25;
	s0 =	sor.u32 s21, s31;
	v10 =	vsel vm10, $0x11, v10;
	vm12 =	vgt.f32 v39, v4;
	vm13 =	vgt.f32 v39, v3  }
0xcb: {  	s30 =	sor.u32 s24, s29;
	v41 =	vld [tilespmem:s0+$0x0];
	v12 =	vsel vm9, v6, v12;
	v19 =	vsel vm9, v14, v19;
	v6 =	vsel vm9, v37, v6  }
0xcc: {  	v42 =	vld [tilespmem:s30+$0x0];
	v14 =	vsel vm9, $0x10, v14;
	v8 =	vsel vm11, v2, v8;
	v10 =	vsel vm11, v11, v10  }
0xcd: {  	v2 =	vsel vm11, v38, v2;
	v4 =	vsel vm12, v39, v4;
	v13 =	vsel vm12, $0x11, v13  }
0xce: {  	v11 =	vsel vm11, $0x11, v11;
	vm14 =	vgt.f32 v40, v7;
	vm15 =	vgt.f32 v40, v5  }
0xcf: {  	s31 =	sor.u32 s23, s29;
	v4 =	vsel vm13, v3, v4;
	v13 =	vsel vm13, v9, v13;
	v3 =	vsel vm13, v39, v3  }
0xd0: {  	v43 =	vld [tilespmem:s31+$0x0];
	v9 =	vsel vm13, $0x11, v9;
	v7 =	vsel vm14, v40, v7;
	v16 =	vsel vm14, $0x11, v16  }
0xd1: {  	vm4 =	vgt.f32 v41, v12;
	vm5 =	vgt.f32 v41, v6;
	vm6 =	vgt.f32 v42, v8  }
0xd2: {  	vm7 =	vgt.f32 v42, v2;
	v7 =	vsel vm15, v5, v7;
	v16 =	vsel vm15, v15, v16  }
0xd3: {  	s7 =	sor.u32 s22, s29;
	v5 =	vsel vm15, v40, v5;
	v12 =	vsel vm4, v41, v12;
	v15 =	vsel vm15, $0x11, v15  }
0xd4: {  	v44 =	vld [tilespmem:s7+$0x0];
	v19 =	vsel vm4, $0x11, v19;
	v8 =	vsel vm6, v42, v8;
	v10 =	vsel vm6, $0x12, v10  }
0xd5: {  	s26 =	sor.u32 $0x1180, s25;
	s0 =	sor.u32 s21, s29;
	vm8 =	vgt.f32 v43, v4;
	vm9 =	vgt.f32 v43, v3;
	v12 =	vsel vm5, v6, v12  }
0xd6: {  	s28 =	sor.u32 s24, s26;
	v45 =	vld [tilespmem:s0+$0x0];
	v19 =	vsel vm5, v14, v19;
	v6 =	vsel vm5, v41, v6;
	v14 =	vsel vm5, $0x11, v14  }
0xd7: {  	v46 =	vld [tilespmem:s28+$0x0];
	v8 =	vsel vm7, v2, v8;
	v10 =	vsel vm7, v11, v10;
	v2 =	vsel vm7, v42, v2  }
0xd8: {  	v11 =	vsel vm7, $0x12, v11;
	v4 =	vsel vm8, v43, v4;
	v13 =	vsel vm8, $0x12, v13  }
0xd9: {  	s29 =	sor.u32 s23, s26;
	vm10 =	vgt.f32 v44, v7;
	vm11 =	vgt.f32 v44, v5;
	v4 =	vsel vm9, v3, v4  }
0xda: {  	v47 =	vld [tilespmem:s29+$0x0];
	v13 =	vsel vm9, v9, v13;
	v3 =	vsel vm9, v43, v3;
	v7 =	vsel vm10, v44, v7  }
0xdb: {  	v9 =	vsel vm9, $0x12, v9;
	v16 =	vsel vm10, $0x12, v16;
	vm12 =	vgt.f32 v45, v12  }
0xdc: {  	vm13 =	vgt.f32 v45, v6;
	vm14 =	vgt.f32 v46, v8;
	vm15 =	vgt.f32 v46, v2  }
0xdd: {  	s30 =	sor.u32 s22, s26;
	v7 =	vsel vm11, v5, v7;
	v16 =	vsel vm11, v15, v16;
	v5 =	vsel vm11, v44, v5  }
0xde: {  	v48 =	vld [tilespmem:s30+$0x0];
	v12 =	vsel vm12, v45, v12;
	v19 =	vsel vm12, $0x12, v19;
	v15 =	vsel vm11, $0x12, v15  }
0xdf: {  	v8 =	vsel vm14, v46, v8;
	v10 =	vsel vm14, $0x13, v10;
	vm4 =	vgt.f32 v47, v4  }
0xe0: {  	s31 =	sor.u32 $0x1200, s25;
	s0 =	sor.u32 s21, s26;
	vm5 =	vgt.f32 v47, v3;
	v12 =	vsel vm13, v6, v12;
	v19 =	vsel vm13, v14, v19  }
0xe1: {  	s7 =	sor.u32 s24, s31;
	v49 =	vld [tilespmem:s0+$0x0];
	v6 =	vsel vm13, v45, v6;
	v14 =	vsel vm13, $0x12, v14;
	v8 =	vsel vm15, v2, v8  }
0xe2: {  	v50 =	vld [tilespmem:s7+$0x0];
	v10 =	vsel vm15, v11, v10;
	v2 =	vsel vm15, v46, v2;
	v4 =	vsel vm4, v47, v4  }
0xe3: {  	v11 =	vsel vm15, $0x13, v11;
	v13 =	vsel vm4, $0x13, v13;
	vm6 =	vgt.f32 v48, v7  }
0xe4: {  	s26 =	sor.u32 s23, s31;
	vm7 =	vgt.f32 v48, v5;
	v4 =	vsel vm5, v3, v4;
	v13 =	vsel vm5, v9, v13  }
0xe5: {  	v51 =	vld [tilespmem:s26+$0x0];
	v3 =	vsel vm5, v47, v3;
	v7 =	vsel vm6, v48, v7;
	v16 =	vsel vm6, $0x13, v16  }
0xe6: {  	v9 =	vsel vm5, $0x13, v9;
	vm8 =	vgt.f32 v49, v12;
	vm9 =	vgt.f32 v49, v6  }
0xe7: {  	vm10 =	vgt.f32 v50, v8;
	vm11 =	vgt.f32 v50, v2;
	v7 =	vsel vm7, v5, v7  }
0xe8: {  	s28 =	sor.u32 s22, s31;
	v16 =	vsel vm7, v15, v16;
	v5 =	vsel vm7, v48, v5;
	v15 =	vsel vm7, $0x13, v15  }
0xe9: {  	v52 =	vld [tilespmem:s28+$0x0];
	v12 =	vsel vm8, v49, v12;
	v19 =	vsel vm8, $0x13, v19;
	v8 =	vsel vm10, v50, v8  }
0xea: {  	s29 =	sor.u32 $0x1280, s25;
	s0 =	sor.u32 s21, s31;
	v10 =	vsel vm10, $0x14, v10;
	vm12 =	vgt.f32 v51, v4;
	vm13 =	vgt.f32 v51, v3  }
0xeb: {  	s30 =	sor.u32 s24, s29;
	v53 =	vld [tilespmem:s0+$0x0];
	v12 =	vsel vm9, v6, v12;
	v19 =	vsel vm9, v14, v19;
	v6 =	vsel vm9, v49, v6  }
0xec: {  	v54 =	vld [tilespmem:s30+$0x0];
	v14 =	vsel vm9, $0x13, v14;
	v8 =	vsel vm11, v2, v8;
	v10 =	vsel vm11, v11, v10  }
0xed: {  	v2 =	vsel vm11, v50, v2;
	v4 =	vsel vm12, v51, v4;
	v13 =	vsel vm12, $0x14, v13  }
0xee: {  	v11 =	vsel vm11, $0x14, v11;
	vm14 =	vgt.f32 v52, v7;
	vm15 =	vgt.f32 v52, v5  }
0xef: {  	s31 =	sor.u32 s23, s29;
	v4 =	vsel vm13, v3, v4;
	v13 =	vsel vm13, v9, v13;
	v3 =	vsel vm13, v51, v3  }
0xf0: {  	v55 =	vld [tilespmem:s31+$0x0];
	v9 =	vsel vm13, $0x14, v9;
	v7 =	vsel vm14, v52, v7;
	v16 =	vsel vm14, $0x14, v16  }
0xf1: {  	vm4 =	vgt.f32 v53, v12;
	vm5 =	vgt.f32 v53, v6;
	vm6 =	vgt.f32 v54, v8  }
0xf2: {  	vm7 =	vgt.f32 v54, v2;
	v7 =	vsel vm15, v5, v7;
	v16 =	vsel vm15, v15, v16  }
0xf3: {  	s7 =	sor.u32 s22, s29;
	v5 =	vsel vm15, v52, v5;
	v12 =	vsel vm4, v53, v12;
	v15 =	vsel vm15, $0x14, v15  }
0xf4: {  	v56 =	vld [tilespmem:s7+$0x0];
	v19 =	vsel vm4, $0x14, v19;
	v8 =	vsel vm6, v54, v8;
	v10 =	vsel vm6, $0x15, v10  }
0xf5: {  	s26 =	sor.u32 $0x1300, s25;
	s0 =	sor.u32 s21, s29;
	vm8 =	vgt.f32 v55, v4;
	vm9 =	vgt.f32 v55, v3;
	v12 =	vsel vm5, v6, v12  }
0xf6: {  	s28 =	sor.u32 s24, s26;
	v57 =	vld [tilespmem:s0+$0x0];
	v19 =	vsel vm5, v14, v19;
	v6 =	vsel vm5, v53, v6;
	v14 =	vsel vm5, $0x14, v14  }
0xf7: {  	v58 =	vld [tilespmem:s28+$0x0];
	v8 =	vsel vm7, v2, v8;
	v10 =	vsel vm7, v11, v10;
	v2 =	vsel vm7, v54, v2  }
0xf8: {  	v11 =	vsel vm7, $0x15, v11;
	v4 =	vsel vm8, v55, v4;
	v13 =	vsel vm8, $0x15, v13  }
0xf9: {  	s29 =	sor.u32 s23, s26;
	vm10 =	vgt.f32 v56, v7;
	vm11 =	vgt.f32 v56, v5;
	v4 =	vsel vm9, v3, v4  }
0xfa: {  	v59 =	vld [tilespmem:s29+$0x0];
	v13 =	vsel vm9, v9, v13;
	v3 =	vsel vm9, v55, v3;
	v7 =	vsel vm10, v56, v7  }
0xfb: {  	v9 =	vsel vm9, $0x15, v9;
	v16 =	vsel vm10, $0x15, v16;
	vm12 =	vgt.f32 v57, v12  }
0xfc: {  	vm13 =	vgt.f32 v57, v6;
	vm14 =	vgt.f32 v58, v8;
	vm15 =	vgt.f32 v58, v2  }
0xfd: {  	s30 =	sor.u32 s22, s26;
	v7 =	vsel vm11, v5, v7;
	v16 =	vsel vm11, v15, v16;
	v5 =	vsel vm11, v56, v5  }
0xfe: {  	v60 =	vld [tilespmem:s30+$0x0];
	v12 =	vsel vm12, v57, v12;
	v19 =	vsel vm12, $0x15, v19;
	v15 =	vsel vm11, $0x15, v15  }
0xff: {  	v8 =	vsel vm14, v58, v8;
	v10 =	vsel vm14, $0x16, v10;
	vm4 =	vgt.f32 v59, v4  }
0x100: {  	s31 =	sor.u32 $0x1380, s25;
	s0 =	sor.u32 s21, s26;
	vm5 =	vgt.f32 v59, v3;
	v12 =	vsel vm13, v6, v12;
	v19 =	vsel vm13, v14, v19  }
0x101: {  	s7 =	sor.u32 s24, s31;
	v61 =	vld [tilespmem:s0+$0x0];
	v6 =	vsel vm13, v57, v6;
	v14 =	vsel vm13, $0x15, v14;
	v8 =	vsel vm15, v2, v8  }
0x102: {  	v62 =	vld [tilespmem:s7+$0x0];
	v10 =	vsel vm15, v11, v10;
	v2 =	vsel vm15, v58, v2;
	v4 =	vsel vm4, v59, v4  }
0x103: {  	v11 =	vsel vm15, $0x16, v11;
	v13 =	vsel vm4, $0x16, v13;
	vm6 =	vgt.f32 v60, v7  }
0x104: {  	s26 =	sor.u32 s23, s31;
	vm7 =	vgt.f32 v60, v5;
	v4 =	vsel vm5, v3, v4;
	v13 =	vsel vm5, v9, v13  }
0x105: {  	v63 =	vld [tilespmem:s26+$0x0];
	v3 =	vsel vm5, v59, v3;
	v7 =	vsel vm6, v60, v7;
	v16 =	vsel vm6, $0x16, v16  }
0x106: {  	v9 =	vsel vm5, $0x16, v9;
	vm8 =	vgt.f32 v61, v12;
	vm9 =	vgt.f32 v61, v6  }
0x107: {  	vm10 =	vgt.f32 v62, v8;
	vm11 =	vgt.f32 v62, v2;
	v7 =	vsel vm7, v5, v7  }
0x108: {  	s28 =	sor.u32 s22, s31;
	v16 =	vsel vm7, v15, v16;
	v5 =	vsel vm7, v60, v5;
	v15 =	vsel vm7, $0x16, v15  }
0x109: {  	v24 =	vld [tilespmem:s28+$0x0];
	v12 =	vsel vm8, v61, v12;
	v19 =	vsel vm8, $0x16, v19;
	v8 =	vsel vm10, v62, v8  }
0x10a: {  	s29 =	sor.u32 $0x1800, s25;
	s0 =	sor.u32 s21, s31;
	v10 =	vsel vm10, $0x17, v10;
	vm12 =	vgt.f32 v63, v4;
	vm13 =	vgt.f32 v63, v3  }
0x10b: {  	s30 =	sor.u32 s24, s29;
	v25 =	vld [tilespmem:s0+$0x0];
	v12 =	vsel vm9, v6, v12;
	v19 =	vsel vm9, v14, v19;
	v6 =	vsel vm9, v61, v6  }
0x10c: {  	v26 =	vld [tilespmem:s30+$0x0];
	v14 =	vsel vm9, $0x16, v14;
	v8 =	vsel vm11, v2, v8;
	v10 =	vsel vm11, v11, v10  }
0x10d: {  	v2 =	vsel vm11, v62, v2;
	v4 =	vsel vm12, v63, v4;
	v13 =	vsel vm12, $0x17, v13  }
0x10e: {  	v11 =	vsel vm11, $0x17, v11;
	vm14 =	vgt.f32 v24, v7;
	vm15 =	vgt.f32 v24, v5  }
0x10f: {  	s31 =	sor.u32 s23, s29;
	v4 =	vsel vm13, v3, v4;
	v13 =	vsel vm13, v9, v13;
	v3 =	vsel vm13, v63, v3  }
0x110: {  	v27 =	vld [tilespmem:s31+$0x0];
	v9 =	vsel vm13, $0x17, v9;
	v7 =	vsel vm14, v24, v7;
	v16 =	vsel vm14, $0x17, v16  }
0x111: {  	vm4 =	vgt.f32 v25, v12;
	vm5 =	vgt.f32 v25, v6;
	vm6 =	vgt.f32 v26, v8  }
0x112: {  	vm7 =	vgt.f32 v26, v2;
	v7 =	vsel vm15, v5, v7;
	v16 =	vsel vm15, v15, v16  }
0x113: {  	s7 =	sor.u32 s22, s29;
	v5 =	vsel vm15, v24, v5;
	v12 =	vsel vm4, v25, v12;
	v15 =	vsel vm15, $0x17, v15  }
0x114: {  	v28 =	vld [tilespmem:s7+$0x0];
	v19 =	vsel vm4, $0x17, v19;
	v8 =	vsel vm6, v26, v8;
	v10 =	vsel vm6, $0x18, v10  }
0x115: {  	s26 =	sor.u32 $0x1880, s25;
	s0 =	sor.u32 s21, s29;
	vm8 =	vgt.f32 v27, v4;
	vm9 =	vgt.f32 v27, v3;
	v12 =	vsel vm5, v6, v12  }
0x116: {  	s28 =	sor.u32 s24, s26;
	v29 =	vld [tilespmem:s0+$0x0];
	v19 =	vsel vm5, v14, v19;
	v6 =	vsel vm5, v25, v6;
	v14 =	vsel vm5, $0x17, v14  }
0x117: {  	v30 =	vld [tilespmem:s28+$0x0];
	v8 =	vsel vm7, v2, v8;
	v10 =	vsel vm7, v11, v10;
	v2 =	vsel vm7, v26, v2  }
0x118: {  	v11 =	vsel vm7, $0x18, v11;
	v4 =	vsel vm8, v27, v4;
	v13 =	vsel vm8, $0x18, v13  }
0x119: {  	s29 =	sor.u32 s23, s26;
	vm10 =	vgt.f32 v28, v7;
	vm11 =	vgt.f32 v28, v5;
	v4 =	vsel vm9, v3, v4  }
0x11a: {  	v31 =	vld [tilespmem:s29+$0x0];
	v13 =	vsel vm9, v9, v13;
	v3 =	vsel vm9, v27, v3;
	v7 =	vsel vm10, v28, v7  }
0x11b: {  	v9 =	vsel vm9, $0x18, v9;
	v16 =	vsel vm10, $0x18, v16;
	vm12 =	vgt.f32 v29, v12  }
0x11c: {  	vm13 =	vgt.f32 v29, v6;
	vm14 =	vgt.f32 v30, v8;
	vm15 =	vgt.f32 v30, v2  }
0x11d: {  	s30 =	sor.u32 s22, s26;
	v7 =	vsel vm11, v5, v7;
	v16 =	vsel vm11, v15, v16;
	v5 =	vsel vm11, v28, v5  }
0x11e: {  	v32 =	vld [tilespmem:s30+$0x0];
	v12 =	vsel vm12, v29, v12;
	v19 =	vsel vm12, $0x18, v19;
	v15 =	vsel vm11, $0x18, v15  }
0x11f: {  	v8 =	vsel vm14, v30, v8;
	v10 =	vsel vm14, $0x19, v10;
	vm4 =	vgt.f32 v31, v4  }
0x120: {  	s31 =	sor.u32 $0x1900, s25;
	s0 =	sor.u32 s21, s26;
	vm5 =	vgt.f32 v31, v3;
	v12 =	vsel vm13, v6, v12;
	v19 =	vsel vm13, v14, v19  }
0x121: {  	s7 =	sor.u32 s24, s31;
	v33 =	vld [tilespmem:s0+$0x0];
	v6 =	vsel vm13, v29, v6;
	v14 =	vsel vm13, $0x18, v14;
	v8 =	vsel vm15, v2, v8  }
0x122: {  	v34 =	vld [tilespmem:s7+$0x0];
	v10 =	vsel vm15, v11, v10;
	v2 =	vsel vm15, v30, v2;
	v4 =	vsel vm4, v31, v4  }
0x123: {  	v11 =	vsel vm15, $0x19, v11;
	v13 =	vsel vm4, $0x19, v13;
	vm6 =	vgt.f32 v32, v7  }
0x124: {  	s26 =	sor.u32 s23, s31;
	vm7 =	vgt.f32 v32, v5;
	v4 =	vsel vm5, v3, v4;
	v13 =	vsel vm5, v9, v13  }
0x125: {  	v35 =	vld [tilespmem:s26+$0x0];
	v3 =	vsel vm5, v31, v3;
	v7 =	vsel vm6, v32, v7;
	v16 =	vsel vm6, $0x19, v16  }
0x126: {  	v9 =	vsel vm5, $0x19, v9;
	vm8 =	vgt.f32 v33, v12;
	vm9 =	vgt.f32 v33, v6  }
0x127: {  	vm10 =	vgt.f32 v34, v8;
	vm11 =	vgt.f32 v34, v2;
	v7 =	vsel vm7, v5, v7  }
0x128: {  	s28 =	sor.u32 s22, s31;
	v16 =	vsel vm7, v15, v16;
	v5 =	vsel vm7, v32, v5;
	v15 =	vsel vm7, $0x19, v15  }
0x129: {  	v36 =	vld [tilespmem:s28+$0x0];
	v12 =	vsel vm8, v33, v12;
	v19 =	vsel vm8, $0x19, v19;
	v8 =	vsel vm10, v34, v8  }
0x12a: {  	s29 =	sor.u32 $0x1980, s25;
	s0 =	sor.u32 s21, s31;
	v10 =	vsel vm10, $0x1A, v10;
	vm12 =	vgt.f32 v35, v4;
	vm13 =	vgt.f32 v35, v3  }
0x12b: {  	s30 =	sor.u32 s24, s29;
	v37 =	vld [tilespmem:s0+$0x0];
	v12 =	vsel vm9, v6, v12;
	v19 =	vsel vm9, v14, v19;
	v6 =	vsel vm9, v33, v6  }
0x12c: {  	v38 =	vld [tilespmem:s30+$0x0];
	v14 =	vsel vm9, $0x19, v14;
	v8 =	vsel vm11, v2, v8;
	v10 =	vsel vm11, v11, v10  }
0x12d: {  	v2 =	vsel vm11, v34, v2;
	v4 =	vsel vm12, v35, v4;
	v13 =	vsel vm12, $0x1A, v13  }
0x12e: {  	v11 =	vsel vm11, $0x1A, v11;
	vm14 =	vgt.f32 v36, v7;
	vm15 =	vgt.f32 v36, v5  }
0x12f: {  	s31 =	sor.u32 s23, s29;
	v4 =	vsel vm13, v3, v4;
	v13 =	vsel vm13, v9, v13;
	v3 =	vsel vm13, v35, v3  }
0x130: {  	v39 =	vld [tilespmem:s31+$0x0];
	v9 =	vsel vm13, $0x1A, v9;
	v7 =	vsel vm14, v36, v7;
	v16 =	vsel vm14, $0x1A, v16  }
0x131: {  	vm4 =	vgt.f32 v37, v12;
	vm5 =	vgt.f32 v37, v6;
	vm6 =	vgt.f32 v38, v8  }
0x132: {  	vm7 =	vgt.f32 v38, v2;
	v7 =	vsel vm15, v5, v7;
	v16 =	vsel vm15, v15, v16  }
0x133: {  	s7 =	sor.u32 s22, s29;
	v5 =	vsel vm15, v36, v5;
	v12 =	vsel vm4, v37, v12;
	v15 =	vsel vm15, $0x1A, v15  }
0x134: {  	v40 =	vld [tilespmem:s7+$0x0];
	v19 =	vsel vm4, $0x1A, v19;
	v8 =	vsel vm6, v38, v8;
	v10 =	vsel vm6, $0x1B, v10  }
0x135: {  	s26 =	sor.u32 $0x1A00, s25;
	s0 =	sor.u32 s21, s29;
	vm8 =	vgt.f32 v39, v4;
	vm9 =	vgt.f32 v39, v3;
	v12 =	vsel vm5, v6, v12  }
0x136: {  	s28 =	sor.u32 s24, s26;
	v41 =	vld [tilespmem:s0+$0x0];
	v19 =	vsel vm5, v14, v19;
	v6 =	vsel vm5, v37, v6;
	v14 =	vsel vm5, $0x1A, v14  }
0x137: {  	v42 =	vld [tilespmem:s28+$0x0];
	v8 =	vsel vm7, v2, v8;
	v10 =	vsel vm7, v11, v10;
	v2 =	vsel vm7, v38, v2  }
0x138: {  	v11 =	vsel vm7, $0x1B, v11;
	v4 =	vsel vm8, v39, v4;
	v13 =	vsel vm8, $0x1B, v13  }
0x139: {  	s29 =	sor.u32 s23, s26;
	vm10 =	vgt.f32 v40, v7;
	vm11 =	vgt.f32 v40, v5;
	v4 =	vsel vm9, v3, v4  }
0x13a: {  	v43 =	vld [tilespmem:s29+$0x0];
	v13 =	vsel vm9, v9, v13;
	v3 =	vsel vm9, v39, v3;
	v7 =	vsel vm10, v40, v7  }
0x13b: {  	v9 =	vsel vm9, $0x1B, v9;
	v16 =	vsel vm10, $0x1B, v16;
	vm12 =	vgt.f32 v41, v12  }
0x13c: {  	vm13 =	vgt.f32 v41, v6;
	vm14 =	vgt.f32 v42, v8;
	vm15 =	vgt.f32 v42, v2  }
0x13d: {  	s30 =	sor.u32 s22, s26;
	v7 =	vsel vm11, v5, v7;
	v16 =	vsel vm11, v15, v16;
	v5 =	vsel vm11, v40, v5  }
0x13e: {  	v44 =	vld [tilespmem:s30+$0x0];
	v12 =	vsel vm12, v41, v12;
	v19 =	vsel vm12, $0x1B, v19;
	v15 =	vsel vm11, $0x1B, v15  }
0x13f: {  	v8 =	vsel vm14, v42, v8;
	v10 =	vsel vm14, $0x1C, v10;
	vm4 =	vgt.f32 v43, v4  }
0x140: {  	s31 =	sor.u32 $0x1A80, s25;
	s0 =	sor.u32 s21, s26;
	vm5 =	vgt.f32 v43, v3;
	v12 =	vsel vm13, v6, v12;
	v19 =	vsel vm13, v14, v19  }
0x141: {  	s7 =	sor.u32 s24, s31;
	v45 =	vld [tilespmem:s0+$0x0];
	v6 =	vsel vm13, v41, v6;
	v14 =	vsel vm13, $0x1B, v14;
	v8 =	vsel vm15, v2, v8  }
0x142: {  	v46 =	vld [tilespmem:s7+$0x0];
	v10 =	vsel vm15, v11, v10;
	v2 =	vsel vm15, v42, v2;
	v4 =	vsel vm4, v43, v4  }
0x143: {  	v11 =	vsel vm15, $0x1C, v11;
	v13 =	vsel vm4, $0x1C, v13;
	vm6 =	vgt.f32 v44, v7  }
0x144: {  	s26 =	sor.u32 s23, s31;
	vm7 =	vgt.f32 v44, v5;
	v4 =	vsel vm5, v3, v4;
	v13 =	vsel vm5, v9, v13  }
0x145: {  	v47 =	vld [tilespmem:s26+$0x0];
	v3 =	vsel vm5, v43, v3;
	v7 =	vsel vm6, v44, v7;
	v16 =	vsel vm6, $0x1C, v16  }
0x146: {  	v9 =	vsel vm5, $0x1C, v9;
	vm8 =	vgt.f32 v45, v12;
	vm9 =	vgt.f32 v45, v6  }
0x147: {  	vm10 =	vgt.f32 v46, v8;
	vm11 =	vgt.f32 v46, v2;
	v7 =	vsel vm7, v5, v7  }
0x148: {  	s28 =	sor.u32 s22, s31;
	v16 =	vsel vm7, v15, v16;
	v5 =	vsel vm7, v44, v5;
	v15 =	vsel vm7, $0x1C, v15  }
0x149: {  	v48 =	vld [tilespmem:s28+$0x0];
	v12 =	vsel vm8, v45, v12;
	v19 =	vsel vm8, $0x1C, v19;
	v8 =	vsel vm10, v46, v8  }
0x14a: {  	s29 =	sor.u32 $0x1B00, s25;
	s0 =	sor.u32 s21, s31;
	v10 =	vsel vm10, $0x1D, v10;
	vm12 =	vgt.f32 v47, v4;
	vm13 =	vgt.f32 v47, v3  }
0x14b: {  	s30 =	sor.u32 s24, s29;
	v49 =	vld [tilespmem:s0+$0x0];
	v12 =	vsel vm9, v6, v12;
	v19 =	vsel vm9, v14, v19;
	v6 =	vsel vm9, v45, v6  }
0x14c: {  	v50 =	vld [tilespmem:s30+$0x0];
	v14 =	vsel vm9, $0x1C, v14;
	v8 =	vsel vm11, v2, v8;
	v10 =	vsel vm11, v11, v10  }
0x14d: {  	v2 =	vsel vm11, v46, v2;
	v4 =	vsel vm12, v47, v4;
	v13 =	vsel vm12, $0x1D, v13  }
0x14e: {  	v11 =	vsel vm11, $0x1D, v11;
	vm14 =	vgt.f32 v48, v7;
	vm15 =	vgt.f32 v48, v5  }
0x14f: {  	s31 =	sor.u32 s23, s29;
	v4 =	vsel vm13, v3, v4;
	v13 =	vsel vm13, v9, v13;
	v3 =	vsel vm13, v47, v3  }
0x150: {  	v51 =	vld [tilespmem:s31+$0x0];
	v9 =	vsel vm13, $0x1D, v9;
	v7 =	vsel vm14, v48, v7;
	v16 =	vsel vm14, $0x1D, v16  }
0x151: {  	vm4 =	vgt.f32 v49, v12;
	vm5 =	vgt.f32 v49, v6;
	vm6 =	vgt.f32 v50, v8  }
0x152: {  	vm7 =	vgt.f32 v50, v2;
	v7 =	vsel vm15, v5, v7;
	v16 =	vsel vm15, v15, v16  }
0x153: {  	s7 =	sor.u32 s22, s29;
	v5 =	vsel vm15, v48, v5;
	v12 =	vsel vm4, v49, v12;
	v15 =	vsel vm15, $0x1D, v15  }
0x154: {  	v52 =	vld [tilespmem:s7+$0x0];
	v19 =	vsel vm4, $0x1D, v19;
	v8 =	vsel vm6, v50, v8;
	v10 =	vsel vm6, $0x1E, v10  }
0x155: {  	s26 =	sor.u32 $0x1B80, s25;
	s0 =	sor.u32 s21, s29;
	vm8 =	vgt.f32 v51, v4;
	vm9 =	vgt.f32 v51, v3;
	v12 =	vsel vm5, v6, v12  }
0x156: {  	s28 =	sor.u32 s24, s26;
	v53 =	vld [tilespmem:s0+$0x0];
	v19 =	vsel vm5, v14, v19;
	v6 =	vsel vm5, v49, v6;
	v14 =	vsel vm5, $0x1D, v14  }
0x157: {  	v54 =	vld [tilespmem:s28+$0x0];
	v8 =	vsel vm7, v2, v8;
	v10 =	vsel vm7, v11, v10;
	v2 =	vsel vm7, v50, v2  }
0x158: {  	v11 =	vsel vm7, $0x1E, v11;
	v4 =	vsel vm8, v51, v4;
	v13 =	vsel vm8, $0x1E, v13  }
0x159: {  	s29 =	sor.u32 s23, s26;
	vm10 =	vgt.f32 v52, v7;
	vm11 =	vgt.f32 v52, v5;
	v4 =	vsel vm9, v3, v4  }
0x15a: {  	v55 =	vld [tilespmem:s29+$0x0];
	v13 =	vsel vm9, v9, v13;
	v3 =	vsel vm9, v51, v3;
	v7 =	vsel vm10, v52, v7  }
0x15b: {  	v9 =	vsel vm9, $0x1E, v9;
	v16 =	vsel vm10, $0x1E, v16;
	vm12 =	vgt.f32 v53, v12  }
0x15c: {  	vm13 =	vgt.f32 v53, v6;
	vm14 =	vgt.f32 v54, v8;
	vm15 =	vgt.f32 v54, v2  }
0x15d: {  	s30 =	sor.u32 s22, s26;
	v7 =	vsel vm11, v5, v7;
	v16 =	vsel vm11, v15, v16;
	v5 =	vsel vm11, v52, v5  }
0x15e: {  	v56 =	vld [tilespmem:s30+$0x0];
	v12 =	vsel vm12, v53, v12;
	v19 =	vsel vm12, $0x1E, v19;
	v15 =	vsel vm11, $0x1E, v15  }
0x15f: {  	v8 =	vsel vm14, v54, v8;
	v10 =	vsel vm14, $0x1F, v10;
	vm4 =	vgt.f32 v55, v4  }
0x160: {  	s31 =	sor.u32 $0x2000, s25;
	s0 =	sor.u32 s21, s26;
	vm5 =	vgt.f32 v55, v3;
	v12 =	vsel vm13, v6, v12;
	v19 =	vsel vm13, v14, v19  }
0x161: {  	s7 =	sor.u32 s24, s31;
	v57 =	vld [tilespmem:s0+$0x0];
	v6 =	vsel vm13, v53, v6;
	v14 =	vsel vm13, $0x1E, v14;
	v8 =	vsel vm15, v2, v8  }
0x162: {  	v58 =	vld [tilespmem:s7+$0x0];
	v10 =	vsel vm15, v11, v10;
	v2 =	vsel vm15, v54, v2;
	v4 =	vsel vm4, v55, v4  }
0x163: {  	v11 =	vsel vm15, $0x1F, v11;
	v13 =	vsel vm4, $0x1F, v13;
	vm6 =	vgt.f32 v56, v7  }
0x164: {  	s26 =	sor.u32 s23, s31;
	vm7 =	vgt.f32 v56, v5;
	v4 =	vsel vm5, v3, v4;
	v13 =	vsel vm5, v9, v13  }
0x165: {  	v59 =	vld [tilespmem:s26+$0x0];
	v3 =	vsel vm5, v55, v3;
	v7 =	vsel vm6, v56, v7;
	v16 =	vsel vm6, $0x1F, v16  }
0x166: {  	v9 =	vsel vm5, $0x1F, v9;
	vm8 =	vgt.f32 v57, v12;
	vm9 =	vgt.f32 v57, v6  }
0x167: {  	vm10 =	vgt.f32 v58, v8;
	vm11 =	vgt.f32 v58, v2;
	v7 =	vsel vm7, v5, v7  }
0x168: {  	s28 =	sor.u32 s22, s31;
	v16 =	vsel vm7, v15, v16;
	v5 =	vsel vm7, v56, v5;
	v15 =	vsel vm7, $0x1F, v15  }
0x169: {  	v60 =	vld [tilespmem:s28+$0x0];
	v12 =	vsel vm8, v57, v12;
	v19 =	vsel vm8, $0x1F, v19;
	v8 =	vsel vm10, v58, v8  }
0x16a: {  	s29 =	sor.u32 $0x2080, s25;
	s0 =	sor.u32 s21, s31;
	v10 =	vsel vm10, $0x20, v10;
	vm12 =	vgt.f32 v59, v4;
	vm13 =	vgt.f32 v59, v3  }
0x16b: {  	s30 =	sor.u32 s24, s29;
	v61 =	vld [tilespmem:s0+$0x0];
	v12 =	vsel vm9, v6, v12;
	v19 =	vsel vm9, v14, v19;
	v6 =	vsel vm9, v57, v6  }
0x16c: {  	v62 =	vld [tilespmem:s30+$0x0];
	v14 =	vsel vm9, $0x1F, v14;
	v8 =	vsel vm11, v2, v8;
	v10 =	vsel vm11, v11, v10  }
0x16d: {  	v2 =	vsel vm11, v58, v2;
	v4 =	vsel vm12, v59, v4;
	v13 =	vsel vm12, $0x20, v13  }
0x16e: {  	v11 =	vsel vm11, $0x20, v11;
	vm14 =	vgt.f32 v60, v7;
	vm15 =	vgt.f32 v60, v5  }
0x16f: {  	s31 =	sor.u32 s23, s29;
	v4 =	vsel vm13, v3, v4;
	v13 =	vsel vm13, v9, v13;
	v3 =	vsel vm13, v59, v3  }
0x170: {  	v63 =	vld [tilespmem:s31+$0x0];
	v9 =	vsel vm13, $0x20, v9;
	v7 =	vsel vm14, v60, v7;
	v16 =	vsel vm14, $0x20, v16  }
0x171: {  	vm4 =	vgt.f32 v61, v12;
	vm5 =	vgt.f32 v61, v6;
	vm6 =	vgt.f32 v62, v8  }
0x172: {  	vm7 =	vgt.f32 v62, v2;
	v7 =	vsel vm15, v5, v7;
	v16 =	vsel vm15, v15, v16  }
0x173: {  	s7 =	sor.u32 s22, s29;
	v5 =	vsel vm15, v60, v5;
	v12 =	vsel vm4, v61, v12;
	v15 =	vsel vm15, $0x20, v15  }
0x174: {  	v24 =	vld [tilespmem:s7+$0x0];
	v19 =	vsel vm4, $0x20, v19;
	v8 =	vsel vm6, v62, v8;
	v10 =	vsel vm6, $0x21, v10  }
0x175: {  	s26 =	sor.u32 $0x2100, s25;
	s0 =	sor.u32 s21, s29;
	vm8 =	vgt.f32 v63, v4;
	vm9 =	vgt.f32 v63, v3;
	v12 =	vsel vm5, v6, v12  }
0x176: {  	s28 =	sor.u32 s24, s26;
	v25 =	vld [tilespmem:s0+$0x0];
	v19 =	vsel vm5, v14, v19;
	v6 =	vsel vm5, v61, v6;
	v14 =	vsel vm5, $0x20, v14  }
0x177: {  	v26 =	vld [tilespmem:s28+$0x0];
	v8 =	vsel vm7, v2, v8;
	v10 =	vsel vm7, v11, v10;
	v2 =	vsel vm7, v62, v2  }
0x178: {  	v11 =	vsel vm7, $0x21, v11;
	v4 =	vsel vm8, v63, v4;
	v13 =	vsel vm8, $0x21, v13  }
0x179: {  	s29 =	sor.u32 s23, s26;
	vm10 =	vgt.f32 v24, v7;
	vm11 =	vgt.f32 v24, v5;
	v4 =	vsel vm9, v3, v4  }
0x17a: {  	v27 =	vld [tilespmem:s29+$0x0];
	v13 =	vsel vm9, v9, v13;
	v3 =	vsel vm9, v63, v3;
	v7 =	vsel vm10, v24, v7  }
0x17b: {  	v9 =	vsel vm9, $0x21, v9;
	v16 =	vsel vm10, $0x21, v16;
	vm12 =	vgt.f32 v25, v12  }
0x17c: {  	vm13 =	vgt.f32 v25, v6;
	vm14 =	vgt.f32 v26, v8;
	vm15 =	vgt.f32 v26, v2  }
0x17d: {  	s30 =	sor.u32 s22, s26;
	v7 =	vsel vm11, v5, v7;
	v16 =	vsel vm11, v15, v16;
	v5 =	vsel vm11, v24, v5  }
0x17e: {  	v28 =	vld [tilespmem:s30+$0x0];
	v12 =	vsel vm12, v25, v12;
	v19 =	vsel vm12, $0x21, v19;
	v15 =	vsel vm11, $0x21, v15  }
0x17f: {  	v8 =	vsel vm14, v26, v8;
	v10 =	vsel vm14, $0x22, v10;
	vm4 =	vgt.f32 v27, v4  }
0x180: {  	s31 =	sor.u32 $0x2180, s25;
	s0 =	sor.u32 s21, s26;
	vm5 =	vgt.f32 v27, v3;
	v12 =	vsel vm13, v6, v12;
	v19 =	vsel vm13, v14, v19  }
0x181: {  	s7 =	sor.u32 s24, s31;
	v29 =	vld [tilespmem:s0+$0x0];
	v6 =	vsel vm13, v25, v6;
	v14 =	vsel vm13, $0x21, v14;
	v8 =	vsel vm15, v2, v8  }
0x182: {  	v30 =	vld [tilespmem:s7+$0x0];
	v10 =	vsel vm15, v11, v10;
	v2 =	vsel vm15, v26, v2;
	v4 =	vsel vm4, v27, v4  }
0x183: {  	v11 =	vsel vm15, $0x22, v11;
	v13 =	vsel vm4, $0x22, v13;
	vm6 =	vgt.f32 v28, v7  }
0x184: {  	s26 =	sor.u32 s23, s31;
	vm7 =	vgt.f32 v28, v5;
	v4 =	vsel vm5, v3, v4;
	v13 =	vsel vm5, v9, v13  }
0x185: {  	v31 =	vld [tilespmem:s26+$0x0];
	v3 =	vsel vm5, v27, v3;
	v7 =	vsel vm6, v28, v7;
	v16 =	vsel vm6, $0x22, v16  }
0x186: {  	v9 =	vsel vm5, $0x22, v9;
	vm8 =	vgt.f32 v29, v12;
	vm9 =	vgt.f32 v29, v6  }
0x187: {  	vm10 =	vgt.f32 v30, v8;
	vm11 =	vgt.f32 v30, v2;
	v7 =	vsel vm7, v5, v7  }
0x188: {  	s28 =	sor.u32 s22, s31;
	v16 =	vsel vm7, v15, v16;
	v5 =	vsel vm7, v28, v5;
	v15 =	vsel vm7, $0x22, v15  }
0x189: {  	v32 =	vld [tilespmem:s28+$0x0];
	v12 =	vsel vm8, v29, v12;
	v19 =	vsel vm8, $0x22, v19;
	v8 =	vsel vm10, v30, v8  }
0x18a: {  	s29 =	sor.u32 $0x2200, s25;
	s0 =	sor.u32 s21, s31;
	v10 =	vsel vm10, $0x23, v10;
	vm12 =	vgt.f32 v31, v4;
	vm13 =	vgt.f32 v31, v3  }
0x18b: {  	s30 =	sor.u32 s24, s29;
	v33 =	vld [tilespmem:s0+$0x0];
	v12 =	vsel vm9, v6, v12;
	v19 =	vsel vm9, v14, v19;
	v6 =	vsel vm9, v29, v6  }
0x18c: {  	v34 =	vld [tilespmem:s30+$0x0];
	v14 =	vsel vm9, $0x22, v14;
	v8 =	vsel vm11, v2, v8;
	v10 =	vsel vm11, v11, v10  }
0x18d: {  	v2 =	vsel vm11, v30, v2;
	v4 =	vsel vm12, v31, v4;
	v13 =	vsel vm12, $0x23, v13  }
0x18e: {  	v11 =	vsel vm11, $0x23, v11;
	vm14 =	vgt.f32 v32, v7;
	vm15 =	vgt.f32 v32, v5  }
0x18f: {  	s31 =	sor.u32 s23, s29;
	v4 =	vsel vm13, v3, v4;
	v13 =	vsel vm13, v9, v13;
	v3 =	vsel vm13, v31, v3  }
0x190: {  	v35 =	vld [tilespmem:s31+$0x0];
	v9 =	vsel vm13, $0x23, v9;
	v7 =	vsel vm14, v32, v7;
	v16 =	vsel vm14, $0x23, v16  }
0x191: {  	vm4 =	vgt.f32 v33, v12;
	vm5 =	vgt.f32 v33, v6;
	vm6 =	vgt.f32 v34, v8  }
0x192: {  	vm7 =	vgt.f32 v34, v2;
	v7 =	vsel vm15, v5, v7;
	v16 =	vsel vm15, v15, v16  }
0x193: {  	s7 =	sor.u32 s22, s29;
	v5 =	vsel vm15, v32, v5;
	v12 =	vsel vm4, v33, v12;
	v15 =	vsel vm15, $0x23, v15  }
0x194: {  	v36 =	vld [tilespmem:s7+$0x0];
	v19 =	vsel vm4, $0x23, v19;
	v8 =	vsel vm6, v34, v8;
	v10 =	vsel vm6, $0x24, v10  }
0x195: {  	s26 =	sor.u32 $0x2280, s25;
	s0 =	sor.u32 s21, s29;
	vm8 =	vgt.f32 v35, v4;
	vm9 =	vgt.f32 v35, v3;
	v12 =	vsel vm5, v6, v12  }
0x196: {  	s28 =	sor.u32 s24, s26;
	v37 =	vld [tilespmem:s0+$0x0];
	v19 =	vsel vm5, v14, v19;
	v6 =	vsel vm5, v33, v6;
	v14 =	vsel vm5, $0x23, v14  }
0x197: {  	v38 =	vld [tilespmem:s28+$0x0];
	v8 =	vsel vm7, v2, v8;
	v10 =	vsel vm7, v11, v10;
	v2 =	vsel vm7, v34, v2  }
0x198: {  	v11 =	vsel vm7, $0x24, v11;
	v4 =	vsel vm8, v35, v4;
	v13 =	vsel vm8, $0x24, v13  }
0x199: {  	s29 =	sor.u32 s23, s26;
	vm10 =	vgt.f32 v36, v7;
	vm11 =	vgt.f32 v36, v5;
	v4 =	vsel vm9, v3, v4  }
0x19a: {  	v39 =	vld [tilespmem:s29+$0x0];
	v13 =	vsel vm9, v9, v13;
	v3 =	vsel vm9, v35, v3;
	v7 =	vsel vm10, v36, v7  }
0x19b: {  	v9 =	vsel vm9, $0x24, v9;
	v16 =	vsel vm10, $0x24, v16;
	vm12 =	vgt.f32 v37, v12  }
0x19c: {  	vm13 =	vgt.f32 v37, v6;
	vm14 =	vgt.f32 v38, v8;
	vm15 =	vgt.f32 v38, v2  }
0x19d: {  	s30 =	sor.u32 s22, s26;
	v7 =	vsel vm11, v5, v7;
	v16 =	vsel vm11, v15, v16;
	v5 =	vsel vm11, v36, v5  }
0x19e: {  	v40 =	vld [tilespmem:s30+$0x0];
	v12 =	vsel vm12, v37, v12;
	v19 =	vsel vm12, $0x24, v19;
	v15 =	vsel vm11, $0x24, v15  }
0x19f: {  	v8 =	vsel vm14, v38, v8;
	v10 =	vsel vm14, $0x25, v10;
	vm4 =	vgt.f32 v39, v4  }
0x1a0: {  	s31 =	sor.u32 $0x2300, s25;
	s0 =	sor.u32 s21, s26;
	vm5 =	vgt.f32 v39, v3;
	v12 =	vsel vm13, v6, v12;
	v19 =	vsel vm13, v14, v19  }
0x1a1: {  	s7 =	sor.u32 s24, s31;
	v41 =	vld [tilespmem:s0+$0x0];
	v6 =	vsel vm13, v37, v6;
	v14 =	vsel vm13, $0x24, v14;
	v8 =	vsel vm15, v2, v8  }
0x1a2: {  	v42 =	vld [tilespmem:s7+$0x0];
	v10 =	vsel vm15, v11, v10;
	v2 =	vsel vm15, v38, v2;
	v4 =	vsel vm4, v39, v4  }
0x1a3: {  	v11 =	vsel vm15, $0x25, v11;
	v13 =	vsel vm4, $0x25, v13;
	vm6 =	vgt.f32 v40, v7  }
0x1a4: {  	s26 =	sor.u32 s23, s31;
	vm7 =	vgt.f32 v40, v5;
	v4 =	vsel vm5, v3, v4;
	v13 =	vsel vm5, v9, v13  }
0x1a5: {  	v43 =	vld [tilespmem:s26+$0x0];
	v3 =	vsel vm5, v39, v3;
	v7 =	vsel vm6, v40, v7;
	v16 =	vsel vm6, $0x25, v16  }
0x1a6: {  	v9 =	vsel vm5, $0x25, v9;
	vm8 =	vgt.f32 v41, v12;
	vm9 =	vgt.f32 v41, v6  }
0x1a7: {  	vm10 =	vgt.f32 v42, v8;
	vm11 =	vgt.f32 v42, v2;
	v7 =	vsel vm7, v5, v7  }
0x1a8: {  	s28 =	sor.u32 s22, s31;
	v16 =	vsel vm7, v15, v16;
	v5 =	vsel vm7, v40, v5;
	v15 =	vsel vm7, $0x25, v15  }
0x1a9: {  	v44 =	vld [tilespmem:s28+$0x0];
	v12 =	vsel vm8, v41, v12;
	v19 =	vsel vm8, $0x25, v19;
	v8 =	vsel vm10, v42, v8  }
0x1aa: {  	s29 =	sor.u32 $0x2380, s25;
	s0 =	sor.u32 s21, s31;
	v10 =	vsel vm10, $0x26, v10;
	vm12 =	vgt.f32 v43, v4;
	vm13 =	vgt.f32 v43, v3  }
0x1ab: {  	s30 =	sor.u32 s24, s29;
	v45 =	vld [tilespmem:s0+$0x0];
	v12 =	vsel vm9, v6, v12;
	v19 =	vsel vm9, v14, v19;
	v6 =	vsel vm9, v41, v6  }
0x1ac: {  	v46 =	vld [tilespmem:s30+$0x0];
	v14 =	vsel vm9, $0x25, v14;
	v8 =	vsel vm11, v2, v8;
	v10 =	vsel vm11, v11, v10  }
0x1ad: {  	v2 =	vsel vm11, v42, v2;
	v4 =	vsel vm12, v43, v4;
	v13 =	vsel vm12, $0x26, v13  }
0x1ae: {  	v11 =	vsel vm11, $0x26, v11;
	vm14 =	vgt.f32 v44, v7;
	vm15 =	vgt.f32 v44, v5  }
0x1af: {  	s31 =	sor.u32 s23, s29;
	v4 =	vsel vm13, v3, v4;
	v13 =	vsel vm13, v9, v13;
	v3 =	vsel vm13, v43, v3  }
0x1b0: {  	v47 =	vld [tilespmem:s31+$0x0];
	v9 =	vsel vm13, $0x26, v9;
	v7 =	vsel vm14, v44, v7;
	v16 =	vsel vm14, $0x26, v16  }
0x1b1: {  	vm4 =	vgt.f32 v45, v12;
	vm5 =	vgt.f32 v45, v6;
	vm6 =	vgt.f32 v46, v8  }
0x1b2: {  	vm7 =	vgt.f32 v46, v2;
	v7 =	vsel vm15, v5, v7;
	v16 =	vsel vm15, v15, v16  }
0x1b3: {  	s7 =	sor.u32 s22, s29;
	v5 =	vsel vm15, v44, v5;
	v12 =	vsel vm4, v45, v12;
	v15 =	vsel vm15, $0x26, v15  }
0x1b4: {  	v48 =	vld [tilespmem:s7+$0x0];
	v19 =	vsel vm4, $0x26, v19;
	v8 =	vsel vm6, v46, v8;
	v10 =	vsel vm6, $0x27, v10  }
0x1b5: {  	s26 =	sor.u32 $0x2800, s25;
	s0 =	sor.u32 s21, s29;
	vm8 =	vgt.f32 v47, v4;
	vm9 =	vgt.f32 v47, v3;
	v12 =	vsel vm5, v6, v12  }
0x1b6: {  	s28 =	sor.u32 s24, s26;
	v49 =	vld [tilespmem:s0+$0x0];
	v19 =	vsel vm5, v14, v19;
	v6 =	vsel vm5, v45, v6;
	v14 =	vsel vm5, $0x26, v14  }
0x1b7: {  	v50 =	vld [tilespmem:s28+$0x0];
	v8 =	vsel vm7, v2, v8;
	v10 =	vsel vm7, v11, v10;
	v2 =	vsel vm7, v46, v2  }
0x1b8: {  	v11 =	vsel vm7, $0x27, v11;
	v4 =	vsel vm8, v47, v4;
	v13 =	vsel vm8, $0x27, v13  }
0x1b9: {  	s29 =	sor.u32 s23, s26;
	vm10 =	vgt.f32 v48, v7;
	vm11 =	vgt.f32 v48, v5;
	v4 =	vsel vm9, v3, v4  }
0x1ba: {  	v51 =	vld [tilespmem:s29+$0x0];
	v13 =	vsel vm9, v9, v13;
	v3 =	vsel vm9, v47, v3;
	v7 =	vsel vm10, v48, v7  }
0x1bb: {  	v9 =	vsel vm9, $0x27, v9;
	v16 =	vsel vm10, $0x27, v16;
	vm12 =	vgt.f32 v49, v12  }
0x1bc: {  	vm13 =	vgt.f32 v49, v6;
	vm14 =	vgt.f32 v50, v8;
	vm15 =	vgt.f32 v50, v2  }
0x1bd: {  	s30 =	sor.u32 s22, s26;
	v7 =	vsel vm11, v5, v7;
	v16 =	vsel vm11, v15, v16;
	v5 =	vsel vm11, v48, v5  }
0x1be: {  	v52 =	vld [tilespmem:s30+$0x0];
	v12 =	vsel vm12, v49, v12;
	v19 =	vsel vm12, $0x27, v19;
	v15 =	vsel vm11, $0x27, v15  }
0x1bf: {  	v8 =	vsel vm14, v50, v8;
	v10 =	vsel vm14, $0x28, v10;
	vm4 =	vgt.f32 v51, v4  }
0x1c0: {  	s31 =	sor.u32 $0x2880, s25;
	s0 =	sor.u32 s21, s26;
	vm5 =	vgt.f32 v51, v3;
	v12 =	vsel vm13, v6, v12;
	v19 =	vsel vm13, v14, v19  }
0x1c1: {  	s7 =	sor.u32 s24, s31;
	v53 =	vld [tilespmem:s0+$0x0];
	v6 =	vsel vm13, v49, v6;
	v14 =	vsel vm13, $0x27, v14;
	v8 =	vsel vm15, v2, v8  }
0x1c2: {  	v54 =	vld [tilespmem:s7+$0x0];
	v10 =	vsel vm15, v11, v10;
	v2 =	vsel vm15, v50, v2;
	v4 =	vsel vm4, v51, v4  }
0x1c3: {  	v11 =	vsel vm15, $0x28, v11;
	v13 =	vsel vm4, $0x28, v13;
	vm6 =	vgt.f32 v52, v7  }
0x1c4: {  	s26 =	sor.u32 s23, s31;
	vm7 =	vgt.f32 v52, v5;
	v4 =	vsel vm5, v3, v4;
	v13 =	vsel vm5, v9, v13  }
0x1c5: {  	v55 =	vld [tilespmem:s26+$0x0];
	v3 =	vsel vm5, v51, v3;
	v7 =	vsel vm6, v52, v7;
	v16 =	vsel vm6, $0x28, v16  }
0x1c6: {  	v9 =	vsel vm5, $0x28, v9;
	vm8 =	vgt.f32 v53, v12;
	vm9 =	vgt.f32 v53, v6  }
0x1c7: {  	vm10 =	vgt.f32 v54, v8;
	vm11 =	vgt.f32 v54, v2;
	v7 =	vsel vm7, v5, v7  }
0x1c8: {  	s28 =	sor.u32 s22, s31;
	v16 =	vsel vm7, v15, v16;
	v5 =	vsel vm7, v52, v5;
	v15 =	vsel vm7, $0x28, v15  }
0x1c9: {  	v56 =	vld [tilespmem:s28+$0x0];
	v12 =	vsel vm8, v53, v12;
	v19 =	vsel vm8, $0x28, v19;
	v8 =	vsel vm10, v54, v8  }
0x1ca: {  	s29 =	sor.u32 $0x2900, s25;
	s0 =	sor.u32 s21, s31;
	v10 =	vsel vm10, $0x29, v10;
	vm12 =	vgt.f32 v55, v4;
	vm13 =	vgt.f32 v55, v3  }
0x1cb: {  	s30 =	sor.u32 s24, s29;
	v57 =	vld [tilespmem:s0+$0x0];
	v12 =	vsel vm9, v6, v12;
	v19 =	vsel vm9, v14, v19;
	v6 =	vsel vm9, v53, v6  }
0x1cc: {  	v58 =	vld [tilespmem:s30+$0x0];
	v14 =	vsel vm9, $0x28, v14;
	v8 =	vsel vm11, v2, v8;
	v10 =	vsel vm11, v11, v10  }
0x1cd: {  	v2 =	vsel vm11, v54, v2;
	v4 =	vsel vm12, v55, v4;
	v13 =	vsel vm12, $0x29, v13  }
0x1ce: {  	v11 =	vsel vm11, $0x29, v11;
	vm14 =	vgt.f32 v56, v7;
	vm15 =	vgt.f32 v56, v5  }
0x1cf: {  	s31 =	sor.u32 s23, s29;
	v4 =	vsel vm13, v3, v4;
	v13 =	vsel vm13, v9, v13;
	v3 =	vsel vm13, v55, v3  }
0x1d0: {  	v59 =	vld [tilespmem:s31+$0x0];
	v9 =	vsel vm13, $0x29, v9;
	v7 =	vsel vm14, v56, v7;
	v16 =	vsel vm14, $0x29, v16  }
0x1d1: {  	vm4 =	vgt.f32 v57, v12;
	vm5 =	vgt.f32 v57, v6;
	vm6 =	vgt.f32 v58, v8  }
0x1d2: {  	vm7 =	vgt.f32 v58, v2;
	v7 =	vsel vm15, v5, v7;
	v16 =	vsel vm15, v15, v16  }
0x1d3: {  	s7 =	sor.u32 s22, s29;
	v5 =	vsel vm15, v56, v5;
	v12 =	vsel vm4, v57, v12;
	v15 =	vsel vm15, $0x29, v15  }
0x1d4: {  	v60 =	vld [tilespmem:s7+$0x0];
	v19 =	vsel vm4, $0x29, v19;
	v8 =	vsel vm6, v58, v8;
	v10 =	vsel vm6, $0x2A, v10  }
0x1d5: {  	s26 =	sor.u32 $0x2980, s25;
	s0 =	sor.u32 s21, s29;
	vm8 =	vgt.f32 v59, v4;
	vm9 =	vgt.f32 v59, v3;
	v12 =	vsel vm5, v6, v12  }
0x1d6: {  	s28 =	sor.u32 s24, s26;
	v61 =	vld [tilespmem:s0+$0x0];
	v19 =	vsel vm5, v14, v19;
	v6 =	vsel vm5, v57, v6;
	v14 =	vsel vm5, $0x29, v14  }
0x1d7: {  	v62 =	vld [tilespmem:s28+$0x0];
	v8 =	vsel vm7, v2, v8;
	v10 =	vsel vm7, v11, v10;
	v2 =	vsel vm7, v58, v2  }
0x1d8: {  	v11 =	vsel vm7, $0x2A, v11;
	v4 =	vsel vm8, v59, v4;
	v13 =	vsel vm8, $0x2A, v13  }
0x1d9: {  	s29 =	sor.u32 s23, s26;
	vm10 =	vgt.f32 v60, v7;
	vm11 =	vgt.f32 v60, v5;
	v4 =	vsel vm9, v3, v4  }
0x1da: {  	v63 =	vld [tilespmem:s29+$0x0];
	v13 =	vsel vm9, v9, v13;
	v3 =	vsel vm9, v59, v3;
	v7 =	vsel vm10, v60, v7  }
0x1db: {  	v9 =	vsel vm9, $0x2A, v9;
	v16 =	vsel vm10, $0x2A, v16;
	vm12 =	vgt.f32 v61, v12  }
0x1dc: {  	vm13 =	vgt.f32 v61, v6;
	vm14 =	vgt.f32 v62, v8;
	vm15 =	vgt.f32 v62, v2  }
0x1dd: {  	s30 =	sor.u32 s22, s26;
	v7 =	vsel vm11, v5, v7;
	v16 =	vsel vm11, v15, v16;
	v5 =	vsel vm11, v60, v5  }
0x1de: {  	v24 =	vld [tilespmem:s30+$0x0];
	v12 =	vsel vm12, v61, v12;
	v19 =	vsel vm12, $0x2A, v19;
	v15 =	vsel vm11, $0x2A, v15  }
0x1df: {  	v8 =	vsel vm14, v62, v8;
	v10 =	vsel vm14, $0x2B, v10;
	vm4 =	vgt.f32 v63, v4  }
0x1e0: {  	s31 =	sor.u32 $0x2A00, s25;
	s0 =	sor.u32 s21, s26;
	vm5 =	vgt.f32 v63, v3;
	v12 =	vsel vm13, v6, v12;
	v19 =	vsel vm13, v14, v19  }
0x1e1: {  	s7 =	sor.u32 s24, s31;
	v25 =	vld [tilespmem:s0+$0x0];
	v6 =	vsel vm13, v61, v6;
	v14 =	vsel vm13, $0x2A, v14;
	v8 =	vsel vm15, v2, v8  }
0x1e2: {  	v26 =	vld [tilespmem:s7+$0x0];
	v10 =	vsel vm15, v11, v10;
	v2 =	vsel vm15, v62, v2;
	v4 =	vsel vm4, v63, v4  }
0x1e3: {  	v11 =	vsel vm15, $0x2B, v11;
	v13 =	vsel vm4, $0x2B, v13;
	vm6 =	vgt.f32 v24, v7  }
0x1e4: {  	s26 =	sor.u32 s23, s31;
	vm7 =	vgt.f32 v24, v5;
	v4 =	vsel vm5, v3, v4;
	v13 =	vsel vm5, v9, v13  }
0x1e5: {  	v27 =	vld [tilespmem:s26+$0x0];
	v3 =	vsel vm5, v63, v3;
	v7 =	vsel vm6, v24, v7;
	v16 =	vsel vm6, $0x2B, v16  }
0x1e6: {  	v9 =	vsel vm5, $0x2B, v9;
	vm8 =	vgt.f32 v25, v12;
	vm9 =	vgt.f32 v25, v6  }
0x1e7: {  	vm10 =	vgt.f32 v26, v8;
	vm11 =	vgt.f32 v26, v2;
	v7 =	vsel vm7, v5, v7  }
0x1e8: {  	s28 =	sor.u32 s22, s31;
	v16 =	vsel vm7, v15, v16;
	v5 =	vsel vm7, v24, v5;
	v15 =	vsel vm7, $0x2B, v15  }
0x1e9: {  	v28 =	vld [tilespmem:s28+$0x0];
	v12 =	vsel vm8, v25, v12;
	v19 =	vsel vm8, $0x2B, v19;
	v8 =	vsel vm10, v26, v8  }
0x1ea: {  	s29 =	sor.u32 $0x2A80, s25;
	s0 =	sor.u32 s21, s31;
	v10 =	vsel vm10, $0x2C, v10;
	vm12 =	vgt.f32 v27, v4;
	vm13 =	vgt.f32 v27, v3  }
0x1eb: {  	s30 =	sor.u32 s24, s29;
	v29 =	vld [tilespmem:s0+$0x0];
	v12 =	vsel vm9, v6, v12;
	v19 =	vsel vm9, v14, v19;
	v6 =	vsel vm9, v25, v6  }
0x1ec: {  	v30 =	vld [tilespmem:s30+$0x0];
	v14 =	vsel vm9, $0x2B, v14;
	v8 =	vsel vm11, v2, v8;
	v10 =	vsel vm11, v11, v10  }
0x1ed: {  	v2 =	vsel vm11, v26, v2;
	v4 =	vsel vm12, v27, v4;
	v13 =	vsel vm12, $0x2C, v13  }
0x1ee: {  	v11 =	vsel vm11, $0x2C, v11;
	vm14 =	vgt.f32 v28, v7;
	vm15 =	vgt.f32 v28, v5  }
0x1ef: {  	s31 =	sor.u32 s23, s29;
	v4 =	vsel vm13, v3, v4;
	v13 =	vsel vm13, v9, v13;
	v3 =	vsel vm13, v27, v3  }
0x1f0: {  	v31 =	vld [tilespmem:s31+$0x0];
	v9 =	vsel vm13, $0x2C, v9;
	v7 =	vsel vm14, v28, v7;
	v16 =	vsel vm14, $0x2C, v16  }
0x1f1: {  	vm4 =	vgt.f32 v29, v12;
	vm5 =	vgt.f32 v29, v6;
	vm6 =	vgt.f32 v30, v8  }
0x1f2: {  	vm7 =	vgt.f32 v30, v2;
	v7 =	vsel vm15, v5, v7;
	v16 =	vsel vm15, v15, v16  }
0x1f3: {  	s7 =	sor.u32 s22, s29;
	v5 =	vsel vm15, v28, v5;
	v12 =	vsel vm4, v29, v12;
	v15 =	vsel vm15, $0x2C, v15  }
0x1f4: {  	v32 =	vld [tilespmem:s7+$0x0];
	v19 =	vsel vm4, $0x2C, v19;
	v8 =	vsel vm6, v30, v8;
	v10 =	vsel vm6, $0x2D, v10  }
0x1f5: {  	s26 =	sor.u32 $0x2B00, s25;
	s0 =	sor.u32 s21, s29;
	vm8 =	vgt.f32 v31, v4;
	vm9 =	vgt.f32 v31, v3;
	v12 =	vsel vm5, v6, v12  }
0x1f6: {  	s28 =	sor.u32 s24, s26;
	v33 =	vld [tilespmem:s0+$0x0];
	v19 =	vsel vm5, v14, v19;
	v6 =	vsel vm5, v29, v6;
	v14 =	vsel vm5, $0x2C, v14  }
0x1f7: {  	v34 =	vld [tilespmem:s28+$0x0];
	v8 =	vsel vm7, v2, v8;
	v10 =	vsel vm7, v11, v10;
	v2 =	vsel vm7, v30, v2  }
0x1f8: {  	v11 =	vsel vm7, $0x2D, v11;
	v4 =	vsel vm8, v31, v4;
	v13 =	vsel vm8, $0x2D, v13  }
0x1f9: {  	s29 =	sor.u32 s23, s26;
	vm10 =	vgt.f32 v32, v7;
	vm11 =	vgt.f32 v32, v5;
	v4 =	vsel vm9, v3, v4  }
0x1fa: {  	v35 =	vld [tilespmem:s29+$0x0];
	v13 =	vsel vm9, v9, v13;
	v3 =	vsel vm9, v31, v3;
	v7 =	vsel vm10, v32, v7  }
0x1fb: {  	v9 =	vsel vm9, $0x2D, v9;
	v16 =	vsel vm10, $0x2D, v16;
	vm12 =	vgt.f32 v33, v12  }
0x1fc: {  	vm13 =	vgt.f32 v33, v6;
	vm14 =	vgt.f32 v34, v8;
	vm15 =	vgt.f32 v34, v2  }
0x1fd: {  	s30 =	sor.u32 s22, s26;
	v7 =	vsel vm11, v5, v7;
	v16 =	vsel vm11, v15, v16;
	v5 =	vsel vm11, v32, v5  }
0x1fe: {  	v36 =	vld [tilespmem:s30+$0x0];
	v12 =	vsel vm12, v33, v12;
	v19 =	vsel vm12, $0x2D, v19;
	v15 =	vsel vm11, $0x2D, v15  }
0x1ff: {  	v8 =	vsel vm14, v34, v8;
	v10 =	vsel vm14, $0x2E, v10;
	vm4 =	vgt.f32 v35, v4  }
0x200: {  	s31 =	sor.u32 $0x2B80, s25;
	s0 =	sor.u32 s21, s26;
	vm5 =	vgt.f32 v35, v3;
	v12 =	vsel vm13, v6, v12;
	v19 =	vsel vm13, v14, v19  }
0x201: {  	s7 =	sor.u32 s24, s31;
	v37 =	vld [tilespmem:s0+$0x0];
	v6 =	vsel vm13, v33, v6;
	v14 =	vsel vm13, $0x2D, v14;
	v8 =	vsel vm15, v2, v8  }
0x202: {  	v38 =	vld [tilespmem:s7+$0x0];
	v10 =	vsel vm15, v11, v10;
	v2 =	vsel vm15, v34, v2;
	v4 =	vsel vm4, v35, v4  }
0x203: {  	v11 =	vsel vm15, $0x2E, v11;
	v13 =	vsel vm4, $0x2E, v13;
	vm6 =	vgt.f32 v36, v7  }
0x204: {  	s26 =	sor.u32 s23, s31;
	vm7 =	vgt.f32 v36, v5;
	v4 =	vsel vm5, v3, v4;
	v13 =	vsel vm5, v9, v13  }
0x205: {  	v39 =	vld [tilespmem:s26+$0x0];
	v3 =	vsel vm5, v35, v3;
	v7 =	vsel vm6, v36, v7;
	v16 =	vsel vm6, $0x2E, v16  }
0x206: {  	v9 =	vsel vm5, $0x2E, v9;
	vm8 =	vgt.f32 v37, v12;
	vm9 =	vgt.f32 v37, v6  }
0x207: {  	vm10 =	vgt.f32 v38, v8;
	vm11 =	vgt.f32 v38, v2;
	v7 =	vsel vm7, v5, v7  }
0x208: {  	s28 =	sor.u32 s22, s31;
	v16 =	vsel vm7, v15, v16;
	v5 =	vsel vm7, v36, v5;
	v15 =	vsel vm7, $0x2E, v15  }
0x209: {  	v40 =	vld [tilespmem:s28+$0x0];
	v12 =	vsel vm8, v37, v12;
	v19 =	vsel vm8, $0x2E, v19;
	v8 =	vsel vm10, v38, v8  }
0x20a: {  	s29 =	sor.u32 $0x3000, s25;
	s0 =	sor.u32 s21, s31;
	v10 =	vsel vm10, $0x2F, v10;
	vm12 =	vgt.f32 v39, v4;
	vm13 =	vgt.f32 v39, v3  }
0x20b: {  	s30 =	sor.u32 s24, s29;
	v41 =	vld [tilespmem:s0+$0x0];
	v12 =	vsel vm9, v6, v12;
	v19 =	vsel vm9, v14, v19;
	v6 =	vsel vm9, v37, v6  }
0x20c: {  	v42 =	vld [tilespmem:s30+$0x0];
	v14 =	vsel vm9, $0x2E, v14;
	v8 =	vsel vm11, v2, v8;
	v10 =	vsel vm11, v11, v10  }
0x20d: {  	v2 =	vsel vm11, v38, v2;
	v4 =	vsel vm12, v39, v4;
	v13 =	vsel vm12, $0x2F, v13  }
0x20e: {  	v11 =	vsel vm11, $0x2F, v11;
	vm14 =	vgt.f32 v40, v7;
	vm15 =	vgt.f32 v40, v5  }
0x20f: {  	s31 =	sor.u32 s23, s29;
	v4 =	vsel vm13, v3, v4;
	v13 =	vsel vm13, v9, v13;
	v3 =	vsel vm13, v39, v3  }
0x210: {  	v43 =	vld [tilespmem:s31+$0x0];
	v9 =	vsel vm13, $0x2F, v9;
	v7 =	vsel vm14, v40, v7;
	v16 =	vsel vm14, $0x2F, v16  }
0x211: {  	vm4 =	vgt.f32 v41, v12;
	vm5 =	vgt.f32 v41, v6;
	vm6 =	vgt.f32 v42, v8  }
0x212: {  	vm7 =	vgt.f32 v42, v2;
	v7 =	vsel vm15, v5, v7;
	v16 =	vsel vm15, v15, v16  }
0x213: {  	s7 =	sor.u32 s22, s29;
	v5 =	vsel vm15, v40, v5;
	v12 =	vsel vm4, v41, v12;
	v15 =	vsel vm15, $0x2F, v15  }
0x214: {  	v44 =	vld [tilespmem:s7+$0x0];
	v19 =	vsel vm4, $0x2F, v19;
	v8 =	vsel vm6, v42, v8;
	v10 =	vsel vm6, $0x30, v10  }
0x215: {  	s26 =	sor.u32 $0x3080, s25;
	s0 =	sor.u32 s21, s29;
	vm8 =	vgt.f32 v43, v4;
	vm9 =	vgt.f32 v43, v3;
	v12 =	vsel vm5, v6, v12  }
0x216: {  	s28 =	sor.u32 s24, s26;
	v45 =	vld [tilespmem:s0+$0x0];
	v19 =	vsel vm5, v14, v19;
	v6 =	vsel vm5, v41, v6;
	v14 =	vsel vm5, $0x2F, v14  }
0x217: {  	v46 =	vld [tilespmem:s28+$0x0];
	v8 =	vsel vm7, v2, v8;
	v10 =	vsel vm7, v11, v10;
	v2 =	vsel vm7, v42, v2  }
0x218: {  	v11 =	vsel vm7, $0x30, v11;
	v4 =	vsel vm8, v43, v4;
	v13 =	vsel vm8, $0x30, v13  }
0x219: {  	s29 =	sor.u32 s23, s26;
	vm10 =	vgt.f32 v44, v7;
	vm11 =	vgt.f32 v44, v5;
	v4 =	vsel vm9, v3, v4  }
0x21a: {  	v47 =	vld [tilespmem:s29+$0x0];
	v13 =	vsel vm9, v9, v13;
	v3 =	vsel vm9, v43, v3;
	v7 =	vsel vm10, v44, v7  }
0x21b: {  	v9 =	vsel vm9, $0x30, v9;
	v16 =	vsel vm10, $0x30, v16;
	vm12 =	vgt.f32 v45, v12  }
0x21c: {  	vm13 =	vgt.f32 v45, v6;
	vm14 =	vgt.f32 v46, v8;
	vm15 =	vgt.f32 v46, v2  }
0x21d: {  	s30 =	sor.u32 s22, s26;
	v7 =	vsel vm11, v5, v7;
	v16 =	vsel vm11, v15, v16;
	v5 =	vsel vm11, v44, v5  }
0x21e: {  	v48 =	vld [tilespmem:s30+$0x0];
	v12 =	vsel vm12, v45, v12;
	v19 =	vsel vm12, $0x30, v19;
	v15 =	vsel vm11, $0x30, v15  }
0x21f: {  	v8 =	vsel vm14, v46, v8;
	v10 =	vsel vm14, $0x31, v10;
	vm4 =	vgt.f32 v47, v4  }
0x220: {  	s31 =	sor.u32 $0x3100, s25;
	s0 =	sor.u32 s21, s26;
	vm5 =	vgt.f32 v47, v3;
	v12 =	vsel vm13, v6, v12;
	v19 =	vsel vm13, v14, v19  }
0x221: {  	s7 =	sor.u32 s24, s31;
	v49 =	vld [tilespmem:s0+$0x0];
	v6 =	vsel vm13, v45, v6;
	v14 =	vsel vm13, $0x30, v14;
	v8 =	vsel vm15, v2, v8  }
0x222: {  	v50 =	vld [tilespmem:s7+$0x0];
	v10 =	vsel vm15, v11, v10;
	v2 =	vsel vm15, v46, v2;
	v4 =	vsel vm4, v47, v4  }
0x223: {  	v11 =	vsel vm15, $0x31, v11;
	v13 =	vsel vm4, $0x31, v13;
	vm6 =	vgt.f32 v48, v7  }
0x224: {  	s26 =	sor.u32 s23, s31;
	vm7 =	vgt.f32 v48, v5;
	v46 =	vimm.s32 $0x0;
	v4 =	vsel vm5, v3, v4  }
0x225: {  	v51 =	vld [tilespmem:s26+$0x0];
	v13 =	vsel vm5, v9, v13;
	v3 =	vsel vm5, v47, v3;
	v7 =	vsel vm6, v48, v7  }
0x226: {  	v16 =	vsel vm6, $0x31, v16;
	v9 =	vsel vm5, $0x31, v9;
	vm8 =	vgt.f32 v49, v12  }
0x227: {  	vm9 =	vgt.f32 v49, v6;
	vm10 =	vgt.f32 v50, v8;
	vm11 =	vgt.f32 v50, v2  }
0x228: {  	s28 =	sor.u32 s22, s31;
	v7 =	vsel vm7, v5, v7;
	v16 =	vsel vm7, v15, v16;
	v5 =	vsel vm7, v48, v5  }
0x229: {  	v52 =	vld [tilespmem:s28+$0x0];
	v15 =	vsel vm7, $0x31, v15;
	v12 =	vsel vm8, v49, v12;
	v19 =	vsel vm8, $0x31, v19  }
0x22a: {  	v8 =	vsel vm10, v50, v8;
	v10 =	vsel vm10, $0x32, v10;
	vm12 =	vgt.f32 v51, v4  }
0x22b: {  	s29 =	sor.u32 $0x3180, s25;
	s0 =	sor.u32 s21, s31;
	vm13 =	vgt.f32 v51, v3;
	v12 =	vsel vm9, v6, v12;
	v19 =	vsel vm9, v14, v19  }
0x22c: {  	s30 =	sor.u32 s24, s29;
	v53 =	vld [tilespmem:s0+$0x0];
	v6 =	vsel vm9, v49, v6;
	v14 =	vsel vm9, $0x31, v14;
	v8 =	vsel vm11, v2, v8  }
0x22d: {  	v54 =	vld [tilespmem:s30+$0x0];
	v10 =	vsel vm11, v11, v10;
	v2 =	vsel vm11, v50, v2;
	v4 =	vsel vm12, v51, v4  }
0x22e: {  	v13 =	vsel vm12, $0x32, v13;
	v11 =	vsel vm11, $0x32, v11;
	vm14 =	vgt.f32 v52, v7  }
0x22f: {  	vm15 =	vgt.f32 v52, v5;
	v49 =	vimm.s32 $0x0;
	v4 =	vsel vm13, v3, v4  }
0x230: {  	s31 =	sor.u32 s23, s29;
	v13 =	vsel vm13, v9, v13;
	v3 =	vsel vm13, v51, v3;
	v9 =	vsel vm13, $0x32, v9  }
0x231: {  	v55 =	vld [tilespmem:s31+$0x0];
	v7 =	vsel vm14, v52, v7;
	v16 =	vsel vm14, $0x32, v16;
	vm4 =	vgt.f32 v53, v12  }
0x232: {  	vm5 =	vgt.f32 v53, v6;
	vm6 =	vgt.f32 v54, v8;
	vm7 =	vgt.f32 v54, v2  }
0x233: {  	v51 =	vimm.s32 $0x0;
	v7 =	vsel vm15, v5, v7;
	v16 =	vsel vm15, v15, v16  }
0x234: {  	s7 =	sor.u32 s22, s29;
	v5 =	vsel vm15, v52, v5;
	v12 =	vsel vm4, v53, v12;
	v15 =	vsel vm15, $0x32, v15  }
0x235: {  	v56 =	vld [tilespmem:s7+$0x0];
	v19 =	vsel vm4, $0x32, v19;
	v8 =	vsel vm6, v54, v8;
	v10 =	vsel vm6, $0x33, v10  }
0x236: {  	s26 =	sor.u32 $0x3200, s25;
	s0 =	sor.u32 s21, s29;
	vm8 =	vgt.f32 v55, v4;
	vm9 =	vgt.f32 v55, v3;
	v12 =	vsel vm5, v6, v12  }
0x237: {  	s28 =	sor.u32 s24, s26;
	v57 =	vld [tilespmem:s0+$0x0];
	v19 =	vsel vm5, v14, v19;
	v6 =	vsel vm5, v53, v6;
	v14 =	vsel vm5, $0x32, v14  }
0x238: {  	v58 =	vld [tilespmem:s28+$0x0];
	v8 =	vsel vm7, v2, v8;
	v10 =	vsel vm7, v11, v10;
	v2 =	vsel vm7, v54, v2  }
0x239: {  	v11 =	vsel vm7, $0x33, v11;
	v4 =	vsel vm8, v55, v4;
	v13 =	vsel vm8, $0x33, v13  }
0x23a: {  	vm10 =	vgt.f32 v56, v7;
	vm11 =	vgt.f32 v56, v5;
	v54 =	vimm.s32 $0x0  }
0x23b: {  	s29 =	sor.u32 s23, s26;
	v4 =	vsel vm9, v3, v4;
	v13 =	vsel vm9, v9, v13;
	v3 =	vsel vm9, v55, v3  }
0x23c: {  	v59 =	vld [tilespmem:s29+$0x0];
	v7 =	vsel vm10, v56, v7;
	v9 =	vsel vm9, $0x33, v9;
	v16 =	vsel vm10, $0x33, v16  }
0x23d: {  	vm12 =	vgt.f32 v57, v12;
	vm13 =	vgt.f32 v57, v6;
	vm14 =	vgt.f32 v58, v8  }
0x23e: {  	vm15 =	vgt.f32 v58, v2;
	v55 =	vimm.s32 $0x0;
	v7 =	vsel vm11, v5, v7  }
0x23f: {  	s30 =	sor.u32 s22, s26;
	v16 =	vsel vm11, v15, v16;
	v5 =	vsel vm11, v56, v5;
	v12 =	vsel vm12, v57, v12  }
0x240: {  	v60 =	vld [tilespmem:s30+$0x0];
	v19 =	vsel vm12, $0x33, v19;
	v15 =	vsel vm11, $0x33, v15;
	v8 =	vsel vm14, v58, v8  }
0x241: {  	s31 =	sor.u32 $0x3280, s25;
	s0 =	sor.u32 s21, s26;
	v10 =	vsel vm14, $0x34, v10;
	vm4 =	vgt.f32 v59, v4;
	vm5 =	vgt.f32 v59, v3  }
0x242: {  	s7 =	sor.u32 s24, s31;
	v61 =	vld [tilespmem:s0+$0x0];
	v12 =	vsel vm13, v6, v12;
	v19 =	vsel vm13, v14, v19;
	v6 =	vsel vm13, v57, v6  }
0x243: {  	v62 =	vld [tilespmem:s7+$0x0];
	v14 =	vsel vm13, $0x33, v14;
	v8 =	vsel vm15, v2, v8;
	v10 =	vsel vm15, v11, v10  }
0x244: {  	v2 =	vsel vm15, v58, v2;
	v4 =	vsel vm4, v59, v4;
	v11 =	vsel vm15, $0x34, v11  }
0x245: {  	v13 =	vsel vm4, $0x34, v13;
	vm6 =	vgt.f32 v60, v7;
	vm7 =	vgt.f32 v60, v5  }
0x246: {  	s26 =	sor.u32 s23, s31;
	v4 =	vsel vm5, v3, v4;
	v13 =	vsel vm5, v9, v13;
	v3 =	vsel vm5, v59, v3  }
0x247: {  	v63 =	vld [tilespmem:s26+$0x0];
	v7 =	vsel vm6, v60, v7;
	v16 =	vsel vm6, $0x34, v16;
	v9 =	vsel vm5, $0x34, v9  }
0x248: {  	vm8 =	vgt.f32 v61, v12;
	vm9 =	vgt.f32 v61, v6;
	vm10 =	vgt.f32 v62, v8  }
0x249: {  	vm11 =	vgt.f32 v62, v2;
	v59 =	vimm.s32 $0x0;
	v7 =	vsel vm7, v5, v7  }
0x24a: {  	s28 =	sor.u32 s22, s31;
	v16 =	vsel vm7, v15, v16;
	v5 =	vsel vm7, v60, v5;
	v15 =	vsel vm7, $0x34, v15  }
0x24b: {  	v24 =	vld [tilespmem:s28+$0x0];
	v12 =	vsel vm8, v61, v12;
	v19 =	vsel vm8, $0x34, v19;
	v8 =	vsel vm10, v62, v8  }
0x24c: {  	v10 =	vsel vm10, $0x35, v10;
	vm12 =	vgt.f32 v63, v4;
	vm13 =	vgt.f32 v63, v3  }
0x24d: {  	s29 =	sor.u32 $0x3300, s25;
	s0 =	sor.u32 s21, s31;
	v60 =	vimm.s32 $0x0;
	v12 =	vsel vm9, v6, v12;
	v19 =	vsel vm9, v14, v19  }
0x24e: {  	s30 =	sor.u32 s24, s29;
	v25 =	vld [tilespmem:s0+$0x0];
	v6 =	vsel vm9, v61, v6;
	v14 =	vsel vm9, $0x34, v14;
	v8 =	vsel vm11, v2, v8  }
0x24f: {  	v26 =	vld [tilespmem:s30+$0x0];
	v10 =	vsel vm11, v11, v10;
	v2 =	vsel vm11, v62, v2;
	v4 =	vsel vm12, v63, v4  }
0x250: {  	v13 =	vsel vm12, $0x35, v13;
	v11 =	vsel vm11, $0x35, v11;
	vm14 =	vgt.f32 v24, v7  }
0x251: {  	s31 =	sor.u32 s23, s29;
	vm15 =	vgt.f32 v24, v5;
	v4 =	vsel vm13, v3, v4;
	v13 =	vsel vm13, v9, v13  }
0x252: {  	v27 =	vld [tilespmem:s31+$0x0];
	v3 =	vsel vm13, v63, v3;
	v9 =	vsel vm13, $0x35, v9;
	v7 =	vsel vm14, v24, v7  }
0x253: {  	v16 =	vsel vm14, $0x35, v16;
	vm4 =	vgt.f32 v25, v12;
	vm5 =	vgt.f32 v25, v6  }
0x254: {  	vm6 =	vgt.f32 v26, v8;
	vm7 =	vgt.f32 v26, v2;
	v63 =	vimm.s32 $0x0  }
0x255: {  	v7 =	vsel vm15, v5, v7;
	v16 =	vsel vm15, v15, v16;
	v5 =	vsel vm15, v24, v5  }
0x256: {  	s7 =	sor.u32 s22, s29;
	v12 =	vsel vm4, v25, v12;
	v15 =	vsel vm15, $0x35, v15;
	v19 =	vsel vm4, $0x35, v19  }
0x257: {  	v28 =	vld [tilespmem:s7+$0x0];
	v8 =	vsel vm6, v26, v8;
	v10 =	vsel vm6, $0x36, v10;
	vm8 =	vgt.f32 v27, v4  }
0x258: {  	s26 =	sor.u32 $0x3380, s25;
	s0 =	sor.u32 s21, s29;
	vm9 =	vgt.f32 v27, v3;
	v24 =	vimm.s32 $0x0;
	v12 =	vsel vm5, v6, v12  }
0x259: {  	s28 =	sor.u32 s24, s26;
	v29 =	vld [tilespmem:s0+$0x0];
	v19 =	vsel vm5, v14, v19;
	v6 =	vsel vm5, v25, v6;
	v14 =	vsel vm5, $0x35, v14  }
0x25a: {  	v30 =	vld [tilespmem:s28+$0x0];
	v8 =	vsel vm7, v2, v8;
	v10 =	vsel vm7, v11, v10;
	v2 =	vsel vm7, v26, v2  }
0x25b: {  	v11 =	vsel vm7, $0x36, v11;
	v4 =	vsel vm8, v27, v4;
	v13 =	vsel vm8, $0x36, v13  }
0x25c: {  	s29 =	sor.u32 s23, s26;
	vm10 =	vgt.f32 v28, v7;
	vm11 =	vgt.f32 v28, v5;
	v4 =	vsel vm9, v3, v4  }
0x25d: {  	v31 =	vld [tilespmem:s29+$0x0];
	v13 =	vsel vm9, v9, v13;
	v3 =	vsel vm9, v27, v3;
	v7 =	vsel vm10, v28, v7  }
0x25e: {  	v9 =	vsel vm9, $0x36, v9;
	v16 =	vsel vm10, $0x36, v16;
	vm12 =	vgt.f32 v29, v12  }
0x25f: {  	vm13 =	vgt.f32 v29, v6;
	vm14 =	vgt.f32 v30, v8;
	vm15 =	vgt.f32 v30, v2  }
0x260: {  	v7 =	vsel vm11, v5, v7;
	v16 =	vsel vm11, v15, v16;
	v5 =	vsel vm11, v28, v5  }
0x261: {  	s30 =	sor.u32 s22, s26;
	v12 =	vsel vm12, v29, v12;
	v19 =	vsel vm12, $0x36, v19;
	v15 =	vsel vm11, $0x36, v15  }
0x262: {  	v32 =	vld [tilespmem:s30+$0x0];
	v8 =	vsel vm14, v30, v8;
	v10 =	vsel vm14, $0x37, v10;
	vm4 =	vgt.f32 v31, v4  }
0x263: {  	s31 =	sor.u32 $0x3800, s25;
	s0 =	sor.u32 s21, s26;
	vm5 =	vgt.f32 v31, v3;
	v28 =	vimm.s32 $0x0;
	v12 =	vsel vm13, v6, v12  }
0x264: {  	s7 =	sor.u32 s24, s31;
	v33 =	vld [tilespmem:s0+$0x0];
	v19 =	vsel vm13, v14, v19;
	v6 =	vsel vm13, v29, v6;
	v14 =	vsel vm13, $0x36, v14  }
0x265: {  	v34 =	vld [tilespmem:s7+$0x0];
	v8 =	vsel vm15, v2, v8;
	v10 =	vsel vm15, v11, v10;
	v2 =	vsel vm15, v30, v2  }
0x266: {  	v4 =	vsel vm4, v31, v4;
	v11 =	vsel vm15, $0x37, v11;
	v13 =	vsel vm4, $0x37, v13  }
0x267: {  	vm6 =	vgt.f32 v32, v7;
	vm7 =	vgt.f32 v32, v5;
	v4 =	vsel vm5, v3, v4  }
0x268: {  	s26 =	sor.u32 s23, s31;
	v13 =	vsel vm5, v9, v13;
	v3 =	vsel vm5, v31, v3;
	v7 =	vsel vm6, v32, v7  }
0x269: {  	v35 =	vld [tilespmem:s26+$0x0];
	v16 =	vsel vm6, $0x37, v16;
	v9 =	vsel vm5, $0x37, v9;
	vm8 =	vgt.f32 v33, v12  }
0x26a: {  	vm9 =	vgt.f32 v33, v6;
	vm10 =	vgt.f32 v34, v8;
	vm11 =	vgt.f32 v34, v2  }
0x26b: {  	v31 =	vimm.s32 $0x0;
	v7 =	vsel vm7, v5, v7;
	v16 =	vsel vm7, v15, v16  }
0x26c: {  	s28 =	sor.u32 s22, s31;
	v5 =	vsel vm7, v32, v5;
	v15 =	vsel vm7, $0x37, v15;
	v12 =	vsel vm8, v33, v12  }
0x26d: {  	v36 =	vld [tilespmem:s28+$0x0];
	v19 =	vsel vm8, $0x37, v19;
	v8 =	vsel vm10, v34, v8;
	v10 =	vsel vm10, $0x38, v10  }
0x26e: {  	s29 =	sor.u32 $0x3880, s25;
	s0 =	sor.u32 s21, s31;
	vm12 =	vgt.f32 v35, v4;
	vm13 =	vgt.f32 v35, v3;
	v12 =	vsel vm9, v6, v12  }
0x26f: {  	s30 =	sor.u32 s24, s29;
	v37 =	vld [tilespmem:s0+$0x0];
	v19 =	vsel vm9, v14, v19;
	v6 =	vsel vm9, v33, v6;
	v14 =	vsel vm9, $0x37, v14  }
0x270: {  	v38 =	vld [tilespmem:s30+$0x0];
	v8 =	vsel vm11, v2, v8;
	v10 =	vsel vm11, v11, v10;
	v2 =	vsel vm11, v34, v2  }
0x271: {  	v4 =	vsel vm12, v35, v4;
	v13 =	vsel vm12, $0x38, v13;
	v11 =	vsel vm11, $0x38, v11  }
0x272: {  	vm14 =	vgt.f32 v36, v7;
	vm15 =	vgt.f32 v36, v5;
	v4 =	vsel vm13, v3, v4  }
0x273: {  	s31 =	sor.u32 s23, s29;
	v13 =	vsel vm13, v9, v13;
	v3 =	vsel vm13, v35, v3;
	v9 =	vsel vm13, $0x38, v9  }
0x274: {  	v39 =	vld [tilespmem:s31+$0x0];
	v7 =	vsel vm14, v36, v7;
	v16 =	vsel vm14, $0x38, v16;
	vm4 =	vgt.f32 v37, v12  }
0x275: {  	vm5 =	vgt.f32 v37, v6;
	vm6 =	vgt.f32 v38, v8;
	vm7 =	vgt.f32 v38, v2  }
0x276: {  	v35 =	vimm.s32 $0x0;
	v7 =	vsel vm15, v5, v7;
	v16 =	vsel vm15, v15, v16  }
0x277: {  	s7 =	sor.u32 s22, s29;
	v5 =	vsel vm15, v36, v5;
	v12 =	vsel vm4, v37, v12;
	v15 =	vsel vm15, $0x38, v15  }
0x278: {  	v40 =	vld [tilespmem:s7+$0x0];
	v19 =	vsel vm4, $0x38, v19;
	v8 =	vsel vm6, v38, v8;
	v10 =	vsel vm6, $0x39, v10  }
0x279: {  	s31 =	sor.u32 $0x3900, s25;
	vm8 =	vgt.f32 v39, v4;
	vm9 =	vgt.f32 v39, v3;
	v36 =	vimm.s32 $0x0  }
0x27a: {  	s26 =	sor.u32 s24, s31;
	v12 =	vsel vm5, v6, v12;
	v19 =	vsel vm5, v14, v19;
	v6 =	vsel vm5, v37, v6  }
0x27b: {  	s0 =	sor.u32 s21, s29;
	v41 =	vld [tilespmem:s26+$0x0];
	v14 =	vsel vm5, $0x38, v14;
	v8 =	vsel vm7, v2, v8;
	v10 =	vsel vm7, v11, v10  }
0x27c: {  	v43 =	vld [tilespmem:s0+$0x0];
	v2 =	vsel vm7, v38, v2;
	v11 =	vsel vm7, $0x39, v11;
	v4 =	vsel vm8, v39, v4  }
0x27d: {  	v13 =	vsel vm8, $0x39, v13;
	vm10 =	vgt.f32 v40, v7;
	v18 =	vsel vm9, v39, v3  }
0x27e: {  	s7 =	sor.u32 s23, s31;
	vm11 =	vgt.f32 v40, v5;
	v39 =	vimm.s32 $0x0;
	v4 =	vsel vm9, v3, v4  }
0x27f: {  	v48 =	vld [tilespmem:s7+$0x0];
	v13 =	vsel vm9, v9, v13;
	v3 =	vsel vm10, v40, v7;
	v9 =	vsel vm9, $0x39, v9  }
0x280: {  	s30 =	sor.u32 $0x3980, s25;
	vm1 =	vgt.f32 v41, v8;
	vm0 =	vgt.f32 v41, v2;
	v45 =	vsel vm11, $0x39, v15  }
0x281: {  	s28 =	sor.u32 s24, s30;
	vm12 =	vgt.f32 v43, v12;
	vm14 =	vgt.f32 v43, v6;
	v22 =	vsel vm11, v5, v3  }
0x282: {  	v42 =	vld [tilespmem:s28+$0x0];
	s7 =	sor.u32 s23, s30;
	v3 =	vsel vm10, $0x39, v16;
	v8 =	vsel vm1, v41, v8;
	v5 =	vsel vm11, v40, v5  }
0x283: {  	v53 =	vld [tilespmem:s7+$0x0];
	v12 =	vsel vm12, v43, v12;
	v50 =	vsel vm12, $0x39, v19;
	v10 =	vsel vm1, $0x3A, v10  }
0x284: {  	s26 =	sor.u32 $0x3A00, s25;
	vm1 =	vgt.f32 v48, v18;
	vm9 =	vgt.f32 v48, v4;
	v40 =	vimm.s32 $0x0  }
0x285: {  	s29 =	sor.u32 s24, s26;
	v23 =	vsel vm11, v15, v3;
	v3 =	vsel vm0, v2, v8;
	v2 =	vsel vm0, v41, v2  }
0x286: {  	s28 =	sor.u32 $0x3A80, s25;
	v44 =	vld [tilespmem:s29+$0x0];
	v12 =	vsel vm14, v6, v12;
	v6 =	vsel vm14, v43, v6;
	v4 =	vsel vm9, v48, v4  }
0x287: {  	s1 =	sor.u32 s24, s28;
	s29 =	sor.u32 $0x3B00, s25;
	v61 =	vsel vm1, v48, v18;
	v27 =	vsel vm9, $0x3A, v13;
	vm8 =	vgt.f32 v42, v3  }
0x288: {  	v47 =	vld [tilespmem:s1+$0x0];
	s1 =	sor.u32 s24, s29;
	vm13 =	vgt.f32 v42, v2;
	v4 =	vsel vm1, v18, v4;
	vm4 =	vgt.f32 v53, v61  }
0x289: {  	s25 =	sor.u32 $0x3B80, s25;
	v52 =	vld [tilespmem:s1+$0x0];
	s1 =	sor.u32 s23, s26;
	v15 =	vsel vm13, $0xFFFFFFFF, v46;
	v3 =	vsel vm8, v42, v3;
	vm12 =	vgt.f32 v53, v4  }
0x28a: {  	s24 =	sor.u32 s24, s25;
	v62 =	vld [tilespmem:s1+$0x0];
	v7 =	vsel vm4, v53, v61;
	v3 =	vsel vm13, v2, v3;
	v2 =	vsel vm13, v42, v2  }
0x28b: {  	v57 =	vld [tilespmem:s24+$0x0];
	s24 =	sor.u32 s22, s31;
	s31 =	sor.u32 s21, s31;
	v4 =	vsel vm12, v53, v4;
	v53 =	vimm.s32 $0x0;
	vm15 =	vgt.f32 v44, v3  }
0x28c: {  	v41 =	vld [tilespmem:s31+$0x0];
	vm5 =	vgt.f32 v44, v2;
	v4 =	vsel vm4, v61, v4;
	v17 =	vsel vm15, $0xFFFFFFFF, v49  }
0x28d: {  	v19 =	vsel vm5, $0xFFFFFFFF, v51;
	v3 =	vsel vm15, v44, v3;
	[tilespmem:$0x1FEE0] =	vst v17;
	v17 =	vsel vm14, v14, v50  }
0x28e: {  	v3 =	vsel vm5, v2, v3;
	v14 =	vsel vm14, $0x39, v14;
	v2 =	vsel vm5, v44, v2  }
0x28f: {  	vm14 =	vgt.f32 v62, v7;
	v50 =	vimm.s32 $0x0;
	vm6 =	vgt.f32 v47, v3  }
0x290: {  	vm7 =	vgt.f32 v47, v2;
	v16 =	vsel vm6, $0xFFFFFFFF, v54;
	v56 =	vsel vm6, v47, v3  }
0x291: {  	v3 =	vsel vm0, v11, v10;
	v11 =	vsel vm0, $0x3A, v11;
	vm0 =	vgt.f32 v41, v6  }
0x292: {  	s7 =	sor.u32 s23, s28;
	v26 =	vld [tilespmem:s24+$0x0];
	[tilespmem:$0x1FF20] =	vst v16;
	v16 =	vsel vm7, $0xFFFFFFFF, v55;
	v58 =	vsel vm7, v2, v56;
	v2 =	vsel vm7, v47, v2  }
0x293: {  	v25 =	vld [tilespmem:s7+$0x0];
	vm7 =	vgt.f32 v62, v4;
	v47 =	vimm.s32 $0x0;
	v54 =	vsel vm0, $0x3A, v14  }
0x294: {  	v56 =	vimm.s32 $0x0;
	v3 =	vsel vm8, $0x3B, v3;
	vm10 =	vgt.f32 v52, v58  }
0x295: {  	vm3 =	vgt.f32 v52, v2;
	v13 =	vsel vm7, $0xFFFFFFFF, v28;
	v4 =	vsel vm7, v62, v4  }
0x296: {  	[tilespmem:$0x1FEC0] =	vst v15;
	v15 =	vsel vm10, $0xFFFFFFFF, v59;
	v10 =	vsel vm10, v52, v58;
	v4 =	vsel vm14, v7, v4  }
0x297: {  	v7 =	vsel vm14, v62, v7;
	vm10 =	vgt.f32 v26, v22;
	[tilespmem:$0x1FF60] =	vst v15;
	v15 =	vsel vm3, $0xFFFFFFFF, v60  }
0x298: {  	v10 =	vsel vm3, v2, v10;
	v2 =	vsel vm3, v52, v2;
	vm9 =	vgt.f32 v25, v4  }
0x299: {  	s7 =	sor.u32 s22, s30;
	vm15 =	vgt.f32 v25, v7;
	v33 =	vsel vm10, v26, v22;
	v34 =	vsel vm10, $0x3A, v23  }
0x29a: {  	v30 =	vld [tilespmem:s7+$0x0];
	[tilespmem:$0x1FF40] =	vst v16;
	vm11 =	vgt.f32 v57, v10;
	vm3 =	vgt.f32 v57, v2;
	v16 =	vsel vm9, $0xFFFFFFFF, v31  }
0x29b: {  	v18 =	vsel vm11, $0xFFFFFFFF, v63;
	v10 =	vsel vm11, v57, v10;
	vm11 =	vgt.f32 v26, v5  }
0x29c: {  	[tilespmem:$0x1FF90] =	vst v18;
	v18 =	vsel vm3, $0xFFFFFFFF, v24;
	v10 =	vsel vm3, v2, v10;
	v2 =	vsel vm3, v57, v2  }
0x29d: {  	[tilespmem:$0x1FF30] =	vst v16;
	v16 =	vsel vm11, v5, v33;
	v37 =	vsel vm11, v45, v34;
	v5 =	vsel vm11, v26, v5  }
0x29e: {  	s1 =	sor.u32 s23, s29;
	v44 =	vsel vm11, $0x3A, v45;
	vm11 =	vgt.f32 v41, v12;
	v2 =	vsub.f32 v10, v2  }
0x29f: {  	v29 =	vld [tilespmem:s1+$0x0];
	v34 =	vmov s14;
	v10 =	vsel vm1, v9, v27;
	vm7 =	vgt.f32 v30, v16  }
0x2a0: {  	[tilespmem:$0x1FF00] =	vst v13;
	v9 =	vsel vm1, $0x3A, v9;
	v13 =	vsel vm7, $0xFFFFFFFF, v39;
	v2 =	vmul.f32 $1.442695020e+00, v2  }
0x2a1: {  	v51 =	vsel vm11, v41, v12;
	v17 =	vsel vm11, $0x3A, v17;
	v16 =	vsel vm7, v30, v16;
	[tilespmem:$0x1FED0] =	vst v13  }
0x2a2: {  	s23 =	sor.u32 s23, s25;
	v17 =	vsel vm0, v14, v17;
	v22 =	vld [tilespmem:$0x1FED0];
	(erf) = vpow2.f32 v2;
	v2 =	vsel vm9, v25, v4  }
0x2a3: {  	v32 =	vld [tilespmem:s23+$0x0];
	v10 =	vsel vm12, $0x3B, v10;
	v39 =	vmov s20;
	v2 =	vsel vm15, v7, v2  }
0x2a4: {  	s24 =	sor.u32 s22, s26;
	v10 =	vsel vm4, v9, v10;
	v7 =	vsel vm15, v25, v7;
	vm5 =	vgt.f32 v29, v2  }
0x2a5: {  	v38 =	vld [tilespmem:s24+$0x0];
	[tilespmem:$0x1FFA0] =	vst v18;
	vm6 =	vgt.f32 v29, v7;
	v18 =	vsel vm5, $0xFFFFFFFF, v35;
	v2 =	vsel vm5, v29, v2  }
0x2a6: {  	v9 =	vsel vm4, $0x3B, v9;
	[tilespmem:$0x1FF80] =	vst v18;
	v18 =	vsel vm6, $0xFFFFFFFF, v36;
	v2 =	vsel vm6, v7, v2  }
0x2a7: {  	s1 =	sor.u32 s22, s28;
	v7 =	vsel vm6, v29, v7;
	vm6 =	vgt.f32 v30, v5;
	vm4 =	vnez.u8 v22  }
0x2a8: {  	v42 =	vld [tilespmem:s1+$0x0];
	vm9 =	vgt.f32 v32, v2;
	vm13 =	vgt.f32 v32, v7;
	v45 =	vsel vm6, v5, v16  }
0x2a9: {  	v5 =	vsel vm6, v30, v5;
	v13 =	vsel vm9, $0xFFFFFFFF, v40;
	v2 =	vsel vm9, v32, v2  }
0x2aa: {  	s7 =	sor.u32 s22, s29;
	v4 =	vsel vm13, v32, v7;
	vm10 =	vgt.f32 v38, v45;
	vm5 =	vgt.f32 v38, v5  }
0x2ab: {  	v48 =	vld [tilespmem:s7+$0x0];
	v43 =	vsel vm13, v7, v2;
	v16 =	vsel vm10, $0xFFFFFFFF, v47;
	v8 =	vsel vm10, v38, v45  }
0x2ac: {  	s23 =	sor.u32 s21, s30;
	v7 =	vsel vm6, $0x3B, v44;
	v4 =	vsub.f32 v43, v4;
	v8 =	vsel vm5, v5, v8;
	v2 =	vpop (erf)  }
0x2ad: {  	v49 =	vld [tilespmem:s23+$0x0];
	v5 =	vsel vm5, v38, v5;
	vm9 =	vgt.f32 v42, v8;
	v46 =	vadd.f32 $1.000000000e+00, v2  }
0x2ae: {  	s24 =	sor.u32 s22, s25;
	v62 =	vld [tilespmem:$0x1FEC0];
	vm7 =	vgt.f32 v42, v5;
	v4 =	vmul.f32 $1.442695020e+00, v4;
	v8 =	vsel vm9, v42, v8  }
0x2af: {  	v52 =	vld [tilespmem:s24+$0x0];
	v45 =	vmov s19;
	v8 =	vsel vm7, v5, v8;
	(erf) = vrcp.f32 v46  }
0x2b0: {  	v5 =	vsel vm7, v42, v5;
	vm10 =	vgt.f32 v48, v8;
	(erf) = vpow2.f32 v4  }
0x2b1: {  	[tilespmem:$0x1FEF0] =	vst v19;
	v4 =	vsel vm9, $0xFFFFFFFF, v50;
	v19 =	vsel vm10, $0xFFFFFFFF, v53;
	v8 =	vsel vm10, v48, v8  }
0x2b2: {  	v24 =	vld [tilespmem:$0x1FEE0];
	vm10 =	vgt.f32 v48, v5;
	[tilespmem:$0x1FF50] =	vst v4;
	v4 =	vsel vm0, v6, v51;
	v6 =	vsel vm0, v41, v6  }
0x2b3: {  	v8 =	vsel vm10, v5, v8;
	v5 =	vsel vm10, v48, v5;
	vm0 =	vnez.u8 v62  }
0x2b4: {  	vm2 =	vgt.f32 v49, v4;
	vm11 =	vgt.f32 v52, v8;
	vm9 =	vgt.f32 v52, v5  }
0x2b5: {  	s26 =	sor.u32 s21, s26;
	vm1 =	vgt.f32 v49, v6;
	v3 =	vsel vm0, v11, v3;
	v20 =	vsel vm0, $0x3B, v11  }
0x2b6: {  	v55 =	vld [tilespmem:s26+$0x0];
	[tilespmem:$0x1FF10] =	vst v16;
	v16 =	vsel vm11, $0xFFFFFFFF, v56;
	v4 =	vsel vm2, v49, v4;
	v8 =	vsel vm11, v52, v8  }
0x2b7: {  	[tilespmem:$0x1FFC0] =	vst v13;
	v23 =	vsel vm2, $0x3B, v17;
	vm2 =	vnez.u8 v24;
	v13 =	vsel vm1, $0x3B, v54  }
0x2b8: {  	s28 =	sor.u32 s21, s28;
	v33 =	vld [tilespmem:$0x1FF30];
	v8 =	vsel vm9, v5, v8;
	v5 =	vsel vm9, v52, v5;
	v4 =	vsel vm1, v6, v4  }
0x2b9: {  	v57 =	vld [tilespmem:s28+$0x0];
	v6 =	vsel vm1, v49, v6;
	v3 =	vsel vm2, $0x3C, v3;
	v14 =	vsel vm1, v54, v23  }
0x2ba: {  	[tilespmem:$0x1FFE0] =	vst v16;
	v16 =	vshll.u32 v39, $0x7;
	v52 =	vmov s18;
	v5 =	vsub.f32 v8, v5;
	v58 =	vpop (erf)  }
0x2bb: {  	s30 =	sor.u32 s21, s29;
	vm8 =	vgt.f32 v55, v4;
	vm3 =	vgt.f32 v55, v6;
	v16 =	vor.u32 v1, v16;
	v59 =	vpop (erf)  }
0x2bc: {  	v61 =	vld [tilespmem:s30+$0x0];
	v4 =	vsel vm8, v55, v4;
	v14 =	vsel vm8, $0x3C, v14;
	v60 =	vadd.f32 $1.000000000e+00, v59  }
0x2bd: {  	vm8 =	vnez.u8 v33;
	v5 =	vmul.f32 $1.442695020e+00, v5;
	v4 =	vsel vm3, v6, v4  }
0x2be: {  	v6 =	vsel vm3, v55, v6;
	vm11 =	vgt.f32 v57, v4;
	(erf) = vrcp.f32 v60  }
0x2bf: {  	s31 =	sor.u32 s21, s25;
	vm12 =	vgt.f32 v57, v6;
	v4 =	vsel vm11, v57, v4;
	(erf) = vpow2.f32 v5  }
0x2c0: {  	v63 =	vld [tilespmem:s31+$0x0];
	v46 =	vor.u32 $0x1, v16;
	v31 =	vsel vm3, v13, v14;
	v4 =	vsel vm12, v6, v4  }
0x2c1: {  	v26 =	vld [tilespmem:$0x1FEF0];
	v13 =	vsel vm3, $0x3C, v13;
	v14 =	vshll.u32 v34, $0x7;
	vm0 =	vgt.f32 v61, v4  }
0x2c2: {  	v14 =	vor.u32 v1, v14;
	v6 =	vsel vm12, v57, v6;
	v11 =	vsel vm0, $0xFFFFFFFF, v21  }
0x2c3: {  	v28 =	vld [tilespmem:$0x1FF00];
	v4 =	vsel vm0, v61, v4;
	[tilespmem:$0x1FFF0] =	vst v11;
	v11 =	vsel vm4, $0x3B, v37;
	vm4 =	vgt.f32 v61, v6  }
0x2c4: {  	v30 =	vld [tilespmem:$0x1FF10];
	v55 =	vshll.u32 v52, $0x7;
	v38 =	vor.u32 $0x1, v14;
	v4 =	vsel vm4, v6, v4  }
0x2c5: {  	v11 =	vsel vm6, v44, v11;
	v6 =	vsel vm4, v61, v6;
	vm6 =	vgt.f32 v63, v4  }
0x2c6: {  	v35 =	vld [tilespmem:$0x1FF40];
	vm0 =	vnez.u8 v26;
	vm2 =	vgt.f32 v63, v6;
	v4 =	vsel vm6, v63, v4  }
0x2c7: {  	[tilespmem:$0x1FF70] =	vst v15;
	v32 =	vld [tilespmem:$0x1FF20];
	v3 =	vsel vm0, v20, v3;
	v5 =	vsel vm2, v63, v6;
	v4 =	vsel vm2, v6, v4;
	v25 =	vpop (erf)  }
0x2c8: {  	v40 =	vld [tilespmem:$0x1FF70];
	v8 =	vsel vm0, $0x3C, v20;
	vm0 =	vnez.u8 v28;
	v4 =	vsub.f32 v4, v5;
	v27 =	vpop (erf)  }
0x2c9: {  	v42 =	vld [tilespmem:$0x1FF90];
	v10 =	vsel vm0, $0x3C, v10;
	vm0 =	vnez.u8 v30;
	v29 =	vadd.f32 $1.000000000e+00, v27  }
0x2ca: {  	v36 =	vld [tilespmem:$0x1FF50];
	v2 =	vmul.f32 v58, v2;
	v11 =	vsel vm0, $0x3C, v11;
	v4 =	vmul.f32 $1.442695020e+00, v4  }
0x2cb: {  	v37 =	vld [tilespmem:$0x1FF60];
	v10 =	vsel vm14, v9, v10;
	v9 =	vsel vm14, $0x3C, v9;
	(erf) = vrcp.f32 v29  }
0x2cc: {  	v41 =	vld [tilespmem:$0x1FF80];
	vm14 =	vnez.u8 v35;
	v11 =	vsel vm5, v7, v11;
	(erf) = vpow2.f32 v4  }
0x2cd: {  	v7 =	vsel vm5, $0x3C, v7;
	vm5 =	vnez.u8 v32;
	v10 =	vsel vm8, $0x3D, v10  }
0x2ce: {  	[tilespmem:$0x1FFB0] =	vst v18;
	v44 =	vld [tilespmem:$0x1FFA0];
	vm8 =	vnez.u8 v40;
	v3 =	vsel vm5, $0x3D, v3;
	v10 =	vsel vm15, v9, v10  }
0x2cf: {  	v48 =	vld [tilespmem:$0x1FFB0];
	v9 =	vsel vm15, $0x3D, v9;
	vm15 =	vnez.u8 v36;
	v3 =	vsel vm14, v8, v3  }
0x2d0: {  	v56 =	vld [tilespmem:$0x1FFE0];
	v8 =	vsel vm14, $0x3D, v8;
	v11 =	vsel vm15, $0x3D, v11;
	vm5 =	vnez.u8 v37  }
0x2d1: {  	v49 =	vld [tilespmem:$0x1FFC0];
	vm14 =	vnez.u8 v41;
	vm15 =	vnez.u8 v42;
	v3 =	vsel vm5, $0x3E, v3  }
0x2d2: {  	v60 =	vld [tilespmem:$0x1FFF0];
	v11 =	vsel vm7, v7, v11;
	v7 =	vsel vm7, $0x3D, v7;
	v10 =	vsel vm14, $0x3E, v10  }
0x2d3: {  	[tilespmem:$0x1FFD0] =	vst v19;
	vm5 =	vnez.u8 v44;
	v3 =	vsel vm8, v8, v3;
	v8 =	vsel vm8, $0x3E, v8  }
0x2d4: {  	v51 =	vld [tilespmem:$0x1FFD0];
	vm7 =	vnez.u8 v48;
	v3 =	vsel vm15, $0x3F, v3;
	v18 =	vsel vm5, $0x3F, v8;
	v43 =	vpop (erf)  }
0x2d5: {  	vm14 =	vnez.u8 v56;
	v10 =	vsel vm7, v9, v10;
	v3 =	vsel vm5, v8, v3;
	[tilespmem:v14+s10+$0x0] =	vst.idx.msk $0xffff, v18;
	v47 =	vpop (erf)  }
0x2d6: {  	v9 =	vsel vm7, $0x3E, v9;
	vm8 =	vnez.u8 v49;
	[tilespmem:v38+s10+$0x0] =	vst.idx.msk $0xffff, v3;
	v3 =	vadd.f32 $1.000000000e+00, v47  }
0x2d7: {  	v10 =	vsel vm8, $0x3F, v10;
	vm15 =	vnez.u8 v60;
	v8 =	vshll.u32 v45, $0x7;
	[tilespmem:v14+s11+$0x0] =	vst.idx.msk $0xffff, v58  }
0x2d8: {  	[tilespmem:v38+s11+$0x0] =	vst.idx.msk $0xffff, v2;
	v2 =	vsel vm13, $0x3F, v9;
	(erf) = vrcp.f32 v3;
	v3 =	vor.u32 v1, v8  }
0x2d9: {  	v50 =	vsel vm13, v9, v10;
	vm13 =	vnez.u8 v51;
	[tilespmem:v16+s10+$0x0] =	vst.idx.msk $0xffff, v2;
	v2 =	vor.u32 $0x1, v3  }
0x2da: {  	v53 =	vmul.f32 v25, v59;
	v59 =	vsel vm12, $0x3D, v13;
	v9 =	vsel vm13, $0x3E, v11;
	[tilespmem:v46+s10+$0x0] =	vst.idx.msk $0xffff, v50  }
0x2db: {  	v4 =	vsel vm11, $0x3D, v31;
	v54 =	vsel vm10, v7, v9;
	v7 =	vsel vm10, $0x3E, v7;
	[tilespmem:v16+s11+$0x0] =	vst.idx.msk $0xffff, v25  }
0x2dc: {  	v4 =	vsel vm12, v13, v4;
	v6 =	vsel vm14, $0x3F, v54;
	v57 =	vsel vm9, $0x3F, v7;
	[tilespmem:v46+s11+$0x0] =	vst.idx.msk $0xffff, v53  }
0x2dd: {  	v9 =	vor.u32 v1, v55;
	v4 =	vsel vm15, $0x3E, v4;
	v6 =	vsel vm9, v7, v6;
	[tilespmem:v3+s10+$0x0] =	vst.idx.msk $0xffff, v57  }
0x2de: {  	v58 =	vor.u32 $0x1, v9;
	v4 =	vsel vm4, v59, v4;
	[tilespmem:v2+s10+$0x0] =	vst.idx.msk $0xffff, v6  }
0x2df: {  	v5 =	vmul.f32 v43, v27;
	[tilespmem:v3+s11+$0x0] =	vst.idx.msk $0xffff, v43;
	v3 =	vsel vm6, $0x3F, v4  }
0x2e0: {  	p1 =	sne.s32 s17, $0x600;
	v61 =	vsel vm4, $0x3E, v59  }
.Ltmp0:
0x2e1: {  	v62 =	vsel vm2, $0x3F, v61;
	[tilespmem:v2+s11+$0x0] =	vst.idx.msk $0xffff, v5;
	(pc) =	sbr.rel @p1 .LBB2_2-.Ltmp0, $4  }
0x2e2: {  	v2 =	vsel vm2, v61, v3;
	[tilespmem:v9+s10+$0x0] =	vst.idx.msk $0xffff, v62;
	v3 =	vpop (erf)  }
0x2e3: {  	[tilespmem:v58+s10+$0x0] =	vst.idx.msk $0xffff, v2;
	v63 =	vmul.f32 v3, v47  }
0x2e4: {  	s16 =	sadd.s32 $0x4, s16;
	s15 =	sadd.s32 $0x2, s15;
	p0 =	por !p0, !p0;
	[tilespmem:v9+s11+$0x0] =	vst.idx.msk $0xffff, v3  }
0x2e5: {  	s17 =	sadd.s32 $0x200, s17;
	s13 =	sadd.s32 $0x240, s13;
	s14 =	sadd.s32 $0x40, s14;
	[tilespmem:v58+s11+$0x0] =	vst.idx.msk $0xffff, v63  }
0x2e6: {  	[hbm4b:s4+s2] =	stream.linear.scatter [tilespmem:s10], [sflag:$0x1], $0x8000, $0x38;
	[tilespmem:$0x14000] =	vst v63  }
0x2e7: {  	s12 =	sadd.s32 $0x1, s12;
	_ =	swait.ge [sflag:s9], $0x8000  }
0x2e8: {  	p0 =	sne.s32 s12, s6;
	[sflag:s9] =	ssyncset.done $0x0  }
.Ltmp1:
0x2e9: {  	[sflag:s9] =	ssyncadd.s32 $0xFFFF8000;
	(pc) =	sbr.rel @p0 .LBB2_1-.Ltmp1, $4  }
0x2ea: {  	[hbm4b:s5+s2] =	stream.linear.scatter [tilespmem:s11], [sflag:$0x1], $0x8000, $0x38;
	[tilespmem:$0x14000] =	vst v63  }
0x2eb: {  	_ =	swait.ge [sflag:s9], $0x8000  }
0x2ec: {  	[sflag:s9] =	ssyncset.done $0x0  }
0x2ed: {  	[sflag:s9] =	ssyncadd.s32 $0xFFFF8000  }
0x2ee: {  	_ =	sfence.sel $0x180000  }
0x2ef: {  	[bflag:$0x0] =	sbarrier.arrive $0xFFFF  }
0x2f0: {  	_ =	strace $0x90000047  }
0x2f1: {  	s0 =	stileid.u32;
	[bflag:$0x2] =	sbarrier.arrive $0xFFFF  }
0x2f2: {  	p0 =	sne.s32 s0, $0x0;
	s0 =	rddreg [dreg:$0x1]  }
0x2f3: {  	s0 =	sadd.s32 @!p0 $0x100000, s0  }
0x2f4: {  	[sflag:s0] =	ssyncadd.tile.s32 @!p0 $0x1;
	_ =	shalt  }
.Lfunc_end2:
_tile_overlayer_lowered:
.L_overlay_start_2:
0x2f5: {  	(tag) =	ssettag $0x2  }
0x2f6: {  	s0 =	rddreg [dreg:$0x0];
	s2 =	stileid.u32  }
0x2f7: {  	s1 =	rddreg [dreg:$0x1];
	p0 =	sne.s32 s2, $0x0  }
0x2f8: {  	s3 =	rddreg [dreg:$0x2];
	[bflag:$0x3] =	sbarrier.arrive $0xFFFF;
	s2 =	simm.s32 @!p0 $0x1C01  }
0x2f9: {  	[timem:s3], [sflag:s2] =	dma.local @!p0 [hbm:s0], s1  }
0x2fa: {  	s0 =	simm.s32 @!p0 $0x1  }
0x2fb: {  	_ =	swait.ge @!p0 [sflag:s0], s1  }
0x2fc: {  	s1 =	ssub.s32 @!p0 $0x0, s1;
	[sflag:s0] =	ssyncset.done @!p0 $0x0  }
0x2fd: {  	[sflag:s0] =	ssyncadd.s32 @!p0 s1  }
0x2fe: {  	[bflag:$0x3] =	sbarrier.arrive $0xFFFF  }
0x2ff: {  	_ =	shalt  }

</sc_bundles>
